<compile_context>
chip_gen: v7x
topology: tpu7x:2x2x1
jax: 0.10.2.dev20260603
libtpu: 0.0.44.dev20260713+nightly
codegen_flags: <defaults>
</compile_context>

<pallas_src>
import jax
import jax.numpy as jnp
from jax import lax
from jax.experimental import pallas as pl
from jax.experimental.pallas import tpu as pltpu
from jax.experimental.pallas import tpu_sc as plsc

B, P, D = 4, 8192, 768
N_ROWS = B * P
NC, NS, L = 2, 16, 16
NW = NC * NS
ROWS_PER_W = N_ROWS // NW
C = 16
NCHUNK = ROWS_PER_W // C
NSLOT = 4
LA = 2
VPR = D // L


def _sc_body(x_hbm, idx_hbm, pe_hbm, out_hbm, idx_v, xs, pes,
             sems_in, sems_out):
    wid = lax.axis_index("s") * NC + lax.axis_index("c")
    base0 = wid * ROWS_PER_W
    pltpu.sync_copy(idx_hbm.at[pl.ds(base0, ROWS_PER_W)], idx_v)

    def issue(j, b):
        pltpu.async_copy(
            pe_hbm.at[idx_v.at[pl.ds(j * C, C)]], pes[b], sems_in[b]
        )
        pltpu.async_copy(
            x_hbm.at[pl.ds(base0 + j * C, C)], xs[b], sems_in[b]
        )

    def drain_in(b):
        pltpu.make_async_copy(x_hbm.at[pl.ds(0, C)], xs[b], sems_in[b]).wait()
        pltpu.make_async_copy(x_hbm.at[pl.ds(0, C)], pes[b], sems_in[b]).wait()

    def drain_out(b):
        pltpu.make_async_copy(pes[b], out_hbm.at[pl.ds(0, C)], sems_out[b]).wait()

    def add_chunk(b):
        x_v, pe_v = xs[b], pes[b]

        @plsc.parallel_loop(0, C, step=1, unroll=2)
        def _row(r):
            for c in range(VPR):
                sl = pl.ds(c * L, L)
                pe_v[r, sl] = x_v[r, sl] + pe_v[r, sl]

    def store(j, b):
        pltpu.async_copy(pes[b], out_hbm.at[pl.ds(base0 + j * C, C)], sems_out[b])

    for s in range(LA):
        issue(s, s)

    def body(k, carry):
        for s in range(NSLOT):
            j = NSLOT * k + s
            t = (s + LA) % NSLOT

            @pl.when((j >= NSLOT - LA) & (j < NCHUNK - LA))
            def _():
                drain_out(t)

            @pl.when(j < NCHUNK - LA)
            def _():
                issue(j + LA, t)

            drain_in(s)
            add_chunk(s)
            store(j, s)
        return carry

    lax.fori_loop(0, NCHUNK // NSLOT, body, 0)
    for s in range(NSLOT):
        drain_out(s)


@jax.jit
def _pe_add(x2d, idx1d, pe2d):
    mesh = plsc.VectorSubcoreMesh(
        core_axis_name="c", subcore_axis_name="s", num_cores=NC, num_subcores=NS
    )

    def entry(x_hbm, idx_hbm, pe_hbm, out_hbm, idx_v,
              x0, x1, x2, x3, pe0, pe1, pe2, pe3,
              si0, si1, si2, si3, so0, so1, so2, so3):
        _sc_body(x_hbm, idx_hbm, pe_hbm, out_hbm, idx_v,
                 (x0, x1, x2, x3), (pe0, pe1, pe2, pe3),
                 (si0, si1, si2, si3), (so0, so1, so2, so3))

    f = pl.kernel(
        entry,
        out_type=jax.ShapeDtypeStruct((N_ROWS, D), jnp.float32),
        mesh=mesh,
        scratch_types=[pltpu.VMEM((ROWS_PER_W,), jnp.int32)]
        + [pltpu.VMEM((C, D), jnp.float32)] * (2 * NSLOT)
        + [pltpu.SemaphoreType.DMA] * (2 * NSLOT),
    )
    return f(x2d, idx1d, pe2d)


def kernel(x, indices, pe):
    out = _pe_add(
        x.reshape(N_ROWS, D), indices.reshape(N_ROWS), pe.reshape(P, D)
    )
    return out.reshape(B, P, D)

# --- scband reference (transcript-rebuilt; emitter-appended) ---
"""Pipeline reference for scband-pe-18038862643871 (READ-ONLY COPY).

The authoritative reference and input builder live on the scoring server;
editing this copy changes nothing except your own understanding.
"""

import jax, jax.numpy as jnp
import numpy as np

B, P, D = 4, 8192, 768
MAX_LEN = 8192
INIT_STD = 0.02


def setup_inputs(seed: int = 0) -> dict:
    key = jax.random.key(seed)
    k1, k2, k3 = jax.random.split(key, 3)
    x = jax.random.normal(k1, (B, P, D), dtype=jnp.float32)
    indices = jax.random.randint(k2, (B, P), 0, MAX_LEN, dtype=jnp.int32)
    # learnable positional-encoding table, trunc-normal init approximated by
    # clipped normal with std=INIT_STD, shape (1, max_len, dim) as in the module
    pe = jnp.clip(jax.random.normal(k3, (1, MAX_LEN, D), dtype=jnp.float32) * INIT_STD,
                  -2.0 * INIT_STD, 2.0 * INIT_STD)
    return {"x": x, "indices": indices, "pe": pe}


def reference(x, indices, pe):
    # torch.gather(pe.expand(B,-1,-1), 1, indices.unsqueeze(-1).expand(-1,-1,D))
    # with a broadcasted (size-1 batch) table is equivalent to a row gather
    # from pe[0] with per-(b,p) position indices.
    pos_encoding = jnp.take(pe[0], indices, axis=0)  # (B, P, D)
    return x + pos_encoding

if __name__ == "__main__":
    import jax
    _d = setup_inputs()
    print(jax.jit(kernel)(*tuple(_d.values())))

</pallas_src>

<mosaic_0001>
#map = affine_map<(d0, d1) -> (0, 0)>
#map1 = affine_map<(d0, d1) -> (0)>
module attributes {stable_mosaic.version = 14 : i64} {
  func.func @entry(%arg0: i32, %arg1: i32, %arg2: memref<32768x768xf32, #tpu.memory_space<hbm>>, %arg3: memref<32768xi32, #tpu.memory_space<hbm>>, %arg4: memref<8192x768xf32, #tpu.memory_space<hbm>>, %arg5: memref<32768x768xf32, #tpu.memory_space<hbm>>, %arg6: memref<1024xi32, #tpu.memory_space<vmem>>, %arg7: memref<16x768xf32, #tpu.memory_space<vmem>>, %arg8: memref<16x768xf32, #tpu.memory_space<vmem>>, %arg9: memref<16x768xf32, #tpu.memory_space<vmem>>, %arg10: memref<16x768xf32, #tpu.memory_space<vmem>>, %arg11: memref<16x768xf32, #tpu.memory_space<vmem>>, %arg12: memref<16x768xf32, #tpu.memory_space<vmem>>, %arg13: memref<16x768xf32, #tpu.memory_space<vmem>>, %arg14: memref<16x768xf32, #tpu.memory_space<vmem>>, %arg15: memref<!tpu.dma_semaphore, #tpu.memory_space<semaphore_mem>>, %arg16: memref<!tpu.dma_semaphore, #tpu.memory_space<semaphore_mem>>, %arg17: memref<!tpu.dma_semaphore, #tpu.memory_space<semaphore_mem>>, %arg18: memref<!tpu.dma_semaphore, #tpu.memory_space<semaphore_mem>>, %arg19: memref<!tpu.dma_semaphore, #tpu.memory_space<semaphore_mem>>, %arg20: memref<!tpu.dma_semaphore, #tpu.memory_space<semaphore_mem>>, %arg21: memref<!tpu.dma_semaphore, #tpu.memory_space<semaphore_mem>>, %arg22: memref<!tpu.dma_semaphore, #tpu.memory_space<semaphore_mem>>) attributes {dimension_semantics = [#tpu.dimension_semantics<core_parallel>, #tpu.dimension_semantics<subcore_parallel>], iteration_bounds = array<i64: 2, 16>, scalar_prefetch = 0 : i64, scratch_operands = 17 : i64, tpu.core_type = #tpu.core_type<sc_vector_subcore>, window_params = [{transform_indices = #map}, {transform_indices = #map1}, {transform_indices = #map}, {transform_indices = #map}]} {
    %mul3A = arith.constant 2 : i32
    %mul3A_0 = arith.muli %arg1, %mul3A : i32
    %add3A = arith.addi %mul3A_0, %arg0 : i32
    %mul3A_1 = arith.constant 1024 : i32
    %mul3A_2 = arith.muli %add3A, %mul3A_1 : i32
    "tpu.region"() ({
      %run_scoped3A = tpu.sem_alloc : memref<!tpu.dma_semaphore, #tpu.memory_space<semaphore_mem>>
      %dma_start3A_52 = tpu.memref_slice %arg3[%mul3A_2] : memref<32768xi32, #tpu.memory_space<hbm>> -> memref<1024xi32, #tpu.memory_space<hbm>>
      %dma_start3A_53 = tpu.memref_slice %arg3[%mul3A_2] : memref<32768xi32, #tpu.memory_space<hbm>> -> memref<1024xi32, #tpu.memory_space<hbm>>
      tpu.enqueue_dma source(%dma_start3A_53 : memref<1024xi32, #tpu.memory_space<hbm>>) target(%arg6 : memref<1024xi32, #tpu.memory_space<vmem>>) target_semaphore(%run_scoped3A : memref<!tpu.dma_semaphore, #tpu.memory_space<semaphore_mem>>)
      %dma_wait3A_54 = tpu.memref_slice %arg3[%mul3A_2] : memref<32768xi32, #tpu.memory_space<hbm>> -> memref<1024xi32, #tpu.memory_space<hbm>>
      %dma_wait3A_55 = tpu.memref_slice %arg3[%mul3A_2] : memref<32768xi32, #tpu.memory_space<hbm>> -> memref<1024xi32, #tpu.memory_space<hbm>>
      tpu.wait_dma2 semaphore(%run_scoped3A : memref<!tpu.dma_semaphore, #tpu.memory_space<semaphore_mem>>) src(%dma_wait3A_55 : memref<1024xi32, #tpu.memory_space<hbm>>) dst(%arg6 : memref<1024xi32, #tpu.memory_space<vmem>>)
      tpu.yield
    }) : () -> ()
    %dma_start3A = arith.constant 0 : i32
    %dma_start3A_3 = tpu.memref_slice %arg6[%dma_start3A] : memref<1024xi32, #tpu.memory_space<vmem>> -> memref<16xi32, #tpu.memory_space<vmem>>
    %dma_start3A_4 = arith.constant 0 : i32
    %dma_start3A_5 = arith.constant 0 : i32
    %dma_start3A_6 = tpu.memref_slice %arg4[%dma_start3A_4, %dma_start3A_5] : memref<8192x768xf32, #tpu.memory_space<hbm>> -> memref<8192x768xf32, #tpu.memory_space<hbm>>
    tpu.enqueue_indirect_dma source(%dma_start3A_6 : memref<8192x768xf32, #tpu.memory_space<hbm>>) target(%arg11 : memref<16x768xf32, #tpu.memory_space<vmem>>) offsets(%dma_start3A_3 : memref<16xi32, #tpu.memory_space<vmem>>) semaphore(%arg15 : memref<!tpu.dma_semaphore, #tpu.memory_space<semaphore_mem>>)
    %add3A_7 = arith.constant 0 : i32
    %add3A_8 = arith.addi %mul3A_2, %add3A_7 : i32
    %dma_start3A_9 = arith.constant 0 : i32
    %dma_start3A_10 = tpu.memref_slice %arg2[%add3A_8, %dma_start3A_9] : memref<32768x768xf32, #tpu.memory_space<hbm>> -> memref<16x768xf32, #tpu.memory_space<hbm>>
    %dma_start3A_11 = arith.constant 0 : i32
    %dma_start3A_12 = tpu.memref_slice %arg2[%add3A_8, %dma_start3A_11] : memref<32768x768xf32, #tpu.memory_space<hbm>> -> memref<16x768xf32, #tpu.memory_space<hbm>>
    tpu.enqueue_dma source(%dma_start3A_12 : memref<16x768xf32, #tpu.memory_space<hbm>>) target(%arg7 : memref<16x768xf32, #tpu.memory_space<vmem>>) target_semaphore(%arg15 : memref<!tpu.dma_semaphore, #tpu.memory_space<semaphore_mem>>)
    %dma_start3A_13 = arith.constant 16 : i32
    %dma_start3A_14 = tpu.memref_slice %arg6[%dma_start3A_13] : memref<1024xi32, #tpu.memory_space<vmem>> -> memref<16xi32, #tpu.memory_space<vmem>>
    %dma_start3A_15 = arith.constant 0 : i32
    %dma_start3A_16 = arith.constant 0 : i32
    %dma_start3A_17 = tpu.memref_slice %arg4[%dma_start3A_15, %dma_start3A_16] : memref<8192x768xf32, #tpu.memory_space<hbm>> -> memref<8192x768xf32, #tpu.memory_space<hbm>>
    tpu.enqueue_indirect_dma source(%dma_start3A_17 : memref<8192x768xf32, #tpu.memory_space<hbm>>) target(%arg12 : memref<16x768xf32, #tpu.memory_space<vmem>>) offsets(%dma_start3A_14 : memref<16xi32, #tpu.memory_space<vmem>>) semaphore(%arg16 : memref<!tpu.dma_semaphore, #tpu.memory_space<semaphore_mem>>)
    %add3A_18 = arith.constant 16 : i32
    %add3A_19 = arith.addi %mul3A_2, %add3A_18 : i32
    %dma_start3A_20 = arith.constant 0 : i32
    %dma_start3A_21 = tpu.memref_slice %arg2[%add3A_19, %dma_start3A_20] : memref<32768x768xf32, #tpu.memory_space<hbm>> -> memref<16x768xf32, #tpu.memory_space<hbm>>
    %dma_start3A_22 = arith.constant 0 : i32
    %dma_start3A_23 = tpu.memref_slice %arg2[%add3A_19, %dma_start3A_22] : memref<32768x768xf32, #tpu.memory_space<hbm>> -> memref<16x768xf32, #tpu.memory_space<hbm>>
    tpu.enqueue_dma source(%dma_start3A_23 : memref<16x768xf32, #tpu.memory_space<hbm>>) target(%arg8 : memref<16x768xf32, #tpu.memory_space<vmem>>) target_semaphore(%arg16 : memref<!tpu.dma_semaphore, #tpu.memory_space<semaphore_mem>>)
    %scan3A = arith.constant 0 : i32
    %scan3A_24 = arith.constant 0 : i32
    %scan3A_25 = arith.constant 16 : i32
    %scan3A_26 = arith.addi %scan3A_24, %scan3A_25 : i32
    %scan3A_27 = arith.constant 1 : i32
    scf.for %scan3A_52 = %scan3A_24 to %scan3A_26 step %scan3A_27  : i32 {
      %mul3A_53 = arith.constant 4 : i32
      %mul3A_54 = arith.muli %mul3A_53, %scan3A_52 : i32
      %add3A_55 = arith.constant 0 : i32
      %add3A_56 = arith.addi %mul3A_54, %add3A_55 : i32
      %ge3A = arith.constant 2 : i32
      %ge3A_57 = arith.cmpi sge, %add3A_56, %ge3A : i32
      %lt3A = arith.constant 62 : i32
      %lt3A_58 = arith.cmpi slt, %add3A_56, %lt3A : i32
      %and3A = arith.andi %ge3A_57, %lt3A_58 : i1
      %convert_element_type3A = arith.extui %and3A : i1 to i32
      %cond3A = arith.constant 0 : i32
      %cond3A_59 = arith.cmpi ne, %convert_element_type3A, %cond3A : i32
      scf.if %cond3A_59 {
        %dma_wait3A_203 = arith.constant 0 : i32
        %dma_wait3A_204 = arith.constant 0 : i32
        %dma_wait3A_205 = tpu.memref_slice %arg5[%dma_wait3A_203, %dma_wait3A_204] : memref<32768x768xf32, #tpu.memory_space<hbm>> -> memref<16x768xf32, #tpu.memory_space<hbm>>
        %dma_wait3A_206 = arith.constant 0 : i32
        %dma_wait3A_207 = arith.constant 0 : i32
        %dma_wait3A_208 = tpu.memref_slice %arg5[%dma_wait3A_206, %dma_wait3A_207] : memref<32768x768xf32, #tpu.memory_space<hbm>> -> memref<16x768xf32, #tpu.memory_space<hbm>>
        tpu.wait_dma2 semaphore(%arg21 : memref<!tpu.dma_semaphore, #tpu.memory_space<semaphore_mem>>) src(%arg13 : memref<16x768xf32, #tpu.memory_space<vmem>>) dst(%dma_wait3A_208 : memref<16x768xf32, #tpu.memory_space<hbm>>)
      } else {
      }
      %lt3A_60 = arith.constant 62 : i32
      %lt3A_61 = arith.cmpi slt, %add3A_56, %lt3A_60 : i32
      %convert_element_type3A_62 = arith.extui %lt3A_61 : i1 to i32
      %cond3A_63 = arith.constant 0 : i32
      %cond3A_64 = arith.cmpi ne, %convert_element_type3A_62, %cond3A_63 : i32
      scf.if %cond3A_64 {
        %add3A_203 = arith.constant 2 : i32
        %add3A_204 = arith.addi %add3A_56, %add3A_203 : i32
        %mul3A_205 = arith.constant 16 : i32
        %mul3A_206 = arith.muli %add3A_204, %mul3A_205 : i32
        %dma_start3A_207 = tpu.memref_slice %arg6[%mul3A_206] : memref<1024xi32, #tpu.memory_space<vmem>> -> memref<16xi32, #tpu.memory_space<vmem>>
        %dma_start3A_208 = arith.constant 0 : i32
        %dma_start3A_209 = arith.constant 0 : i32
        %dma_start3A_210 = tpu.memref_slice %arg4[%dma_start3A_208, %dma_start3A_209] : memref<8192x768xf32, #tpu.memory_space<hbm>> -> memref<8192x768xf32, #tpu.memory_space<hbm>>
        tpu.enqueue_indirect_dma source(%dma_start3A_210 : memref<8192x768xf32, #tpu.memory_space<hbm>>) target(%arg13 : memref<16x768xf32, #tpu.memory_space<vmem>>) offsets(%dma_start3A_207 : memref<16xi32, #tpu.memory_space<vmem>>) semaphore(%arg17 : memref<!tpu.dma_semaphore, #tpu.memory_space<semaphore_mem>>)
        %mul3A_211 = arith.constant 16 : i32
        %mul3A_212 = arith.muli %add3A_204, %mul3A_211 : i32
        %add3A_213 = arith.addi %mul3A_2, %mul3A_212 : i32
        %dma_start3A_214 = arith.constant 0 : i32
        %dma_start3A_215 = tpu.memref_slice %arg2[%add3A_213, %dma_start3A_214] : memref<32768x768xf32, #tpu.memory_space<hbm>> -> memref<16x768xf32, #tpu.memory_space<hbm>>
        %dma_start3A_216 = arith.constant 0 : i32
        %dma_start3A_217 = tpu.memref_slice %arg2[%add3A_213, %dma_start3A_216] : memref<32768x768xf32, #tpu.memory_space<hbm>> -> memref<16x768xf32, #tpu.memory_space<hbm>>
        tpu.enqueue_dma source(%dma_start3A_217 : memref<16x768xf32, #tpu.memory_space<hbm>>) target(%arg9 : memref<16x768xf32, #tpu.memory_space<vmem>>) target_semaphore(%arg17 : memref<!tpu.dma_semaphore, #tpu.memory_space<semaphore_mem>>)
      } else {
      }
      %dma_wait3A_65 = arith.constant 0 : i32
      %dma_wait3A_66 = arith.constant 0 : i32
      %dma_wait3A_67 = tpu.memref_slice %arg2[%dma_wait3A_65, %dma_wait3A_66] : memref<32768x768xf32, #tpu.memory_space<hbm>> -> memref<16x768xf32, #tpu.memory_space<hbm>>
      %dma_wait3A_68 = arith.constant 0 : i32
      %dma_wait3A_69 = arith.constant 0 : i32
      %dma_wait3A_70 = tpu.memref_slice %arg2[%dma_wait3A_68, %dma_wait3A_69] : memref<32768x768xf32, #tpu.memory_space<hbm>> -> memref<16x768xf32, #tpu.memory_space<hbm>>
      tpu.wait_dma2 semaphore(%arg15 : memref<!tpu.dma_semaphore, #tpu.memory_space<semaphore_mem>>) src(%dma_wait3A_70 : memref<16x768xf32, #tpu.memory_space<hbm>>) dst(%arg7 : memref<16x768xf32, #tpu.memory_space<vmem>>)
      %dma_wait3A_71 = arith.constant 0 : i32
      %dma_wait3A_72 = arith.constant 0 : i32
      %dma_wait3A_73 = tpu.memref_slice %arg2[%dma_wait3A_71, %dma_wait3A_72] : memref<32768x768xf32, #tpu.memory_space<hbm>> -> memref<16x768xf32, #tpu.memory_space<hbm>>
      %dma_wait3A_74 = arith.constant 0 : i32
      %dma_wait3A_75 = arith.constant 0 : i32
      %dma_wait3A_76 = tpu.memref_slice %arg2[%dma_wait3A_74, %dma_wait3A_75] : memref<32768x768xf32, #tpu.memory_space<hbm>> -> memref<16x768xf32, #tpu.memory_space<hbm>>
      tpu.wait_dma2 semaphore(%arg15 : memref<!tpu.dma_semaphore, #tpu.memory_space<semaphore_mem>>) src(%dma_wait3A_76 : memref<16x768xf32, #tpu.memory_space<hbm>>) dst(%arg11 : memref<16x768xf32, #tpu.memory_space<vmem>>)
      %parallel_loop3A = arith.constant 0 : i32
      %parallel_loop3A_77 = arith.constant 16 : i32
      %parallel_loop3A_78 = arith.constant 1 : i32
      scf.for %parallel_loop3A_203 = %parallel_loop3A to %parallel_loop3A_77 step %parallel_loop3A_78  : i32 {
        %parallel_loop3A_204 = arith.index_cast %parallel_loop3A_203 : i32 to index
        %parallel_loop3A_205 = arith.constant 0 : index
        %parallel_loop3A_206 = tpu.vector_load %arg7[%parallel_loop3A_204, %parallel_loop3A_205] {strides = array<i32>} : memref<16x768xf32, #tpu.memory_space<vmem>>, vector<1x16xf32>,
        %parallel_loop3A_207 = vector.shape_cast %parallel_loop3A_206 : vector<1x16xf32> to vector<16xf32>
        %parallel_loop3A_208 = arith.index_cast %parallel_loop3A_203 : i32 to index
        %parallel_loop3A_209 = arith.constant 0 : index
        %parallel_loop3A_210 = tpu.vector_load %arg11[%parallel_loop3A_208, %parallel_loop3A_209] {strides = array<i32>} : memref<16x768xf32, #tpu.memory_space<vmem>>, vector<1x16xf32>,
        %parallel_loop3A_211 = vector.shape_cast %parallel_loop3A_210 : vector<1x16xf32> to vector<16xf32>
        %parallel_loop3A_212 = arith.addf %parallel_loop3A_207, %parallel_loop3A_211 : vector<16xf32>
        %parallel_loop3A_213 = arith.index_cast %parallel_loop3A_203 : i32 to index
        %parallel_loop3A_214 = arith.constant 0 : index
        %parallel_loop3A_215 = tpu.vector_load %arg11[%parallel_loop3A_213, %parallel_loop3A_214] {strides = array<i32>} : memref<16x768xf32, #tpu.memory_space<vmem>>, vector<1x16xf32>,
        %parallel_loop3A_216 = vector.shape_cast %parallel_loop3A_215 : vector<1x16xf32> to vector<16xf32>
        %parallel_loop3A_217 = vector.shape_cast %parallel_loop3A_212 : vector<16xf32> to vector<1x16xf32>
        tpu.vector_store %arg11[%parallel_loop3A_213, %parallel_loop3A_214], %parallel_loop3A_217 {strides = array<i32>} : memref<16x768xf32, #tpu.memory_space<vmem>>, vector<1x16xf32>,
        %parallel_loop3A_218 = arith.index_cast %parallel_loop3A_203 : i32 to index
        %parallel_loop3A_219 = arith.constant 16 : index
        %parallel_loop3A_220 = tpu.vector_load %arg7[%parallel_loop3A_218, %parallel_loop3A_219] {strides = array<i32>} : memref<16x768xf32, #tpu.memory_space<vmem>>, vector<1x16xf32>,
        %parallel_loop3A_221 = vector.shape_cast %parallel_loop3A_220 : vector<1x16xf32> to vector<16xf32>
        %parallel_loop3A_222 = arith.index_cast %parallel_loop3A_203 : i32 to index
        %parallel_loop3A_223 = arith.constant 16 : index
        %parallel_loop3A_224 = tpu.vector_load %arg11[%parallel_loop3A_222, %parallel_loop3A_223] {strides = array<i32>} : memref<16x768xf32, #tpu.memory_space<vmem>>, vector<1x16xf32>,
        %parallel_loop3A_225 = vector.shape_cast %parallel_loop3A_224 : vector<1x16xf32> to vector<16xf32>
        %parallel_loop3A_226 = arith.addf %parallel_loop3A_221, %parallel_loop3A_225 : vector<16xf32>
        %parallel_loop3A_227 = arith.index_cast %parallel_loop3A_203 : i32 to index
        %parallel_loop3A_228 = arith.constant 16 : index
        %parallel_loop3A_229 = tpu.vector_load %arg11[%parallel_loop3A_227, %parallel_loop3A_228] {strides = array<i32>} : memref<16x768xf32, #tpu.memory_space<vmem>>, vector<1x16xf32>,
        %parallel_loop3A_230 = vector.shape_cast %parallel_loop3A_229 : vector<1x16xf32> to vector<16xf32>
        %parallel_loop3A_231 = vector.shape_cast %parallel_loop3A_226 : vector<16xf32> to vector<1x16xf32>
        tpu.vector_store %arg11[%parallel_loop3A_227, %parallel_loop3A_228], %parallel_loop3A_231 {strides = array<i32>} : memref<16x768xf32, #tpu.memory_space<vmem>>, vector<1x16xf32>,
        %parallel_loop3A_232 = arith.index_cast %parallel_loop3A_203 : i32 to index
        %parallel_loop3A_233 = arith.constant 32 : index
        %parallel_loop3A_234 = tpu.vector_load %arg7[%parallel_loop3A_232, %parallel_loop3A_233] {strides = array<i32>} : memref<16x768xf32, #tpu.memory_space<vmem>>, vector<1x16xf32>,
        %parallel_loop3A_235 = vector.shape_cast %parallel_loop3A_234 : vector<1x16xf32> to vector<16xf32>
        %parallel_loop3A_236 = arith.index_cast %parallel_loop3A_203 : i32 to index
        %parallel_loop3A_237 = arith.constant 32 : index
        %parallel_loop3A_238 = tpu.vector_load %arg11[%parallel_loop3A_236, %parallel_loop3A_237] {strides = array<i32>} : memref<16x768xf32, #tpu.memory_space<vmem>>, vector<1x16xf32>,
        %parallel_loop3A_239 = vector.shape_cast %parallel_loop3A_238 : vector<1x16xf32> to vector<16xf32>
        %parallel_loop3A_240 = arith.addf %parallel_loop3A_235, %parallel_loop3A_239 : vector<16xf32>
        %parallel_loop3A_241 = arith.index_cast %parallel_loop3A_203 : i32 to index
        %parallel_loop3A_242 = arith.constant 32 : index
        %parallel_loop3A_243 = tpu.vector_load %arg11[%parallel_loop3A_241, %parallel_loop3A_242] {strides = array<i32>} : memref<16x768xf32, #tpu.memory_space<vmem>>, vector<1x16xf32>,
        %parallel_loop3A_244 = vector.shape_cast %parallel_loop3A_243 : vector<1x16xf32> to vector<16xf32>
        %parallel_loop3A_245 = vector.shape_cast %parallel_loop3A_240 : vector<16xf32> to vector<1x16xf32>
        tpu.vector_store %arg11[%parallel_loop3A_241, %parallel_loop3A_242], %parallel_loop3A_245 {strides = array<i32>} : memref<16x768xf32, #tpu.memory_space<vmem>>, vector<1x16xf32>,
        %parallel_loop3A_246 = arith.index_cast %parallel_loop3A_203 : i32 to index
        %parallel_loop3A_247 = arith.constant 48 : index
        %parallel_loop3A_248 = tpu.vector_load %arg7[%parallel_loop3A_246, %parallel_loop3A_247] {strides = array<i32>} : memref<16x768xf32, #tpu.memory_space<vmem>>, vector<1x16xf32>,
        %parallel_loop3A_249 = vector.shape_cast %parallel_loop3A_248 : vector<1x16xf32> to vector<16xf32>
        %parallel_loop3A_250 = arith.index_cast %parallel_loop3A_203 : i32 to index
        %parallel_loop3A_251 = arith.constant 48 : index
        %parallel_loop3A_252 = tpu.vector_load %arg11[%parallel_loop3A_250, %parallel_loop3A_251] {strides = array<i32>} : memref<16x768xf32, #tpu.memory_space<vmem>>, vector<1x16xf32>,
        %parallel_loop3A_253 = vector.shape_cast %parallel_loop3A_252 : vector<1x16xf32> to vector<16xf32>
        %parallel_loop3A_254 = arith.addf %parallel_loop3A_249, %parallel_loop3A_253 : vector<16xf32>
        %parallel_loop3A_255 = arith.index_cast %parallel_loop3A_203 : i32 to index
        %parallel_loop3A_256 = arith.constant 48 : index
        %parallel_loop3A_257 = tpu.vector_load %arg11[%parallel_loop3A_255, %parallel_loop3A_256] {strides = array<i32>} : memref<16x768xf32, #tpu.memory_space<vmem>>, vector<1x16xf32>,
        %parallel_loop3A_258 = vector.shape_cast %parallel_loop3A_257 : vector<1x16xf32> to vector<16xf32>
        %parallel_loop3A_259 = vector.shape_cast %parallel_loop3A_254 : vector<16xf32> to vector<1x16xf32>
        tpu.vector_store %arg11[%parallel_loop3A_255, %parallel_loop3A_256], %parallel_loop3A_259 {strides = array<i32>} : memref<16x768xf32, #tpu.memory_space<vmem>>, vector<1x16xf32>,
        %parallel_loop3A_260 = arith.index_cast %parallel_loop3A_203 : i32 to index
        %parallel_loop3A_261 = arith.constant 64 : index
        %parallel_loop3A_262 = tpu.vector_load %arg7[%parallel_loop3A_260, %parallel_loop3A_261] {strides = array<i32>} : memref<16x768xf32, #tpu.memory_space<vmem>>, vector<1x16xf32>,
        %parallel_loop3A_263 = vector.shape_cast %parallel_loop3A_262 : vector<1x16xf32> to vector<16xf32>
        %parallel_loop3A_264 = arith.index_cast %parallel_loop3A_203 : i32 to index
        %parallel_loop3A_265 = arith.constant 64 : index
        %parallel_loop3A_266 = tpu.vector_load %arg11[%parallel_loop3A_264, %parallel_loop3A_265] {strides = array<i32>} : memref<16x768xf32, #tpu.memory_space<vmem>>, vector<1x16xf32>,
        %parallel_loop3A_267 = vector.shape_cast %parallel_loop3A_266 : vector<1x16xf32> to vector<16xf32>
        %parallel_loop3A_268 = arith.addf %parallel_loop3A_263, %parallel_loop3A_267 : vector<16xf32>
        %parallel_loop3A_269 = arith.index_cast %parallel_loop3A_203 : i32 to index
        %parallel_loop3A_270 = arith.constant 64 : index
        %parallel_loop3A_271 = tpu.vector_load %arg11[%parallel_loop3A_269, %parallel_loop3A_270] {strides = array<i32>} : memref<16x768xf32, #tpu.memory_space<vmem>>, vector<1x16xf32>,
        %parallel_loop3A_272 = vector.shape_cast %parallel_loop3A_271 : vector<1x16xf32> to vector<16xf32>
        %parallel_loop3A_273 = vector.shape_cast %parallel_loop3A_268 : vector<16xf32> to vector<1x16xf32>
        tpu.vector_store %arg11[%parallel_loop3A_269, %parallel_loop3A_270], %parallel_loop3A_273 {strides = array<i32>} : memref<16x768xf32, #tpu.memory_space<vmem>>, vector<1x16xf32>,
        %parallel_loop3A_274 = arith.index_cast %parallel_loop3A_203 : i32 to index
        %parallel_loop3A_275 = arith.constant 80 : index
        %parallel_loop3A_276 = tpu.vector_load %arg7[%parallel_loop3A_274, %parallel_loop3A_275] {strides = array<i32>} : memref<16x768xf32, #tpu.memory_space<vmem>>, vector<1x16xf32>,
        %parallel_loop3A_277 = vector.shape_cast %parallel_loop3A_276 : vector<1x16xf32> to vector<16xf32>
        %parallel_loop3A_278 = arith.index_cast %parallel_loop3A_203 : i32 to index
        %parallel_loop3A_279 = arith.constant 80 : index
        %parallel_loop3A_280 = tpu.vector_load %arg11[%parallel_loop3A_278, %parallel_loop3A_279] {strides = array<i32>} : memref<16x768xf32, #tpu.memory_space<vmem>>, vector<1x16xf32>,
        %parallel_loop3A_281 = vector.shape_cast %parallel_loop3A_280 : vector<1x16xf32> to vector<16xf32>
        %parallel_loop3A_282 = arith.addf %parallel_loop3A_277, %parallel_loop3A_281 : vector<16xf32>
        %parallel_loop3A_283 = arith.index_cast %parallel_loop3A_203 : i32 to index
        %parallel_loop3A_284 = arith.constant 80 : index
        %parallel_loop3A_285 = tpu.vector_load %arg11[%parallel_loop3A_283, %parallel_loop3A_284] {strides = array<i32>} : memref<16x768xf32, #tpu.memory_space<vmem>>, vector<1x16xf32>,
        %parallel_loop3A_286 = vector.shape_cast %parallel_loop3A_285 : vector<1x16xf32> to vector<16xf32>
        %parallel_loop3A_287 = vector.shape_cast %parallel_loop3A_282 : vector<16xf32> to vector<1x16xf32>
        tpu.vector_store %arg11[%parallel_loop3A_283, %parallel_loop3A_284], %parallel_loop3A_287 {strides = array<i32>} : memref<16x768xf32, #tpu.memory_space<vmem>>, vector<1x16xf32>,
        %parallel_loop3A_288 = arith.index_cast %parallel_loop3A_203 : i32 to index
        %parallel_loop3A_289 = arith.constant 96 : index
        %parallel_loop3A_290 = tpu.vector_load %arg7[%parallel_loop3A_288, %parallel_loop3A_289] {strides = array<i32>} : memref<16x768xf32, #tpu.memory_space<vmem>>, vector<1x16xf32>,
        %parallel_loop3A_291 = vector.shape_cast %parallel_loop3A_290 : vector<1x16xf32> to vector<16xf32>
        %parallel_loop3A_292 = arith.index_cast %parallel_loop3A_203 : i32 to index
        %parallel_loop3A_293 = arith.constant 96 : index
        %parallel_loop3A_294 = tpu.vector_load %arg11[%parallel_loop3A_292, %parallel_loop3A_293] {strides = array<i32>} : memref<16x768xf32, #tpu.memory_space<vmem>>, vector<1x16xf32>,
        %parallel_loop3A_295 = vector.shape_cast %parallel_loop3A_294 : vector<1x16xf32> to vector<16xf32>
        %parallel_loop3A_296 = arith.addf %parallel_loop3A_291, %parallel_loop3A_295 : vector<16xf32>
        %parallel_loop3A_297 = arith.index_cast %parallel_loop3A_203 : i32 to index
        %parallel_loop3A_298 = arith.constant 96 : index
        %parallel_loop3A_299 = tpu.vector_load %arg11[%parallel_loop3A_297, %parallel_loop3A_298] {strides = array<i32>} : memref<16x768xf32, #tpu.memory_space<vmem>>, vector<1x16xf32>,
        %parallel_loop3A_300 = vector.shape_cast %parallel_loop3A_299 : vector<1x16xf32> to vector<16xf32>
        %parallel_loop3A_301 = vector.shape_cast %parallel_loop3A_296 : vector<16xf32> to vector<1x16xf32>
        tpu.vector_store %arg11[%parallel_loop3A_297, %parallel_loop3A_298], %parallel_loop3A_301 {strides = array<i32>} : memref<16x768xf32, #tpu.memory_space<vmem>>, vector<1x16xf32>,
        %parallel_loop3A_302 = arith.index_cast %parallel_loop3A_203 : i32 to index
        %parallel_loop3A_303 = arith.constant 112 : index
        %parallel_loop3A_304 = tpu.vector_load %arg7[%parallel_loop3A_302, %parallel_loop3A_303] {strides = array<i32>} : memref<16x768xf32, #tpu.memory_space<vmem>>, vector<1x16xf32>,
        %parallel_loop3A_305 = vector.shape_cast %parallel_loop3A_304 : vector<1x16xf32> to vector<16xf32>
        %parallel_loop3A_306 = arith.index_cast %parallel_loop3A_203 : i32 to index
        %parallel_loop3A_307 = arith.constant 112 : index
        %parallel_loop3A_308 = tpu.vector_load %arg11[%parallel_loop3A_306, %parallel_loop3A_307] {strides = array<i32>} : memref<16x768xf32, #tpu.memory_space<vmem>>, vector<1x16xf32>,
        %parallel_loop3A_309 = vector.shape_cast %parallel_loop3A_308 : vector<1x16xf32> to vector<16xf32>
        %parallel_loop3A_310 = arith.addf %parallel_loop3A_305, %parallel_loop3A_309 : vector<16xf32>
        %parallel_loop3A_311 = arith.index_cast %parallel_loop3A_203 : i32 to index
        %parallel_loop3A_312 = arith.constant 112 : index
        %parallel_loop3A_313 = tpu.vector_load %arg11[%parallel_loop3A_311, %parallel_loop3A_312] {strides = array<i32>} : memref<16x768xf32, #tpu.memory_space<vmem>>, vector<1x16xf32>,
        %parallel_loop3A_314 = vector.shape_cast %parallel_loop3A_313 : vector<1x16xf32> to vector<16xf32>
        %parallel_loop3A_315 = vector.shape_cast %parallel_loop3A_310 : vector<16xf32> to vector<1x16xf32>
        tpu.vector_store %arg11[%parallel_loop3A_311, %parallel_loop3A_312], %parallel_loop3A_315 {strides = array<i32>} : memref<16x768xf32, #tpu.memory_space<vmem>>, vector<1x16xf32>,
        %parallel_loop3A_316 = arith.index_cast %parallel_loop3A_203 : i32 to index
        %parallel_loop3A_317 = arith.constant 128 : index
        %parallel_loop3A_318 = tpu.vector_load %arg7[%parallel_loop3A_316, %parallel_loop3A_317] {strides = array<i32>} : memref<16x768xf32, #tpu.memory_space<vmem>>, vector<1x16xf32>,
        %parallel_loop3A_319 = vector.shape_cast %parallel_loop3A_318 : vector<1x16xf32> to vector<16xf32>
        %parallel_loop3A_320 = arith.index_cast %parallel_loop3A_203 : i32 to index
        %parallel_loop3A_321 = arith.constant 128 : index
        %parallel_loop3A_322 = tpu.vector_load %arg11[%parallel_loop3A_320, %parallel_loop3A_321] {strides = array<i32>} : memref<16x768xf32, #tpu.memory_space<vmem>>, vector<1x16xf32>,
        %parallel_loop3A_323 = vector.shape_cast %parallel_loop3A_322 : vector<1x16xf32> to vector<16xf32>
        %parallel_loop3A_324 = arith.addf %parallel_loop3A_319, %parallel_loop3A_323 : vector<16xf32>
        %parallel_loop3A_325 = arith.index_cast %parallel_loop3A_203 : i32 to index
        %parallel_loop3A_326 = arith.constant 128 : index
        %parallel_loop3A_327 = tpu.vector_load %arg11[%parallel_loop3A_325, %parallel_loop3A_326] {strides = array<i32>} : memref<16x768xf32, #tpu.memory_space<vmem>>, vector<1x16xf32>,
        %parallel_loop3A_328 = vector.shape_cast %parallel_loop3A_327 : vector<1x16xf32> to vector<16xf32>
        %parallel_loop3A_329 = vector.shape_cast %parallel_loop3A_324 : vector<16xf32> to vector<1x16xf32>
        tpu.vector_store %arg11[%parallel_loop3A_325, %parallel_loop3A_326], %parallel_loop3A_329 {strides = array<i32>} : memref<16x768xf32, #tpu.memory_space<vmem>>, vector<1x16xf32>,
        %parallel_loop3A_330 = arith.index_cast %parallel_loop3A_203 : i32 to index
        %parallel_loop3A_331 = arith.constant 144 : index
        %parallel_loop3A_332 = tpu.vector_load %arg7[%parallel_loop3A_330, %parallel_loop3A_331] {strides = array<i32>} : memref<16x768xf32, #tpu.memory_space<vmem>>, vector<1x16xf32>,
        %parallel_loop3A_333 = vector.shape_cast %parallel_loop3A_332 : vector<1x16xf32> to vector<16xf32>
        %parallel_loop3A_334 = arith.index_cast %parallel_loop3A_203 : i32 to index
        %parallel_loop3A_335 = arith.constant 144 : index
        %parallel_loop3A_336 = tpu.vector_load %arg11[%parallel_loop3A_334, %parallel_loop3A_335] {strides = array<i32>} : memref<16x768xf32, #tpu.memory_space<vmem>>, vector<1x16xf32>,
        %parallel_loop3A_337 = vector.shape_cast %parallel_loop3A_336 : vector<1x16xf32> to vector<16xf32>
        %parallel_loop3A_338 = arith.addf %parallel_loop3A_333, %parallel_loop3A_337 : vector<16xf32>
        %parallel_loop3A_339 = arith.index_cast %parallel_loop3A_203 : i32 to index
        %parallel_loop3A_340 = arith.constant 144 : index
        %parallel_loop3A_341 = tpu.vector_load %arg11[%parallel_loop3A_339, %parallel_loop3A_340] {strides = array<i32>} : memref<16x768xf32, #tpu.memory_space<vmem>>, vector<1x16xf32>,
        %parallel_loop3A_342 = vector.shape_cast %parallel_loop3A_341 : vector<1x16xf32> to vector<16xf32>
        %parallel_loop3A_343 = vector.shape_cast %parallel_loop3A_338 : vector<16xf32> to vector<1x16xf32>
        tpu.vector_store %arg11[%parallel_loop3A_339, %parallel_loop3A_340], %parallel_loop3A_343 {strides = array<i32>} : memref<16x768xf32, #tpu.memory_space<vmem>>, vector<1x16xf32>,
        %parallel_loop3A_344 = arith.index_cast %parallel_loop3A_203 : i32 to index
        %parallel_loop3A_345 = arith.constant 160 : index
        %parallel_loop3A_346 = tpu.vector_load %arg7[%parallel_loop3A_344, %parallel_loop3A_345] {strides = array<i32>} : memref<16x768xf32, #tpu.memory_space<vmem>>, vector<1x16xf32>,
        %parallel_loop3A_347 = vector.shape_cast %parallel_loop3A_346 : vector<1x16xf32> to vector<16xf32>
        %parallel_loop3A_348 = arith.index_cast %parallel_loop3A_203 : i32 to index
        %parallel_loop3A_349 = arith.constant 160 : index
        %parallel_loop3A_350 = tpu.vector_load %arg11[%parallel_loop3A_348, %parallel_loop3A_349] {strides = array<i32>} : memref<16x768xf32, #tpu.memory_space<vmem>>, vector<1x16xf32>,
        %parallel_loop3A_351 = vector.shape_cast %parallel_loop3A_350 : vector<1x16xf32> to vector<16xf32>
        %parallel_loop3A_352 = arith.addf %parallel_loop3A_347, %parallel_loop3A_351 : vector<16xf32>
        %parallel_loop3A_353 = arith.index_cast %parallel_loop3A_203 : i32 to index
        %parallel_loop3A_354 = arith.constant 160 : index
        %parallel_loop3A_355 = tpu.vector_load %arg11[%parallel_loop3A_353, %parallel_loop3A_354] {strides = array<i32>} : memref<16x768xf32, #tpu.memory_space<vmem>>, vector<1x16xf32>,
        %parallel_loop3A_356 = vector.shape_cast %parallel_loop3A_355 : vector<1x16xf32> to vector<16xf32>
        %parallel_loop3A_357 = vector.shape_cast %parallel_loop3A_352 : vector<16xf32> to vector<1x16xf32>
        tpu.vector_store %arg11[%parallel_loop3A_353, %parallel_loop3A_354], %parallel_loop3A_357 {strides = array<i32>} : memref<16x768xf32, #tpu.memory_space<vmem>>, vector<1x16xf32>,
        %parallel_loop3A_358 = arith.index_cast %parallel_loop3A_203 : i32 to index
        %parallel_loop3A_359 = arith.constant 176 : index
        %parallel_loop3A_360 = tpu.vector_load %arg7[%parallel_loop3A_358, %parallel_loop3A_359] {strides = array<i32>} : memref<16x768xf32, #tpu.memory_space<vmem>>, vector<1x16xf32>,
        %parallel_loop3A_361 = vector.shape_cast %parallel_loop3A_360 : vector<1x16xf32> to vector<16xf32>
        %parallel_loop3A_362 = arith.index_cast %parallel_loop3A_203 : i32 to index
        %parallel_loop3A_363 = arith.constant 176 : index
        %parallel_loop3A_364 = tpu.vector_load %arg11[%parallel_loop3A_362, %parallel_loop3A_363] {strides = array<i32>} : memref<16x768xf32, #tpu.memory_space<vmem>>, vector<1x16xf32>,
        %parallel_loop3A_365 = vector.shape_cast %parallel_loop3A_364 : vector<1x16xf32> to vector<16xf32>
        %parallel_loop3A_366 = arith.addf %parallel_loop3A_361, %parallel_loop3A_365 : vector<16xf32>
        %parallel_loop3A_367 = arith.index_cast %parallel_loop3A_203 : i32 to index
        %parallel_loop3A_368 = arith.constant 176 : index
        %parallel_loop3A_369 = tpu.vector_load %arg11[%parallel_loop3A_367, %parallel_loop3A_368] {strides = array<i32>} : memref<16x768xf32, #tpu.memory_space<vmem>>, vector<1x16xf32>,
        %parallel_loop3A_370 = vector.shape_cast %parallel_loop3A_369 : vector<1x16xf32> to vector<16xf32>
        %parallel_loop3A_371 = vector.shape_cast %parallel_loop3A_366 : vector<16xf32> to vector<1x16xf32>
        tpu.vector_store %arg11[%parallel_loop3A_367, %parallel_loop3A_368], %parallel_loop3A_371 {strides = array<i32>} : memref<16x768xf32, #tpu.memory_space<vmem>>, vector<1x16xf32>,
        %parallel_loop3A_372 = arith.index_cast %parallel_loop3A_203 : i32 to index
        %parallel_loop3A_373 = arith.constant 192 : index
        %parallel_loop3A_374 = tpu.vector_load %arg7[%parallel_loop3A_372, %parallel_loop3A_373] {strides = array<i32>} : memref<16x768xf32, #tpu.memory_space<vmem>>, vector<1x16xf32>,
        %parallel_loop3A_375 = vector.shape_cast %parallel_loop3A_374 : vector<1x16xf32> to vector<16xf32>
        %parallel_loop3A_376 = arith.index_cast %parallel_loop3A_203 : i32 to index
        %parallel_loop3A_377 = arith.constant 192 : index
        %parallel_loop3A_378 = tpu.vector_load %arg11[%parallel_loop3A_376, %parallel_loop3A_377] {strides = array<i32>} : memref<16x768xf32, #tpu.memory_space<vmem>>, vector<1x16xf32>,
        %parallel_loop3A_379 = vector.shape_cast %parallel_loop3A_378 : vector<1x16xf32> to vector<16xf32>
        %parallel_loop3A_380 = arith.addf %parallel_loop3A_375, %parallel_loop3A_379 : vector<16xf32>
        %parallel_loop3A_381 = arith.index_cast %parallel_loop3A_203 : i32 to index
        %parallel_loop3A_382 = arith.constant 192 : index
        %parallel_loop3A_383 = tpu.vector_load %arg11[%parallel_loop3A_381, %parallel_loop3A_382] {strides = array<i32>} : memref<16x768xf32, #tpu.memory_space<vmem>>, vector<1x16xf32>,
        %parallel_loop3A_384 = vector.shape_cast %parallel_loop3A_383 : vector<1x16xf32> to vector<16xf32>
        %parallel_loop3A_385 = vector.shape_cast %parallel_loop3A_380 : vector<16xf32> to vector<1x16xf32>
        tpu.vector_store %arg11[%parallel_loop3A_381, %parallel_loop3A_382], %parallel_loop3A_385 {strides = array<i32>} : memref<16x768xf32, #tpu.memory_space<vmem>>, vector<1x16xf32>,
        %parallel_loop3A_386 = arith.index_cast %parallel_loop3A_203 : i32 to index
        %parallel_loop3A_387 = arith.constant 208 : index
        %parallel_loop3A_388 = tpu.vector_load %arg7[%parallel_loop3A_386, %parallel_loop3A_387] {strides = array<i32>} : memref<16x768xf32, #tpu.memory_space<vmem>>, vector<1x16xf32>,
        %parallel_loop3A_389 = vector.shape_cast %parallel_loop3A_388 : vector<1x16xf32> to vector<16xf32>
        %parallel_loop3A_390 = arith.index_cast %parallel_loop3A_203 : i32 to index
        %parallel_loop3A_391 = arith.constant 208 : index
        %parallel_loop3A_392 = tpu.vector_load %arg11[%parallel_loop3A_390, %parallel_loop3A_391] {strides = array<i32>} : memref<16x768xf32, #tpu.memory_space<vmem>>, vector<1x16xf32>,
        %parallel_loop3A_393 = vector.shape_cast %parallel_loop3A_392 : vector<1x16xf32> to vector<16xf32>
        %parallel_loop3A_394 = arith.addf %parallel_loop3A_389, %parallel_loop3A_393 : vector<16xf32>
        %parallel_loop3A_395 = arith.index_cast %parallel_loop3A_203 : i32 to index
        %parallel_loop3A_396 = arith.constant 208 : index
        %parallel_loop3A_397 = tpu.vector_load %arg11[%parallel_loop3A_395, %parallel_loop3A_396] {strides = array<i32>} : memref<16x768xf32, #tpu.memory_space<vmem>>, vector<1x16xf32>,
        %parallel_loop3A_398 = vector.shape_cast %parallel_loop3A_397 : vector<1x16xf32> to vector<16xf32>
        %parallel_loop3A_399 = vector.shape_cast %parallel_loop3A_394 : vector<16xf32> to vector<1x16xf32>
        tpu.vector_store %arg11[%parallel_loop3A_395, %parallel_loop3A_396], %parallel_loop3A_399 {strides = array<i32>} : memref<16x768xf32, #tpu.memory_space<vmem>>, vector<1x16xf32>,
        %parallel_loop3A_400 = arith.index_cast %parallel_loop3A_203 : i32 to index
        %parallel_loop3A_401 = arith.constant 224 : index
        %parallel_loop3A_402 = tpu.vector_load %arg7[%parallel_loop3A_400, %parallel_loop3A_401] {strides = array<i32>} : memref<16x768xf32, #tpu.memory_space<vmem>>, vector<1x16xf32>,
        %parallel_loop3A_403 = vector.shape_cast %parallel_loop3A_402 : vector<1x16xf32> to vector<16xf32>
        %parallel_loop3A_404 = arith.index_cast %parallel_loop3A_203 : i32 to index
        %parallel_loop3A_405 = arith.constant 224 : index
        %parallel_loop3A_406 = tpu.vector_load %arg11[%parallel_loop3A_404, %parallel_loop3A_405] {strides = array<i32>} : memref<16x768xf32, #tpu.memory_space<vmem>>, vector<1x16xf32>,
        %parallel_loop3A_407 = vector.shape_cast %parallel_loop3A_406 : vector<1x16xf32> to vector<16xf32>
        %parallel_loop3A_408 = arith.addf %parallel_loop3A_403, %parallel_loop3A_407 : vector<16xf32>
        %parallel_loop3A_409 = arith.index_cast %parallel_loop3A_203 : i32 to index
        %parallel_loop3A_410 = arith.constant 224 : index
        %parallel_loop3A_411 = tpu.vector_load %arg11[%parallel_loop3A_409, %parallel_loop3A_410] {strides = array<i32>} : memref<16x768xf32, #tpu.memory_space<vmem>>, vector<1x16xf32>,
        %parallel_loop3A_412 = vector.shape_cast %parallel_loop3A_411 : vector<1x16xf32> to vector<16xf32>
        %parallel_loop3A_413 = vector.shape_cast %parallel_loop3A_408 : vector<16xf32> to vector<1x16xf32>
        tpu.vector_store %arg11[%parallel_loop3A_409, %parallel_loop3A_410], %parallel_loop3A_413 {strides = array<i32>} : memref<16x768xf32, #tpu.memory_space<vmem>>, vector<1x16xf32>,
        %parallel_loop3A_414 = arith.index_cast %parallel_loop3A_203 : i32 to index
        %parallel_loop3A_415 = arith.constant 240 : index
        %parallel_loop3A_416 = tpu.vector_load %arg7[%parallel_loop3A_414, %parallel_loop3A_415] {strides = array<i32>} : memref<16x768xf32, #tpu.memory_space<vmem>>, vector<1x16xf32>,
        %parallel_loop3A_417 = vector.shape_cast %parallel_loop3A_416 : vector<1x16xf32> to vector<16xf32>
        %parallel_loop3A_418 = arith.index_cast %parallel_loop3A_203 : i32 to index
        %parallel_loop3A_419 = arith.constant 240 : index
        %parallel_loop3A_420 = tpu.vector_load %arg11[%parallel_loop3A_418, %parallel_loop3A_419] {strides = array<i32>} : memref<16x768xf32, #tpu.memory_space<vmem>>, vector<1x16xf32>,
        %parallel_loop3A_421 = vector.shape_cast %parallel_loop3A_420 : vector<1x16xf32> to vector<16xf32>
        %parallel_loop3A_422 = arith.addf %parallel_loop3A_417, %parallel_loop3A_421 : vector<16xf32>
        %parallel_loop3A_423 = arith.index_cast %parallel_loop3A_203 : i32 to index
        %parallel_loop3A_424 = arith.constant 240 : index
        %parallel_loop3A_425 = tpu.vector_load %arg11[%parallel_loop3A_423, %parallel_loop3A_424] {strides = array<i32>} : memref<16x768xf32, #tpu.memory_space<vmem>>, vector<1x16xf32>,
        %parallel_loop3A_426 = vector.shape_cast %parallel_loop3A_425 : vector<1x16xf32> to vector<16xf32>
        %parallel_loop3A_427 = vector.shape_cast %parallel_loop3A_422 : vector<16xf32> to vector<1x16xf32>
        tpu.vector_store %arg11[%parallel_loop3A_423, %parallel_loop3A_424], %parallel_loop3A_427 {strides = array<i32>} : memref<16x768xf32, #tpu.memory_space<vmem>>, vector<1x16xf32>,
        %parallel_loop3A_428 = arith.index_cast %parallel_loop3A_203 : i32 to index
        %parallel_loop3A_429 = arith.constant 256 : index
        %parallel_loop3A_430 = tpu.vector_load %arg7[%parallel_loop3A_428, %parallel_loop3A_429] {strides = array<i32>} : memref<16x768xf32, #tpu.memory_space<vmem>>, vector<1x16xf32>,
        %parallel_loop3A_431 = vector.shape_cast %parallel_loop3A_430 : vector<1x16xf32> to vector<16xf32>
        %parallel_loop3A_432 = arith.index_cast %parallel_loop3A_203 : i32 to index
        %parallel_loop3A_433 = arith.constant 256 : index
        %parallel_loop3A_434 = tpu.vector_load %arg11[%parallel_loop3A_432, %parallel_loop3A_433] {strides = array<i32>} : memref<16x768xf32, #tpu.memory_space<vmem>>, vector<1x16xf32>,
        %parallel_loop3A_435 = vector.shape_cast %parallel_loop3A_434 : vector<1x16xf32> to vector<16xf32>
        %parallel_loop3A_436 = arith.addf %parallel_loop3A_431, %parallel_loop3A_435 : vector<16xf32>
        %parallel_loop3A_437 = arith.index_cast %parallel_loop3A_203 : i32 to index
        %parallel_loop3A_438 = arith.constant 256 : index
        %parallel_loop3A_439 = tpu.vector_load %arg11[%parallel_loop3A_437, %parallel_loop3A_438] {strides = array<i32>} : memref<16x768xf32, #tpu.memory_space<vmem>>, vector<1x16xf32>,
        %parallel_loop3A_440 = vector.shape_cast %parallel_loop3A_439 : vector<1x16xf32> to vector<16xf32>
        %parallel_loop3A_441 = vector.shape_cast %parallel_loop3A_436 : vector<16xf32> to vector<1x16xf32>
        tpu.vector_store %arg11[%parallel_loop3A_437, %parallel_loop3A_438], %parallel_loop3A_441 {strides = array<i32>} : memref<16x768xf32, #tpu.memory_space<vmem>>, vector<1x16xf32>,
        %parallel_loop3A_442 = arith.index_cast %parallel_loop3A_203 : i32 to index
        %parallel_loop3A_443 = arith.constant 272 : index
        %parallel_loop3A_444 = tpu.vector_load %arg7[%parallel_loop3A_442, %parallel_loop3A_443] {strides = array<i32>} : memref<16x768xf32, #tpu.memory_space<vmem>>, vector<1x16xf32>,
        %parallel_loop3A_445 = vector.shape_cast %parallel_loop3A_444 : vector<1x16xf32> to vector<16xf32>
        %parallel_loop3A_446 = arith.index_cast %parallel_loop3A_203 : i32 to index
        %parallel_loop3A_447 = arith.constant 272 : index
        %parallel_loop3A_448 = tpu.vector_load %arg11[%parallel_loop3A_446, %parallel_loop3A_447] {strides = array<i32>} : memref<16x768xf32, #tpu.memory_space<vmem>>, vector<1x16xf32>,
        %parallel_loop3A_449 = vector.shape_cast %parallel_loop3A_448 : vector<1x16xf32> to vector<16xf32>
        %parallel_loop3A_450 = arith.addf %parallel_loop3A_445, %parallel_loop3A_449 : vector<16xf32>
        %parallel_loop3A_451 = arith.index_cast %parallel_loop3A_203 : i32 to index
        %parallel_loop3A_452 = arith.constant 272 : index
        %parallel_loop3A_453 = tpu.vector_load %arg11[%parallel_loop3A_451, %parallel_loop3A_452] {strides = array<i32>} : memref<16x768xf32, #tpu.memory_space<vmem>>, vector<1x16xf32>,
        %parallel_loop3A_454 = vector.shape_cast %parallel_loop3A_453 : vector<1x16xf32> to vector<16xf32>
        %parallel_loop3A_455 = vector.shape_cast %parallel_loop3A_450 : vector<16xf32> to vector<1x16xf32>
        tpu.vector_store %arg11[%parallel_loop3A_451, %parallel_loop3A_452], %parallel_loop3A_455 {strides = array<i32>} : memref<16x768xf32, #tpu.memory_space<vmem>>, vector<1x16xf32>,
        %parallel_loop3A_456 = arith.index_cast %parallel_loop3A_203 : i32 to index
        %parallel_loop3A_457 = arith.constant 288 : index
        %parallel_loop3A_458 = tpu.vector_load %arg7[%parallel_loop3A_456, %parallel_loop3A_457] {strides = array<i32>} : memref<16x768xf32, #tpu.memory_space<vmem>>, vector<1x16xf32>,
        %parallel_loop3A_459 = vector.shape_cast %parallel_loop3A_458 : vector<1x16xf32> to vector<16xf32>
        %parallel_loop3A_460 = arith.index_cast %parallel_loop3A_203 : i32 to index
        %parallel_loop3A_461 = arith.constant 288 : index
        %parallel_loop3A_462 = tpu.vector_load %arg11[%parallel_loop3A_460, %parallel_loop3A_461] {strides = array<i32>} : memref<16x768xf32, #tpu.memory_space<vmem>>, vector<1x16xf32>,
        %parallel_loop3A_463 = vector.shape_cast %parallel_loop3A_462 : vector<1x16xf32> to vector<16xf32>
        %parallel_loop3A_464 = arith.addf %parallel_loop3A_459, %parallel_loop3A_463 : vector<16xf32>
        %parallel_loop3A_465 = arith.index_cast %parallel_loop3A_203 : i32 to index
        %parallel_loop3A_466 = arith.constant 288 : index
        %parallel_loop3A_467 = tpu.vector_load %arg11[%parallel_loop3A_465, %parallel_loop3A_466] {strides = array<i32>} : memref<16x768xf32, #tpu.memory_space<vmem>>, vector<1x16xf32>,
        %parallel_loop3A_468 = vector.shape_cast %parallel_loop3A_467 : vector<1x16xf32> to vector<16xf32>
        %parallel_loop3A_469 = vector.shape_cast %parallel_loop3A_464 : vector<16xf32> to vector<1x16xf32>
        tpu.vector_store %arg11[%parallel_loop3A_465, %parallel_loop3A_466], %parallel_loop3A_469 {strides = array<i32>} : memref<16x768xf32, #tpu.memory_space<vmem>>, vector<1x16xf32>,
        %parallel_loop3A_470 = arith.index_cast %parallel_loop3A_203 : i32 to index
        %parallel_loop3A_471 = arith.constant 304 : index
        %parallel_loop3A_472 = tpu.vector_load %arg7[%parallel_loop3A_470, %parallel_loop3A_471] {strides = array<i32>} : memref<16x768xf32, #tpu.memory_space<vmem>>, vector<1x16xf32>,
        %parallel_loop3A_473 = vector.shape_cast %parallel_loop3A_472 : vector<1x16xf32> to vector<16xf32>
        %parallel_loop3A_474 = arith.index_cast %parallel_loop3A_203 : i32 to index
        %parallel_loop3A_475 = arith.constant 304 : index
        %parallel_loop3A_476 = tpu.vector_load %arg11[%parallel_loop3A_474, %parallel_loop3A_475] {strides = array<i32>} : memref<16x768xf32, #tpu.memory_space<vmem>>, vector<1x16xf32>,
        %parallel_loop3A_477 = vector.shape_cast %parallel_loop3A_476 : vector<1x16xf32> to vector<16xf32>
        %parallel_loop3A_478 = arith.addf %parallel_loop3A_473, %parallel_loop3A_477 : vector<16xf32>
        %parallel_loop3A_479 = arith.index_cast %parallel_loop3A_203 : i32 to index
        %parallel_loop3A_480 = arith.constant 304 : index
        %parallel_loop3A_481 = tpu.vector_load %arg11[%parallel_loop3A_479, %parallel_loop3A_480] {strides = array<i32>} : memref<16x768xf32, #tpu.memory_space<vmem>>, vector<1x16xf32>,
        %parallel_loop3A_482 = vector.shape_cast %parallel_loop3A_481 : vector<1x16xf32> to vector<16xf32>
        %parallel_loop3A_483 = vector.shape_cast %parallel_loop3A_478 : vector<16xf32> to vector<1x16xf32>
        tpu.vector_store %arg11[%parallel_loop3A_479, %parallel_loop3A_480], %parallel_loop3A_483 {strides = array<i32>} : memref<16x768xf32, #tpu.memory_space<vmem>>, vector<1x16xf32>,
        %parallel_loop3A_484 = arith.index_cast %parallel_loop3A_203 : i32 to index
        %parallel_loop3A_485 = arith.constant 320 : index
        %parallel_loop3A_486 = tpu.vector_load %arg7[%parallel_loop3A_484, %parallel_loop3A_485] {strides = array<i32>} : memref<16x768xf32, #tpu.memory_space<vmem>>, vector<1x16xf32>,
        %parallel_loop3A_487 = vector.shape_cast %parallel_loop3A_486 : vector<1x16xf32> to vector<16xf32>
        %parallel_loop3A_488 = arith.index_cast %parallel_loop3A_203 : i32 to index
        %parallel_loop3A_489 = arith.constant 320 : index
        %parallel_loop3A_490 = tpu.vector_load %arg11[%parallel_loop3A_488, %parallel_loop3A_489] {strides = array<i32>} : memref<16x768xf32, #tpu.memory_space<vmem>>, vector<1x16xf32>,
        %parallel_loop3A_491 = vector.shape_cast %parallel_loop3A_490 : vector<1x16xf32> to vector<16xf32>
        %parallel_loop3A_492 = arith.addf %parallel_loop3A_487, %parallel_loop3A_491 : vector<16xf32>
        %parallel_loop3A_493 = arith.index_cast %parallel_loop3A_203 : i32 to index
        %parallel_loop3A_494 = arith.constant 320 : index
        %parallel_loop3A_495 = tpu.vector_load %arg11[%parallel_loop3A_493, %parallel_loop3A_494] {strides = array<i32>} : memref<16x768xf32, #tpu.memory_space<vmem>>, vector<1x16xf32>,
        %parallel_loop3A_496 = vector.shape_cast %parallel_loop3A_495 : vector<1x16xf32> to vector<16xf32>
        %parallel_loop3A_497 = vector.shape_cast %parallel_loop3A_492 : vector<16xf32> to vector<1x16xf32>
        tpu.vector_store %arg11[%parallel_loop3A_493, %parallel_loop3A_494], %parallel_loop3A_497 {strides = array<i32>} : memref<16x768xf32, #tpu.memory_space<vmem>>, vector<1x16xf32>,
        %parallel_loop3A_498 = arith.index_cast %parallel_loop3A_203 : i32 to index
        %parallel_loop3A_499 = arith.constant 336 : index
        %parallel_loop3A_500 = tpu.vector_load %arg7[%parallel_loop3A_498, %parallel_loop3A_499] {strides = array<i32>} : memref<16x768xf32, #tpu.memory_space<vmem>>, vector<1x16xf32>,
        %parallel_loop3A_501 = vector.shape_cast %parallel_loop3A_500 : vector<1x16xf32> to vector<16xf32>
        %parallel_loop3A_502 = arith.index_cast %parallel_loop3A_203 : i32 to index
        %parallel_loop3A_503 = arith.constant 336 : index
        %parallel_loop3A_504 = tpu.vector_load %arg11[%parallel_loop3A_502, %parallel_loop3A_503] {strides = array<i32>} : memref<16x768xf32, #tpu.memory_space<vmem>>, vector<1x16xf32>,
        %parallel_loop3A_505 = vector.shape_cast %parallel_loop3A_504 : vector<1x16xf32> to vector<16xf32>
        %parallel_loop3A_506 = arith.addf %parallel_loop3A_501, %parallel_loop3A_505 : vector<16xf32>
        %parallel_loop3A_507 = arith.index_cast %parallel_loop3A_203 : i32 to index
        %parallel_loop3A_508 = arith.constant 336 : index
        %parallel_loop3A_509 = tpu.vector_load %arg11[%parallel_loop3A_507, %parallel_loop3A_508] {strides = array<i32>} : memref<16x768xf32, #tpu.memory_space<vmem>>, vector<1x16xf32>,
        %parallel_loop3A_510 = vector.shape_cast %parallel_loop3A_509 : vector<1x16xf32> to vector<16xf32>
        %parallel_loop3A_511 = vector.shape_cast %parallel_loop3A_506 : vector<16xf32> to vector<1x16xf32>
        tpu.vector_store %arg11[%parallel_loop3A_507, %parallel_loop3A_508], %parallel_loop3A_511 {strides = array<i32>} : memref<16x768xf32, #tpu.memory_space<vmem>>, vector<1x16xf32>,
        %parallel_loop3A_512 = arith.index_cast %parallel_loop3A_203 : i32 to index
        %parallel_loop3A_513 = arith.constant 352 : index
        %parallel_loop3A_514 = tpu.vector_load %arg7[%parallel_loop3A_512, %parallel_loop3A_513] {strides = array<i32>} : memref<16x768xf32, #tpu.memory_space<vmem>>, vector<1x16xf32>,
        %parallel_loop3A_515 = vector.shape_cast %parallel_loop3A_514 : vector<1x16xf32> to vector<16xf32>
        %parallel_loop3A_516 = arith.index_cast %parallel_loop3A_203 : i32 to index
        %parallel_loop3A_517 = arith.constant 352 : index
        %parallel_loop3A_518 = tpu.vector_load %arg11[%parallel_loop3A_516, %parallel_loop3A_517] {strides = array<i32>} : memref<16x768xf32, #tpu.memory_space<vmem>>, vector<1x16xf32>,
        %parallel_loop3A_519 = vector.shape_cast %parallel_loop3A_518 : vector<1x16xf32> to vector<16xf32>
        %parallel_loop3A_520 = arith.addf %parallel_loop3A_515, %parallel_loop3A_519 : vector<16xf32>
        %parallel_loop3A_521 = arith.index_cast %parallel_loop3A_203 : i32 to index
        %parallel_loop3A_522 = arith.constant 352 : index
        %parallel_loop3A_523 = tpu.vector_load %arg11[%parallel_loop3A_521, %parallel_loop3A_522] {strides = array<i32>} : memref<16x768xf32, #tpu.memory_space<vmem>>, vector<1x16xf32>,
        %parallel_loop3A_524 = vector.shape_cast %parallel_loop3A_523 : vector<1x16xf32> to vector<16xf32>
        %parallel_loop3A_525 = vector.shape_cast %parallel_loop3A_520 : vector<16xf32> to vector<1x16xf32>
        tpu.vector_store %arg11[%parallel_loop3A_521, %parallel_loop3A_522], %parallel_loop3A_525 {strides = array<i32>} : memref<16x768xf32, #tpu.memory_space<vmem>>, vector<1x16xf32>,
        %parallel_loop3A_526 = arith.index_cast %parallel_loop3A_203 : i32 to index
        %parallel_loop3A_527 = arith.constant 368 : index
        %parallel_loop3A_528 = tpu.vector_load %arg7[%parallel_loop3A_526, %parallel_loop3A_527] {strides = array<i32>} : memref<16x768xf32, #tpu.memory_space<vmem>>, vector<1x16xf32>,
        %parallel_loop3A_529 = vector.shape_cast %parallel_loop3A_528 : vector<1x16xf32> to vector<16xf32>
        %parallel_loop3A_530 = arith.index_cast %parallel_loop3A_203 : i32 to index
        %parallel_loop3A_531 = arith.constant 368 : index
        %parallel_loop3A_532 = tpu.vector_load %arg11[%parallel_loop3A_530, %parallel_loop3A_531] {strides = array<i32>} : memref<16x768xf32, #tpu.memory_space<vmem>>, vector<1x16xf32>,
        %parallel_loop3A_533 = vector.shape_cast %parallel_loop3A_532 : vector<1x16xf32> to vector<16xf32>
        %parallel_loop3A_534 = arith.addf %parallel_loop3A_529, %parallel_loop3A_533 : vector<16xf32>
        %parallel_loop3A_535 = arith.index_cast %parallel_loop3A_203 : i32 to index
        %parallel_loop3A_536 = arith.constant 368 : index
        %parallel_loop3A_537 = tpu.vector_load %arg11[%parallel_loop3A_535, %parallel_loop3A_536] {strides = array<i32>} : memref<16x768xf32, #tpu.memory_space<vmem>>, vector<1x16xf32>,
        %parallel_loop3A_538 = vector.shape_cast %parallel_loop3A_537 : vector<1x16xf32> to vector<16xf32>
        %parallel_loop3A_539 = vector.shape_cast %parallel_loop3A_534 : vector<16xf32> to vector<1x16xf32>
        tpu.vector_store %arg11[%parallel_loop3A_535, %parallel_loop3A_536], %parallel_loop3A_539 {strides = array<i32>} : memref<16x768xf32, #tpu.memory_space<vmem>>, vector<1x16xf32>,
        %parallel_loop3A_540 = arith.index_cast %parallel_loop3A_203 : i32 to index
        %parallel_loop3A_541 = arith.constant 384 : index
        %parallel_loop3A_542 = tpu.vector_load %arg7[%parallel_loop3A_540, %parallel_loop3A_541] {strides = array<i32>} : memref<16x768xf32, #tpu.memory_space<vmem>>, vector<1x16xf32>,
        %parallel_loop3A_543 = vector.shape_cast %parallel_loop3A_542 : vector<1x16xf32> to vector<16xf32>
        %parallel_loop3A_544 = arith.index_cast %parallel_loop3A_203 : i32 to index
        %parallel_loop3A_545 = arith.constant 384 : index
        %parallel_loop3A_546 = tpu.vector_load %arg11[%parallel_loop3A_544, %parallel_loop3A_545] {strides = array<i32>} : memref<16x768xf32, #tpu.memory_space<vmem>>, vector<1x16xf32>,
        %parallel_loop3A_547 = vector.shape_cast %parallel_loop3A_546 : vector<1x16xf32> to vector<16xf32>
        %parallel_loop3A_548 = arith.addf %parallel_loop3A_543, %parallel_loop3A_547 : vector<16xf32>
        %parallel_loop3A_549 = arith.index_cast %parallel_loop3A_203 : i32 to index
        %parallel_loop3A_550 = arith.constant 384 : index
        %parallel_loop3A_551 = tpu.vector_load %arg11[%parallel_loop3A_549, %parallel_loop3A_550] {strides = array<i32>} : memref<16x768xf32, #tpu.memory_space<vmem>>, vector<1x16xf32>,
        %parallel_loop3A_552 = vector.shape_cast %parallel_loop3A_551 : vector<1x16xf32> to vector<16xf32>
        %parallel_loop3A_553 = vector.shape_cast %parallel_loop3A_548 : vector<16xf32> to vector<1x16xf32>
        tpu.vector_store %arg11[%parallel_loop3A_549, %parallel_loop3A_550], %parallel_loop3A_553 {strides = array<i32>} : memref<16x768xf32, #tpu.memory_space<vmem>>, vector<1x16xf32>,
        %parallel_loop3A_554 = arith.index_cast %parallel_loop3A_203 : i32 to index
        %parallel_loop3A_555 = arith.constant 400 : index
        %parallel_loop3A_556 = tpu.vector_load %arg7[%parallel_loop3A_554, %parallel_loop3A_555] {strides = array<i32>} : memref<16x768xf32, #tpu.memory_space<vmem>>, vector<1x16xf32>,
        %parallel_loop3A_557 = vector.shape_cast %parallel_loop3A_556 : vector<1x16xf32> to vector<16xf32>
        %parallel_loop3A_558 = arith.index_cast %parallel_loop3A_203 : i32 to index
        %parallel_loop3A_559 = arith.constant 400 : index
        %parallel_loop3A_560 = tpu.vector_load %arg11[%parallel_loop3A_558, %parallel_loop3A_559] {strides = array<i32>} : memref<16x768xf32, #tpu.memory_space<vmem>>, vector<1x16xf32>,
        %parallel_loop3A_561 = vector.shape_cast %parallel_loop3A_560 : vector<1x16xf32> to vector<16xf32>
        %parallel_loop3A_562 = arith.addf %parallel_loop3A_557, %parallel_loop3A_561 : vector<16xf32>
        %parallel_loop3A_563 = arith.index_cast %parallel_loop3A_203 : i32 to index
        %parallel_loop3A_564 = arith.constant 400 : index
        %parallel_loop3A_565 = tpu.vector_load %arg11[%parallel_loop3A_563, %parallel_loop3A_564] {strides = array<i32>} : memref<16x768xf32, #tpu.memory_space<vmem>>, vector<1x16xf32>,
        %parallel_loop3A_566 = vector.shape_cast %parallel_loop3A_565 : vector<1x16xf32> to vector<16xf32>
        %parallel_loop3A_567 = vector.shape_cast %parallel_loop3A_562 : vector<16xf32> to vector<1x16xf32>
        tpu.vector_store %arg11[%parallel_loop3A_563, %parallel_loop3A_564], %parallel_loop3A_567 {strides = array<i32>} : memref<16x768xf32, #tpu.memory_space<vmem>>, vector<1x16xf32>,
        %parallel_loop3A_568 = arith.index_cast %parallel_loop3A_203 : i32 to index
        %parallel_loop3A_569 = arith.constant 416 : index
        %parallel_loop3A_570 = tpu.vector_load %arg7[%parallel_loop3A_568, %parallel_loop3A_569] {strides = array<i32>} : memref<16x768xf32, #tpu.memory_space<vmem>>, vector<1x16xf32>,
        %parallel_loop3A_571 = vector.shape_cast %parallel_loop3A_570 : vector<1x16xf32> to vector<16xf32>
        %parallel_loop3A_572 = arith.index_cast %parallel_loop3A_203 : i32 to index
        %parallel_loop3A_573 = arith.constant 416 : index
        %parallel_loop3A_574 = tpu.vector_load %arg11[%parallel_loop3A_572, %parallel_loop3A_573] {strides = array<i32>} : memref<16x768xf32, #tpu.memory_space<vmem>>, vector<1x16xf32>,
        %parallel_loop3A_575 = vector.shape_cast %parallel_loop3A_574 : vector<1x16xf32> to vector<16xf32>
        %parallel_loop3A_576 = arith.addf %parallel_loop3A_571, %parallel_loop3A_575 : vector<16xf32>
        %parallel_loop3A_577 = arith.index_cast %parallel_loop3A_203 : i32 to index
        %parallel_loop3A_578 = arith.constant 416 : index
        %parallel_loop3A_579 = tpu.vector_load %arg11[%parallel_loop3A_577, %parallel_loop3A_578] {strides = array<i32>} : memref<16x768xf32, #tpu.memory_space<vmem>>, vector<1x16xf32>,
        %parallel_loop3A_580 = vector.shape_cast %parallel_loop3A_579 : vector<1x16xf32> to vector<16xf32>
        %parallel_loop3A_581 = vector.shape_cast %parallel_loop3A_576 : vector<16xf32> to vector<1x16xf32>
        tpu.vector_store %arg11[%parallel_loop3A_577, %parallel_loop3A_578], %parallel_loop3A_581 {strides = array<i32>} : memref<16x768xf32, #tpu.memory_space<vmem>>, vector<1x16xf32>,
        %parallel_loop3A_582 = arith.index_cast %parallel_loop3A_203 : i32 to index
        %parallel_loop3A_583 = arith.constant 432 : index
        %parallel_loop3A_584 = tpu.vector_load %arg7[%parallel_loop3A_582, %parallel_loop3A_583] {strides = array<i32>} : memref<16x768xf32, #tpu.memory_space<vmem>>, vector<1x16xf32>,
        %parallel_loop3A_585 = vector.shape_cast %parallel_loop3A_584 : vector<1x16xf32> to vector<16xf32>
        %parallel_loop3A_586 = arith.index_cast %parallel_loop3A_203 : i32 to index
        %parallel_loop3A_587 = arith.constant 432 : index
        %parallel_loop3A_588 = tpu.vector_load %arg11[%parallel_loop3A_586, %parallel_loop3A_587] {strides = array<i32>} : memref<16x768xf32, #tpu.memory_space<vmem>>, vector<1x16xf32>,
        %parallel_loop3A_589 = vector.shape_cast %parallel_loop3A_588 : vector<1x16xf32> to vector<16xf32>
        %parallel_loop3A_590 = arith.addf %parallel_loop3A_585, %parallel_loop3A_589 : vector<16xf32>
        %parallel_loop3A_591 = arith.index_cast %parallel_loop3A_203 : i32 to index
        %parallel_loop3A_592 = arith.constant 432 : index
        %parallel_loop3A_593 = tpu.vector_load %arg11[%parallel_loop3A_591, %parallel_loop3A_592] {strides = array<i32>} : memref<16x768xf32, #tpu.memory_space<vmem>>, vector<1x16xf32>,
        %parallel_loop3A_594 = vector.shape_cast %parallel_loop3A_593 : vector<1x16xf32> to vector<16xf32>
        %parallel_loop3A_595 = vector.shape_cast %parallel_loop3A_590 : vector<16xf32> to vector<1x16xf32>
        tpu.vector_store %arg11[%parallel_loop3A_591, %parallel_loop3A_592], %parallel_loop3A_595 {strides = array<i32>} : memref<16x768xf32, #tpu.memory_space<vmem>>, vector<1x16xf32>,
        %parallel_loop3A_596 = arith.index_cast %parallel_loop3A_203 : i32 to index
        %parallel_loop3A_597 = arith.constant 448 : index
        %parallel_loop3A_598 = tpu.vector_load %arg7[%parallel_loop3A_596, %parallel_loop3A_597] {strides = array<i32>} : memref<16x768xf32, #tpu.memory_space<vmem>>, vector<1x16xf32>,
        %parallel_loop3A_599 = vector.shape_cast %parallel_loop3A_598 : vector<1x16xf32> to vector<16xf32>
        %parallel_loop3A_600 = arith.index_cast %parallel_loop3A_203 : i32 to index
        %parallel_loop3A_601 = arith.constant 448 : index
        %parallel_loop3A_602 = tpu.vector_load %arg11[%parallel_loop3A_600, %parallel_loop3A_601] {strides = array<i32>} : memref<16x768xf32, #tpu.memory_space<vmem>>, vector<1x16xf32>,
        %parallel_loop3A_603 = vector.shape_cast %parallel_loop3A_602 : vector<1x16xf32> to vector<16xf32>
        %parallel_loop3A_604 = arith.addf %parallel_loop3A_599, %parallel_loop3A_603 : vector<16xf32>
        %parallel_loop3A_605 = arith.index_cast %parallel_loop3A_203 : i32 to index
        %parallel_loop3A_606 = arith.constant 448 : index
        %parallel_loop3A_607 = tpu.vector_load %arg11[%parallel_loop3A_605, %parallel_loop3A_606] {strides = array<i32>} : memref<16x768xf32, #tpu.memory_space<vmem>>, vector<1x16xf32>,
        %parallel_loop3A_608 = vector.shape_cast %parallel_loop3A_607 : vector<1x16xf32> to vector<16xf32>
        %parallel_loop3A_609 = vector.shape_cast %parallel_loop3A_604 : vector<16xf32> to vector<1x16xf32>
        tpu.vector_store %arg11[%parallel_loop3A_605, %parallel_loop3A_606], %parallel_loop3A_609 {strides = array<i32>} : memref<16x768xf32, #tpu.memory_space<vmem>>, vector<1x16xf32>,
        %parallel_loop3A_610 = arith.index_cast %parallel_loop3A_203 : i32 to index
        %parallel_loop3A_611 = arith.constant 464 : index
        %parallel_loop3A_612 = tpu.vector_load %arg7[%parallel_loop3A_610, %parallel_loop3A_611] {strides = array<i32>} : memref<16x768xf32, #tpu.memory_space<vmem>>, vector<1x16xf32>,
        %parallel_loop3A_613 = vector.shape_cast %parallel_loop3A_612 : vector<1x16xf32> to vector<16xf32>
        %parallel_loop3A_614 = arith.index_cast %parallel_loop3A_203 : i32 to index
        %parallel_loop3A_615 = arith.constant 464 : index
        %parallel_loop3A_616 = tpu.vector_load %arg11[%parallel_loop3A_614, %parallel_loop3A_615] {strides = array<i32>} : memref<16x768xf32, #tpu.memory_space<vmem>>, vector<1x16xf32>,
        %parallel_loop3A_617 = vector.shape_cast %parallel_loop3A_616 : vector<1x16xf32> to vector<16xf32>
        %parallel_loop3A_618 = arith.addf %parallel_loop3A_613, %parallel_loop3A_617 : vector<16xf32>
        %parallel_loop3A_619 = arith.index_cast %parallel_loop3A_203 : i32 to index
        %parallel_loop3A_620 = arith.constant 464 : index
        %parallel_loop3A_621 = tpu.vector_load %arg11[%parallel_loop3A_619, %parallel_loop3A_620] {strides = array<i32>} : memref<16x768xf32, #tpu.memory_space<vmem>>, vector<1x16xf32>,
        %parallel_loop3A_622 = vector.shape_cast %parallel_loop3A_621 : vector<1x16xf32> to vector<16xf32>
        %parallel_loop3A_623 = vector.shape_cast %parallel_loop3A_618 : vector<16xf32> to vector<1x16xf32>
        tpu.vector_store %arg11[%parallel_loop3A_619, %parallel_loop3A_620], %parallel_loop3A_623 {strides = array<i32>} : memref<16x768xf32, #tpu.memory_space<vmem>>, vector<1x16xf32>,
        %parallel_loop3A_624 = arith.index_cast %parallel_loop3A_203 : i32 to index
        %parallel_loop3A_625 = arith.constant 480 : index
        %parallel_loop3A_626 = tpu.vector_load %arg7[%parallel_loop3A_624, %parallel_loop3A_625] {strides = array<i32>} : memref<16x768xf32, #tpu.memory_space<vmem>>, vector<1x16xf32>,
        %parallel_loop3A_627 = vector.shape_cast %parallel_loop3A_626 : vector<1x16xf32> to vector<16xf32>
        %parallel_loop3A_628 = arith.index_cast %parallel_loop3A_203 : i32 to index
        %parallel_loop3A_629 = arith.constant 480 : index
        %parallel_loop3A_630 = tpu.vector_load %arg11[%parallel_loop3A_628, %parallel_loop3A_629] {strides = array<i32>} : memref<16x768xf32, #tpu.memory_space<vmem>>, vector<1x16xf32>,
        %parallel_loop3A_631 = vector.shape_cast %parallel_loop3A_630 : vector<1x16xf32> to vector<16xf32>
        %parallel_loop3A_632 = arith.addf %parallel_loop3A_627, %parallel_loop3A_631 : vector<16xf32>
        %parallel_loop3A_633 = arith.index_cast %parallel_loop3A_203 : i32 to index
        %parallel_loop3A_634 = arith.constant 480 : index
        %parallel_loop3A_635 = tpu.vector_load %arg11[%parallel_loop3A_633, %parallel_loop3A_634] {strides = array<i32>} : memref<16x768xf32, #tpu.memory_space<vmem>>, vector<1x16xf32>,
        %parallel_loop3A_636 = vector.shape_cast %parallel_loop3A_635 : vector<1x16xf32> to vector<16xf32>
        %parallel_loop3A_637 = vector.shape_cast %parallel_loop3A_632 : vector<16xf32> to vector<1x16xf32>
        tpu.vector_store %arg11[%parallel_loop3A_633, %parallel_loop3A_634], %parallel_loop3A_637 {strides = array<i32>} : memref<16x768xf32, #tpu.memory_space<vmem>>, vector<1x16xf32>,
        %parallel_loop3A_638 = arith.index_cast %parallel_loop3A_203 : i32 to index
        %parallel_loop3A_639 = arith.constant 496 : index
        %parallel_loop3A_640 = tpu.vector_load %arg7[%parallel_loop3A_638, %parallel_loop3A_639] {strides = array<i32>} : memref<16x768xf32, #tpu.memory_space<vmem>>, vector<1x16xf32>,
        %parallel_loop3A_641 = vector.shape_cast %parallel_loop3A_640 : vector<1x16xf32> to vector<16xf32>
        %parallel_loop3A_642 = arith.index_cast %parallel_loop3A_203 : i32 to index
        %parallel_loop3A_643 = arith.constant 496 : index
        %parallel_loop3A_644 = tpu.vector_load %arg11[%parallel_loop3A_642, %parallel_loop3A_643] {strides = array<i32>} : memref<16x768xf32, #tpu.memory_space<vmem>>, vector<1x16xf32>,
        %parallel_loop3A_645 = vector.shape_cast %parallel_loop3A_644 : vector<1x16xf32> to vector<16xf32>
        %parallel_loop3A_646 = arith.addf %parallel_loop3A_641, %parallel_loop3A_645 : vector<16xf32>
        %parallel_loop3A_647 = arith.index_cast %parallel_loop3A_203 : i32 to index
        %parallel_loop3A_648 = arith.constant 496 : index
        %parallel_loop3A_649 = tpu.vector_load %arg11[%parallel_loop3A_647, %parallel_loop3A_648] {strides = array<i32>} : memref<16x768xf32, #tpu.memory_space<vmem>>, vector<1x16xf32>,
        %parallel_loop3A_650 = vector.shape_cast %parallel_loop3A_649 : vector<1x16xf32> to vector<16xf32>
        %parallel_loop3A_651 = vector.shape_cast %parallel_loop3A_646 : vector<16xf32> to vector<1x16xf32>
        tpu.vector_store %arg11[%parallel_loop3A_647, %parallel_loop3A_648], %parallel_loop3A_651 {strides = array<i32>} : memref<16x768xf32, #tpu.memory_space<vmem>>, vector<1x16xf32>,
        %parallel_loop3A_652 = arith.index_cast %parallel_loop3A_203 : i32 to index
        %parallel_loop3A_653 = arith.constant 512 : index
        %parallel_loop3A_654 = tpu.vector_load %arg7[%parallel_loop3A_652, %parallel_loop3A_653] {strides = array<i32>} : memref<16x768xf32, #tpu.memory_space<vmem>>, vector<1x16xf32>,
        %parallel_loop3A_655 = vector.shape_cast %parallel_loop3A_654 : vector<1x16xf32> to vector<16xf32>
        %parallel_loop3A_656 = arith.index_cast %parallel_loop3A_203 : i32 to index
        %parallel_loop3A_657 = arith.constant 512 : index
        %parallel_loop3A_658 = tpu.vector_load %arg11[%parallel_loop3A_656, %parallel_loop3A_657] {strides = array<i32>} : memref<16x768xf32, #tpu.memory_space<vmem>>, vector<1x16xf32>,
        %parallel_loop3A_659 = vector.shape_cast %parallel_loop3A_658 : vector<1x16xf32> to vector<16xf32>
        %parallel_loop3A_660 = arith.addf %parallel_loop3A_655, %parallel_loop3A_659 : vector<16xf32>
        %parallel_loop3A_661 = arith.index_cast %parallel_loop3A_203 : i32 to index
        %parallel_loop3A_662 = arith.constant 512 : index
        %parallel_loop3A_663 = tpu.vector_load %arg11[%parallel_loop3A_661, %parallel_loop3A_662] {strides = array<i32>} : memref<16x768xf32, #tpu.memory_space<vmem>>, vector<1x16xf32>,
        %parallel_loop3A_664 = vector.shape_cast %parallel_loop3A_663 : vector<1x16xf32> to vector<16xf32>
        %parallel_loop3A_665 = vector.shape_cast %parallel_loop3A_660 : vector<16xf32> to vector<1x16xf32>
        tpu.vector_store %arg11[%parallel_loop3A_661, %parallel_loop3A_662], %parallel_loop3A_665 {strides = array<i32>} : memref<16x768xf32, #tpu.memory_space<vmem>>, vector<1x16xf32>,
        %parallel_loop3A_666 = arith.index_cast %parallel_loop3A_203 : i32 to index
        %parallel_loop3A_667 = arith.constant 528 : index
        %parallel_loop3A_668 = tpu.vector_load %arg7[%parallel_loop3A_666, %parallel_loop3A_667] {strides = array<i32>} : memref<16x768xf32, #tpu.memory_space<vmem>>, vector<1x16xf32>,
        %parallel_loop3A_669 = vector.shape_cast %parallel_loop3A_668 : vector<1x16xf32> to vector<16xf32>
        %parallel_loop3A_670 = arith.index_cast %parallel_loop3A_203 : i32 to index
        %parallel_loop3A_671 = arith.constant 528 : index
        %parallel_loop3A_672 = tpu.vector_load %arg11[%parallel_loop3A_670, %parallel_loop3A_671] {strides = array<i32>} : memref<16x768xf32, #tpu.memory_space<vmem>>, vector<1x16xf32>,
        %parallel_loop3A_673 = vector.shape_cast %parallel_loop3A_672 : vector<1x16xf32> to vector<16xf32>
        %parallel_loop3A_674 = arith.addf %parallel_loop3A_669, %parallel_loop3A_673 : vector<16xf32>
        %parallel_loop3A_675 = arith.index_cast %parallel_loop3A_203 : i32 to index
        %parallel_loop3A_676 = arith.constant 528 : index
        %parallel_loop3A_677 = tpu.vector_load %arg11[%parallel_loop3A_675, %parallel_loop3A_676] {strides = array<i32>} : memref<16x768xf32, #tpu.memory_space<vmem>>, vector<1x16xf32>,
        %parallel_loop3A_678 = vector.shape_cast %parallel_loop3A_677 : vector<1x16xf32> to vector<16xf32>
        %parallel_loop3A_679 = vector.shape_cast %parallel_loop3A_674 : vector<16xf32> to vector<1x16xf32>
        tpu.vector_store %arg11[%parallel_loop3A_675, %parallel_loop3A_676], %parallel_loop3A_679 {strides = array<i32>} : memref<16x768xf32, #tpu.memory_space<vmem>>, vector<1x16xf32>,
        %parallel_loop3A_680 = arith.index_cast %parallel_loop3A_203 : i32 to index
        %parallel_loop3A_681 = arith.constant 544 : index
        %parallel_loop3A_682 = tpu.vector_load %arg7[%parallel_loop3A_680, %parallel_loop3A_681] {strides = array<i32>} : memref<16x768xf32, #tpu.memory_space<vmem>>, vector<1x16xf32>,
        %parallel_loop3A_683 = vector.shape_cast %parallel_loop3A_682 : vector<1x16xf32> to vector<16xf32>
        %parallel_loop3A_684 = arith.index_cast %parallel_loop3A_203 : i32 to index
        %parallel_loop3A_685 = arith.constant 544 : index
        %parallel_loop3A_686 = tpu.vector_load %arg11[%parallel_loop3A_684, %parallel_loop3A_685] {strides = array<i32>} : memref<16x768xf32, #tpu.memory_space<vmem>>, vector<1x16xf32>,
        %parallel_loop3A_687 = vector.shape_cast %parallel_loop3A_686 : vector<1x16xf32> to vector<16xf32>
        %parallel_loop3A_688 = arith.addf %parallel_loop3A_683, %parallel_loop3A_687 : vector<16xf32>
        %parallel_loop3A_689 = arith.index_cast %parallel_loop3A_203 : i32 to index
        %parallel_loop3A_690 = arith.constant 544 : index
        %parallel_loop3A_691 = tpu.vector_load %arg11[%parallel_loop3A_689, %parallel_loop3A_690] {strides = array<i32>} : memref<16x768xf32, #tpu.memory_space<vmem>>, vector<1x16xf32>,
        %parallel_loop3A_692 = vector.shape_cast %parallel_loop3A_691 : vector<1x16xf32> to vector<16xf32>
        %parallel_loop3A_693 = vector.shape_cast %parallel_loop3A_688 : vector<16xf32> to vector<1x16xf32>
        tpu.vector_store %arg11[%parallel_loop3A_689, %parallel_loop3A_690], %parallel_loop3A_693 {strides = array<i32>} : memref<16x768xf32, #tpu.memory_space<vmem>>, vector<1x16xf32>,
        %parallel_loop3A_694 = arith.index_cast %parallel_loop3A_203 : i32 to index
        %parallel_loop3A_695 = arith.constant 560 : index
        %parallel_loop3A_696 = tpu.vector_load %arg7[%parallel_loop3A_694, %parallel_loop3A_695] {strides = array<i32>} : memref<16x768xf32, #tpu.memory_space<vmem>>, vector<1x16xf32>,
        %parallel_loop3A_697 = vector.shape_cast %parallel_loop3A_696 : vector<1x16xf32> to vector<16xf32>
        %parallel_loop3A_698 = arith.index_cast %parallel_loop3A_203 : i32 to index
        %parallel_loop3A_699 = arith.constant 560 : index
        %parallel_loop3A_700 = tpu.vector_load %arg11[%parallel_loop3A_698, %parallel_loop3A_699] {strides = array<i32>} : memref<16x768xf32, #tpu.memory_space<vmem>>, vector<1x16xf32>,
        %parallel_loop3A_701 = vector.shape_cast %parallel_loop3A_700 : vector<1x16xf32> to vector<16xf32>
        %parallel_loop3A_702 = arith.addf %parallel_loop3A_697, %parallel_loop3A_701 : vector<16xf32>
        %parallel_loop3A_703 = arith.index_cast %parallel_loop3A_203 : i32 to index
        %parallel_loop3A_704 = arith.constant 560 : index
        %parallel_loop3A_705 = tpu.vector_load %arg11[%parallel_loop3A_703, %parallel_loop3A_704] {strides = array<i32>} : memref<16x768xf32, #tpu.memory_space<vmem>>, vector<1x16xf32>,
        %parallel_loop3A_706 = vector.shape_cast %parallel_loop3A_705 : vector<1x16xf32> to vector<16xf32>
        %parallel_loop3A_707 = vector.shape_cast %parallel_loop3A_702 : vector<16xf32> to vector<1x16xf32>
        tpu.vector_store %arg11[%parallel_loop3A_703, %parallel_loop3A_704], %parallel_loop3A_707 {strides = array<i32>} : memref<16x768xf32, #tpu.memory_space<vmem>>, vector<1x16xf32>,
        %parallel_loop3A_708 = arith.index_cast %parallel_loop3A_203 : i32 to index
        %parallel_loop3A_709 = arith.constant 576 : index
        %parallel_loop3A_710 = tpu.vector_load %arg7[%parallel_loop3A_708, %parallel_loop3A_709] {strides = array<i32>} : memref<16x768xf32, #tpu.memory_space<vmem>>, vector<1x16xf32>,
        %parallel_loop3A_711 = vector.shape_cast %parallel_loop3A_710 : vector<1x16xf32> to vector<16xf32>
        %parallel_loop3A_712 = arith.index_cast %parallel_loop3A_203 : i32 to index
        %parallel_loop3A_713 = arith.constant 576 : index
        %parallel_loop3A_714 = tpu.vector_load %arg11[%parallel_loop3A_712, %parallel_loop3A_713] {strides = array<i32>} : memref<16x768xf32, #tpu.memory_space<vmem>>, vector<1x16xf32>,
        %parallel_loop3A_715 = vector.shape_cast %parallel_loop3A_714 : vector<1x16xf32> to vector<16xf32>
        %parallel_loop3A_716 = arith.addf %parallel_loop3A_711, %parallel_loop3A_715 : vector<16xf32>
        %parallel_loop3A_717 = arith.index_cast %parallel_loop3A_203 : i32 to index
        %parallel_loop3A_718 = arith.constant 576 : index
        %parallel_loop3A_719 = tpu.vector_load %arg11[%parallel_loop3A_717, %parallel_loop3A_718] {strides = array<i32>} : memref<16x768xf32, #tpu.memory_space<vmem>>, vector<1x16xf32>,
        %parallel_loop3A_720 = vector.shape_cast %parallel_loop3A_719 : vector<1x16xf32> to vector<16xf32>
        %parallel_loop3A_721 = vector.shape_cast %parallel_loop3A_716 : vector<16xf32> to vector<1x16xf32>
        tpu.vector_store %arg11[%parallel_loop3A_717, %parallel_loop3A_718], %parallel_loop3A_721 {strides = array<i32>} : memref<16x768xf32, #tpu.memory_space<vmem>>, vector<1x16xf32>,
        %parallel_loop3A_722 = arith.index_cast %parallel_loop3A_203 : i32 to index
        %parallel_loop3A_723 = arith.constant 592 : index
        %parallel_loop3A_724 = tpu.vector_load %arg7[%parallel_loop3A_722, %parallel_loop3A_723] {strides = array<i32>} : memref<16x768xf32, #tpu.memory_space<vmem>>, vector<1x16xf32>,
        %parallel_loop3A_725 = vector.shape_cast %parallel_loop3A_724 : vector<1x16xf32> to vector<16xf32>
        %parallel_loop3A_726 = arith.index_cast %parallel_loop3A_203 : i32 to index
        %parallel_loop3A_727 = arith.constant 592 : index
        %parallel_loop3A_728 = tpu.vector_load %arg11[%parallel_loop3A_726, %parallel_loop3A_727] {strides = array<i32>} : memref<16x768xf32, #tpu.memory_space<vmem>>, vector<1x16xf32>,
        %parallel_loop3A_729 = vector.shape_cast %parallel_loop3A_728 : vector<1x16xf32> to vector<16xf32>
        %parallel_loop3A_730 = arith.addf %parallel_loop3A_725, %parallel_loop3A_729 : vector<16xf32>
        %parallel_loop3A_731 = arith.index_cast %parallel_loop3A_203 : i32 to index
        %parallel_loop3A_732 = arith.constant 592 : index
        %parallel_loop3A_733 = tpu.vector_load %arg11[%parallel_loop3A_731, %parallel_loop3A_732] {strides = array<i32>} : memref<16x768xf32, #tpu.memory_space<vmem>>, vector<1x16xf32>,
        %parallel_loop3A_734 = vector.shape_cast %parallel_loop3A_733 : vector<1x16xf32> to vector<16xf32>
        %parallel_loop3A_735 = vector.shape_cast %parallel_loop3A_730 : vector<16xf32> to vector<1x16xf32>
        tpu.vector_store %arg11[%parallel_loop3A_731, %parallel_loop3A_732], %parallel_loop3A_735 {strides = array<i32>} : memref<16x768xf32, #tpu.memory_space<vmem>>, vector<1x16xf32>,
        %parallel_loop3A_736 = arith.index_cast %parallel_loop3A_203 : i32 to index
        %parallel_loop3A_737 = arith.constant 608 : index
        %parallel_loop3A_738 = tpu.vector_load %arg7[%parallel_loop3A_736, %parallel_loop3A_737] {strides = array<i32>} : memref<16x768xf32, #tpu.memory_space<vmem>>, vector<1x16xf32>,
        %parallel_loop3A_739 = vector.shape_cast %parallel_loop3A_738 : vector<1x16xf32> to vector<16xf32>
        %parallel_loop3A_740 = arith.index_cast %parallel_loop3A_203 : i32 to index
        %parallel_loop3A_741 = arith.constant 608 : index
        %parallel_loop3A_742 = tpu.vector_load %arg11[%parallel_loop3A_740, %parallel_loop3A_741] {strides = array<i32>} : memref<16x768xf32, #tpu.memory_space<vmem>>, vector<1x16xf32>,
        %parallel_loop3A_743 = vector.shape_cast %parallel_loop3A_742 : vector<1x16xf32> to vector<16xf32>
        %parallel_loop3A_744 = arith.addf %parallel_loop3A_739, %parallel_loop3A_743 : vector<16xf32>
        %parallel_loop3A_745 = arith.index_cast %parallel_loop3A_203 : i32 to index
        %parallel_loop3A_746 = arith.constant 608 : index
        %parallel_loop3A_747 = tpu.vector_load %arg11[%parallel_loop3A_745, %parallel_loop3A_746] {strides = array<i32>} : memref<16x768xf32, #tpu.memory_space<vmem>>, vector<1x16xf32>,
        %parallel_loop3A_748 = vector.shape_cast %parallel_loop3A_747 : vector<1x16xf32> to vector<16xf32>
        %parallel_loop3A_749 = vector.shape_cast %parallel_loop3A_744 : vector<16xf32> to vector<1x16xf32>
        tpu.vector_store %arg11[%parallel_loop3A_745, %parallel_loop3A_746], %parallel_loop3A_749 {strides = array<i32>} : memref<16x768xf32, #tpu.memory_space<vmem>>, vector<1x16xf32>,
        %parallel_loop3A_750 = arith.index_cast %parallel_loop3A_203 : i32 to index
        %parallel_loop3A_751 = arith.constant 624 : index
        %parallel_loop3A_752 = tpu.vector_load %arg7[%parallel_loop3A_750, %parallel_loop3A_751] {strides = array<i32>} : memref<16x768xf32, #tpu.memory_space<vmem>>, vector<1x16xf32>,
        %parallel_loop3A_753 = vector.shape_cast %parallel_loop3A_752 : vector<1x16xf32> to vector<16xf32>
        %parallel_loop3A_754 = arith.index_cast %parallel_loop3A_203 : i32 to index
        %parallel_loop3A_755 = arith.constant 624 : index
        %parallel_loop3A_756 = tpu.vector_load %arg11[%parallel_loop3A_754, %parallel_loop3A_755] {strides = array<i32>} : memref<16x768xf32, #tpu.memory_space<vmem>>, vector<1x16xf32>,
        %parallel_loop3A_757 = vector.shape_cast %parallel_loop3A_756 : vector<1x16xf32> to vector<16xf32>
        %parallel_loop3A_758 = arith.addf %parallel_loop3A_753, %parallel_loop3A_757 : vector<16xf32>
        %parallel_loop3A_759 = arith.index_cast %parallel_loop3A_203 : i32 to index
        %parallel_loop3A_760 = arith.constant 624 : index
        %parallel_loop3A_761 = tpu.vector_load %arg11[%parallel_loop3A_759, %parallel_loop3A_760] {strides = array<i32>} : memref<16x768xf32, #tpu.memory_space<vmem>>, vector<1x16xf32>,
        %parallel_loop3A_762 = vector.shape_cast %parallel_loop3A_761 : vector<1x16xf32> to vector<16xf32>
        %parallel_loop3A_763 = vector.shape_cast %parallel_loop3A_758 : vector<16xf32> to vector<1x16xf32>
        tpu.vector_store %arg11[%parallel_loop3A_759, %parallel_loop3A_760], %parallel_loop3A_763 {strides = array<i32>} : memref<16x768xf32, #tpu.memory_space<vmem>>, vector<1x16xf32>,
        %parallel_loop3A_764 = arith.index_cast %parallel_loop3A_203 : i32 to index
        %parallel_loop3A_765 = arith.constant 640 : index
        %parallel_loop3A_766 = tpu.vector_load %arg7[%parallel_loop3A_764, %parallel_loop3A_765] {strides = array<i32>} : memref<16x768xf32, #tpu.memory_space<vmem>>, vector<1x16xf32>,
        %parallel_loop3A_767 = vector.shape_cast %parallel_loop3A_766 : vector<1x16xf32> to vector<16xf32>
        %parallel_loop3A_768 = arith.index_cast %parallel_loop3A_203 : i32 to index
        %parallel_loop3A_769 = arith.constant 640 : index
        %parallel_loop3A_770 = tpu.vector_load %arg11[%parallel_loop3A_768, %parallel_loop3A_769] {strides = array<i32>} : memref<16x768xf32, #tpu.memory_space<vmem>>, vector<1x16xf32>,
        %parallel_loop3A_771 = vector.shape_cast %parallel_loop3A_770 : vector<1x16xf32> to vector<16xf32>
        %parallel_loop3A_772 = arith.addf %parallel_loop3A_767, %parallel_loop3A_771 : vector<16xf32>
        %parallel_loop3A_773 = arith.index_cast %parallel_loop3A_203 : i32 to index
        %parallel_loop3A_774 = arith.constant 640 : index
        %parallel_loop3A_775 = tpu.vector_load %arg11[%parallel_loop3A_773, %parallel_loop3A_774] {strides = array<i32>} : memref<16x768xf32, #tpu.memory_space<vmem>>, vector<1x16xf32>,
        %parallel_loop3A_776 = vector.shape_cast %parallel_loop3A_775 : vector<1x16xf32> to vector<16xf32>
        %parallel_loop3A_777 = vector.shape_cast %parallel_loop3A_772 : vector<16xf32> to vector<1x16xf32>
        tpu.vector_store %arg11[%parallel_loop3A_773, %parallel_loop3A_774], %parallel_loop3A_777 {strides = array<i32>} : memref<16x768xf32, #tpu.memory_space<vmem>>, vector<1x16xf32>,
        %parallel_loop3A_778 = arith.index_cast %parallel_loop3A_203 : i32 to index
        %parallel_loop3A_779 = arith.constant 656 : index
        %parallel_loop3A_780 = tpu.vector_load %arg7[%parallel_loop3A_778, %parallel_loop3A_779] {strides = array<i32>} : memref<16x768xf32, #tpu.memory_space<vmem>>, vector<1x16xf32>,
        %parallel_loop3A_781 = vector.shape_cast %parallel_loop3A_780 : vector<1x16xf32> to vector<16xf32>
        %parallel_loop3A_782 = arith.index_cast %parallel_loop3A_203 : i32 to index
        %parallel_loop3A_783 = arith.constant 656 : index
        %parallel_loop3A_784 = tpu.vector_load %arg11[%parallel_loop3A_782, %parallel_loop3A_783] {strides = array<i32>} : memref<16x768xf32, #tpu.memory_space<vmem>>, vector<1x16xf32>,
        %parallel_loop3A_785 = vector.shape_cast %parallel_loop3A_784 : vector<1x16xf32> to vector<16xf32>
        %parallel_loop3A_786 = arith.addf %parallel_loop3A_781, %parallel_loop3A_785 : vector<16xf32>
        %parallel_loop3A_787 = arith.index_cast %parallel_loop3A_203 : i32 to index
        %parallel_loop3A_788 = arith.constant 656 : index
        %parallel_loop3A_789 = tpu.vector_load %arg11[%parallel_loop3A_787, %parallel_loop3A_788] {strides = array<i32>} : memref<16x768xf32, #tpu.memory_space<vmem>>, vector<1x16xf32>,
        %parallel_loop3A_790 = vector.shape_cast %parallel_loop3A_789 : vector<1x16xf32> to vector<16xf32>
        %parallel_loop3A_791 = vector.shape_cast %parallel_loop3A_786 : vector<16xf32> to vector<1x16xf32>
        tpu.vector_store %arg11[%parallel_loop3A_787, %parallel_loop3A_788], %parallel_loop3A_791 {strides = array<i32>} : memref<16x768xf32, #tpu.memory_space<vmem>>, vector<1x16xf32>,
        %parallel_loop3A_792 = arith.index_cast %parallel_loop3A_203 : i32 to index
        %parallel_loop3A_793 = arith.constant 672 : index
        %parallel_loop3A_794 = tpu.vector_load %arg7[%parallel_loop3A_792, %parallel_loop3A_793] {strides = array<i32>} : memref<16x768xf32, #tpu.memory_space<vmem>>, vector<1x16xf32>,
        %parallel_loop3A_795 = vector.shape_cast %parallel_loop3A_794 : vector<1x16xf32> to vector<16xf32>
        %parallel_loop3A_796 = arith.index_cast %parallel_loop3A_203 : i32 to index
        %parallel_loop3A_797 = arith.constant 672 : index
        %parallel_loop3A_798 = tpu.vector_load %arg11[%parallel_loop3A_796, %parallel_loop3A_797] {strides = array<i32>} : memref<16x768xf32, #tpu.memory_space<vmem>>, vector<1x16xf32>,
        %parallel_loop3A_799 = vector.shape_cast %parallel_loop3A_798 : vector<1x16xf32> to vector<16xf32>
        %parallel_loop3A_800 = arith.addf %parallel_loop3A_795, %parallel_loop3A_799 : vector<16xf32>
        %parallel_loop3A_801 = arith.index_cast %parallel_loop3A_203 : i32 to index
        %parallel_loop3A_802 = arith.constant 672 : index
        %parallel_loop3A_803 = tpu.vector_load %arg11[%parallel_loop3A_801, %parallel_loop3A_802] {strides = array<i32>} : memref<16x768xf32, #tpu.memory_space<vmem>>, vector<1x16xf32>,
        %parallel_loop3A_804 = vector.shape_cast %parallel_loop3A_803 : vector<1x16xf32> to vector<16xf32>
        %parallel_loop3A_805 = vector.shape_cast %parallel_loop3A_800 : vector<16xf32> to vector<1x16xf32>
        tpu.vector_store %arg11[%parallel_loop3A_801, %parallel_loop3A_802], %parallel_loop3A_805 {strides = array<i32>} : memref<16x768xf32, #tpu.memory_space<vmem>>, vector<1x16xf32>,
        %parallel_loop3A_806 = arith.index_cast %parallel_loop3A_203 : i32 to index
        %parallel_loop3A_807 = arith.constant 688 : index
        %parallel_loop3A_808 = tpu.vector_load %arg7[%parallel_loop3A_806, %parallel_loop3A_807] {strides = array<i32>} : memref<16x768xf32, #tpu.memory_space<vmem>>, vector<1x16xf32>,
        %parallel_loop3A_809 = vector.shape_cast %parallel_loop3A_808 : vector<1x16xf32> to vector<16xf32>
        %parallel_loop3A_810 = arith.index_cast %parallel_loop3A_203 : i32 to index
        %parallel_loop3A_811 = arith.constant 688 : index
        %parallel_loop3A_812 = tpu.vector_load %arg11[%parallel_loop3A_810, %parallel_loop3A_811] {strides = array<i32>} : memref<16x768xf32, #tpu.memory_space<vmem>>, vector<1x16xf32>,
        %parallel_loop3A_813 = vector.shape_cast %parallel_loop3A_812 : vector<1x16xf32> to vector<16xf32>
        %parallel_loop3A_814 = arith.addf %parallel_loop3A_809, %parallel_loop3A_813 : vector<16xf32>
        %parallel_loop3A_815 = arith.index_cast %parallel_loop3A_203 : i32 to index
        %parallel_loop3A_816 = arith.constant 688 : index
        %parallel_loop3A_817 = tpu.vector_load %arg11[%parallel_loop3A_815, %parallel_loop3A_816] {strides = array<i32>} : memref<16x768xf32, #tpu.memory_space<vmem>>, vector<1x16xf32>,
        %parallel_loop3A_818 = vector.shape_cast %parallel_loop3A_817 : vector<1x16xf32> to vector<16xf32>
        %parallel_loop3A_819 = vector.shape_cast %parallel_loop3A_814 : vector<16xf32> to vector<1x16xf32>
        tpu.vector_store %arg11[%parallel_loop3A_815, %parallel_loop3A_816], %parallel_loop3A_819 {strides = array<i32>} : memref<16x768xf32, #tpu.memory_space<vmem>>, vector<1x16xf32>,
        %parallel_loop3A_820 = arith.index_cast %parallel_loop3A_203 : i32 to index
        %parallel_loop3A_821 = arith.constant 704 : index
        %parallel_loop3A_822 = tpu.vector_load %arg7[%parallel_loop3A_820, %parallel_loop3A_821] {strides = array<i32>} : memref<16x768xf32, #tpu.memory_space<vmem>>, vector<1x16xf32>,
        %parallel_loop3A_823 = vector.shape_cast %parallel_loop3A_822 : vector<1x16xf32> to vector<16xf32>
        %parallel_loop3A_824 = arith.index_cast %parallel_loop3A_203 : i32 to index
        %parallel_loop3A_825 = arith.constant 704 : index
        %parallel_loop3A_826 = tpu.vector_load %arg11[%parallel_loop3A_824, %parallel_loop3A_825] {strides = array<i32>} : memref<16x768xf32, #tpu.memory_space<vmem>>, vector<1x16xf32>,
        %parallel_loop3A_827 = vector.shape_cast %parallel_loop3A_826 : vector<1x16xf32> to vector<16xf32>
        %parallel_loop3A_828 = arith.addf %parallel_loop3A_823, %parallel_loop3A_827 : vector<16xf32>
        %parallel_loop3A_829 = arith.index_cast %parallel_loop3A_203 : i32 to index
        %parallel_loop3A_830 = arith.constant 704 : index
        %parallel_loop3A_831 = tpu.vector_load %arg11[%parallel_loop3A_829, %parallel_loop3A_830] {strides = array<i32>} : memref<16x768xf32, #tpu.memory_space<vmem>>, vector<1x16xf32>,
        %parallel_loop3A_832 = vector.shape_cast %parallel_loop3A_831 : vector<1x16xf32> to vector<16xf32>
        %parallel_loop3A_833 = vector.shape_cast %parallel_loop3A_828 : vector<16xf32> to vector<1x16xf32>
        tpu.vector_store %arg11[%parallel_loop3A_829, %parallel_loop3A_830], %parallel_loop3A_833 {strides = array<i32>} : memref<16x768xf32, #tpu.memory_space<vmem>>, vector<1x16xf32>,
        %parallel_loop3A_834 = arith.index_cast %parallel_loop3A_203 : i32 to index
        %parallel_loop3A_835 = arith.constant 720 : index
        %parallel_loop3A_836 = tpu.vector_load %arg7[%parallel_loop3A_834, %parallel_loop3A_835] {strides = array<i32>} : memref<16x768xf32, #tpu.memory_space<vmem>>, vector<1x16xf32>,
        %parallel_loop3A_837 = vector.shape_cast %parallel_loop3A_836 : vector<1x16xf32> to vector<16xf32>
        %parallel_loop3A_838 = arith.index_cast %parallel_loop3A_203 : i32 to index
        %parallel_loop3A_839 = arith.constant 720 : index
        %parallel_loop3A_840 = tpu.vector_load %arg11[%parallel_loop3A_838, %parallel_loop3A_839] {strides = array<i32>} : memref<16x768xf32, #tpu.memory_space<vmem>>, vector<1x16xf32>,
        %parallel_loop3A_841 = vector.shape_cast %parallel_loop3A_840 : vector<1x16xf32> to vector<16xf32>
        %parallel_loop3A_842 = arith.addf %parallel_loop3A_837, %parallel_loop3A_841 : vector<16xf32>
        %parallel_loop3A_843 = arith.index_cast %parallel_loop3A_203 : i32 to index
        %parallel_loop3A_844 = arith.constant 720 : index
        %parallel_loop3A_845 = tpu.vector_load %arg11[%parallel_loop3A_843, %parallel_loop3A_844] {strides = array<i32>} : memref<16x768xf32, #tpu.memory_space<vmem>>, vector<1x16xf32>,
        %parallel_loop3A_846 = vector.shape_cast %parallel_loop3A_845 : vector<1x16xf32> to vector<16xf32>
        %parallel_loop3A_847 = vector.shape_cast %parallel_loop3A_842 : vector<16xf32> to vector<1x16xf32>
        tpu.vector_store %arg11[%parallel_loop3A_843, %parallel_loop3A_844], %parallel_loop3A_847 {strides = array<i32>} : memref<16x768xf32, #tpu.memory_space<vmem>>, vector<1x16xf32>,
        %parallel_loop3A_848 = arith.index_cast %parallel_loop3A_203 : i32 to index
        %parallel_loop3A_849 = arith.constant 736 : index
        %parallel_loop3A_850 = tpu.vector_load %arg7[%parallel_loop3A_848, %parallel_loop3A_849] {strides = array<i32>} : memref<16x768xf32, #tpu.memory_space<vmem>>, vector<1x16xf32>,
        %parallel_loop3A_851 = vector.shape_cast %parallel_loop3A_850 : vector<1x16xf32> to vector<16xf32>
        %parallel_loop3A_852 = arith.index_cast %parallel_loop3A_203 : i32 to index
        %parallel_loop3A_853 = arith.constant 736 : index
        %parallel_loop3A_854 = tpu.vector_load %arg11[%parallel_loop3A_852, %parallel_loop3A_853] {strides = array<i32>} : memref<16x768xf32, #tpu.memory_space<vmem>>, vector<1x16xf32>,
        %parallel_loop3A_855 = vector.shape_cast %parallel_loop3A_854 : vector<1x16xf32> to vector<16xf32>
        %parallel_loop3A_856 = arith.addf %parallel_loop3A_851, %parallel_loop3A_855 : vector<16xf32>
        %parallel_loop3A_857 = arith.index_cast %parallel_loop3A_203 : i32 to index
        %parallel_loop3A_858 = arith.constant 736 : index
        %parallel_loop3A_859 = tpu.vector_load %arg11[%parallel_loop3A_857, %parallel_loop3A_858] {strides = array<i32>} : memref<16x768xf32, #tpu.memory_space<vmem>>, vector<1x16xf32>,
        %parallel_loop3A_860 = vector.shape_cast %parallel_loop3A_859 : vector<1x16xf32> to vector<16xf32>
        %parallel_loop3A_861 = vector.shape_cast %parallel_loop3A_856 : vector<16xf32> to vector<1x16xf32>
        tpu.vector_store %arg11[%parallel_loop3A_857, %parallel_loop3A_858], %parallel_loop3A_861 {strides = array<i32>} : memref<16x768xf32, #tpu.memory_space<vmem>>, vector<1x16xf32>,
        %parallel_loop3A_862 = arith.index_cast %parallel_loop3A_203 : i32 to index
        %parallel_loop3A_863 = arith.constant 752 : index
        %parallel_loop3A_864 = tpu.vector_load %arg7[%parallel_loop3A_862, %parallel_loop3A_863] {strides = array<i32>} : memref<16x768xf32, #tpu.memory_space<vmem>>, vector<1x16xf32>,
        %parallel_loop3A_865 = vector.shape_cast %parallel_loop3A_864 : vector<1x16xf32> to vector<16xf32>
        %parallel_loop3A_866 = arith.index_cast %parallel_loop3A_203 : i32 to index
        %parallel_loop3A_867 = arith.constant 752 : index
        %parallel_loop3A_868 = tpu.vector_load %arg11[%parallel_loop3A_866, %parallel_loop3A_867] {strides = array<i32>} : memref<16x768xf32, #tpu.memory_space<vmem>>, vector<1x16xf32>,
        %parallel_loop3A_869 = vector.shape_cast %parallel_loop3A_868 : vector<1x16xf32> to vector<16xf32>
        %parallel_loop3A_870 = arith.addf %parallel_loop3A_865, %parallel_loop3A_869 : vector<16xf32>
        %parallel_loop3A_871 = arith.index_cast %parallel_loop3A_203 : i32 to index
        %parallel_loop3A_872 = arith.constant 752 : index
        %parallel_loop3A_873 = tpu.vector_load %arg11[%parallel_loop3A_871, %parallel_loop3A_872] {strides = array<i32>} : memref<16x768xf32, #tpu.memory_space<vmem>>, vector<1x16xf32>,
        %parallel_loop3A_874 = vector.shape_cast %parallel_loop3A_873 : vector<1x16xf32> to vector<16xf32>
        %parallel_loop3A_875 = vector.shape_cast %parallel_loop3A_870 : vector<16xf32> to vector<1x16xf32>
        tpu.vector_store %arg11[%parallel_loop3A_871, %parallel_loop3A_872], %parallel_loop3A_875 {strides = array<i32>} : memref<16x768xf32, #tpu.memory_space<vmem>>, vector<1x16xf32>,
      } {sc.loop_unroll_factor = 2 : i64, sc.parallel_access}
      %mul3A_79 = arith.constant 16 : i32
      %mul3A_80 = arith.muli %add3A_56, %mul3A_79 : i32
      %add3A_81 = arith.addi %mul3A_2, %mul3A_80 : i32
      %dma_start3A_82 = arith.constant 0 : i32
      %dma_start3A_83 = tpu.memref_slice %arg5[%add3A_81, %dma_start3A_82] : memref<32768x768xf32, #tpu.memory_space<hbm>> -> memref<16x768xf32, #tpu.memory_space<hbm>>
      %dma_start3A_84 = arith.constant 0 : i32
      %dma_start3A_85 = tpu.memref_slice %arg5[%add3A_81, %dma_start3A_84] : memref<32768x768xf32, #tpu.memory_space<hbm>> -> memref<16x768xf32, #tpu.memory_space<hbm>>
      tpu.enqueue_dma source(%arg11 : memref<16x768xf32, #tpu.memory_space<vmem>>) target(%dma_start3A_85 : memref<16x768xf32, #tpu.memory_space<hbm>>) target_semaphore(%arg19 : memref<!tpu.dma_semaphore, #tpu.memory_space<semaphore_mem>>)
      %mul3A_86 = arith.constant 4 : i32
      %mul3A_87 = arith.muli %mul3A_86, %scan3A_52 : i32
      %add3A_88 = arith.constant 1 : i32
      %add3A_89 = arith.addi %mul3A_87, %add3A_88 : i32
      %ge3A_90 = arith.constant 2 : i32
      %ge3A_91 = arith.cmpi sge, %add3A_89, %ge3A_90 : i32
      %lt3A_92 = arith.constant 62 : i32
      %lt3A_93 = arith.cmpi slt, %add3A_89, %lt3A_92 : i32
      %and3A_94 = arith.andi %ge3A_91, %lt3A_93 : i1
      %convert_element_type3A_95 = arith.extui %and3A_94 : i1 to i32
      %cond3A_96 = arith.constant 0 : i32
      %cond3A_97 = arith.cmpi ne, %convert_element_type3A_95, %cond3A_96 : i32
      scf.if %cond3A_97 {
        %dma_wait3A_203 = arith.constant 0 : i32
        %dma_wait3A_204 = arith.constant 0 : i32
        %dma_wait3A_205 = tpu.memref_slice %arg5[%dma_wait3A_203, %dma_wait3A_204] : memref<32768x768xf32, #tpu.memory_space<hbm>> -> memref<16x768xf32, #tpu.memory_space<hbm>>
        %dma_wait3A_206 = arith.constant 0 : i32
        %dma_wait3A_207 = arith.constant 0 : i32
        %dma_wait3A_208 = tpu.memref_slice %arg5[%dma_wait3A_206, %dma_wait3A_207] : memref<32768x768xf32, #tpu.memory_space<hbm>> -> memref<16x768xf32, #tpu.memory_space<hbm>>
        tpu.wait_dma2 semaphore(%arg22 : memref<!tpu.dma_semaphore, #tpu.memory_space<semaphore_mem>>) src(%arg14 : memref<16x768xf32, #tpu.memory_space<vmem>>) dst(%dma_wait3A_208 : memref<16x768xf32, #tpu.memory_space<hbm>>)
      } else {
      }
      %lt3A_98 = arith.constant 62 : i32
      %lt3A_99 = arith.cmpi slt, %add3A_89, %lt3A_98 : i32
      %convert_element_type3A_100 = arith.extui %lt3A_99 : i1 to i32
      %cond3A_101 = arith.constant 0 : i32
      %cond3A_102 = arith.cmpi ne, %convert_element_type3A_100, %cond3A_101 : i32
      scf.if %cond3A_102 {
        %add3A_203 = arith.constant 2 : i32
        %add3A_204 = arith.addi %add3A_89, %add3A_203 : i32
        %mul3A_205 = arith.constant 16 : i32
        %mul3A_206 = arith.muli %add3A_204, %mul3A_205 : i32
        %dma_start3A_207 = tpu.memref_slice %arg6[%mul3A_206] : memref<1024xi32, #tpu.memory_space<vmem>> -> memref<16xi32, #tpu.memory_space<vmem>>
        %dma_start3A_208 = arith.constant 0 : i32
        %dma_start3A_209 = arith.constant 0 : i32
        %dma_start3A_210 = tpu.memref_slice %arg4[%dma_start3A_208, %dma_start3A_209] : memref<8192x768xf32, #tpu.memory_space<hbm>> -> memref<8192x768xf32, #tpu.memory_space<hbm>>
        tpu.enqueue_indirect_dma source(%dma_start3A_210 : memref<8192x768xf32, #tpu.memory_space<hbm>>) target(%arg14 : memref<16x768xf32, #tpu.memory_space<vmem>>) offsets(%dma_start3A_207 : memref<16xi32, #tpu.memory_space<vmem>>) semaphore(%arg18 : memref<!tpu.dma_semaphore, #tpu.memory_space<semaphore_mem>>)
        %mul3A_211 = arith.constant 16 : i32
        %mul3A_212 = arith.muli %add3A_204, %mul3A_211 : i32
        %add3A_213 = arith.addi %mul3A_2, %mul3A_212 : i32
        %dma_start3A_214 = arith.constant 0 : i32
        %dma_start3A_215 = tpu.memref_slice %arg2[%add3A_213, %dma_start3A_214] : memref<32768x768xf32, #tpu.memory_space<hbm>> -> memref<16x768xf32, #tpu.memory_space<hbm>>
        %dma_start3A_216 = arith.constant 0 : i32
        %dma_start3A_217 = tpu.memref_slice %arg2[%add3A_213, %dma_start3A_216] : memref<32768x768xf32, #tpu.memory_space<hbm>> -> memref<16x768xf32, #tpu.memory_space<hbm>>
        tpu.enqueue_dma source(%dma_start3A_217 : memref<16x768xf32, #tpu.memory_space<hbm>>) target(%arg10 : memref<16x768xf32, #tpu.memory_space<vmem>>) target_semaphore(%arg18 : memref<!tpu.dma_semaphore, #tpu.memory_space<semaphore_mem>>)
      } else {
      }
      %dma_wait3A_103 = arith.constant 0 : i32
      %dma_wait3A_104 = arith.constant 0 : i32
      %dma_wait3A_105 = tpu.memref_slice %arg2[%dma_wait3A_103, %dma_wait3A_104] : memref<32768x768xf32, #tpu.memory_space<hbm>> -> memref<16x768xf32, #tpu.memory_space<hbm>>
      %dma_wait3A_106 = arith.constant 0 : i32
      %dma_wait3A_107 = arith.constant 0 : i32
      %dma_wait3A_108 = tpu.memref_slice %arg2[%dma_wait3A_106, %dma_wait3A_107] : memref<32768x768xf32, #tpu.memory_space<hbm>> -> memref<16x768xf32, #tpu.memory_space<hbm>>
      tpu.wait_dma2 semaphore(%arg16 : memref<!tpu.dma_semaphore, #tpu.memory_space<semaphore_mem>>) src(%dma_wait3A_108 : memref<16x768xf32, #tpu.memory_space<hbm>>) dst(%arg8 : memref<16x768xf32, #tpu.memory_space<vmem>>)
      %dma_wait3A_109 = arith.constant 0 : i32
      %dma_wait3A_110 = arith.constant 0 : i32
      %dma_wait3A_111 = tpu.memref_slice %arg2[%dma_wait3A_109, %dma_wait3A_110] : memref<32768x768xf32, #tpu.memory_space<hbm>> -> memref<16x768xf32, #tpu.memory_space<hbm>>
      %dma_wait3A_112 = arith.constant 0 : i32
      %dma_wait3A_113 = arith.constant 0 : i32
      %dma_wait3A_114 = tpu.memref_slice %arg2[%dma_wait3A_112, %dma_wait3A_113] : memref<32768x768xf32, #tpu.memory_space<hbm>> -> memref<16x768xf32, #tpu.memory_space<hbm>>
      tpu.wait_dma2 semaphore(%arg16 : memref<!tpu.dma_semaphore, #tpu.memory_space<semaphore_mem>>) src(%dma_wait3A_114 : memref<16x768xf32, #tpu.memory_space<hbm>>) dst(%arg12 : memref<16x768xf32, #tpu.memory_space<vmem>>)
      %parallel_loop3A_115 = arith.constant 0 : i32
      %parallel_loop3A_116 = arith.constant 16 : i32
      %parallel_loop3A_117 = arith.constant 1 : i32
      scf.for %parallel_loop3A_203 = %parallel_loop3A_115 to %parallel_loop3A_116 step %parallel_loop3A_117  : i32 {
        %parallel_loop3A_204 = arith.index_cast %parallel_loop3A_203 : i32 to index
        %parallel_loop3A_205 = arith.constant 0 : index
        %parallel_loop3A_206 = tpu.vector_load %arg8[%parallel_loop3A_204, %parallel_loop3A_205] {strides = array<i32>} : memref<16x768xf32, #tpu.memory_space<vmem>>, vector<1x16xf32>,
        %parallel_loop3A_207 = vector.shape_cast %parallel_loop3A_206 : vector<1x16xf32> to vector<16xf32>
        %parallel_loop3A_208 = arith.index_cast %parallel_loop3A_203 : i32 to index
        %parallel_loop3A_209 = arith.constant 0 : index
        %parallel_loop3A_210 = tpu.vector_load %arg12[%parallel_loop3A_208, %parallel_loop3A_209] {strides = array<i32>} : memref<16x768xf32, #tpu.memory_space<vmem>>, vector<1x16xf32>,
        %parallel_loop3A_211 = vector.shape_cast %parallel_loop3A_210 : vector<1x16xf32> to vector<16xf32>
        %parallel_loop3A_212 = arith.addf %parallel_loop3A_207, %parallel_loop3A_211 : vector<16xf32>
        %parallel_loop3A_213 = arith.index_cast %parallel_loop3A_203 : i32 to index
        %parallel_loop3A_214 = arith.constant 0 : index
        %parallel_loop3A_215 = tpu.vector_load %arg12[%parallel_loop3A_213, %parallel_loop3A_214] {strides = array<i32>} : memref<16x768xf32, #tpu.memory_space<vmem>>, vector<1x16xf32>,
        %parallel_loop3A_216 = vector.shape_cast %parallel_loop3A_215 : vector<1x16xf32> to vector<16xf32>
        %parallel_loop3A_217 = vector.shape_cast %parallel_loop3A_212 : vector<16xf32> to vector<1x16xf32>
        tpu.vector_store %arg12[%parallel_loop3A_213, %parallel_loop3A_214], %parallel_loop3A_217 {strides = array<i32>} : memref<16x768xf32, #tpu.memory_space<vmem>>, vector<1x16xf32>,
        %parallel_loop3A_218 = arith.index_cast %parallel_loop3A_203 : i32 to index
        %parallel_loop3A_219 = arith.constant 16 : index
        %parallel_loop3A_220 = tpu.vector_load %arg8[%parallel_loop3A_218, %parallel_loop3A_219] {strides = array<i32>} : memref<16x768xf32, #tpu.memory_space<vmem>>, vector<1x16xf32>,
        %parallel_loop3A_221 = vector.shape_cast %parallel_loop3A_220 : vector<1x16xf32> to vector<16xf32>
        %parallel_loop3A_222 = arith.index_cast %parallel_loop3A_203 : i32 to index
        %parallel_loop3A_223 = arith.constant 16 : index
        %parallel_loop3A_224 = tpu.vector_load %arg12[%parallel_loop3A_222, %parallel_loop3A_223] {strides = array<i32>} : memref<16x768xf32, #tpu.memory_space<vmem>>, vector<1x16xf32>,
        %parallel_loop3A_225 = vector.shape_cast %parallel_loop3A_224 : vector<1x16xf32> to vector<16xf32>
        %parallel_loop3A_226 = arith.addf %parallel_loop3A_221, %parallel_loop3A_225 : vector<16xf32>
        %parallel_loop3A_227 = arith.index_cast %parallel_loop3A_203 : i32 to index
        %parallel_loop3A_228 = arith.constant 16 : index
        %parallel_loop3A_229 = tpu.vector_load %arg12[%parallel_loop3A_227, %parallel_loop3A_228] {strides = array<i32>} : memref<16x768xf32, #tpu.memory_space<vmem>>, vector<1x16xf32>,
        %parallel_loop3A_230 = vector.shape_cast %parallel_loop3A_229 : vector<1x16xf32> to vector<16xf32>
        %parallel_loop3A_231 = vector.shape_cast %parallel_loop3A_226 : vector<16xf32> to vector<1x16xf32>
        tpu.vector_store %arg12[%parallel_loop3A_227, %parallel_loop3A_228], %parallel_loop3A_231 {strides = array<i32>} : memref<16x768xf32, #tpu.memory_space<vmem>>, vector<1x16xf32>,
        %parallel_loop3A_232 = arith.index_cast %parallel_loop3A_203 : i32 to index
        %parallel_loop3A_233 = arith.constant 32 : index
        %parallel_loop3A_234 = tpu.vector_load %arg8[%parallel_loop3A_232, %parallel_loop3A_233] {strides = array<i32>} : memref<16x768xf32, #tpu.memory_space<vmem>>, vector<1x16xf32>,
        %parallel_loop3A_235 = vector.shape_cast %parallel_loop3A_234 : vector<1x16xf32> to vector<16xf32>
        %parallel_loop3A_236 = arith.index_cast %parallel_loop3A_203 : i32 to index
        %parallel_loop3A_237 = arith.constant 32 : index
        %parallel_loop3A_238 = tpu.vector_load %arg12[%parallel_loop3A_236, %parallel_loop3A_237] {strides = array<i32>} : memref<16x768xf32, #tpu.memory_space<vmem>>, vector<1x16xf32>,
        %parallel_loop3A_239 = vector.shape_cast %parallel_loop3A_238 : vector<1x16xf32> to vector<16xf32>
        %parallel_loop3A_240 = arith.addf %parallel_loop3A_235, %parallel_loop3A_239 : vector<16xf32>
        %parallel_loop3A_241 = arith.index_cast %parallel_loop3A_203 : i32 to index
        %parallel_loop3A_242 = arith.constant 32 : index
        %parallel_loop3A_243 = tpu.vector_load %arg12[%parallel_loop3A_241, %parallel_loop3A_242] {strides = array<i32>} : memref<16x768xf32, #tpu.memory_space<vmem>>, vector<1x16xf32>,
        %parallel_loop3A_244 = vector.shape_cast %parallel_loop3A_243 : vector<1x16xf32> to vector<16xf32>
        %parallel_loop3A_245 = vector.shape_cast %parallel_loop3A_240 : vector<16xf32> to vector<1x16xf32>
        tpu.vector_store %arg12[%parallel_loop3A_241, %parallel_loop3A_242], %parallel_loop3A_245 {strides = array<i32>} : memref<16x768xf32, #tpu.memory_space<vmem>>, vector<1x16xf32>,
        %parallel_loop3A_246 = arith.index_cast %parallel_loop3A_203 : i32 to index
        %parallel_loop3A_247 = arith.constant 48 : index
        %parallel_loop3A_248 = tpu.vector_load %arg8[%parallel_loop3A_246, %parallel_loop3A_247] {strides = array<i32>} : memref<16x768xf32, #tpu.memory_space<vmem>>, vector<1x16xf32>,
        %parallel_loop3A_249 = vector.shape_cast %parallel_loop3A_248 : vector<1x16xf32> to vector<16xf32>
        %parallel_loop3A_250 = arith.index_cast %parallel_loop3A_203 : i32 to index
        %parallel_loop3A_251 = arith.constant 48 : index
        %parallel_loop3A_252 = tpu.vector_load %arg12[%parallel_loop3A_250, %parallel_loop3A_251] {strides = array<i32>} : memref<16x768xf32, #tpu.memory_space<vmem>>, vector<1x16xf32>,
        %parallel_loop3A_253 = vector.shape_cast %parallel_loop3A_252 : vector<1x16xf32> to vector<16xf32>
        %parallel_loop3A_254 = arith.addf %parallel_loop3A_249, %parallel_loop3A_253 : vector<16xf32>
        %parallel_loop3A_255 = arith.index_cast %parallel_loop3A_203 : i32 to index
        %parallel_loop3A_256 = arith.constant 48 : index
        %parallel_loop3A_257 = tpu.vector_load %arg12[%parallel_loop3A_255, %parallel_loop3A_256] {strides = array<i32>} : memref<16x768xf32, #tpu.memory_space<vmem>>, vector<1x16xf32>,
        %parallel_loop3A_258 = vector.shape_cast %parallel_loop3A_257 : vector<1x16xf32> to vector<16xf32>
        %parallel_loop3A_259 = vector.shape_cast %parallel_loop3A_254 : vector<16xf32> to vector<1x16xf32>
        tpu.vector_store %arg12[%parallel_loop3A_255, %parallel_loop3A_256], %parallel_loop3A_259 {strides = array<i32>} : memref<16x768xf32, #tpu.memory_space<vmem>>, vector<1x16xf32>,
        %parallel_loop3A_260 = arith.index_cast %parallel_loop3A_203 : i32 to index
        %parallel_loop3A_261 = arith.constant 64 : index
        %parallel_loop3A_262 = tpu.vector_load %arg8[%parallel_loop3A_260, %parallel_loop3A_261] {strides = array<i32>} : memref<16x768xf32, #tpu.memory_space<vmem>>, vector<1x16xf32>,
        %parallel_loop3A_263 = vector.shape_cast %parallel_loop3A_262 : vector<1x16xf32> to vector<16xf32>
        %parallel_loop3A_264 = arith.index_cast %parallel_loop3A_203 : i32 to index
        %parallel_loop3A_265 = arith.constant 64 : index
        %parallel_loop3A_266 = tpu.vector_load %arg12[%parallel_loop3A_264, %parallel_loop3A_265] {strides = array<i32>} : memref<16x768xf32, #tpu.memory_space<vmem>>, vector<1x16xf32>,
        %parallel_loop3A_267 = vector.shape_cast %parallel_loop3A_266 : vector<1x16xf32> to vector<16xf32>
        %parallel_loop3A_268 = arith.addf %parallel_loop3A_263, %parallel_loop3A_267 : vector<16xf32>
        %parallel_loop3A_269 = arith.index_cast %parallel_loop3A_203 : i32 to index
        %parallel_loop3A_270 = arith.constant 64 : index
        %parallel_loop3A_271 = tpu.vector_load %arg12[%parallel_loop3A_269, %parallel_loop3A_270] {strides = array<i32>} : memref<16x768xf32, #tpu.memory_space<vmem>>, vector<1x16xf32>,
        %parallel_loop3A_272 = vector.shape_cast %parallel_loop3A_271 : vector<1x16xf32> to vector<16xf32>
        %parallel_loop3A_273 = vector.shape_cast %parallel_loop3A_268 : vector<16xf32> to vector<1x16xf32>
        tpu.vector_store %arg12[%parallel_loop3A_269, %parallel_loop3A_270], %parallel_loop3A_273 {strides = array<i32>} : memref<16x768xf32, #tpu.memory_space<vmem>>, vector<1x16xf32>,
        %parallel_loop3A_274 = arith.index_cast %parallel_loop3A_203 : i32 to index
        %parallel_loop3A_275 = arith.constant 80 : index
        %parallel_loop3A_276 = tpu.vector_load %arg8[%parallel_loop3A_274, %parallel_loop3A_275] {strides = array<i32>} : memref<16x768xf32, #tpu.memory_space<vmem>>, vector<1x16xf32>,
        %parallel_loop3A_277 = vector.shape_cast %parallel_loop3A_276 : vector<1x16xf32> to vector<16xf32>
        %parallel_loop3A_278 = arith.index_cast %parallel_loop3A_203 : i32 to index
        %parallel_loop3A_279 = arith.constant 80 : index
        %parallel_loop3A_280 = tpu.vector_load %arg12[%parallel_loop3A_278, %parallel_loop3A_279] {strides = array<i32>} : memref<16x768xf32, #tpu.memory_space<vmem>>, vector<1x16xf32>,
        %parallel_loop3A_281 = vector.shape_cast %parallel_loop3A_280 : vector<1x16xf32> to vector<16xf32>
        %parallel_loop3A_282 = arith.addf %parallel_loop3A_277, %parallel_loop3A_281 : vector<16xf32>
        %parallel_loop3A_283 = arith.index_cast %parallel_loop3A_203 : i32 to index
        %parallel_loop3A_284 = arith.constant 80 : index
        %parallel_loop3A_285 = tpu.vector_load %arg12[%parallel_loop3A_283, %parallel_loop3A_284] {strides = array<i32>} : memref<16x768xf32, #tpu.memory_space<vmem>>, vector<1x16xf32>,
        %parallel_loop3A_286 = vector.shape_cast %parallel_loop3A_285 : vector<1x16xf32> to vector<16xf32>
        %parallel_loop3A_287 = vector.shape_cast %parallel_loop3A_282 : vector<16xf32> to vector<1x16xf32>
        tpu.vector_store %arg12[%parallel_loop3A_283, %parallel_loop3A_284], %parallel_loop3A_287 {strides = array<i32>} : memref<16x768xf32, #tpu.memory_space<vmem>>, vector<1x16xf32>,
        %parallel_loop3A_288 = arith.index_cast %parallel_loop3A_203 : i32 to index
        %parallel_loop3A_289 = arith.constant 96 : index
        %parallel_loop3A_290 = tpu.vector_load %arg8[%parallel_loop3A_288, %parallel_loop3A_289] {strides = array<i32>} : memref<16x768xf32, #tpu.memory_space<vmem>>, vector<1x16xf32>,
        %parallel_loop3A_291 = vector.shape_cast %parallel_loop3A_290 : vector<1x16xf32> to vector<16xf32>
        %parallel_loop3A_292 = arith.index_cast %parallel_loop3A_203 : i32 to index
        %parallel_loop3A_293 = arith.constant 96 : index
        %parallel_loop3A_294 = tpu.vector_load %arg12[%parallel_loop3A_292, %parallel_loop3A_293] {strides = array<i32>} : memref<16x768xf32, #tpu.memory_space<vmem>>, vector<1x16xf32>,
        %parallel_loop3A_295 = vector.shape_cast %parallel_loop3A_294 : vector<1x16xf32> to vector<16xf32>
        %parallel_loop3A_296 = arith.addf %parallel_loop3A_291, %parallel_loop3A_295 : vector<16xf32>
        %parallel_loop3A_297 = arith.index_cast %parallel_loop3A_203 : i32 to index
        %parallel_loop3A_298 = arith.constant 96 : index
        %parallel_loop3A_299 = tpu.vector_load %arg12[%parallel_loop3A_297, %parallel_loop3A_298] {strides = array<i32>} : memref<16x768xf32, #tpu.memory_space<vmem>>, vector<1x16xf32>,
        %parallel_loop3A_300 = vector.shape_cast %parallel_loop3A_299 : vector<1x16xf32> to vector<16xf32>
        %parallel_loop3A_301 = vector.shape_cast %parallel_loop3A_296 : vector<16xf32> to vector<1x16xf32>
        tpu.vector_store %arg12[%parallel_loop3A_297, %parallel_loop3A_298], %parallel_loop3A_301 {strides = array<i32>} : memref<16x768xf32, #tpu.memory_space<vmem>>, vector<1x16xf32>,
        %parallel_loop3A_302 = arith.index_cast %parallel_loop3A_203 : i32 to index
        %parallel_loop3A_303 = arith.constant 112 : index
        %parallel_loop3A_304 = tpu.vector_load %arg8[%parallel_loop3A_302, %parallel_loop3A_303] {strides = array<i32>} : memref<16x768xf32, #tpu.memory_space<vmem>>, vector<1x16xf32>,
        %parallel_loop3A_305 = vector.shape_cast %parallel_loop3A_304 : vector<1x16xf32> to vector<16xf32>
        %parallel_loop3A_306 = arith.index_cast %parallel_loop3A_203 : i32 to index
        %parallel_loop3A_307 = arith.constant 112 : index
        %parallel_loop3A_308 = tpu.vector_load %arg12[%parallel_loop3A_306, %parallel_loop3A_307] {strides = array<i32>} : memref<16x768xf32, #tpu.memory_space<vmem>>, vector<1x16xf32>,
        %parallel_loop3A_309 = vector.shape_cast %parallel_loop3A_308 : vector<1x16xf32> to vector<16xf32>
        %parallel_loop3A_310 = arith.addf %parallel_loop3A_305, %parallel_loop3A_309 : vector<16xf32>
        %parallel_loop3A_311 = arith.index_cast %parallel_loop3A_203 : i32 to index
        %parallel_loop3A_312 = arith.constant 112 : index
        %parallel_loop3A_313 = tpu.vector_load %arg12[%parallel_loop3A_311, %parallel_loop3A_312] {strides = array<i32>} : memref<16x768xf32, #tpu.memory_space<vmem>>, vector<1x16xf32>,
        %parallel_loop3A_314 = vector.shape_cast %parallel_loop3A_313 : vector<1x16xf32> to vector<16xf32>
        %parallel_loop3A_315 = vector.shape_cast %parallel_loop3A_310 : vector<16xf32> to vector<1x16xf32>
        tpu.vector_store %arg12[%parallel_loop3A_311, %parallel_loop3A_312], %parallel_loop3A_315 {strides = array<i32>} : memref<16x768xf32, #tpu.memory_space<vmem>>, vector<1x16xf32>,
        %parallel_loop3A_316 = arith.index_cast %parallel_loop3A_203 : i32 to index
        %parallel_loop3A_317 = arith.constant 128 : index
        %parallel_loop3A_318 = tpu.vector_load %arg8[%parallel_loop3A_316, %parallel_loop3A_317] {strides = array<i32>} : memref<16x768xf32, #tpu.memory_space<vmem>>, vector<1x16xf32>,
        %parallel_loop3A_319 = vector.shape_cast %parallel_loop3A_318 : vector<1x16xf32> to vector<16xf32>
        %parallel_loop3A_320 = arith.index_cast %parallel_loop3A_203 : i32 to index
        %parallel_loop3A_321 = arith.constant 128 : index
        %parallel_loop3A_322 = tpu.vector_load %arg12[%parallel_loop3A_320, %parallel_loop3A_321] {strides = array<i32>} : memref<16x768xf32, #tpu.memory_space<vmem>>, vector<1x16xf32>,
        %parallel_loop3A_323 = vector.shape_cast %parallel_loop3A_322 : vector<1x16xf32> to vector<16xf32>
        %parallel_loop3A_324 = arith.addf %parallel_loop3A_319, %parallel_loop3A_323 : vector<16xf32>
        %parallel_loop3A_325 = arith.index_cast %parallel_loop3A_203 : i32 to index
        %parallel_loop3A_326 = arith.constant 128 : index
        %parallel_loop3A_327 = tpu.vector_load %arg12[%parallel_loop3A_325, %parallel_loop3A_326] {strides = array<i32>} : memref<16x768xf32, #tpu.memory_space<vmem>>, vector<1x16xf32>,
        %parallel_loop3A_328 = vector.shape_cast %parallel_loop3A_327 : vector<1x16xf32> to vector<16xf32>
        %parallel_loop3A_329 = vector.shape_cast %parallel_loop3A_324 : vector<16xf32> to vector<1x16xf32>
        tpu.vector_store %arg12[%parallel_loop3A_325, %parallel_loop3A_326], %parallel_loop3A_329 {strides = array<i32>} : memref<16x768xf32, #tpu.memory_space<vmem>>, vector<1x16xf32>,
        %parallel_loop3A_330 = arith.index_cast %parallel_loop3A_203 : i32 to index
        %parallel_loop3A_331 = arith.constant 144 : index
        %parallel_loop3A_332 = tpu.vector_load %arg8[%parallel_loop3A_330, %parallel_loop3A_331] {strides = array<i32>} : memref<16x768xf32, #tpu.memory_space<vmem>>, vector<1x16xf32>,
        %parallel_loop3A_333 = vector.shape_cast %parallel_loop3A_332 : vector<1x16xf32> to vector<16xf32>
        %parallel_loop3A_334 = arith.index_cast %parallel_loop3A_203 : i32 to index
        %parallel_loop3A_335 = arith.constant 144 : index
        %parallel_loop3A_336 = tpu.vector_load %arg12[%parallel_loop3A_334, %parallel_loop3A_335] {strides = array<i32>} : memref<16x768xf32, #tpu.memory_space<vmem>>, vector<1x16xf32>,
        %parallel_loop3A_337 = vector.shape_cast %parallel_loop3A_336 : vector<1x16xf32> to vector<16xf32>
        %parallel_loop3A_338 = arith.addf %parallel_loop3A_333, %parallel_loop3A_337 : vector<16xf32>
        %parallel_loop3A_339 = arith.index_cast %parallel_loop3A_203 : i32 to index
        %parallel_loop3A_340 = arith.constant 144 : index
        %parallel_loop3A_341 = tpu.vector_load %arg12[%parallel_loop3A_339, %parallel_loop3A_340] {strides = array<i32>} : memref<16x768xf32, #tpu.memory_space<vmem>>, vector<1x16xf32>,
        %parallel_loop3A_342 = vector.shape_cast %parallel_loop3A_341 : vector<1x16xf32> to vector<16xf32>
        %parallel_loop3A_343 = vector.shape_cast %parallel_loop3A_338 : vector<16xf32> to vector<1x16xf32>
        tpu.vector_store %arg12[%parallel_loop3A_339, %parallel_loop3A_340], %parallel_loop3A_343 {strides = array<i32>} : memref<16x768xf32, #tpu.memory_space<vmem>>, vector<1x16xf32>,
        %parallel_loop3A_344 = arith.index_cast %parallel_loop3A_203 : i32 to index
        %parallel_loop3A_345 = arith.constant 160 : index
        %parallel_loop3A_346 = tpu.vector_load %arg8[%parallel_loop3A_344, %parallel_loop3A_345] {strides = array<i32>} : memref<16x768xf32, #tpu.memory_space<vmem>>, vector<1x16xf32>,
        %parallel_loop3A_347 = vector.shape_cast %parallel_loop3A_346 : vector<1x16xf32> to vector<16xf32>
        %parallel_loop3A_348 = arith.index_cast %parallel_loop3A_203 : i32 to index
        %parallel_loop3A_349 = arith.constant 160 : index
        %parallel_loop3A_350 = tpu.vector_load %arg12[%parallel_loop3A_348, %parallel_loop3A_349] {strides = array<i32>} : memref<16x768xf32, #tpu.memory_space<vmem>>, vector<1x16xf32>,
        %parallel_loop3A_351 = vector.shape_cast %parallel_loop3A_350 : vector<1x16xf32> to vector<16xf32>
        %parallel_loop3A_352 = arith.addf %parallel_loop3A_347, %parallel_loop3A_351 : vector<16xf32>
        %parallel_loop3A_353 = arith.index_cast %parallel_loop3A_203 : i32 to index
        %parallel_loop3A_354 = arith.constant 160 : index
        %parallel_loop3A_355 = tpu.vector_load %arg12[%parallel_loop3A_353, %parallel_loop3A_354] {strides = array<i32>} : memref<16x768xf32, #tpu.memory_space<vmem>>, vector<1x16xf32>,
        %parallel_loop3A_356 = vector.shape_cast %parallel_loop3A_355 : vector<1x16xf32> to vector<16xf32>
        %parallel_loop3A_357 = vector.shape_cast %parallel_loop3A_352 : vector<16xf32> to vector<1x16xf32>
        tpu.vector_store %arg12[%parallel_loop3A_353, %parallel_loop3A_354], %parallel_loop3A_357 {strides = array<i32>} : memref<16x768xf32, #tpu.memory_space<vmem>>, vector<1x16xf32>,
        %parallel_loop3A_358 = arith.index_cast %parallel_loop3A_203 : i32 to index
        %parallel_loop3A_359 = arith.constant 176 : index
        %parallel_loop3A_360 = tpu.vector_load %arg8[%parallel_loop3A_358, %parallel_loop3A_359] {strides = array<i32>} : memref<16x768xf32, #tpu.memory_space<vmem>>, vector<1x16xf32>,
        %parallel_loop3A_361 = vector.shape_cast %parallel_loop3A_360 : vector<1x16xf32> to vector<16xf32>
        %parallel_loop3A_362 = arith.index_cast %parallel_loop3A_203 : i32 to index
        %parallel_loop3A_363 = arith.constant 176 : index
        %parallel_loop3A_364 = tpu.vector_load %arg12[%parallel_loop3A_362, %parallel_loop3A_363] {strides = array<i32>} : memref<16x768xf32, #tpu.memory_space<vmem>>, vector<1x16xf32>,
        %parallel_loop3A_365 = vector.shape_cast %parallel_loop3A_364 : vector<1x16xf32> to vector<16xf32>
        %parallel_loop3A_366 = arith.addf %parallel_loop3A_361, %parallel_loop3A_365 : vector<16xf32>
        %parallel_loop3A_367 = arith.index_cast %parallel_loop3A_203 : i32 to index
        %parallel_loop3A_368 = arith.constant 176 : index
        %parallel_loop3A_369 = tpu.vector_load %arg12[%parallel_loop3A_367, %parallel_loop3A_368] {strides = array<i32>} : memref<16x768xf32, #tpu.memory_space<vmem>>, vector<1x16xf32>,
        %parallel_loop3A_370 = vector.shape_cast %parallel_loop3A_369 : vector<1x16xf32> to vector<16xf32>
        %parallel_loop3A_371 = vector.shape_cast %parallel_loop3A_366 : vector<16xf32> to vector<1x16xf32>
        tpu.vector_store %arg12[%parallel_loop3A_367, %parallel_loop3A_368], %parallel_loop3A_371 {strides = array<i32>} : memref<16x768xf32, #tpu.memory_space<vmem>>, vector<1x16xf32>,
        %parallel_loop3A_372 = arith.index_cast %parallel_loop3A_203 : i32 to index
        %parallel_loop3A_373 = arith.constant 192 : index
        %parallel_loop3A_374 = tpu.vector_load %arg8[%parallel_loop3A_372, %parallel_loop3A_373] {strides = array<i32>} : memref<16x768xf32, #tpu.memory_space<vmem>>, vector<1x16xf32>,
        %parallel_loop3A_375 = vector.shape_cast %parallel_loop3A_374 : vector<1x16xf32> to vector<16xf32>
        %parallel_loop3A_376 = arith.index_cast %parallel_loop3A_203 : i32 to index
        %parallel_loop3A_377 = arith.constant 192 : index
        %parallel_loop3A_378 = tpu.vector_load %arg12[%parallel_loop3A_376, %parallel_loop3A_377] {strides = array<i32>} : memref<16x768xf32, #tpu.memory_space<vmem>>, vector<1x16xf32>,
        %parallel_loop3A_379 = vector.shape_cast %parallel_loop3A_378 : vector<1x16xf32> to vector<16xf32>
        %parallel_loop3A_380 = arith.addf %parallel_loop3A_375, %parallel_loop3A_379 : vector<16xf32>
        %parallel_loop3A_381 = arith.index_cast %parallel_loop3A_203 : i32 to index
        %parallel_loop3A_382 = arith.constant 192 : index
        %parallel_loop3A_383 = tpu.vector_load %arg12[%parallel_loop3A_381, %parallel_loop3A_382] {strides = array<i32>} : memref<16x768xf32, #tpu.memory_space<vmem>>, vector<1x16xf32>,
        %parallel_loop3A_384 = vector.shape_cast %parallel_loop3A_383 : vector<1x16xf32> to vector<16xf32>
        %parallel_loop3A_385 = vector.shape_cast %parallel_loop3A_380 : vector<16xf32> to vector<1x16xf32>
        tpu.vector_store %arg12[%parallel_loop3A_381, %parallel_loop3A_382], %parallel_loop3A_385 {strides = array<i32>} : memref<16x768xf32, #tpu.memory_space<vmem>>, vector<1x16xf32>,
        %parallel_loop3A_386 = arith.index_cast %parallel_loop3A_203 : i32 to index
        %parallel_loop3A_387 = arith.constant 208 : index
        %parallel_loop3A_388 = tpu.vector_load %arg8[%parallel_loop3A_386, %parallel_loop3A_387] {strides = array<i32>} : memref<16x768xf32, #tpu.memory_space<vmem>>, vector<1x16xf32>,
        %parallel_loop3A_389 = vector.shape_cast %parallel_loop3A_388 : vector<1x16xf32> to vector<16xf32>
        %parallel_loop3A_390 = arith.index_cast %parallel_loop3A_203 : i32 to index
        %parallel_loop3A_391 = arith.constant 208 : index
        %parallel_loop3A_392 = tpu.vector_load %arg12[%parallel_loop3A_390, %parallel_loop3A_391] {strides = array<i32>} : memref<16x768xf32, #tpu.memory_space<vmem>>, vector<1x16xf32>,
        %parallel_loop3A_393 = vector.shape_cast %parallel_loop3A_392 : vector<1x16xf32> to vector<16xf32>
        %parallel_loop3A_394 = arith.addf %parallel_loop3A_389, %parallel_loop3A_393 : vector<16xf32>
        %parallel_loop3A_395 = arith.index_cast %parallel_loop3A_203 : i32 to index
        %parallel_loop3A_396 = arith.constant 208 : index
        %parallel_loop3A_397 = tpu.vector_load %arg12[%parallel_loop3A_395, %parallel_loop3A_396] {strides = array<i32>} : memref<16x768xf32, #tpu.memory_space<vmem>>, vector<1x16xf32>,
        %parallel_loop3A_398 = vector.shape_cast %parallel_loop3A_397 : vector<1x16xf32> to vector<16xf32>
        %parallel_loop3A_399 = vector.shape_cast %parallel_loop3A_394 : vector<16xf32> to vector<1x16xf32>
        tpu.vector_store %arg12[%parallel_loop3A_395, %parallel_loop3A_396], %parallel_loop3A_399 {strides = array<i32>} : memref<16x768xf32, #tpu.memory_space<vmem>>, vector<1x16xf32>,
        %parallel_loop3A_400 = arith.index_cast %parallel_loop3A_203 : i32 to index
        %parallel_loop3A_401 = arith.constant 224 : index
        %parallel_loop3A_402 = tpu.vector_load %arg8[%parallel_loop3A_400, %parallel_loop3A_401] {strides = array<i32>} : memref<16x768xf32, #tpu.memory_space<vmem>>, vector<1x16xf32>,
        %parallel_loop3A_403 = vector.shape_cast %parallel_loop3A_402 : vector<1x16xf32> to vector<16xf32>
        %parallel_loop3A_404 = arith.index_cast %parallel_loop3A_203 : i32 to index
        %parallel_loop3A_405 = arith.constant 224 : index
        %parallel_loop3A_406 = tpu.vector_load %arg12[%parallel_loop3A_404, %parallel_loop3A_405] {strides = array<i32>} : memref<16x768xf32, #tpu.memory_space<vmem>>, vector<1x16xf32>,
        %parallel_loop3A_407 = vector.shape_cast %parallel_loop3A_406 : vector<1x16xf32> to vector<16xf32>
        %parallel_loop3A_408 = arith.addf %parallel_loop3A_403, %parallel_loop3A_407 : vector<16xf32>
        %parallel_loop3A_409 = arith.index_cast %parallel_loop3A_203 : i32 to index
        %parallel_loop3A_410 = arith.constant 224 : index
        %parallel_loop3A_411 = tpu.vector_load %arg12[%parallel_loop3A_409, %parallel_loop3A_410] {strides = array<i32>} : memref<16x768xf32, #tpu.memory_space<vmem>>, vector<1x16xf32>,
        %parallel_loop3A_412 = vector.shape_cast %parallel_loop3A_411 : vector<1x16xf32> to vector<16xf32>
        %parallel_loop3A_413 = vector.shape_cast %parallel_loop3A_408 : vector<16xf32> to vector<1x16xf32>
        tpu.vector_store %arg12[%parallel_loop3A_409, %parallel_loop3A_410], %parallel_loop3A_413 {strides = array<i32>} : memref<16x768xf32, #tpu.memory_space<vmem>>, vector<1x16xf32>,
        %parallel_loop3A_414 = arith.index_cast %parallel_loop3A_203 : i32 to index
        %parallel_loop3A_415 = arith.constant 240 : index
        %parallel_loop3A_416 = tpu.vector_load %arg8[%parallel_loop3A_414, %parallel_loop3A_415] {strides = array<i32>} : memref<16x768xf32, #tpu.memory_space<vmem>>, vector<1x16xf32>,
        %parallel_loop3A_417 = vector.shape_cast %parallel_loop3A_416 : vector<1x16xf32> to vector<16xf32>
        %parallel_loop3A_418 = arith.index_cast %parallel_loop3A_203 : i32 to index
        %parallel_loop3A_419 = arith.constant 240 : index
        %parallel_loop3A_420 = tpu.vector_load %arg12[%parallel_loop3A_418, %parallel_loop3A_419] {strides = array<i32>} : memref<16x768xf32, #tpu.memory_space<vmem>>, vector<1x16xf32>,
        %parallel_loop3A_421 = vector.shape_cast %parallel_loop3A_420 : vector<1x16xf32> to vector<16xf32>
        %parallel_loop3A_422 = arith.addf %parallel_loop3A_417, %parallel_loop3A_421 : vector<16xf32>
        %parallel_loop3A_423 = arith.index_cast %parallel_loop3A_203 : i32 to index
        %parallel_loop3A_424 = arith.constant 240 : index
        %parallel_loop3A_425 = tpu.vector_load %arg12[%parallel_loop3A_423, %parallel_loop3A_424] {strides = array<i32>} : memref<16x768xf32, #tpu.memory_space<vmem>>, vector<1x16xf32>,
        %parallel_loop3A_426 = vector.shape_cast %parallel_loop3A_425 : vector<1x16xf32> to vector<16xf32>
        %parallel_loop3A_427 = vector.shape_cast %parallel_loop3A_422 : vector<16xf32> to vector<1x16xf32>
        tpu.vector_store %arg12[%parallel_loop3A_423, %parallel_loop3A_424], %parallel_loop3A_427 {strides = array<i32>} : memref<16x768xf32, #tpu.memory_space<vmem>>, vector<1x16xf32>,
        %parallel_loop3A_428 = arith.index_cast %parallel_loop3A_203 : i32 to index
        %parallel_loop3A_429 = arith.constant 256 : index
        %parallel_loop3A_430 = tpu.vector_load %arg8[%parallel_loop3A_428, %parallel_loop3A_429] {strides = array<i32>} : memref<16x768xf32, #tpu.memory_space<vmem>>, vector<1x16xf32>,
        %parallel_loop3A_431 = vector.shape_cast %parallel_loop3A_430 : vector<1x16xf32> to vector<16xf32>
        %parallel_loop3A_432 = arith.index_cast %parallel_loop3A_203 : i32 to index
        %parallel_loop3A_433 = arith.constant 256 : index
        %parallel_loop3A_434 = tpu.vector_load %arg12[%parallel_loop3A_432, %parallel_loop3A_433] {strides = array<i32>} : memref<16x768xf32, #tpu.memory_space<vmem>>, vector<1x16xf32>,
        %parallel_loop3A_435 = vector.shape_cast %parallel_loop3A_434 : vector<1x16xf32> to vector<16xf32>
        %parallel_loop3A_436 = arith.addf %parallel_loop3A_431, %parallel_loop3A_435 : vector<16xf32>
        %parallel_loop3A_437 = arith.index_cast %parallel_loop3A_203 : i32 to index
        %parallel_loop3A_438 = arith.constant 256 : index
        %parallel_loop3A_439 = tpu.vector_load %arg12[%parallel_loop3A_437, %parallel_loop3A_438] {strides = array<i32>} : memref<16x768xf32, #tpu.memory_space<vmem>>, vector<1x16xf32>,
        %parallel_loop3A_440 = vector.shape_cast %parallel_loop3A_439 : vector<1x16xf32> to vector<16xf32>
        %parallel_loop3A_441 = vector.shape_cast %parallel_loop3A_436 : vector<16xf32> to vector<1x16xf32>
        tpu.vector_store %arg12[%parallel_loop3A_437, %parallel_loop3A_438], %parallel_loop3A_441 {strides = array<i32>} : memref<16x768xf32, #tpu.memory_space<vmem>>, vector<1x16xf32>,
        %parallel_loop3A_442 = arith.index_cast %parallel_loop3A_203 : i32 to index
        %parallel_loop3A_443 = arith.constant 272 : index
        %parallel_loop3A_444 = tpu.vector_load %arg8[%parallel_loop3A_442, %parallel_loop3A_443] {strides = array<i32>} : memref<16x768xf32, #tpu.memory_space<vmem>>, vector<1x16xf32>,
        %parallel_loop3A_445 = vector.shape_cast %parallel_loop3A_444 : vector<1x16xf32> to vector<16xf32>
        %parallel_loop3A_446 = arith.index_cast %parallel_loop3A_203 : i32 to index
        %parallel_loop3A_447 = arith.constant 272 : index
        %parallel_loop3A_448 = tpu.vector_load %arg12[%parallel_loop3A_446, %parallel_loop3A_447] {strides = array<i32>} : memref<16x768xf32, #tpu.memory_space<vmem>>, vector<1x16xf32>,
        %parallel_loop3A_449 = vector.shape_cast %parallel_loop3A_448 : vector<1x16xf32> to vector<16xf32>
        %parallel_loop3A_450 = arith.addf %parallel_loop3A_445, %parallel_loop3A_449 : vector<16xf32>
        %parallel_loop3A_451 = arith.index_cast %parallel_loop3A_203 : i32 to index
        %parallel_loop3A_452 = arith.constant 272 : index
        %parallel_loop3A_453 = tpu.vector_load %arg12[%parallel_loop3A_451, %parallel_loop3A_452] {strides = array<i32>} : memref<16x768xf32, #tpu.memory_space<vmem>>, vector<1x16xf32>,
        %parallel_loop3A_454 = vector.shape_cast %parallel_loop3A_453 : vector<1x16xf32> to vector<16xf32>
        %parallel_loop3A_455 = vector.shape_cast %parallel_loop3A_450 : vector<16xf32> to vector<1x16xf32>
        tpu.vector_store %arg12[%parallel_loop3A_451, %parallel_loop3A_452], %parallel_loop3A_455 {strides = array<i32>} : memref<16x768xf32, #tpu.memory_space<vmem>>, vector<1x16xf32>,
        %parallel_loop3A_456 = arith.index_cast %parallel_loop3A_203 : i32 to index
        %parallel_loop3A_457 = arith.constant 288 : index
        %parallel_loop3A_458 = tpu.vector_load %arg8[%parallel_loop3A_456, %parallel_loop3A_457] {strides = array<i32>} : memref<16x768xf32, #tpu.memory_space<vmem>>, vector<1x16xf32>,
        %parallel_loop3A_459 = vector.shape_cast %parallel_loop3A_458 : vector<1x16xf32> to vector<16xf32>
        %parallel_loop3A_460 = arith.index_cast %parallel_loop3A_203 : i32 to index
        %parallel_loop3A_461 = arith.constant 288 : index
        %parallel_loop3A_462 = tpu.vector_load %arg12[%parallel_loop3A_460, %parallel_loop3A_461] {strides = array<i32>} : memref<16x768xf32, #tpu.memory_space<vmem>>, vector<1x16xf32>,
        %parallel_loop3A_463 = vector.shape_cast %parallel_loop3A_462 : vector<1x16xf32> to vector<16xf32>
        %parallel_loop3A_464 = arith.addf %parallel_loop3A_459, %parallel_loop3A_463 : vector<16xf32>
        %parallel_loop3A_465 = arith.index_cast %parallel_loop3A_203 : i32 to index
        %parallel_loop3A_466 = arith.constant 288 : index
        %parallel_loop3A_467 = tpu.vector_load %arg12[%parallel_loop3A_465, %parallel_loop3A_466] {strides = array<i32>} : memref<16x768xf32, #tpu.memory_space<vmem>>, vector<1x16xf32>,
        %parallel_loop3A_468 = vector.shape_cast %parallel_loop3A_467 : vector<1x16xf32> to vector<16xf32>
        %parallel_loop3A_469 = vector.shape_cast %parallel_loop3A_464 : vector<16xf32> to vector<1x16xf32>
        tpu.vector_store %arg12[%parallel_loop3A_465, %parallel_loop3A_466], %parallel_loop3A_469 {strides = array<i32>} : memref<16x768xf32, #tpu.memory_space<vmem>>, vector<1x16xf32>,
        %parallel_loop3A_470 = arith.index_cast %parallel_loop3A_203 : i32 to index
        %parallel_loop3A_471 = arith.constant 304 : index
        %parallel_loop3A_472 = tpu.vector_load %arg8[%parallel_loop3A_470, %parallel_loop3A_471] {strides = array<i32>} : memref<16x768xf32, #tpu.memory_space<vmem>>, vector<1x16xf32>,
        %parallel_loop3A_473 = vector.shape_cast %parallel_loop3A_472 : vector<1x16xf32> to vector<16xf32>
        %parallel_loop3A_474 = arith.index_cast %parallel_loop3A_203 : i32 to index
        %parallel_loop3A_475 = arith.constant 304 : index
        %parallel_loop3A_476 = tpu.vector_load %arg12[%parallel_loop3A_474, %parallel_loop3A_475] {strides = array<i32>} : memref<16x768xf32, #tpu.memory_space<vmem>>, vector<1x16xf32>,
        %parallel_loop3A_477 = vector.shape_cast %parallel_loop3A_476 : vector<1x16xf32> to vector<16xf32>
        %parallel_loop3A_478 = arith.addf %parallel_loop3A_473, %parallel_loop3A_477 : vector<16xf32>
        %parallel_loop3A_479 = arith.index_cast %parallel_loop3A_203 : i32 to index
        %parallel_loop3A_480 = arith.constant 304 : index
        %parallel_loop3A_481 = tpu.vector_load %arg12[%parallel_loop3A_479, %parallel_loop3A_480] {strides = array<i32>} : memref<16x768xf32, #tpu.memory_space<vmem>>, vector<1x16xf32>,
        %parallel_loop3A_482 = vector.shape_cast %parallel_loop3A_481 : vector<1x16xf32> to vector<16xf32>
        %parallel_loop3A_483 = vector.shape_cast %parallel_loop3A_478 : vector<16xf32> to vector<1x16xf32>
        tpu.vector_store %arg12[%parallel_loop3A_479, %parallel_loop3A_480], %parallel_loop3A_483 {strides = array<i32>} : memref<16x768xf32, #tpu.memory_space<vmem>>, vector<1x16xf32>,
        %parallel_loop3A_484 = arith.index_cast %parallel_loop3A_203 : i32 to index
        %parallel_loop3A_485 = arith.constant 320 : index
        %parallel_loop3A_486 = tpu.vector_load %arg8[%parallel_loop3A_484, %parallel_loop3A_485] {strides = array<i32>} : memref<16x768xf32, #tpu.memory_space<vmem>>, vector<1x16xf32>,
        %parallel_loop3A_487 = vector.shape_cast %parallel_loop3A_486 : vector<1x16xf32> to vector<16xf32>
        %parallel_loop3A_488 = arith.index_cast %parallel_loop3A_203 : i32 to index
        %parallel_loop3A_489 = arith.constant 320 : index
        %parallel_loop3A_490 = tpu.vector_load %arg12[%parallel_loop3A_488, %parallel_loop3A_489] {strides = array<i32>} : memref<16x768xf32, #tpu.memory_space<vmem>>, vector<1x16xf32>,
        %parallel_loop3A_491 = vector.shape_cast %parallel_loop3A_490 : vector<1x16xf32> to vector<16xf32>
        %parallel_loop3A_492 = arith.addf %parallel_loop3A_487, %parallel_loop3A_491 : vector<16xf32>
        %parallel_loop3A_493 = arith.index_cast %parallel_loop3A_203 : i32 to index
        %parallel_loop3A_494 = arith.constant 320 : index
        %parallel_loop3A_495 = tpu.vector_load %arg12[%parallel_loop3A_493, %parallel_loop3A_494] {strides = array<i32>} : memref<16x768xf32, #tpu.memory_space<vmem>>, vector<1x16xf32>,
        %parallel_loop3A_496 = vector.shape_cast %parallel_loop3A_495 : vector<1x16xf32> to vector<16xf32>
        %parallel_loop3A_497 = vector.shape_cast %parallel_loop3A_492 : vector<16xf32> to vector<1x16xf32>
        tpu.vector_store %arg12[%parallel_loop3A_493, %parallel_loop3A_494], %parallel_loop3A_497 {strides = array<i32>} : memref<16x768xf32, #tpu.memory_space<vmem>>, vector<1x16xf32>,
        %parallel_loop3A_498 = arith.index_cast %parallel_loop3A_203 : i32 to index
        %parallel_loop3A_499 = arith.constant 336 : index
        %parallel_loop3A_500 = tpu.vector_load %arg8[%parallel_loop3A_498, %parallel_loop3A_499] {strides = array<i32>} : memref<16x768xf32, #tpu.memory_space<vmem>>, vector<1x16xf32>,
        %parallel_loop3A_501 = vector.shape_cast %parallel_loop3A_500 : vector<1x16xf32> to vector<16xf32>
        %parallel_loop3A_502 = arith.index_cast %parallel_loop3A_203 : i32 to index
        %parallel_loop3A_503 = arith.constant 336 : index
        %parallel_loop3A_504 = tpu.vector_load %arg12[%parallel_loop3A_502, %parallel_loop3A_503] {strides = array<i32>} : memref<16x768xf32, #tpu.memory_space<vmem>>, vector<1x16xf32>,
        %parallel_loop3A_505 = vector.shape_cast %parallel_loop3A_504 : vector<1x16xf32> to vector<16xf32>
        %parallel_loop3A_506 = arith.addf %parallel_loop3A_501, %parallel_loop3A_505 : vector<16xf32>
        %parallel_loop3A_507 = arith.index_cast %parallel_loop3A_203 : i32 to index
        %parallel_loop3A_508 = arith.constant 336 : index
        %parallel_loop3A_509 = tpu.vector_load %arg12[%parallel_loop3A_507, %parallel_loop3A_508] {strides = array<i32>} : memref<16x768xf32, #tpu.memory_space<vmem>>, vector<1x16xf32>,
        %parallel_loop3A_510 = vector.shape_cast %parallel_loop3A_509 : vector<1x16xf32> to vector<16xf32>
        %parallel_loop3A_511 = vector.shape_cast %parallel_loop3A_506 : vector<16xf32> to vector<1x16xf32>
        tpu.vector_store %arg12[%parallel_loop3A_507, %parallel_loop3A_508], %parallel_loop3A_511 {strides = array<i32>} : memref<16x768xf32, #tpu.memory_space<vmem>>, vector<1x16xf32>,
        %parallel_loop3A_512 = arith.index_cast %parallel_loop3A_203 : i32 to index
        %parallel_loop3A_513 = arith.constant 352 : index
        %parallel_loop3A_514 = tpu.vector_load %arg8[%parallel_loop3A_512, %parallel_loop3A_513] {strides = array<i32>} : memref<16x768xf32, #tpu.memory_space<vmem>>, vector<1x16xf32>,
        %parallel_loop3A_515 = vector.shape_cast %parallel_loop3A_514 : vector<1x16xf32> to vector<16xf32>
        %parallel_loop3A_516 = arith.index_cast %parallel_loop3A_203 : i32 to index
        %parallel_loop3A_517 = arith.constant 352 : index
        %parallel_loop3A_518 = tpu.vector_load %arg12[%parallel_loop3A_516, %parallel_loop3A_517] {strides = array<i32>} : memref<16x768xf32, #tpu.memory_space<vmem>>, vector<1x16xf32>,
        %parallel_loop3A_519 = vector.shape_cast %parallel_loop3A_518 : vector<1x16xf32> to vector<16xf32>
        %parallel_loop3A_520 = arith.addf %parallel_loop3A_515, %parallel_loop3A_519 : vector<16xf32>
        %parallel_loop3A_521 = arith.index_cast %parallel_loop3A_203 : i32 to index
        %parallel_loop3A_522 = arith.constant 352 : index
        %parallel_loop3A_523 = tpu.vector_load %arg12[%parallel_loop3A_521, %parallel_loop3A_522] {strides = array<i32>} : memref<16x768xf32, #tpu.memory_space<vmem>>, vector<1x16xf32>,
        %parallel_loop3A_524 = vector.shape_cast %parallel_loop3A_523 : vector<1x16xf32> to vector<16xf32>
        %parallel_loop3A_525 = vector.shape_cast %parallel_loop3A_520 : vector<16xf32> to vector<1x16xf32>
        tpu.vector_store %arg12[%parallel_loop3A_521, %parallel_loop3A_522], %parallel_loop3A_525 {strides = array<i32>} : memref<16x768xf32, #tpu.memory_space<vmem>>, vector<1x16xf32>,
        %parallel_loop3A_526 = arith.index_cast %parallel_loop3A_203 : i32 to index
        %parallel_loop3A_527 = arith.constant 368 : index
        %parallel_loop3A_528 = tpu.vector_load %arg8[%parallel_loop3A_526, %parallel_loop3A_527] {strides = array<i32>} : memref<16x768xf32, #tpu.memory_space<vmem>>, vector<1x16xf32>,
        %parallel_loop3A_529 = vector.shape_cast %parallel_loop3A_528 : vector<1x16xf32> to vector<16xf32>
        %parallel_loop3A_530 = arith.index_cast %parallel_loop3A_203 : i32 to index
        %parallel_loop3A_531 = arith.constant 368 : index
        %parallel_loop3A_532 = tpu.vector_load %arg12[%parallel_loop3A_530, %parallel_loop3A_531] {strides = array<i32>} : memref<16x768xf32, #tpu.memory_space<vmem>>, vector<1x16xf32>,
        %parallel_loop3A_533 = vector.shape_cast %parallel_loop3A_532 : vector<1x16xf32> to vector<16xf32>
        %parallel_loop3A_534 = arith.addf %parallel_loop3A_529, %parallel_loop3A_533 : vector<16xf32>
        %parallel_loop3A_535 = arith.index_cast %parallel_loop3A_203 : i32 to index
        %parallel_loop3A_536 = arith.constant 368 : index
        %parallel_loop3A_537 = tpu.vector_load %arg12[%parallel_loop3A_535, %parallel_loop3A_536] {strides = array<i32>} : memref<16x768xf32, #tpu.memory_space<vmem>>, vector<1x16xf32>,
        %parallel_loop3A_538 = vector.shape_cast %parallel_loop3A_537 : vector<1x16xf32> to vector<16xf32>
        %parallel_loop3A_539 = vector.shape_cast %parallel_loop3A_534 : vector<16xf32> to vector<1x16xf32>
        tpu.vector_store %arg12[%parallel_loop3A_535, %parallel_loop3A_536], %parallel_loop3A_539 {strides = array<i32>} : memref<16x768xf32, #tpu.memory_space<vmem>>, vector<1x16xf32>,
        %parallel_loop3A_540 = arith.index_cast %parallel_loop3A_203 : i32 to index
        %parallel_loop3A_541 = arith.constant 384 : index
        %parallel_loop3A_542 = tpu.vector_load %arg8[%parallel_loop3A_540, %parallel_loop3A_541] {strides = array<i32>} : memref<16x768xf32, #tpu.memory_space<vmem>>, vector<1x16xf32>,
        %parallel_loop3A_543 = vector.shape_cast %parallel_loop3A_542 : vector<1x16xf32> to vector<16xf32>
        %parallel_loop3A_544 = arith.index_cast %parallel_loop3A_203 : i32 to index
        %parallel_loop3A_545 = arith.constant 384 : index
        %parallel_loop3A_546 = tpu.vector_load %arg12[%parallel_loop3A_544, %parallel_loop3A_545] {strides = array<i32>} : memref<16x768xf32, #tpu.memory_space<vmem>>, vector<1x16xf32>,
        %parallel_loop3A_547 = vector.shape_cast %parallel_loop3A_546 : vector<1x16xf32> to vector<16xf32>
        %parallel_loop3A_548 = arith.addf %parallel_loop3A_543, %parallel_loop3A_547 : vector<16xf32>
        %parallel_loop3A_549 = arith.index_cast %parallel_loop3A_203 : i32 to index
        %parallel_loop3A_550 = arith.constant 384 : index
        %parallel_loop3A_551 = tpu.vector_load %arg12[%parallel_loop3A_549, %parallel_loop3A_550] {strides = array<i32>} : memref<16x768xf32, #tpu.memory_space<vmem>>, vector<1x16xf32>,
        %parallel_loop3A_552 = vector.shape_cast %parallel_loop3A_551 : vector<1x16xf32> to vector<16xf32>
        %parallel_loop3A_553 = vector.shape_cast %parallel_loop3A_548 : vector<16xf32> to vector<1x16xf32>
        tpu.vector_store %arg12[%parallel_loop3A_549, %parallel_loop3A_550], %parallel_loop3A_553 {strides = array<i32>} : memref<16x768xf32, #tpu.memory_space<vmem>>, vector<1x16xf32>,
        %parallel_loop3A_554 = arith.index_cast %parallel_loop3A_203 : i32 to index
        %parallel_loop3A_555 = arith.constant 400 : index
        %parallel_loop3A_556 = tpu.vector_load %arg8[%parallel_loop3A_554, %parallel_loop3A_555] {strides = array<i32>} : memref<16x768xf32, #tpu.memory_space<vmem>>, vector<1x16xf32>,
        %parallel_loop3A_557 = vector.shape_cast %parallel_loop3A_556 : vector<1x16xf32> to vector<16xf32>
        %parallel_loop3A_558 = arith.index_cast %parallel_loop3A_203 : i32 to index
        %parallel_loop3A_559 = arith.constant 400 : index
        %parallel_loop3A_560 = tpu.vector_load %arg12[%parallel_loop3A_558, %parallel_loop3A_559] {strides = array<i32>} : memref<16x768xf32, #tpu.memory_space<vmem>>, vector<1x16xf32>,
        %parallel_loop3A_561 = vector.shape_cast %parallel_loop3A_560 : vector<1x16xf32> to vector<16xf32>
        %parallel_loop3A_562 = arith.addf %parallel_loop3A_557, %parallel_loop3A_561 : vector<16xf32>
        %parallel_loop3A_563 = arith.index_cast %parallel_loop3A_203 : i32 to index
        %parallel_loop3A_564 = arith.constant 400 : index
        %parallel_loop3A_565 = tpu.vector_load %arg12[%parallel_loop3A_563, %parallel_loop3A_564] {strides = array<i32>} : memref<16x768xf32, #tpu.memory_space<vmem>>, vector<1x16xf32>,
        %parallel_loop3A_566 = vector.shape_cast %parallel_loop3A_565 : vector<1x16xf32> to vector<16xf32>
        %parallel_loop3A_567 = vector.shape_cast %parallel_loop3A_562 : vector<16xf32> to vector<1x16xf32>
        tpu.vector_store %arg12[%parallel_loop3A_563, %parallel_loop3A_564], %parallel_loop3A_567 {strides = array<i32>} : memref<16x768xf32, #tpu.memory_space<vmem>>, vector<1x16xf32>,
        %parallel_loop3A_568 = arith.index_cast %parallel_loop3A_203 : i32 to index
        %parallel_loop3A_569 = arith.constant 416 : index
        %parallel_loop3A_570 = tpu.vector_load %arg8[%parallel_loop3A_568, %parallel_loop3A_569] {strides = array<i32>} : memref<16x768xf32, #tpu.memory_space<vmem>>, vector<1x16xf32>,
        %parallel_loop3A_571 = vector.shape_cast %parallel_loop3A_570 : vector<1x16xf32> to vector<16xf32>
        %parallel_loop3A_572 = arith.index_cast %parallel_loop3A_203 : i32 to index
        %parallel_loop3A_573 = arith.constant 416 : index
        %parallel_loop3A_574 = tpu.vector_load %arg12[%parallel_loop3A_572, %parallel_loop3A_573] {strides = array<i32>} : memref<16x768xf32, #tpu.memory_space<vmem>>, vector<1x16xf32>,
        %parallel_loop3A_575 = vector.shape_cast %parallel_loop3A_574 : vector<1x16xf32> to vector<16xf32>
        %parallel_loop3A_576 = arith.addf %parallel_loop3A_571, %parallel_loop3A_575 : vector<16xf32>
        %parallel_loop3A_577 = arith.index_cast %parallel_loop3A_203 : i32 to index
        %parallel_loop3A_578 = arith.constant 416 : index
        %parallel_loop3A_579 = tpu.vector_load %arg12[%parallel_loop3A_577, %parallel_loop3A_578] {strides = array<i32>} : memref<16x768xf32, #tpu.memory_space<vmem>>, vector<1x16xf32>,
        %parallel_loop3A_580 = vector.shape_cast %parallel_loop3A_579 : vector<1x16xf32> to vector<16xf32>
        %parallel_loop3A_581 = vector.shape_cast %parallel_loop3A_576 : vector<16xf32> to vector<1x16xf32>
        tpu.vector_store %arg12[%parallel_loop3A_577, %parallel_loop3A_578], %parallel_loop3A_581 {strides = array<i32>} : memref<16x768xf32, #tpu.memory_space<vmem>>, vector<1x16xf32>,
        %parallel_loop3A_582 = arith.index_cast %parallel_loop3A_203 : i32 to index
        %parallel_loop3A_583 = arith.constant 432 : index
        %parallel_loop3A_584 = tpu.vector_load %arg8[%parallel_loop3A_582, %parallel_loop3A_583] {strides = array<i32>} : memref<16x768xf32, #tpu.memory_space<vmem>>, vector<1x16xf32>,
        %parallel_loop3A_585 = vector.shape_cast %parallel_loop3A_584 : vector<1x16xf32> to vector<16xf32>
        %parallel_loop3A_586 = arith.index_cast %parallel_loop3A_203 : i32 to index
        %parallel_loop3A_587 = arith.constant 432 : index
        %parallel_loop3A_588 = tpu.vector_load %arg12[%parallel_loop3A_586, %parallel_loop3A_587] {strides = array<i32>} : memref<16x768xf32, #tpu.memory_space<vmem>>, vector<1x16xf32>,
        %parallel_loop3A_589 = vector.shape_cast %parallel_loop3A_588 : vector<1x16xf32> to vector<16xf32>
        %parallel_loop3A_590 = arith.addf %parallel_loop3A_585, %parallel_loop3A_589 : vector<16xf32>
        %parallel_loop3A_591 = arith.index_cast %parallel_loop3A_203 : i32 to index
        %parallel_loop3A_592 = arith.constant 432 : index
        %parallel_loop3A_593 = tpu.vector_load %arg12[%parallel_loop3A_591, %parallel_loop3A_592] {strides = array<i32>} : memref<16x768xf32, #tpu.memory_space<vmem>>, vector<1x16xf32>,
        %parallel_loop3A_594 = vector.shape_cast %parallel_loop3A_593 : vector<1x16xf32> to vector<16xf32>
        %parallel_loop3A_595 = vector.shape_cast %parallel_loop3A_590 : vector<16xf32> to vector<1x16xf32>
        tpu.vector_store %arg12[%parallel_loop3A_591, %parallel_loop3A_592], %parallel_loop3A_595 {strides = array<i32>} : memref<16x768xf32, #tpu.memory_space<vmem>>, vector<1x16xf32>,
        %parallel_loop3A_596 = arith.index_cast %parallel_loop3A_203 : i32 to index
        %parallel_loop3A_597 = arith.constant 448 : index
        %parallel_loop3A_598 = tpu.vector_load %arg8[%parallel_loop3A_596, %parallel_loop3A_597] {strides = array<i32>} : memref<16x768xf32, #tpu.memory_space<vmem>>, vector<1x16xf32>,
        %parallel_loop3A_599 = vector.shape_cast %parallel_loop3A_598 : vector<1x16xf32> to vector<16xf32>
        %parallel_loop3A_600 = arith.index_cast %parallel_loop3A_203 : i32 to index
        %parallel_loop3A_601 = arith.constant 448 : index
        %parallel_loop3A_602 = tpu.vector_load %arg12[%parallel_loop3A_600, %parallel_loop3A_601] {strides = array<i32>} : memref<16x768xf32, #tpu.memory_space<vmem>>, vector<1x16xf32>,
        %parallel_loop3A_603 = vector.shape_cast %parallel_loop3A_602 : vector<1x16xf32> to vector<16xf32>
        %parallel_loop3A_604 = arith.addf %parallel_loop3A_599, %parallel_loop3A_603 : vector<16xf32>
        %parallel_loop3A_605 = arith.index_cast %parallel_loop3A_203 : i32 to index
        %parallel_loop3A_606 = arith.constant 448 : index
        %parallel_loop3A_607 = tpu.vector_load %arg12[%parallel_loop3A_605, %parallel_loop3A_606] {strides = array<i32>} : memref<16x768xf32, #tpu.memory_space<vmem>>, vector<1x16xf32>,
        %parallel_loop3A_608 = vector.shape_cast %parallel_loop3A_607 : vector<1x16xf32> to vector<16xf32>
        %parallel_loop3A_609 = vector.shape_cast %parallel_loop3A_604 : vector<16xf32> to vector<1x16xf32>
        tpu.vector_store %arg12[%parallel_loop3A_605, %parallel_loop3A_606], %parallel_loop3A_609 {strides = array<i32>} : memref<16x768xf32, #tpu.memory_space<vmem>>, vector<1x16xf32>,
        %parallel_loop3A_610 = arith.index_cast %parallel_loop3A_203 : i32 to index
        %parallel_loop3A_611 = arith.constant 464 : index
        %parallel_loop3A_612 = tpu.vector_load %arg8[%parallel_loop3A_610, %parallel_loop3A_611] {strides = array<i32>} : memref<16x768xf32, #tpu.memory_space<vmem>>, vector<1x16xf32>,
        %parallel_loop3A_613 = vector.shape_cast %parallel_loop3A_612 : vector<1x16xf32> to vector<16xf32>
        %parallel_loop3A_614 = arith.index_cast %parallel_loop3A_203 : i32 to index
        %parallel_loop3A_615 = arith.constant 464 : index
        %parallel_loop3A_616 = tpu.vector_load %arg12[%parallel_loop3A_614, %parallel_loop3A_615] {strides = array<i32>} : memref<16x768xf32, #tpu.memory_space<vmem>>, vector<1x16xf32>,
        %parallel_loop3A_617 = vector.shape_cast %parallel_loop3A_616 : vector<1x16xf32> to vector<16xf32>
        %parallel_loop3A_618 = arith.addf %parallel_loop3A_613, %parallel_loop3A_617 : vector<16xf32>
        %parallel_loop3A_619 = arith.index_cast %parallel_loop3A_203 : i32 to index
        %parallel_loop3A_620 = arith.constant 464 : index
        %parallel_loop3A_621 = tpu.vector_load %arg12[%parallel_loop3A_619, %parallel_loop3A_620] {strides = array<i32>} : memref<16x768xf32, #tpu.memory_space<vmem>>, vector<1x16xf32>,
        %parallel_loop3A_622 = vector.shape_cast %parallel_loop3A_621 : vector<1x16xf32> to vector<16xf32>
        %parallel_loop3A_623 = vector.shape_cast %parallel_loop3A_618 : vector<16xf32> to vector<1x16xf32>
        tpu.vector_store %arg12[%parallel_loop3A_619, %parallel_loop3A_620], %parallel_loop3A_623 {strides = array<i32>} : memref<16x768xf32, #tpu.memory_space<vmem>>, vector<1x16xf32>,
        %parallel_loop3A_624 = arith.index_cast %parallel_loop3A_203 : i32 to index
        %parallel_loop3A_625 = arith.constant 480 : index
        %parallel_loop3A_626 = tpu.vector_load %arg8[%parallel_loop3A_624, %parallel_loop3A_625] {strides = array<i32>} : memref<16x768xf32, #tpu.memory_space<vmem>>, vector<1x16xf32>,
        %parallel_loop3A_627 = vector.shape_cast %parallel_loop3A_626 : vector<1x16xf32> to vector<16xf32>
        %parallel_loop3A_628 = arith.index_cast %parallel_loop3A_203 : i32 to index
        %parallel_loop3A_629 = arith.constant 480 : index
        %parallel_loop3A_630 = tpu.vector_load %arg12[%parallel_loop3A_628, %parallel_loop3A_629] {strides = array<i32>} : memref<16x768xf32, #tpu.memory_space<vmem>>, vector<1x16xf32>,
        %parallel_loop3A_631 = vector.shape_cast %parallel_loop3A_630 : vector<1x16xf32> to vector<16xf32>
        %parallel_loop3A_632 = arith.addf %parallel_loop3A_627, %parallel_loop3A_631 : vector<16xf32>
        %parallel_loop3A_633 = arith.index_cast %parallel_loop3A_203 : i32 to index
        %parallel_loop3A_634 = arith.constant 480 : index
        %parallel_loop3A_635 = tpu.vector_load %arg12[%parallel_loop3A_633, %parallel_loop3A_634] {strides = array<i32>} : memref<16x768xf32, #tpu.memory_space<vmem>>, vector<1x16xf32>,
        %parallel_loop3A_636 = vector.shape_cast %parallel_loop3A_635 : vector<1x16xf32> to vector<16xf32>
        %parallel_loop3A_637 = vector.shape_cast %parallel_loop3A_632 : vector<16xf32> to vector<1x16xf32>
        tpu.vector_store %arg12[%parallel_loop3A_633, %parallel_loop3A_634], %parallel_loop3A_637 {strides = array<i32>} : memref<16x768xf32, #tpu.memory_space<vmem>>, vector<1x16xf32>,
        %parallel_loop3A_638 = arith.index_cast %parallel_loop3A_203 : i32 to index
        %parallel_loop3A_639 = arith.constant 496 : index
        %parallel_loop3A_640 = tpu.vector_load %arg8[%parallel_loop3A_638, %parallel_loop3A_639] {strides = array<i32>} : memref<16x768xf32, #tpu.memory_space<vmem>>, vector<1x16xf32>,
        %parallel_loop3A_641 = vector.shape_cast %parallel_loop3A_640 : vector<1x16xf32> to vector<16xf32>
        %parallel_loop3A_642 = arith.index_cast %parallel_loop3A_203 : i32 to index
        %parallel_loop3A_643 = arith.constant 496 : index
        %parallel_loop3A_644 = tpu.vector_load %arg12[%parallel_loop3A_642, %parallel_loop3A_643] {strides = array<i32>} : memref<16x768xf32, #tpu.memory_space<vmem>>, vector<1x16xf32>,
        %parallel_loop3A_645 = vector.shape_cast %parallel_loop3A_644 : vector<1x16xf32> to vector<16xf32>
        %parallel_loop3A_646 = arith.addf %parallel_loop3A_641, %parallel_loop3A_645 : vector<16xf32>
        %parallel_loop3A_647 = arith.index_cast %parallel_loop3A_203 : i32 to index
        %parallel_loop3A_648 = arith.constant 496 : index
        %parallel_loop3A_649 = tpu.vector_load %arg12[%parallel_loop3A_647, %parallel_loop3A_648] {strides = array<i32>} : memref<16x768xf32, #tpu.memory_space<vmem>>, vector<1x16xf32>,
        %parallel_loop3A_650 = vector.shape_cast %parallel_loop3A_649 : vector<1x16xf32> to vector<16xf32>
        %parallel_loop3A_651 = vector.shape_cast %parallel_loop3A_646 : vector<16xf32> to vector<1x16xf32>
        tpu.vector_store %arg12[%parallel_loop3A_647, %parallel_loop3A_648], %parallel_loop3A_651 {strides = array<i32>} : memref<16x768xf32, #tpu.memory_space<vmem>>, vector<1x16xf32>,
        %parallel_loop3A_652 = arith.index_cast %parallel_loop3A_203 : i32 to index
        %parallel_loop3A_653 = arith.constant 512 : index
        %parallel_loop3A_654 = tpu.vector_load %arg8[%parallel_loop3A_652, %parallel_loop3A_653] {strides = array<i32>} : memref<16x768xf32, #tpu.memory_space<vmem>>, vector<1x16xf32>,
        %parallel_loop3A_655 = vector.shape_cast %parallel_loop3A_654 : vector<1x16xf32> to vector<16xf32>
        %parallel_loop3A_656 = arith.index_cast %parallel_loop3A_203 : i32 to index
        %parallel_loop3A_657 = arith.constant 512 : index
        %parallel_loop3A_658 = tpu.vector_load %arg12[%parallel_loop3A_656, %parallel_loop3A_657] {strides = array<i32>} : memref<16x768xf32, #tpu.memory_space<vmem>>, vector<1x16xf32>,
        %parallel_loop3A_659 = vector.shape_cast %parallel_loop3A_658 : vector<1x16xf32> to vector<16xf32>
        %parallel_loop3A_660 = arith.addf %parallel_loop3A_655, %parallel_loop3A_659 : vector<16xf32>
        %parallel_loop3A_661 = arith.index_cast %parallel_loop3A_203 : i32 to index
        %parallel_loop3A_662 = arith.constant 512 : index
        %parallel_loop3A_663 = tpu.vector_load %arg12[%parallel_loop3A_661, %parallel_loop3A_662] {strides = array<i32>} : memref<16x768xf32, #tpu.memory_space<vmem>>, vector<1x16xf32>,
        %parallel_loop3A_664 = vector.shape_cast %parallel_loop3A_663 : vector<1x16xf32> to vector<16xf32>
        %parallel_loop3A_665 = vector.shape_cast %parallel_loop3A_660 : vector<16xf32> to vector<1x16xf32>
        tpu.vector_store %arg12[%parallel_loop3A_661, %parallel_loop3A_662], %parallel_loop3A_665 {strides = array<i32>} : memref<16x768xf32, #tpu.memory_space<vmem>>, vector<1x16xf32>,
        %parallel_loop3A_666 = arith.index_cast %parallel_loop3A_203 : i32 to index
        %parallel_loop3A_667 = arith.constant 528 : index
        %parallel_loop3A_668 = tpu.vector_load %arg8[%parallel_loop3A_666, %parallel_loop3A_667] {strides = array<i32>} : memref<16x768xf32, #tpu.memory_space<vmem>>, vector<1x16xf32>,
        %parallel_loop3A_669 = vector.shape_cast %parallel_loop3A_668 : vector<1x16xf32> to vector<16xf32>
        %parallel_loop3A_670 = arith.index_cast %parallel_loop3A_203 : i32 to index
        %parallel_loop3A_671 = arith.constant 528 : index
        %parallel_loop3A_672 = tpu.vector_load %arg12[%parallel_loop3A_670, %parallel_loop3A_671] {strides = array<i32>} : memref<16x768xf32, #tpu.memory_space<vmem>>, vector<1x16xf32>,
        %parallel_loop3A_673 = vector.shape_cast %parallel_loop3A_672 : vector<1x16xf32> to vector<16xf32>
        %parallel_loop3A_674 = arith.addf %parallel_loop3A_669, %parallel_loop3A_673 : vector<16xf32>
        %parallel_loop3A_675 = arith.index_cast %parallel_loop3A_203 : i32 to index
        %parallel_loop3A_676 = arith.constant 528 : index
        %parallel_loop3A_677 = tpu.vector_load %arg12[%parallel_loop3A_675, %parallel_loop3A_676] {strides = array<i32>} : memref<16x768xf32, #tpu.memory_space<vmem>>, vector<1x16xf32>,
        %parallel_loop3A_678 = vector.shape_cast %parallel_loop3A_677 : vector<1x16xf32> to vector<16xf32>
        %parallel_loop3A_679 = vector.shape_cast %parallel_loop3A_674 : vector<16xf32> to vector<1x16xf32>
        tpu.vector_store %arg12[%parallel_loop3A_675, %parallel_loop3A_676], %parallel_loop3A_679 {strides = array<i32>} : memref<16x768xf32, #tpu.memory_space<vmem>>, vector<1x16xf32>,
        %parallel_loop3A_680 = arith.index_cast %parallel_loop3A_203 : i32 to index
        %parallel_loop3A_681 = arith.constant 544 : index
        %parallel_loop3A_682 = tpu.vector_load %arg8[%parallel_loop3A_680, %parallel_loop3A_681] {strides = array<i32>} : memref<16x768xf32, #tpu.memory_space<vmem>>, vector<1x16xf32>,
        %parallel_loop3A_683 = vector.shape_cast %parallel_loop3A_682 : vector<1x16xf32> to vector<16xf32>
        %parallel_loop3A_684 = arith.index_cast %parallel_loop3A_203 : i32 to index
        %parallel_loop3A_685 = arith.constant 544 : index
        %parallel_loop3A_686 = tpu.vector_load %arg12[%parallel_loop3A_684, %parallel_loop3A_685] {strides = array<i32>} : memref<16x768xf32, #tpu.memory_space<vmem>>, vector<1x16xf32>,
        %parallel_loop3A_687 = vector.shape_cast %parallel_loop3A_686 : vector<1x16xf32> to vector<16xf32>
        %parallel_loop3A_688 = arith.addf %parallel_loop3A_683, %parallel_loop3A_687 : vector<16xf32>
        %parallel_loop3A_689 = arith.index_cast %parallel_loop3A_203 : i32 to index
        %parallel_loop3A_690 = arith.constant 544 : index
        %parallel_loop3A_691 = tpu.vector_load %arg12[%parallel_loop3A_689, %parallel_loop3A_690] {strides = array<i32>} : memref<16x768xf32, #tpu.memory_space<vmem>>, vector<1x16xf32>,
        %parallel_loop3A_692 = vector.shape_cast %parallel_loop3A_691 : vector<1x16xf32> to vector<16xf32>
        %parallel_loop3A_693 = vector.shape_cast %parallel_loop3A_688 : vector<16xf32> to vector<1x16xf32>
        tpu.vector_store %arg12[%parallel_loop3A_689, %parallel_loop3A_690], %parallel_loop3A_693 {strides = array<i32>} : memref<16x768xf32, #tpu.memory_space<vmem>>, vector<1x16xf32>,
        %parallel_loop3A_694 = arith.index_cast %parallel_loop3A_203 : i32 to index
        %parallel_loop3A_695 = arith.constant 560 : index
        %parallel_loop3A_696 = tpu.vector_load %arg8[%parallel_loop3A_694, %parallel_loop3A_695] {strides = array<i32>} : memref<16x768xf32, #tpu.memory_space<vmem>>, vector<1x16xf32>,
        %parallel_loop3A_697 = vector.shape_cast %parallel_loop3A_696 : vector<1x16xf32> to vector<16xf32>
        %parallel_loop3A_698 = arith.index_cast %parallel_loop3A_203 : i32 to index
        %parallel_loop3A_699 = arith.constant 560 : index
        %parallel_loop3A_700 = tpu.vector_load %arg12[%parallel_loop3A_698, %parallel_loop3A_699] {strides = array<i32>} : memref<16x768xf32, #tpu.memory_space<vmem>>, vector<1x16xf32>,
        %parallel_loop3A_701 = vector.shape_cast %parallel_loop3A_700 : vector<1x16xf32> to vector<16xf32>
        %parallel_loop3A_702 = arith.addf %parallel_loop3A_697, %parallel_loop3A_701 : vector<16xf32>
        %parallel_loop3A_703 = arith.index_cast %parallel_loop3A_203 : i32 to index
        %parallel_loop3A_704 = arith.constant 560 : index
        %parallel_loop3A_705 = tpu.vector_load %arg12[%parallel_loop3A_703, %parallel_loop3A_704] {strides = array<i32>} : memref<16x768xf32, #tpu.memory_space<vmem>>, vector<1x16xf32>,
        %parallel_loop3A_706 = vector.shape_cast %parallel_loop3A_705 : vector<1x16xf32> to vector<16xf32>
        %parallel_loop3A_707 = vector.shape_cast %parallel_loop3A_702 : vector<16xf32> to vector<1x16xf32>
        tpu.vector_store %arg12[%parallel_loop3A_703, %parallel_loop3A_704], %parallel_loop3A_707 {strides = array<i32>} : memref<16x768xf32, #tpu.memory_space<vmem>>, vector<1x16xf32>,
        %parallel_loop3A_708 = arith.index_cast %parallel_loop3A_203 : i32 to index
        %parallel_loop3A_709 = arith.constant 576 : index
        %parallel_loop3A_710 = tpu.vector_load %arg8[%parallel_loop3A_708, %parallel_loop3A_709] {strides = array<i32>} : memref<16x768xf32, #tpu.memory_space<vmem>>, vector<1x16xf32>,
        %parallel_loop3A_711 = vector.shape_cast %parallel_loop3A_710 : vector<1x16xf32> to vector<16xf32>
        %parallel_loop3A_712 = arith.index_cast %parallel_loop3A_203 : i32 to index
        %parallel_loop3A_713 = arith.constant 576 : index
        %parallel_loop3A_714 = tpu.vector_load %arg12[%parallel_loop3A_712, %parallel_loop3A_713] {strides = array<i32>} : memref<16x768xf32, #tpu.memory_space<vmem>>, vector<1x16xf32>,
        %parallel_loop3A_715 = vector.shape_cast %parallel_loop3A_714 : vector<1x16xf32> to vector<16xf32>
        %parallel_loop3A_716 = arith.addf %parallel_loop3A_711, %parallel_loop3A_715 : vector<16xf32>
        %parallel_loop3A_717 = arith.index_cast %parallel_loop3A_203 : i32 to index
        %parallel_loop3A_718 = arith.constant 576 : index
        %parallel_loop3A_719 = tpu.vector_load %arg12[%parallel_loop3A_717, %parallel_loop3A_718] {strides = array<i32>} : memref<16x768xf32, #tpu.memory_space<vmem>>, vector<1x16xf32>,
        %parallel_loop3A_720 = vector.shape_cast %parallel_loop3A_719 : vector<1x16xf32> to vector<16xf32>
        %parallel_loop3A_721 = vector.shape_cast %parallel_loop3A_716 : vector<16xf32> to vector<1x16xf32>
        tpu.vector_store %arg12[%parallel_loop3A_717, %parallel_loop3A_718], %parallel_loop3A_721 {strides = array<i32>} : memref<16x768xf32, #tpu.memory_space<vmem>>, vector<1x16xf32>,
        %parallel_loop3A_722 = arith.index_cast %parallel_loop3A_203 : i32 to index
        %parallel_loop3A_723 = arith.constant 592 : index
        %parallel_loop3A_724 = tpu.vector_load %arg8[%parallel_loop3A_722, %parallel_loop3A_723] {strides = array<i32>} : memref<16x768xf32, #tpu.memory_space<vmem>>, vector<1x16xf32>,
        %parallel_loop3A_725 = vector.shape_cast %parallel_loop3A_724 : vector<1x16xf32> to vector<16xf32>
        %parallel_loop3A_726 = arith.index_cast %parallel_loop3A_203 : i32 to index
        %parallel_loop3A_727 = arith.constant 592 : index
        %parallel_loop3A_728 = tpu.vector_load %arg12[%parallel_loop3A_726, %parallel_loop3A_727] {strides = array<i32>} : memref<16x768xf32, #tpu.memory_space<vmem>>, vector<1x16xf32>,
        %parallel_loop3A_729 = vector.shape_cast %parallel_loop3A_728 : vector<1x16xf32> to vector<16xf32>
        %parallel_loop3A_730 = arith.addf %parallel_loop3A_725, %parallel_loop3A_729 : vector<16xf32>
        %parallel_loop3A_731 = arith.index_cast %parallel_loop3A_203 : i32 to index
        %parallel_loop3A_732 = arith.constant 592 : index
        %parallel_loop3A_733 = tpu.vector_load %arg12[%parallel_loop3A_731, %parallel_loop3A_732] {strides = array<i32>} : memref<16x768xf32, #tpu.memory_space<vmem>>, vector<1x16xf32>,
        %parallel_loop3A_734 = vector.shape_cast %parallel_loop3A_733 : vector<1x16xf32> to vector<16xf32>
        %parallel_loop3A_735 = vector.shape_cast %parallel_loop3A_730 : vector<16xf32> to vector<1x16xf32>
        tpu.vector_store %arg12[%parallel_loop3A_731, %parallel_loop3A_732], %parallel_loop3A_735 {strides = array<i32>} : memref<16x768xf32, #tpu.memory_space<vmem>>, vector<1x16xf32>,
        %parallel_loop3A_736 = arith.index_cast %parallel_loop3A_203 : i32 to index
        %parallel_loop3A_737 = arith.constant 608 : index
        %parallel_loop3A_738 = tpu.vector_load %arg8[%parallel_loop3A_736, %parallel_loop3A_737] {strides = array<i32>} : memref<16x768xf32, #tpu.memory_space<vmem>>, vector<1x16xf32>,
        %parallel_loop3A_739 = vector.shape_cast %parallel_loop3A_738 : vector<1x16xf32> to vector<16xf32>
        %parallel_loop3A_740 = arith.index_cast %parallel_loop3A_203 : i32 to index
        %parallel_loop3A_741 = arith.constant 608 : index
        %parallel_loop3A_742 = tpu.vector_load %arg12[%parallel_loop3A_740, %parallel_loop3A_741] {strides = array<i32>} : memref<16x768xf32, #tpu.memory_space<vmem>>, vector<1x16xf32>,
        %parallel_loop3A_743 = vector.shape_cast %parallel_loop3A_742 : vector<1x16xf32> to vector<16xf32>
        %parallel_loop3A_744 = arith.addf %parallel_loop3A_739, %parallel_loop3A_743 : vector<16xf32>
        %parallel_loop3A_745 = arith.index_cast %parallel_loop3A_203 : i32 to index
        %parallel_loop3A_746 = arith.constant 608 : index
        %parallel_loop3A_747 = tpu.vector_load %arg12[%parallel_loop3A_745, %parallel_loop3A_746] {strides = array<i32>} : memref<16x768xf32, #tpu.memory_space<vmem>>, vector<1x16xf32>,
        %parallel_loop3A_748 = vector.shape_cast %parallel_loop3A_747 : vector<1x16xf32> to vector<16xf32>
        %parallel_loop3A_749 = vector.shape_cast %parallel_loop3A_744 : vector<16xf32> to vector<1x16xf32>
        tpu.vector_store %arg12[%parallel_loop3A_745, %parallel_loop3A_746], %parallel_loop3A_749 {strides = array<i32>} : memref<16x768xf32, #tpu.memory_space<vmem>>, vector<1x16xf32>,
        %parallel_loop3A_750 = arith.index_cast %parallel_loop3A_203 : i32 to index
        %parallel_loop3A_751 = arith.constant 624 : index
        %parallel_loop3A_752 = tpu.vector_load %arg8[%parallel_loop3A_750, %parallel_loop3A_751] {strides = array<i32>} : memref<16x768xf32, #tpu.memory_space<vmem>>, vector<1x16xf32>,
        %parallel_loop3A_753 = vector.shape_cast %parallel_loop3A_752 : vector<1x16xf32> to vector<16xf32>
        %parallel_loop3A_754 = arith.index_cast %parallel_loop3A_203 : i32 to index
        %parallel_loop3A_755 = arith.constant 624 : index
        %parallel_loop3A_756 = tpu.vector_load %arg12[%parallel_loop3A_754, %parallel_loop3A_755] {strides = array<i32>} : memref<16x768xf32, #tpu.memory_space<vmem>>, vector<1x16xf32>,
        %parallel_loop3A_757 = vector.shape_cast %parallel_loop3A_756 : vector<1x16xf32> to vector<16xf32>
        %parallel_loop3A_758 = arith.addf %parallel_loop3A_753, %parallel_loop3A_757 : vector<16xf32>
        %parallel_loop3A_759 = arith.index_cast %parallel_loop3A_203 : i32 to index
        %parallel_loop3A_760 = arith.constant 624 : index
        %parallel_loop3A_761 = tpu.vector_load %arg12[%parallel_loop3A_759, %parallel_loop3A_760] {strides = array<i32>} : memref<16x768xf32, #tpu.memory_space<vmem>>, vector<1x16xf32>,
        %parallel_loop3A_762 = vector.shape_cast %parallel_loop3A_761 : vector<1x16xf32> to vector<16xf32>
        %parallel_loop3A_763 = vector.shape_cast %parallel_loop3A_758 : vector<16xf32> to vector<1x16xf32>
        tpu.vector_store %arg12[%parallel_loop3A_759, %parallel_loop3A_760], %parallel_loop3A_763 {strides = array<i32>} : memref<16x768xf32, #tpu.memory_space<vmem>>, vector<1x16xf32>,
        %parallel_loop3A_764 = arith.index_cast %parallel_loop3A_203 : i32 to index
        %parallel_loop3A_765 = arith.constant 640 : index
        %parallel_loop3A_766 = tpu.vector_load %arg8[%parallel_loop3A_764, %parallel_loop3A_765] {strides = array<i32>} : memref<16x768xf32, #tpu.memory_space<vmem>>, vector<1x16xf32>,
        %parallel_loop3A_767 = vector.shape_cast %parallel_loop3A_766 : vector<1x16xf32> to vector<16xf32>
        %parallel_loop3A_768 = arith.index_cast %parallel_loop3A_203 : i32 to index
        %parallel_loop3A_769 = arith.constant 640 : index
        %parallel_loop3A_770 = tpu.vector_load %arg12[%parallel_loop3A_768, %parallel_loop3A_769] {strides = array<i32>} : memref<16x768xf32, #tpu.memory_space<vmem>>, vector<1x16xf32>,
        %parallel_loop3A_771 = vector.shape_cast %parallel_loop3A_770 : vector<1x16xf32> to vector<16xf32>
        %parallel_loop3A_772 = arith.addf %parallel_loop3A_767, %parallel_loop3A_771 : vector<16xf32>
        %parallel_loop3A_773 = arith.index_cast %parallel_loop3A_203 : i32 to index
        %parallel_loop3A_774 = arith.constant 640 : index
        %parallel_loop3A_775 = tpu.vector_load %arg12[%parallel_loop3A_773, %parallel_loop3A_774] {strides = array<i32>} : memref<16x768xf32, #tpu.memory_space<vmem>>, vector<1x16xf32>,
        %parallel_loop3A_776 = vector.shape_cast %parallel_loop3A_775 : vector<1x16xf32> to vector<16xf32>
        %parallel_loop3A_777 = vector.shape_cast %parallel_loop3A_772 : vector<16xf32> to vector<1x16xf32>
        tpu.vector_store %arg12[%parallel_loop3A_773, %parallel_loop3A_774], %parallel_loop3A_777 {strides = array<i32>} : memref<16x768xf32, #tpu.memory_space<vmem>>, vector<1x16xf32>,
        %parallel_loop3A_778 = arith.index_cast %parallel_loop3A_203 : i32 to index
        %parallel_loop3A_779 = arith.constant 656 : index
        %parallel_loop3A_780 = tpu.vector_load %arg8[%parallel_loop3A_778, %parallel_loop3A_779] {strides = array<i32>} : memref<16x768xf32, #tpu.memory_space<vmem>>, vector<1x16xf32>,
        %parallel_loop3A_781 = vector.shape_cast %parallel_loop3A_780 : vector<1x16xf32> to vector<16xf32>
        %parallel_loop3A_782 = arith.index_cast %parallel_loop3A_203 : i32 to index
        %parallel_loop3A_783 = arith.constant 656 : index
        %parallel_loop3A_784 = tpu.vector_load %arg12[%parallel_loop3A_782, %parallel_loop3A_783] {strides = array<i32>} : memref<16x768xf32, #tpu.memory_space<vmem>>, vector<1x16xf32>,
        %parallel_loop3A_785 = vector.shape_cast %parallel_loop3A_784 : vector<1x16xf32> to vector<16xf32>
        %parallel_loop3A_786 = arith.addf %parallel_loop3A_781, %parallel_loop3A_785 : vector<16xf32>
        %parallel_loop3A_787 = arith.index_cast %parallel_loop3A_203 : i32 to index
        %parallel_loop3A_788 = arith.constant 656 : index
        %parallel_loop3A_789 = tpu.vector_load %arg12[%parallel_loop3A_787, %parallel_loop3A_788] {strides = array<i32>} : memref<16x768xf32, #tpu.memory_space<vmem>>, vector<1x16xf32>,
        %parallel_loop3A_790 = vector.shape_cast %parallel_loop3A_789 : vector<1x16xf32> to vector<16xf32>
        %parallel_loop3A_791 = vector.shape_cast %parallel_loop3A_786 : vector<16xf32> to vector<1x16xf32>
        tpu.vector_store %arg12[%parallel_loop3A_787, %parallel_loop3A_788], %parallel_loop3A_791 {strides = array<i32>} : memref<16x768xf32, #tpu.memory_space<vmem>>, vector<1x16xf32>,
        %parallel_loop3A_792 = arith.index_cast %parallel_loop3A_203 : i32 to index
        %parallel_loop3A_793 = arith.constant 672 : index
        %parallel_loop3A_794 = tpu.vector_load %arg8[%parallel_loop3A_792, %parallel_loop3A_793] {strides = array<i32>} : memref<16x768xf32, #tpu.memory_space<vmem>>, vector<1x16xf32>,
        %parallel_loop3A_795 = vector.shape_cast %parallel_loop3A_794 : vector<1x16xf32> to vector<16xf32>
        %parallel_loop3A_796 = arith.index_cast %parallel_loop3A_203 : i32 to index
        %parallel_loop3A_797 = arith.constant 672 : index
        %parallel_loop3A_798 = tpu.vector_load %arg12[%parallel_loop3A_796, %parallel_loop3A_797] {strides = array<i32>} : memref<16x768xf32, #tpu.memory_space<vmem>>, vector<1x16xf32>,
        %parallel_loop3A_799 = vector.shape_cast %parallel_loop3A_798 : vector<1x16xf32> to vector<16xf32>
        %parallel_loop3A_800 = arith.addf %parallel_loop3A_795, %parallel_loop3A_799 : vector<16xf32>
        %parallel_loop3A_801 = arith.index_cast %parallel_loop3A_203 : i32 to index
        %parallel_loop3A_802 = arith.constant 672 : index
        %parallel_loop3A_803 = tpu.vector_load %arg12[%parallel_loop3A_801, %parallel_loop3A_802] {strides = array<i32>} : memref<16x768xf32, #tpu.memory_space<vmem>>, vector<1x16xf32>,
        %parallel_loop3A_804 = vector.shape_cast %parallel_loop3A_803 : vector<1x16xf32> to vector<16xf32>
        %parallel_loop3A_805 = vector.shape_cast %parallel_loop3A_800 : vector<16xf32> to vector<1x16xf32>
        tpu.vector_store %arg12[%parallel_loop3A_801, %parallel_loop3A_802], %parallel_loop3A_805 {strides = array<i32>} : memref<16x768xf32, #tpu.memory_space<vmem>>, vector<1x16xf32>,
        %parallel_loop3A_806 = arith.index_cast %parallel_loop3A_203 : i32 to index
        %parallel_loop3A_807 = arith.constant 688 : index
        %parallel_loop3A_808 = tpu.vector_load %arg8[%parallel_loop3A_806, %parallel_loop3A_807] {strides = array<i32>} : memref<16x768xf32, #tpu.memory_space<vmem>>, vector<1x16xf32>,
        %parallel_loop3A_809 = vector.shape_cast %parallel_loop3A_808 : vector<1x16xf32> to vector<16xf32>
        %parallel_loop3A_810 = arith.index_cast %parallel_loop3A_203 : i32 to index
        %parallel_loop3A_811 = arith.constant 688 : index
        %parallel_loop3A_812 = tpu.vector_load %arg12[%parallel_loop3A_810, %parallel_loop3A_811] {strides = array<i32>} : memref<16x768xf32, #tpu.memory_space<vmem>>, vector<1x16xf32>,
        %parallel_loop3A_813 = vector.shape_cast %parallel_loop3A_812 : vector<1x16xf32> to vector<16xf32>
        %parallel_loop3A_814 = arith.addf %parallel_loop3A_809, %parallel_loop3A_813 : vector<16xf32>
        %parallel_loop3A_815 = arith.index_cast %parallel_loop3A_203 : i32 to index
        %parallel_loop3A_816 = arith.constant 688 : index
        %parallel_loop3A_817 = tpu.vector_load %arg12[%parallel_loop3A_815, %parallel_loop3A_816] {strides = array<i32>} : memref<16x768xf32, #tpu.memory_space<vmem>>, vector<1x16xf32>,
        %parallel_loop3A_818 = vector.shape_cast %parallel_loop3A_817 : vector<1x16xf32> to vector<16xf32>
        %parallel_loop3A_819 = vector.shape_cast %parallel_loop3A_814 : vector<16xf32> to vector<1x16xf32>
        tpu.vector_store %arg12[%parallel_loop3A_815, %parallel_loop3A_816], %parallel_loop3A_819 {strides = array<i32>} : memref<16x768xf32, #tpu.memory_space<vmem>>, vector<1x16xf32>,
        %parallel_loop3A_820 = arith.index_cast %parallel_loop3A_203 : i32 to index
        %parallel_loop3A_821 = arith.constant 704 : index
        %parallel_loop3A_822 = tpu.vector_load %arg8[%parallel_loop3A_820, %parallel_loop3A_821] {strides = array<i32>} : memref<16x768xf32, #tpu.memory_space<vmem>>, vector<1x16xf32>,
        %parallel_loop3A_823 = vector.shape_cast %parallel_loop3A_822 : vector<1x16xf32> to vector<16xf32>
        %parallel_loop3A_824 = arith.index_cast %parallel_loop3A_203 : i32 to index
        %parallel_loop3A_825 = arith.constant 704 : index
        %parallel_loop3A_826 = tpu.vector_load %arg12[%parallel_loop3A_824, %parallel_loop3A_825] {strides = array<i32>} : memref<16x768xf32, #tpu.memory_space<vmem>>, vector<1x16xf32>,
        %parallel_loop3A_827 = vector.shape_cast %parallel_loop3A_826 : vector<1x16xf32> to vector<16xf32>
        %parallel_loop3A_828 = arith.addf %parallel_loop3A_823, %parallel_loop3A_827 : vector<16xf32>
        %parallel_loop3A_829 = arith.index_cast %parallel_loop3A_203 : i32 to index
        %parallel_loop3A_830 = arith.constant 704 : index
        %parallel_loop3A_831 = tpu.vector_load %arg12[%parallel_loop3A_829, %parallel_loop3A_830] {strides = array<i32>} : memref<16x768xf32, #tpu.memory_space<vmem>>, vector<1x16xf32>,
        %parallel_loop3A_832 = vector.shape_cast %parallel_loop3A_831 : vector<1x16xf32> to vector<16xf32>
        %parallel_loop3A_833 = vector.shape_cast %parallel_loop3A_828 : vector<16xf32> to vector<1x16xf32>
        tpu.vector_store %arg12[%parallel_loop3A_829, %parallel_loop3A_830], %parallel_loop3A_833 {strides = array<i32>} : memref<16x768xf32, #tpu.memory_space<vmem>>, vector<1x16xf32>,
        %parallel_loop3A_834 = arith.index_cast %parallel_loop3A_203 : i32 to index
        %parallel_loop3A_835 = arith.constant 720 : index
        %parallel_loop3A_836 = tpu.vector_load %arg8[%parallel_loop3A_834, %parallel_loop3A_835] {strides = array<i32>} : memref<16x768xf32, #tpu.memory_space<vmem>>, vector<1x16xf32>,
        %parallel_loop3A_837 = vector.shape_cast %parallel_loop3A_836 : vector<1x16xf32> to vector<16xf32>
        %parallel_loop3A_838 = arith.index_cast %parallel_loop3A_203 : i32 to index
        %parallel_loop3A_839 = arith.constant 720 : index
        %parallel_loop3A_840 = tpu.vector_load %arg12[%parallel_loop3A_838, %parallel_loop3A_839] {strides = array<i32>} : memref<16x768xf32, #tpu.memory_space<vmem>>, vector<1x16xf32>,
        %parallel_loop3A_841 = vector.shape_cast %parallel_loop3A_840 : vector<1x16xf32> to vector<16xf32>
        %parallel_loop3A_842 = arith.addf %parallel_loop3A_837, %parallel_loop3A_841 : vector<16xf32>
        %parallel_loop3A_843 = arith.index_cast %parallel_loop3A_203 : i32 to index
        %parallel_loop3A_844 = arith.constant 720 : index
        %parallel_loop3A_845 = tpu.vector_load %arg12[%parallel_loop3A_843, %parallel_loop3A_844] {strides = array<i32>} : memref<16x768xf32, #tpu.memory_space<vmem>>, vector<1x16xf32>,
        %parallel_loop3A_846 = vector.shape_cast %parallel_loop3A_845 : vector<1x16xf32> to vector<16xf32>
        %parallel_loop3A_847 = vector.shape_cast %parallel_loop3A_842 : vector<16xf32> to vector<1x16xf32>
        tpu.vector_store %arg12[%parallel_loop3A_843, %parallel_loop3A_844], %parallel_loop3A_847 {strides = array<i32>} : memref<16x768xf32, #tpu.memory_space<vmem>>, vector<1x16xf32>,
        %parallel_loop3A_848 = arith.index_cast %parallel_loop3A_203 : i32 to index
        %parallel_loop3A_849 = arith.constant 736 : index
        %parallel_loop3A_850 = tpu.vector_load %arg8[%parallel_loop3A_848, %parallel_loop3A_849] {strides = array<i32>} : memref<16x768xf32, #tpu.memory_space<vmem>>, vector<1x16xf32>,
        %parallel_loop3A_851 = vector.shape_cast %parallel_loop3A_850 : vector<1x16xf32> to vector<16xf32>
        %parallel_loop3A_852 = arith.index_cast %parallel_loop3A_203 : i32 to index
        %parallel_loop3A_853 = arith.constant 736 : index
        %parallel_loop3A_854 = tpu.vector_load %arg12[%parallel_loop3A_852, %parallel_loop3A_853] {strides = array<i32>} : memref<16x768xf32, #tpu.memory_space<vmem>>, vector<1x16xf32>,
        %parallel_loop3A_855 = vector.shape_cast %parallel_loop3A_854 : vector<1x16xf32> to vector<16xf32>
        %parallel_loop3A_856 = arith.addf %parallel_loop3A_851, %parallel_loop3A_855 : vector<16xf32>
        %parallel_loop3A_857 = arith.index_cast %parallel_loop3A_203 : i32 to index
        %parallel_loop3A_858 = arith.constant 736 : index
        %parallel_loop3A_859 = tpu.vector_load %arg12[%parallel_loop3A_857, %parallel_loop3A_858] {strides = array<i32>} : memref<16x768xf32, #tpu.memory_space<vmem>>, vector<1x16xf32>,
        %parallel_loop3A_860 = vector.shape_cast %parallel_loop3A_859 : vector<1x16xf32> to vector<16xf32>
        %parallel_loop3A_861 = vector.shape_cast %parallel_loop3A_856 : vector<16xf32> to vector<1x16xf32>
        tpu.vector_store %arg12[%parallel_loop3A_857, %parallel_loop3A_858], %parallel_loop3A_861 {strides = array<i32>} : memref<16x768xf32, #tpu.memory_space<vmem>>, vector<1x16xf32>,
        %parallel_loop3A_862 = arith.index_cast %parallel_loop3A_203 : i32 to index
        %parallel_loop3A_863 = arith.constant 752 : index
        %parallel_loop3A_864 = tpu.vector_load %arg8[%parallel_loop3A_862, %parallel_loop3A_863] {strides = array<i32>} : memref<16x768xf32, #tpu.memory_space<vmem>>, vector<1x16xf32>,
        %parallel_loop3A_865 = vector.shape_cast %parallel_loop3A_864 : vector<1x16xf32> to vector<16xf32>
        %parallel_loop3A_866 = arith.index_cast %parallel_loop3A_203 : i32 to index
        %parallel_loop3A_867 = arith.constant 752 : index
        %parallel_loop3A_868 = tpu.vector_load %arg12[%parallel_loop3A_866, %parallel_loop3A_867] {strides = array<i32>} : memref<16x768xf32, #tpu.memory_space<vmem>>, vector<1x16xf32>,
        %parallel_loop3A_869 = vector.shape_cast %parallel_loop3A_868 : vector<1x16xf32> to vector<16xf32>
        %parallel_loop3A_870 = arith.addf %parallel_loop3A_865, %parallel_loop3A_869 : vector<16xf32>
        %parallel_loop3A_871 = arith.index_cast %parallel_loop3A_203 : i32 to index
        %parallel_loop3A_872 = arith.constant 752 : index
        %parallel_loop3A_873 = tpu.vector_load %arg12[%parallel_loop3A_871, %parallel_loop3A_872] {strides = array<i32>} : memref<16x768xf32, #tpu.memory_space<vmem>>, vector<1x16xf32>,
        %parallel_loop3A_874 = vector.shape_cast %parallel_loop3A_873 : vector<1x16xf32> to vector<16xf32>
        %parallel_loop3A_875 = vector.shape_cast %parallel_loop3A_870 : vector<16xf32> to vector<1x16xf32>
        tpu.vector_store %arg12[%parallel_loop3A_871, %parallel_loop3A_872], %parallel_loop3A_875 {strides = array<i32>} : memref<16x768xf32, #tpu.memory_space<vmem>>, vector<1x16xf32>,
      } {sc.loop_unroll_factor = 2 : i64, sc.parallel_access}
      %mul3A_118 = arith.constant 16 : i32
      %mul3A_119 = arith.muli %add3A_89, %mul3A_118 : i32
      %add3A_120 = arith.addi %mul3A_2, %mul3A_119 : i32
      %dma_start3A_121 = arith.constant 0 : i32
      %dma_start3A_122 = tpu.memref_slice %arg5[%add3A_120, %dma_start3A_121] : memref<32768x768xf32, #tpu.memory_space<hbm>> -> memref<16x768xf32, #tpu.memory_space<hbm>>
      %dma_start3A_123 = arith.constant 0 : i32
      %dma_start3A_124 = tpu.memref_slice %arg5[%add3A_120, %dma_start3A_123] : memref<32768x768xf32, #tpu.memory_space<hbm>> -> memref<16x768xf32, #tpu.memory_space<hbm>>
      tpu.enqueue_dma source(%arg12 : memref<16x768xf32, #tpu.memory_space<vmem>>) target(%dma_start3A_124 : memref<16x768xf32, #tpu.memory_space<hbm>>) target_semaphore(%arg20 : memref<!tpu.dma_semaphore, #tpu.memory_space<semaphore_mem>>)
      %mul3A_125 = arith.constant 4 : i32
      %mul3A_126 = arith.muli %mul3A_125, %scan3A_52 : i32
      %add3A_127 = arith.constant 2 : i32
      %add3A_128 = arith.addi %mul3A_126, %add3A_127 : i32
      %ge3A_129 = arith.constant 2 : i32
      %ge3A_130 = arith.cmpi sge, %add3A_128, %ge3A_129 : i32
      %lt3A_131 = arith.constant 62 : i32
      %lt3A_132 = arith.cmpi slt, %add3A_128, %lt3A_131 : i32
      %and3A_133 = arith.andi %ge3A_130, %lt3A_132 : i1
      %convert_element_type3A_134 = arith.extui %and3A_133 : i1 to i32
      %cond3A_135 = arith.constant 0 : i32
      %cond3A_136 = arith.cmpi ne, %convert_element_type3A_134, %cond3A_135 : i32
      scf.if %cond3A_136 {
        %dma_wait3A_203 = arith.constant 0 : i32
        %dma_wait3A_204 = arith.constant 0 : i32
        %dma_wait3A_205 = tpu.memref_slice %arg5[%dma_wait3A_203, %dma_wait3A_204] : memref<32768x768xf32, #tpu.memory_space<hbm>> -> memref<16x768xf32, #tpu.memory_space<hbm>>
        %dma_wait3A_206 = arith.constant 0 : i32
        %dma_wait3A_207 = arith.constant 0 : i32
        %dma_wait3A_208 = tpu.memref_slice %arg5[%dma_wait3A_206, %dma_wait3A_207] : memref<32768x768xf32, #tpu.memory_space<hbm>> -> memref<16x768xf32, #tpu.memory_space<hbm>>
        tpu.wait_dma2 semaphore(%arg19 : memref<!tpu.dma_semaphore, #tpu.memory_space<semaphore_mem>>) src(%arg11 : memref<16x768xf32, #tpu.memory_space<vmem>>) dst(%dma_wait3A_208 : memref<16x768xf32, #tpu.memory_space<hbm>>)
      } else {
      }
      %lt3A_137 = arith.constant 62 : i32
      %lt3A_138 = arith.cmpi slt, %add3A_128, %lt3A_137 : i32
      %convert_element_type3A_139 = arith.extui %lt3A_138 : i1 to i32
      %cond3A_140 = arith.constant 0 : i32
      %cond3A_141 = arith.cmpi ne, %convert_element_type3A_139, %cond3A_140 : i32
      scf.if %cond3A_141 {
        %add3A_203 = arith.constant 2 : i32
        %add3A_204 = arith.addi %add3A_128, %add3A_203 : i32
        %mul3A_205 = arith.constant 16 : i32
        %mul3A_206 = arith.muli %add3A_204, %mul3A_205 : i32
        %dma_start3A_207 = tpu.memref_slice %arg6[%mul3A_206] : memref<1024xi32, #tpu.memory_space<vmem>> -> memref<16xi32, #tpu.memory_space<vmem>>
        %dma_start3A_208 = arith.constant 0 : i32
        %dma_start3A_209 = arith.constant 0 : i32
        %dma_start3A_210 = tpu.memref_slice %arg4[%dma_start3A_208, %dma_start3A_209] : memref<8192x768xf32, #tpu.memory_space<hbm>> -> memref<8192x768xf32, #tpu.memory_space<hbm>>
        tpu.enqueue_indirect_dma source(%dma_start3A_210 : memref<8192x768xf32, #tpu.memory_space<hbm>>) target(%arg11 : memref<16x768xf32, #tpu.memory_space<vmem>>) offsets(%dma_start3A_207 : memref<16xi32, #tpu.memory_space<vmem>>) semaphore(%arg15 : memref<!tpu.dma_semaphore, #tpu.memory_space<semaphore_mem>>)
        %mul3A_211 = arith.constant 16 : i32
        %mul3A_212 = arith.muli %add3A_204, %mul3A_211 : i32
        %add3A_213 = arith.addi %mul3A_2, %mul3A_212 : i32
        %dma_start3A_214 = arith.constant 0 : i32
        %dma_start3A_215 = tpu.memref_slice %arg2[%add3A_213, %dma_start3A_214] : memref<32768x768xf32, #tpu.memory_space<hbm>> -> memref<16x768xf32, #tpu.memory_space<hbm>>
        %dma_start3A_216 = arith.constant 0 : i32
        %dma_start3A_217 = tpu.memref_slice %arg2[%add3A_213, %dma_start3A_216] : memref<32768x768xf32, #tpu.memory_space<hbm>> -> memref<16x768xf32, #tpu.memory_space<hbm>>
        tpu.enqueue_dma source(%dma_start3A_217 : memref<16x768xf32, #tpu.memory_space<hbm>>) target(%arg7 : memref<16x768xf32, #tpu.memory_space<vmem>>) target_semaphore(%arg15 : memref<!tpu.dma_semaphore, #tpu.memory_space<semaphore_mem>>)
      } else {
      }
      %dma_wait3A_142 = arith.constant 0 : i32
      %dma_wait3A_143 = arith.constant 0 : i32
      %dma_wait3A_144 = tpu.memref_slice %arg2[%dma_wait3A_142, %dma_wait3A_143] : memref<32768x768xf32, #tpu.memory_space<hbm>> -> memref<16x768xf32, #tpu.memory_space<hbm>>
      %dma_wait3A_145 = arith.constant 0 : i32
      %dma_wait3A_146 = arith.constant 0 : i32
      %dma_wait3A_147 = tpu.memref_slice %arg2[%dma_wait3A_145, %dma_wait3A_146] : memref<32768x768xf32, #tpu.memory_space<hbm>> -> memref<16x768xf32, #tpu.memory_space<hbm>>
      tpu.wait_dma2 semaphore(%arg17 : memref<!tpu.dma_semaphore, #tpu.memory_space<semaphore_mem>>) src(%dma_wait3A_147 : memref<16x768xf32, #tpu.memory_space<hbm>>) dst(%arg9 : memref<16x768xf32, #tpu.memory_space<vmem>>)
      %dma_wait3A_148 = arith.constant 0 : i32
      %dma_wait3A_149 = arith.constant 0 : i32
      %dma_wait3A_150 = tpu.memref_slice %arg2[%dma_wait3A_148, %dma_wait3A_149] : memref<32768x768xf32, #tpu.memory_space<hbm>> -> memref<16x768xf32, #tpu.memory_space<hbm>>
      %dma_wait3A_151 = arith.constant 0 : i32
      %dma_wait3A_152 = arith.constant 0 : i32
      %dma_wait3A_153 = tpu.memref_slice %arg2[%dma_wait3A_151, %dma_wait3A_152] : memref<32768x768xf32, #tpu.memory_space<hbm>> -> memref<16x768xf32, #tpu.memory_space<hbm>>
      tpu.wait_dma2 semaphore(%arg17 : memref<!tpu.dma_semaphore, #tpu.memory_space<semaphore_mem>>) src(%dma_wait3A_153 : memref<16x768xf32, #tpu.memory_space<hbm>>) dst(%arg13 : memref<16x768xf32, #tpu.memory_space<vmem>>)
      %parallel_loop3A_154 = arith.constant 0 : i32
      %parallel_loop3A_155 = arith.constant 16 : i32
      %parallel_loop3A_156 = arith.constant 1 : i32
      scf.for %parallel_loop3A_203 = %parallel_loop3A_154 to %parallel_loop3A_155 step %parallel_loop3A_156  : i32 {
        %parallel_loop3A_204 = arith.index_cast %parallel_loop3A_203 : i32 to index
        %parallel_loop3A_205 = arith.constant 0 : index
        %parallel_loop3A_206 = tpu.vector_load %arg9[%parallel_loop3A_204, %parallel_loop3A_205] {strides = array<i32>} : memref<16x768xf32, #tpu.memory_space<vmem>>, vector<1x16xf32>,
        %parallel_loop3A_207 = vector.shape_cast %parallel_loop3A_206 : vector<1x16xf32> to vector<16xf32>
        %parallel_loop3A_208 = arith.index_cast %parallel_loop3A_203 : i32 to index
        %parallel_loop3A_209 = arith.constant 0 : index
        %parallel_loop3A_210 = tpu.vector_load %arg13[%parallel_loop3A_208, %parallel_loop3A_209] {strides = array<i32>} : memref<16x768xf32, #tpu.memory_space<vmem>>, vector<1x16xf32>,
        %parallel_loop3A_211 = vector.shape_cast %parallel_loop3A_210 : vector<1x16xf32> to vector<16xf32>
        %parallel_loop3A_212 = arith.addf %parallel_loop3A_207, %parallel_loop3A_211 : vector<16xf32>
        %parallel_loop3A_213 = arith.index_cast %parallel_loop3A_203 : i32 to index
        %parallel_loop3A_214 = arith.constant 0 : index
        %parallel_loop3A_215 = tpu.vector_load %arg13[%parallel_loop3A_213, %parallel_loop3A_214] {strides = array<i32>} : memref<16x768xf32, #tpu.memory_space<vmem>>, vector<1x16xf32>,
        %parallel_loop3A_216 = vector.shape_cast %parallel_loop3A_215 : vector<1x16xf32> to vector<16xf32>
        %parallel_loop3A_217 = vector.shape_cast %parallel_loop3A_212 : vector<16xf32> to vector<1x16xf32>
        tpu.vector_store %arg13[%parallel_loop3A_213, %parallel_loop3A_214], %parallel_loop3A_217 {strides = array<i32>} : memref<16x768xf32, #tpu.memory_space<vmem>>, vector<1x16xf32>,
        %parallel_loop3A_218 = arith.index_cast %parallel_loop3A_203 : i32 to index
        %parallel_loop3A_219 = arith.constant 16 : index
        %parallel_loop3A_220 = tpu.vector_load %arg9[%parallel_loop3A_218, %parallel_loop3A_219] {strides = array<i32>} : memref<16x768xf32, #tpu.memory_space<vmem>>, vector<1x16xf32>,
        %parallel_loop3A_221 = vector.shape_cast %parallel_loop3A_220 : vector<1x16xf32> to vector<16xf32>
        %parallel_loop3A_222 = arith.index_cast %parallel_loop3A_203 : i32 to index
        %parallel_loop3A_223 = arith.constant 16 : index
        %parallel_loop3A_224 = tpu.vector_load %arg13[%parallel_loop3A_222, %parallel_loop3A_223] {strides = array<i32>} : memref<16x768xf32, #tpu.memory_space<vmem>>, vector<1x16xf32>,
        %parallel_loop3A_225 = vector.shape_cast %parallel_loop3A_224 : vector<1x16xf32> to vector<16xf32>
        %parallel_loop3A_226 = arith.addf %parallel_loop3A_221, %parallel_loop3A_225 : vector<16xf32>
        %parallel_loop3A_227 = arith.index_cast %parallel_loop3A_203 : i32 to index
        %parallel_loop3A_228 = arith.constant 16 : index
        %parallel_loop3A_229 = tpu.vector_load %arg13[%parallel_loop3A_227, %parallel_loop3A_228] {strides = array<i32>} : memref<16x768xf32, #tpu.memory_space<vmem>>, vector<1x16xf32>,
        %parallel_loop3A_230 = vector.shape_cast %parallel_loop3A_229 : vector<1x16xf32> to vector<16xf32>
        %parallel_loop3A_231 = vector.shape_cast %parallel_loop3A_226 : vector<16xf32> to vector<1x16xf32>
        tpu.vector_store %arg13[%parallel_loop3A_227, %parallel_loop3A_228], %parallel_loop3A_231 {strides = array<i32>} : memref<16x768xf32, #tpu.memory_space<vmem>>, vector<1x16xf32>,
        %parallel_loop3A_232 = arith.index_cast %parallel_loop3A_203 : i32 to index
        %parallel_loop3A_233 = arith.constant 32 : index
        %parallel_loop3A_234 = tpu.vector_load %arg9[%parallel_loop3A_232, %parallel_loop3A_233] {strides = array<i32>} : memref<16x768xf32, #tpu.memory_space<vmem>>, vector<1x16xf32>,
        %parallel_loop3A_235 = vector.shape_cast %parallel_loop3A_234 : vector<1x16xf32> to vector<16xf32>
        %parallel_loop3A_236 = arith.index_cast %parallel_loop3A_203 : i32 to index
        %parallel_loop3A_237 = arith.constant 32 : index
        %parallel_loop3A_238 = tpu.vector_load %arg13[%parallel_loop3A_236, %parallel_loop3A_237] {strides = array<i32>} : memref<16x768xf32, #tpu.memory_space<vmem>>, vector<1x16xf32>,
        %parallel_loop3A_239 = vector.shape_cast %parallel_loop3A_238 : vector<1x16xf32> to vector<16xf32>
        %parallel_loop3A_240 = arith.addf %parallel_loop3A_235, %parallel_loop3A_239 : vector<16xf32>
        %parallel_loop3A_241 = arith.index_cast %parallel_loop3A_203 : i32 to index
        %parallel_loop3A_242 = arith.constant 32 : index
        %parallel_loop3A_243 = tpu.vector_load %arg13[%parallel_loop3A_241, %parallel_loop3A_242] {strides = array<i32>} : memref<16x768xf32, #tpu.memory_space<vmem>>, vector<1x16xf32>,
        %parallel_loop3A_244 = vector.shape_cast %parallel_loop3A_243 : vector<1x16xf32> to vector<16xf32>
        %parallel_loop3A_245 = vector.shape_cast %parallel_loop3A_240 : vector<16xf32> to vector<1x16xf32>
        tpu.vector_store %arg13[%parallel_loop3A_241, %parallel_loop3A_242], %parallel_loop3A_245 {strides = array<i32>} : memref<16x768xf32, #tpu.memory_space<vmem>>, vector<1x16xf32>,
        %parallel_loop3A_246 = arith.index_cast %parallel_loop3A_203 : i32 to index
        %parallel_loop3A_247 = arith.constant 48 : index
        %parallel_loop3A_248 = tpu.vector_load %arg9[%parallel_loop3A_246, %parallel_loop3A_247] {strides = array<i32>} : memref<16x768xf32, #tpu.memory_space<vmem>>, vector<1x16xf32>,
        %parallel_loop3A_249 = vector.shape_cast %parallel_loop3A_248 : vector<1x16xf32> to vector<16xf32>
        %parallel_loop3A_250 = arith.index_cast %parallel_loop3A_203 : i32 to index
        %parallel_loop3A_251 = arith.constant 48 : index
        %parallel_loop3A_252 = tpu.vector_load %arg13[%parallel_loop3A_250, %parallel_loop3A_251] {strides = array<i32>} : memref<16x768xf32, #tpu.memory_space<vmem>>, vector<1x16xf32>,
        %parallel_loop3A_253 = vector.shape_cast %parallel_loop3A_252 : vector<1x16xf32> to vector<16xf32>
        %parallel_loop3A_254 = arith.addf %parallel_loop3A_249, %parallel_loop3A_253 : vector<16xf32>
        %parallel_loop3A_255 = arith.index_cast %parallel_loop3A_203 : i32 to index
        %parallel_loop3A_256 = arith.constant 48 : index
        %parallel_loop3A_257 = tpu.vector_load %arg13[%parallel_loop3A_255, %parallel_loop3A_256] {strides = array<i32>} : memref<16x768xf32, #tpu.memory_space<vmem>>, vector<1x16xf32>,
        %parallel_loop3A_258 = vector.shape_cast %parallel_loop3A_257 : vector<1x16xf32> to vector<16xf32>
        %parallel_loop3A_259 = vector.shape_cast %parallel_loop3A_254 : vector<16xf32> to vector<1x16xf32>
        tpu.vector_store %arg13[%parallel_loop3A_255, %parallel_loop3A_256], %parallel_loop3A_259 {strides = array<i32>} : memref<16x768xf32, #tpu.memory_space<vmem>>, vector<1x16xf32>,
        %parallel_loop3A_260 = arith.index_cast %parallel_loop3A_203 : i32 to index
        %parallel_loop3A_261 = arith.constant 64 : index
        %parallel_loop3A_262 = tpu.vector_load %arg9[%parallel_loop3A_260, %parallel_loop3A_261] {strides = array<i32>} : memref<16x768xf32, #tpu.memory_space<vmem>>, vector<1x16xf32>,
        %parallel_loop3A_263 = vector.shape_cast %parallel_loop3A_262 : vector<1x16xf32> to vector<16xf32>
        %parallel_loop3A_264 = arith.index_cast %parallel_loop3A_203 : i32 to index
        %parallel_loop3A_265 = arith.constant 64 : index
        %parallel_loop3A_266 = tpu.vector_load %arg13[%parallel_loop3A_264, %parallel_loop3A_265] {strides = array<i32>} : memref<16x768xf32, #tpu.memory_space<vmem>>, vector<1x16xf32>,
        %parallel_loop3A_267 = vector.shape_cast %parallel_loop3A_266 : vector<1x16xf32> to vector<16xf32>
        %parallel_loop3A_268 = arith.addf %parallel_loop3A_263, %parallel_loop3A_267 : vector<16xf32>
        %parallel_loop3A_269 = arith.index_cast %parallel_loop3A_203 : i32 to index
        %parallel_loop3A_270 = arith.constant 64 : index
        %parallel_loop3A_271 = tpu.vector_load %arg13[%parallel_loop3A_269, %parallel_loop3A_270] {strides = array<i32>} : memref<16x768xf32, #tpu.memory_space<vmem>>, vector<1x16xf32>,
        %parallel_loop3A_272 = vector.shape_cast %parallel_loop3A_271 : vector<1x16xf32> to vector<16xf32>
        %parallel_loop3A_273 = vector.shape_cast %parallel_loop3A_268 : vector<16xf32> to vector<1x16xf32>
        tpu.vector_store %arg13[%parallel_loop3A_269, %parallel_loop3A_270], %parallel_loop3A_273 {strides = array<i32>} : memref<16x768xf32, #tpu.memory_space<vmem>>, vector<1x16xf32>,
        %parallel_loop3A_274 = arith.index_cast %parallel_loop3A_203 : i32 to index
        %parallel_loop3A_275 = arith.constant 80 : index
        %parallel_loop3A_276 = tpu.vector_load %arg9[%parallel_loop3A_274, %parallel_loop3A_275] {strides = array<i32>} : memref<16x768xf32, #tpu.memory_space<vmem>>, vector<1x16xf32>,
        %parallel_loop3A_277 = vector.shape_cast %parallel_loop3A_276 : vector<1x16xf32> to vector<16xf32>
        %parallel_loop3A_278 = arith.index_cast %parallel_loop3A_203 : i32 to index
        %parallel_loop3A_279 = arith.constant 80 : index
        %parallel_loop3A_280 = tpu.vector_load %arg13[%parallel_loop3A_278, %parallel_loop3A_279] {strides = array<i32>} : memref<16x768xf32, #tpu.memory_space<vmem>>, vector<1x16xf32>,
        %parallel_loop3A_281 = vector.shape_cast %parallel_loop3A_280 : vector<1x16xf32> to vector<16xf32>
        %parallel_loop3A_282 = arith.addf %parallel_loop3A_277, %parallel_loop3A_281 : vector<16xf32>
        %parallel_loop3A_283 = arith.index_cast %parallel_loop3A_203 : i32 to index
        %parallel_loop3A_284 = arith.constant 80 : index
        %parallel_loop3A_285 = tpu.vector_load %arg13[%parallel_loop3A_283, %parallel_loop3A_284] {strides = array<i32>} : memref<16x768xf32, #tpu.memory_space<vmem>>, vector<1x16xf32>,
        %parallel_loop3A_286 = vector.shape_cast %parallel_loop3A_285 : vector<1x16xf32> to vector<16xf32>
        %parallel_loop3A_287 = vector.shape_cast %parallel_loop3A_282 : vector<16xf32> to vector<1x16xf32>
        tpu.vector_store %arg13[%parallel_loop3A_283, %parallel_loop3A_284], %parallel_loop3A_287 {strides = array<i32>} : memref<16x768xf32, #tpu.memory_space<vmem>>, vector<1x16xf32>,
        %parallel_loop3A_288 = arith.index_cast %parallel_loop3A_203 : i32 to index
        %parallel_loop3A_289 = arith.constant 96 : index
        %parallel_loop3A_290 = tpu.vector_load %arg9[%parallel_loop3A_288, %parallel_loop3A_289] {strides = array<i32>} : memref<16x768xf32, #tpu.memory_space<vmem>>, vector<1x16xf32>,
        %parallel_loop3A_291 = vector.shape_cast %parallel_loop3A_290 : vector<1x16xf32> to vector<16xf32>
        %parallel_loop3A_292 = arith.index_cast %parallel_loop3A_203 : i32 to index
        %parallel_loop3A_293 = arith.constant 96 : index
        %parallel_loop3A_294 = tpu.vector_load %arg13[%parallel_loop3A_292, %parallel_loop3A_293] {strides = array<i32>} : memref<16x768xf32, #tpu.memory_space<vmem>>, vector<1x16xf32>,
        %parallel_loop3A_295 = vector.shape_cast %parallel_loop3A_294 : vector<1x16xf32> to vector<16xf32>
        %parallel_loop3A_296 = arith.addf %parallel_loop3A_291, %parallel_loop3A_295 : vector<16xf32>
        %parallel_loop3A_297 = arith.index_cast %parallel_loop3A_203 : i32 to index
        %parallel_loop3A_298 = arith.constant 96 : index
        %parallel_loop3A_299 = tpu.vector_load %arg13[%parallel_loop3A_297, %parallel_loop3A_298] {strides = array<i32>} : memref<16x768xf32, #tpu.memory_space<vmem>>, vector<1x16xf32>,
        %parallel_loop3A_300 = vector.shape_cast %parallel_loop3A_299 : vector<1x16xf32> to vector<16xf32>
        %parallel_loop3A_301 = vector.shape_cast %parallel_loop3A_296 : vector<16xf32> to vector<1x16xf32>
        tpu.vector_store %arg13[%parallel_loop3A_297, %parallel_loop3A_298], %parallel_loop3A_301 {strides = array<i32>} : memref<16x768xf32, #tpu.memory_space<vmem>>, vector<1x16xf32>,
        %parallel_loop3A_302 = arith.index_cast %parallel_loop3A_203 : i32 to index
        %parallel_loop3A_303 = arith.constant 112 : index
        %parallel_loop3A_304 = tpu.vector_load %arg9[%parallel_loop3A_302, %parallel_loop3A_303] {strides = array<i32>} : memref<16x768xf32, #tpu.memory_space<vmem>>, vector<1x16xf32>,
        %parallel_loop3A_305 = vector.shape_cast %parallel_loop3A_304 : vector<1x16xf32> to vector<16xf32>
        %parallel_loop3A_306 = arith.index_cast %parallel_loop3A_203 : i32 to index
        %parallel_loop3A_307 = arith.constant 112 : index
        %parallel_loop3A_308 = tpu.vector_load %arg13[%parallel_loop3A_306, %parallel_loop3A_307] {strides = array<i32>} : memref<16x768xf32, #tpu.memory_space<vmem>>, vector<1x16xf32>,
        %parallel_loop3A_309 = vector.shape_cast %parallel_loop3A_308 : vector<1x16xf32> to vector<16xf32>
        %parallel_loop3A_310 = arith.addf %parallel_loop3A_305, %parallel_loop3A_309 : vector<16xf32>
        %parallel_loop3A_311 = arith.index_cast %parallel_loop3A_203 : i32 to index
        %parallel_loop3A_312 = arith.constant 112 : index
        %parallel_loop3A_313 = tpu.vector_load %arg13[%parallel_loop3A_311, %parallel_loop3A_312] {strides = array<i32>} : memref<16x768xf32, #tpu.memory_space<vmem>>, vector<1x16xf32>,
        %parallel_loop3A_314 = vector.shape_cast %parallel_loop3A_313 : vector<1x16xf32> to vector<16xf32>
        %parallel_loop3A_315 = vector.shape_cast %parallel_loop3A_310 : vector<16xf32> to vector<1x16xf32>
        tpu.vector_store %arg13[%parallel_loop3A_311, %parallel_loop3A_312], %parallel_loop3A_315 {strides = array<i32>} : memref<16x768xf32, #tpu.memory_space<vmem>>, vector<1x16xf32>,
        %parallel_loop3A_316 = arith.index_cast %parallel_loop3A_203 : i32 to index
        %parallel_loop3A_317 = arith.constant 128 : index
        %parallel_loop3A_318 = tpu.vector_load %arg9[%parallel_loop3A_316, %parallel_loop3A_317] {strides = array<i32>} : memref<16x768xf32, #tpu.memory_space<vmem>>, vector<1x16xf32>,
        %parallel_loop3A_319 = vector.shape_cast %parallel_loop3A_318 : vector<1x16xf32> to vector<16xf32>
        %parallel_loop3A_320 = arith.index_cast %parallel_loop3A_203 : i32 to index
        %parallel_loop3A_321 = arith.constant 128 : index
        %parallel_loop3A_322 = tpu.vector_load %arg13[%parallel_loop3A_320, %parallel_loop3A_321] {strides = array<i32>} : memref<16x768xf32, #tpu.memory_space<vmem>>, vector<1x16xf32>,
        %parallel_loop3A_323 = vector.shape_cast %parallel_loop3A_322 : vector<1x16xf32> to vector<16xf32>
        %parallel_loop3A_324 = arith.addf %parallel_loop3A_319, %parallel_loop3A_323 : vector<16xf32>
        %parallel_loop3A_325 = arith.index_cast %parallel_loop3A_203 : i32 to index
        %parallel_loop3A_326 = arith.constant 128 : index
        %parallel_loop3A_327 = tpu.vector_load %arg13[%parallel_loop3A_325, %parallel_loop3A_326] {strides = array<i32>} : memref<16x768xf32, #tpu.memory_space<vmem>>, vector<1x16xf32>,
        %parallel_loop3A_328 = vector.shape_cast %parallel_loop3A_327 : vector<1x16xf32> to vector<16xf32>
        %parallel_loop3A_329 = vector.shape_cast %parallel_loop3A_324 : vector<16xf32> to vector<1x16xf32>
        tpu.vector_store %arg13[%parallel_loop3A_325, %parallel_loop3A_326], %parallel_loop3A_329 {strides = array<i32>} : memref<16x768xf32, #tpu.memory_space<vmem>>, vector<1x16xf32>,
        %parallel_loop3A_330 = arith.index_cast %parallel_loop3A_203 : i32 to index
        %parallel_loop3A_331 = arith.constant 144 : index
        %parallel_loop3A_332 = tpu.vector_load %arg9[%parallel_loop3A_330, %parallel_loop3A_331] {strides = array<i32>} : memref<16x768xf32, #tpu.memory_space<vmem>>, vector<1x16xf32>,
        %parallel_loop3A_333 = vector.shape_cast %parallel_loop3A_332 : vector<1x16xf32> to vector<16xf32>
        %parallel_loop3A_334 = arith.index_cast %parallel_loop3A_203 : i32 to index
        %parallel_loop3A_335 = arith.constant 144 : index
        %parallel_loop3A_336 = tpu.vector_load %arg13[%parallel_loop3A_334, %parallel_loop3A_335] {strides = array<i32>} : memref<16x768xf32, #tpu.memory_space<vmem>>, vector<1x16xf32>,
        %parallel_loop3A_337 = vector.shape_cast %parallel_loop3A_336 : vector<1x16xf32> to vector<16xf32>
        %parallel_loop3A_338 = arith.addf %parallel_loop3A_333, %parallel_loop3A_337 : vector<16xf32>
        %parallel_loop3A_339 = arith.index_cast %parallel_loop3A_203 : i32 to index
        %parallel_loop3A_340 = arith.constant 144 : index
        %parallel_loop3A_341 = tpu.vector_load %arg13[%parallel_loop3A_339, %parallel_loop3A_340] {strides = array<i32>} : memref<16x768xf32, #tpu.memory_space<vmem>>, vector<1x16xf32>,
        %parallel_loop3A_342 = vector.shape_cast %parallel_loop3A_341 : vector<1x16xf32> to vector<16xf32>
        %parallel_loop3A_343 = vector.shape_cast %parallel_loop3A_338 : vector<16xf32> to vector<1x16xf32>
        tpu.vector_store %arg13[%parallel_loop3A_339, %parallel_loop3A_340], %parallel_loop3A_343 {strides = array<i32>} : memref<16x768xf32, #tpu.memory_space<vmem>>, vector<1x16xf32>,
        %parallel_loop3A_344 = arith.index_cast %parallel_loop3A_203 : i32 to index
        %parallel_loop3A_345 = arith.constant 160 : index
        %parallel_loop3A_346 = tpu.vector_load %arg9[%parallel_loop3A_344, %parallel_loop3A_345] {strides = array<i32>} : memref<16x768xf32, #tpu.memory_space<vmem>>, vector<1x16xf32>,
        %parallel_loop3A_347 = vector.shape_cast %parallel_loop3A_346 : vector<1x16xf32> to vector<16xf32>
        %parallel_loop3A_348 = arith.index_cast %parallel_loop3A_203 : i32 to index
        %parallel_loop3A_349 = arith.constant 160 : index
        %parallel_loop3A_350 = tpu.vector_load %arg13[%parallel_loop3A_348, %parallel_loop3A_349] {strides = array<i32>} : memref<16x768xf32, #tpu.memory_space<vmem>>, vector<1x16xf32>,
        %parallel_loop3A_351 = vector.shape_cast %parallel_loop3A_350 : vector<1x16xf32> to vector<16xf32>
        %parallel_loop3A_352 = arith.addf %parallel_loop3A_347, %parallel_loop3A_351 : vector<16xf32>
        %parallel_loop3A_353 = arith.index_cast %parallel_loop3A_203 : i32 to index
        %parallel_loop3A_354 = arith.constant 160 : index
        %parallel_loop3A_355 = tpu.vector_load %arg13[%parallel_loop3A_353, %parallel_loop3A_354] {strides = array<i32>} : memref<16x768xf32, #tpu.memory_space<vmem>>, vector<1x16xf32>,
        %parallel_loop3A_356 = vector.shape_cast %parallel_loop3A_355 : vector<1x16xf32> to vector<16xf32>
        %parallel_loop3A_357 = vector.shape_cast %parallel_loop3A_352 : vector<16xf32> to vector<1x16xf32>
        tpu.vector_store %arg13[%parallel_loop3A_353, %parallel_loop3A_354], %parallel_loop3A_357 {strides = array<i32>} : memref<16x768xf32, #tpu.memory_space<vmem>>, vector<1x16xf32>,
        %parallel_loop3A_358 = arith.index_cast %parallel_loop3A_203 : i32 to index
        %parallel_loop3A_359 = arith.constant 176 : index
        %parallel_loop3A_360 = tpu.vector_load %arg9[%parallel_loop3A_358, %parallel_loop3A_359] {strides = array<i32>} : memref<16x768xf32, #tpu.memory_space<vmem>>, vector<1x16xf32>,
        %parallel_loop3A_361 = vector.shape_cast %parallel_loop3A_360 : vector<1x16xf32> to vector<16xf32>
        %parallel_loop3A_362 = arith.index_cast %parallel_loop3A_203 : i32 to index
        %parallel_loop3A_363 = arith.constant 176 : index
        %parallel_loop3A_364 = tpu.vector_load %arg13[%parallel_loop3A_362, %parallel_loop3A_363] {strides = array<i32>} : memref<16x768xf32, #tpu.memory_space<vmem>>, vector<1x16xf32>,
        %parallel_loop3A_365 = vector.shape_cast %parallel_loop3A_364 : vector<1x16xf32> to vector<16xf32>
        %parallel_loop3A_366 = arith.addf %parallel_loop3A_361, %parallel_loop3A_365 : vector<16xf32>
        %parallel_loop3A_367 = arith.index_cast %parallel_loop3A_203 : i32 to index
        %parallel_loop3A_368 = arith.constant 176 : index
        %parallel_loop3A_369 = tpu.vector_load %arg13[%parallel_loop3A_367, %parallel_loop3A_368] {strides = array<i32>} : memref<16x768xf32, #tpu.memory_space<vmem>>, vector<1x16xf32>,
        %parallel_loop3A_370 = vector.shape_cast %parallel_loop3A_369 : vector<1x16xf32> to vector<16xf32>
        %parallel_loop3A_371 = vector.shape_cast %parallel_loop3A_366 : vector<16xf32> to vector<1x16xf32>
        tpu.vector_store %arg13[%parallel_loop3A_367, %parallel_loop3A_368], %parallel_loop3A_371 {strides = array<i32>} : memref<16x768xf32, #tpu.memory_space<vmem>>, vector<1x16xf32>,
        %parallel_loop3A_372 = arith.index_cast %parallel_loop3A_203 : i32 to index
        %parallel_loop3A_373 = arith.constant 192 : index
        %parallel_loop3A_374 = tpu.vector_load %arg9[%parallel_loop3A_372, %parallel_loop3A_373] {strides = array<i32>} : memref<16x768xf32, #tpu.memory_space<vmem>>, vector<1x16xf32>,
        %parallel_loop3A_375 = vector.shape_cast %parallel_loop3A_374 : vector<1x16xf32> to vector<16xf32>
        %parallel_loop3A_376 = arith.index_cast %parallel_loop3A_203 : i32 to index
        %parallel_loop3A_377 = arith.constant 192 : index
        %parallel_loop3A_378 = tpu.vector_load %arg13[%parallel_loop3A_376, %parallel_loop3A_377] {strides = array<i32>} : memref<16x768xf32, #tpu.memory_space<vmem>>, vector<1x16xf32>,
        %parallel_loop3A_379 = vector.shape_cast %parallel_loop3A_378 : vector<1x16xf32> to vector<16xf32>
        %parallel_loop3A_380 = arith.addf %parallel_loop3A_375, %parallel_loop3A_379 : vector<16xf32>
        %parallel_loop3A_381 = arith.index_cast %parallel_loop3A_203 : i32 to index
        %parallel_loop3A_382 = arith.constant 192 : index
        %parallel_loop3A_383 = tpu.vector_load %arg13[%parallel_loop3A_381, %parallel_loop3A_382] {strides = array<i32>} : memref<16x768xf32, #tpu.memory_space<vmem>>, vector<1x16xf32>,
        %parallel_loop3A_384 = vector.shape_cast %parallel_loop3A_383 : vector<1x16xf32> to vector<16xf32>
        %parallel_loop3A_385 = vector.shape_cast %parallel_loop3A_380 : vector<16xf32> to vector<1x16xf32>
        tpu.vector_store %arg13[%parallel_loop3A_381, %parallel_loop3A_382], %parallel_loop3A_385 {strides = array<i32>} : memref<16x768xf32, #tpu.memory_space<vmem>>, vector<1x16xf32>,
        %parallel_loop3A_386 = arith.index_cast %parallel_loop3A_203 : i32 to index
        %parallel_loop3A_387 = arith.constant 208 : index
        %parallel_loop3A_388 = tpu.vector_load %arg9[%parallel_loop3A_386, %parallel_loop3A_387] {strides = array<i32>} : memref<16x768xf32, #tpu.memory_space<vmem>>, vector<1x16xf32>,
        %parallel_loop3A_389 = vector.shape_cast %parallel_loop3A_388 : vector<1x16xf32> to vector<16xf32>
        %parallel_loop3A_390 = arith.index_cast %parallel_loop3A_203 : i32 to index
        %parallel_loop3A_391 = arith.constant 208 : index
        %parallel_loop3A_392 = tpu.vector_load %arg13[%parallel_loop3A_390, %parallel_loop3A_391] {strides = array<i32>} : memref<16x768xf32, #tpu.memory_space<vmem>>, vector<1x16xf32>,
        %parallel_loop3A_393 = vector.shape_cast %parallel_loop3A_392 : vector<1x16xf32> to vector<16xf32>
        %parallel_loop3A_394 = arith.addf %parallel_loop3A_389, %parallel_loop3A_393 : vector<16xf32>
        %parallel_loop3A_395 = arith.index_cast %parallel_loop3A_203 : i32 to index
        %parallel_loop3A_396 = arith.constant 208 : index
        %parallel_loop3A_397 = tpu.vector_load %arg13[%parallel_loop3A_395, %parallel_loop3A_396] {strides = array<i32>} : memref<16x768xf32, #tpu.memory_space<vmem>>, vector<1x16xf32>,
        %parallel_loop3A_398 = vector.shape_cast %parallel_loop3A_397 : vector<1x16xf32> to vector<16xf32>
        %parallel_loop3A_399 = vector.shape_cast %parallel_loop3A_394 : vector<16xf32> to vector<1x16xf32>
        tpu.vector_store %arg13[%parallel_loop3A_395, %parallel_loop3A_396], %parallel_loop3A_399 {strides = array<i32>} : memref<16x768xf32, #tpu.memory_space<vmem>>, vector<1x16xf32>,
        %parallel_loop3A_400 = arith.index_cast %parallel_loop3A_203 : i32 to index
        %parallel_loop3A_401 = arith.constant 224 : index
        %parallel_loop3A_402 = tpu.vector_load %arg9[%parallel_loop3A_400, %parallel_loop3A_401] {strides = array<i32>} : memref<16x768xf32, #tpu.memory_space<vmem>>, vector<1x16xf32>,
        %parallel_loop3A_403 = vector.shape_cast %parallel_loop3A_402 : vector<1x16xf32> to vector<16xf32>
        %parallel_loop3A_404 = arith.index_cast %parallel_loop3A_203 : i32 to index
        %parallel_loop3A_405 = arith.constant 224 : index
        %parallel_loop3A_406 = tpu.vector_load %arg13[%parallel_loop3A_404, %parallel_loop3A_405] {strides = array<i32>} : memref<16x768xf32, #tpu.memory_space<vmem>>, vector<1x16xf32>,
        %parallel_loop3A_407 = vector.shape_cast %parallel_loop3A_406 : vector<1x16xf32> to vector<16xf32>
        %parallel_loop3A_408 = arith.addf %parallel_loop3A_403, %parallel_loop3A_407 : vector<16xf32>
        %parallel_loop3A_409 = arith.index_cast %parallel_loop3A_203 : i32 to index
        %parallel_loop3A_410 = arith.constant 224 : index
        %parallel_loop3A_411 = tpu.vector_load %arg13[%parallel_loop3A_409, %parallel_loop3A_410] {strides = array<i32>} : memref<16x768xf32, #tpu.memory_space<vmem>>, vector<1x16xf32>,
        %parallel_loop3A_412 = vector.shape_cast %parallel_loop3A_411 : vector<1x16xf32> to vector<16xf32>
        %parallel_loop3A_413 = vector.shape_cast %parallel_loop3A_408 : vector<16xf32> to vector<1x16xf32>
        tpu.vector_store %arg13[%parallel_loop3A_409, %parallel_loop3A_410], %parallel_loop3A_413 {strides = array<i32>} : memref<16x768xf32, #tpu.memory_space<vmem>>, vector<1x16xf32>,
        %parallel_loop3A_414 = arith.index_cast %parallel_loop3A_203 : i32 to index
        %parallel_loop3A_415 = arith.constant 240 : index
        %parallel_loop3A_416 = tpu.vector_load %arg9[%parallel_loop3A_414, %parallel_loop3A_415] {strides = array<i32>} : memref<16x768xf32, #tpu.memory_space<vmem>>, vector<1x16xf32>,
        %parallel_loop3A_417 = vector.shape_cast %parallel_loop3A_416 : vector<1x16xf32> to vector<16xf32>
        %parallel_loop3A_418 = arith.index_cast %parallel_loop3A_203 : i32 to index
        %parallel_loop3A_419 = arith.constant 240 : index
        %parallel_loop3A_420 = tpu.vector_load %arg13[%parallel_loop3A_418, %parallel_loop3A_419] {strides = array<i32>} : memref<16x768xf32, #tpu.memory_space<vmem>>, vector<1x16xf32>,
        %parallel_loop3A_421 = vector.shape_cast %parallel_loop3A_420 : vector<1x16xf32> to vector<16xf32>
        %parallel_loop3A_422 = arith.addf %parallel_loop3A_417, %parallel_loop3A_421 : vector<16xf32>
        %parallel_loop3A_423 = arith.index_cast %parallel_loop3A_203 : i32 to index
        %parallel_loop3A_424 = arith.constant 240 : index
        %parallel_loop3A_425 = tpu.vector_load %arg13[%parallel_loop3A_423, %parallel_loop3A_424] {strides = array<i32>} : memref<16x768xf32, #tpu.memory_space<vmem>>, vector<1x16xf32>,
        %parallel_loop3A_426 = vector.shape_cast %parallel_loop3A_425 : vector<1x16xf32> to vector<16xf32>
        %parallel_loop3A_427 = vector.shape_cast %parallel_loop3A_422 : vector<16xf32> to vector<1x16xf32>
        tpu.vector_store %arg13[%parallel_loop3A_423, %parallel_loop3A_424], %parallel_loop3A_427 {strides = array<i32>} : memref<16x768xf32, #tpu.memory_space<vmem>>, vector<1x16xf32>,
        %parallel_loop3A_428 = arith.index_cast %parallel_loop3A_203 : i32 to index
        %parallel_loop3A_429 = arith.constant 256 : index
        %parallel_loop3A_430 = tpu.vector_load %arg9[%parallel_loop3A_428, %parallel_loop3A_429] {strides = array<i32>} : memref<16x768xf32, #tpu.memory_space<vmem>>, vector<1x16xf32>,
        %parallel_loop3A_431 = vector.shape_cast %parallel_loop3A_430 : vector<1x16xf32> to vector<16xf32>
        %parallel_loop3A_432 = arith.index_cast %parallel_loop3A_203 : i32 to index
        %parallel_loop3A_433 = arith.constant 256 : index
        %parallel_loop3A_434 = tpu.vector_load %arg13[%parallel_loop3A_432, %parallel_loop3A_433] {strides = array<i32>} : memref<16x768xf32, #tpu.memory_space<vmem>>, vector<1x16xf32>,
        %parallel_loop3A_435 = vector.shape_cast %parallel_loop3A_434 : vector<1x16xf32> to vector<16xf32>
        %parallel_loop3A_436 = arith.addf %parallel_loop3A_431, %parallel_loop3A_435 : vector<16xf32>
        %parallel_loop3A_437 = arith.index_cast %parallel_loop3A_203 : i32 to index
        %parallel_loop3A_438 = arith.constant 256 : index
        %parallel_loop3A_439 = tpu.vector_load %arg13[%parallel_loop3A_437, %parallel_loop3A_438] {strides = array<i32>} : memref<16x768xf32, #tpu.memory_space<vmem>>, vector<1x16xf32>,
        %parallel_loop3A_440 = vector.shape_cast %parallel_loop3A_439 : vector<1x16xf32> to vector<16xf32>
        %parallel_loop3A_441 = vector.shape_cast %parallel_loop3A_436 : vector<16xf32> to vector<1x16xf32>
        tpu.vector_store %arg13[%parallel_loop3A_437, %parallel_loop3A_438], %parallel_loop3A_441 {strides = array<i32>} : memref<16x768xf32, #tpu.memory_space<vmem>>, vector<1x16xf32>,
        %parallel_loop3A_442 = arith.index_cast %parallel_loop3A_203 : i32 to index
        %parallel_loop3A_443 = arith.constant 272 : index
        %parallel_loop3A_444 = tpu.vector_load %arg9[%parallel_loop3A_442, %parallel_loop3A_443] {strides = array<i32>} : memref<16x768xf32, #tpu.memory_space<vmem>>, vector<1x16xf32>,
        %parallel_loop3A_445 = vector.shape_cast %parallel_loop3A_444 : vector<1x16xf32> to vector<16xf32>
        %parallel_loop3A_446 = arith.index_cast %parallel_loop3A_203 : i32 to index
        %parallel_loop3A_447 = arith.constant 272 : index
        %parallel_loop3A_448 = tpu.vector_load %arg13[%parallel_loop3A_446, %parallel_loop3A_447] {strides = array<i32>} : memref<16x768xf32, #tpu.memory_space<vmem>>, vector<1x16xf32>,
        %parallel_loop3A_449 = vector.shape_cast %parallel_loop3A_448 : vector<1x16xf32> to vector<16xf32>
        %parallel_loop3A_450 = arith.addf %parallel_loop3A_445, %parallel_loop3A_449 : vector<16xf32>
        %parallel_loop3A_451 = arith.index_cast %parallel_loop3A_203 : i32 to index
        %parallel_loop3A_452 = arith.constant 272 : index
        %parallel_loop3A_453 = tpu.vector_load %arg13[%parallel_loop3A_451, %parallel_loop3A_452] {strides = array<i32>} : memref<16x768xf32, #tpu.memory_space<vmem>>, vector<1x16xf32>,
        %parallel_loop3A_454 = vector.shape_cast %parallel_loop3A_453 : vector<1x16xf32> to vector<16xf32>
        %parallel_loop3A_455 = vector.shape_cast %parallel_loop3A_450 : vector<16xf32> to vector<1x16xf32>
        tpu.vector_store %arg13[%parallel_loop3A_451, %parallel_loop3A_452], %parallel_loop3A_455 {strides = array<i32>} : memref<16x768xf32, #tpu.memory_space<vmem>>, vector<1x16xf32>,
        %parallel_loop3A_456 = arith.index_cast %parallel_loop3A_203 : i32 to index
        %parallel_loop3A_457 = arith.constant 288 : index
        %parallel_loop3A_458 = tpu.vector_load %arg9[%parallel_loop3A_456, %parallel_loop3A_457] {strides = array<i32>} : memref<16x768xf32, #tpu.memory_space<vmem>>, vector<1x16xf32>,
        %parallel_loop3A_459 = vector.shape_cast %parallel_loop3A_458 : vector<1x16xf32> to vector<16xf32>
        %parallel_loop3A_460 = arith.index_cast %parallel_loop3A_203 : i32 to index
        %parallel_loop3A_461 = arith.constant 288 : index
        %parallel_loop3A_462 = tpu.vector_load %arg13[%parallel_loop3A_460, %parallel_loop3A_461] {strides = array<i32>} : memref<16x768xf32, #tpu.memory_space<vmem>>, vector<1x16xf32>,
        %parallel_loop3A_463 = vector.shape_cast %parallel_loop3A_462 : vector<1x16xf32> to vector<16xf32>
        %parallel_loop3A_464 = arith.addf %parallel_loop3A_459, %parallel_loop3A_463 : vector<16xf32>
        %parallel_loop3A_465 = arith.index_cast %parallel_loop3A_203 : i32 to index
        %parallel_loop3A_466 = arith.constant 288 : index
        %parallel_loop3A_467 = tpu.vector_load %arg13[%parallel_loop3A_465, %parallel_loop3A_466] {strides = array<i32>} : memref<16x768xf32, #tpu.memory_space<vmem>>, vector<1x16xf32>,
        %parallel_loop3A_468 = vector.shape_cast %parallel_loop3A_467 : vector<1x16xf32> to vector<16xf32>
        %parallel_loop3A_469 = vector.shape_cast %parallel_loop3A_464 : vector<16xf32> to vector<1x16xf32>
        tpu.vector_store %arg13[%parallel_loop3A_465, %parallel_loop3A_466], %parallel_loop3A_469 {strides = array<i32>} : memref<16x768xf32, #tpu.memory_space<vmem>>, vector<1x16xf32>,
        %parallel_loop3A_470 = arith.index_cast %parallel_loop3A_203 : i32 to index
        %parallel_loop3A_471 = arith.constant 304 : index
        %parallel_loop3A_472 = tpu.vector_load %arg9[%parallel_loop3A_470, %parallel_loop3A_471] {strides = array<i32>} : memref<16x768xf32, #tpu.memory_space<vmem>>, vector<1x16xf32>,
        %parallel_loop3A_473 = vector.shape_cast %parallel_loop3A_472 : vector<1x16xf32> to vector<16xf32>
        %parallel_loop3A_474 = arith.index_cast %parallel_loop3A_203 : i32 to index
        %parallel_loop3A_475 = arith.constant 304 : index
        %parallel_loop3A_476 = tpu.vector_load %arg13[%parallel_loop3A_474, %parallel_loop3A_475] {strides = array<i32>} : memref<16x768xf32, #tpu.memory_space<vmem>>, vector<1x16xf32>,
        %parallel_loop3A_477 = vector.shape_cast %parallel_loop3A_476 : vector<1x16xf32> to vector<16xf32>
        %parallel_loop3A_478 = arith.addf %parallel_loop3A_473, %parallel_loop3A_477 : vector<16xf32>
        %parallel_loop3A_479 = arith.index_cast %parallel_loop3A_203 : i32 to index
        %parallel_loop3A_480 = arith.constant 304 : index
        %parallel_loop3A_481 = tpu.vector_load %arg13[%parallel_loop3A_479, %parallel_loop3A_480] {strides = array<i32>} : memref<16x768xf32, #tpu.memory_space<vmem>>, vector<1x16xf32>,
        %parallel_loop3A_482 = vector.shape_cast %parallel_loop3A_481 : vector<1x16xf32> to vector<16xf32>
        %parallel_loop3A_483 = vector.shape_cast %parallel_loop3A_478 : vector<16xf32> to vector<1x16xf32>
        tpu.vector_store %arg13[%parallel_loop3A_479, %parallel_loop3A_480], %parallel_loop3A_483 {strides = array<i32>} : memref<16x768xf32, #tpu.memory_space<vmem>>, vector<1x16xf32>,
        %parallel_loop3A_484 = arith.index_cast %parallel_loop3A_203 : i32 to index
        %parallel_loop3A_485 = arith.constant 320 : index
        %parallel_loop3A_486 = tpu.vector_load %arg9[%parallel_loop3A_484, %parallel_loop3A_485] {strides = array<i32>} : memref<16x768xf32, #tpu.memory_space<vmem>>, vector<1x16xf32>,
        %parallel_loop3A_487 = vector.shape_cast %parallel_loop3A_486 : vector<1x16xf32> to vector<16xf32>
        %parallel_loop3A_488 = arith.index_cast %parallel_loop3A_203 : i32 to index
        %parallel_loop3A_489 = arith.constant 320 : index
        %parallel_loop3A_490 = tpu.vector_load %arg13[%parallel_loop3A_488, %parallel_loop3A_489] {strides = array<i32>} : memref<16x768xf32, #tpu.memory_space<vmem>>, vector<1x16xf32>,
        %parallel_loop3A_491 = vector.shape_cast %parallel_loop3A_490 : vector<1x16xf32> to vector<16xf32>
        %parallel_loop3A_492 = arith.addf %parallel_loop3A_487, %parallel_loop3A_491 : vector<16xf32>
        %parallel_loop3A_493 = arith.index_cast %parallel_loop3A_203 : i32 to index
        %parallel_loop3A_494 = arith.constant 320 : index
        %parallel_loop3A_495 = tpu.vector_load %arg13[%parallel_loop3A_493, %parallel_loop3A_494] {strides = array<i32>} : memref<16x768xf32, #tpu.memory_space<vmem>>, vector<1x16xf32>,
        %parallel_loop3A_496 = vector.shape_cast %parallel_loop3A_495 : vector<1x16xf32> to vector<16xf32>
        %parallel_loop3A_497 = vector.shape_cast %parallel_loop3A_492 : vector<16xf32> to vector<1x16xf32>
        tpu.vector_store %arg13[%parallel_loop3A_493, %parallel_loop3A_494], %parallel_loop3A_497 {strides = array<i32>} : memref<16x768xf32, #tpu.memory_space<vmem>>, vector<1x16xf32>,
        %parallel_loop3A_498 = arith.index_cast %parallel_loop3A_203 : i32 to index
        %parallel_loop3A_499 = arith.constant 336 : index
        %parallel_loop3A_500 = tpu.vector_load %arg9[%parallel_loop3A_498, %parallel_loop3A_499] {strides = array<i32>} : memref<16x768xf32, #tpu.memory_space<vmem>>, vector<1x16xf32>,
        %parallel_loop3A_501 = vector.shape_cast %parallel_loop3A_500 : vector<1x16xf32> to vector<16xf32>
        %parallel_loop3A_502 = arith.index_cast %parallel_loop3A_203 : i32 to index
        %parallel_loop3A_503 = arith.constant 336 : index
        %parallel_loop3A_504 = tpu.vector_load %arg13[%parallel_loop3A_502, %parallel_loop3A_503] {strides = array<i32>} : memref<16x768xf32, #tpu.memory_space<vmem>>, vector<1x16xf32>,
        %parallel_loop3A_505 = vector.shape_cast %parallel_loop3A_504 : vector<1x16xf32> to vector<16xf32>
        %parallel_loop3A_506 = arith.addf %parallel_loop3A_501, %parallel_loop3A_505 : vector<16xf32>
        %parallel_loop3A_507 = arith.index_cast %parallel_loop3A_203 : i32 to index
        %parallel_loop3A_508 = arith.constant 336 : index
        %parallel_loop3A_509 = tpu.vector_load %arg13[%parallel_loop3A_507, %parallel_loop3A_508] {strides = array<i32>} : memref<16x768xf32, #tpu.memory_space<vmem>>, vector<1x16xf32>,
        %parallel_loop3A_510 = vector.shape_cast %parallel_loop3A_509 : vector<1x16xf32> to vector<16xf32>
        %parallel_loop3A_511 = vector.shape_cast %parallel_loop3A_506 : vector<16xf32> to vector<1x16xf32>
        tpu.vector_store %arg13[%parallel_loop3A_507, %parallel_loop3A_508], %parallel_loop3A_511 {strides = array<i32>} : memref<16x768xf32, #tpu.memory_space<vmem>>, vector<1x16xf32>,
        %parallel_loop3A_512 = arith.index_cast %parallel_loop3A_203 : i32 to index
        %parallel_loop3A_513 = arith.constant 352 : index
        %parallel_loop3A_514 = tpu.vector_load %arg9[%parallel_loop3A_512, %parallel_loop3A_513] {strides = array<i32>} : memref<16x768xf32, #tpu.memory_space<vmem>>, vector<1x16xf32>,
        %parallel_loop3A_515 = vector.shape_cast %parallel_loop3A_514 : vector<1x16xf32> to vector<16xf32>
        %parallel_loop3A_516 = arith.index_cast %parallel_loop3A_203 : i32 to index
        %parallel_loop3A_517 = arith.constant 352 : index
        %parallel_loop3A_518 = tpu.vector_load %arg13[%parallel_loop3A_516, %parallel_loop3A_517] {strides = array<i32>} : memref<16x768xf32, #tpu.memory_space<vmem>>, vector<1x16xf32>,
        %parallel_loop3A_519 = vector.shape_cast %parallel_loop3A_518 : vector<1x16xf32> to vector<16xf32>
        %parallel_loop3A_520 = arith.addf %parallel_loop3A_515, %parallel_loop3A_519 : vector<16xf32>
        %parallel_loop3A_521 = arith.index_cast %parallel_loop3A_203 : i32 to index
        %parallel_loop3A_522 = arith.constant 352 : index
        %parallel_loop3A_523 = tpu.vector_load %arg13[%parallel_loop3A_521, %parallel_loop3A_522] {strides = array<i32>} : memref<16x768xf32, #tpu.memory_space<vmem>>, vector<1x16xf32>,
        %parallel_loop3A_524 = vector.shape_cast %parallel_loop3A_523 : vector<1x16xf32> to vector<16xf32>
        %parallel_loop3A_525 = vector.shape_cast %parallel_loop3A_520 : vector<16xf32> to vector<1x16xf32>
        tpu.vector_store %arg13[%parallel_loop3A_521, %parallel_loop3A_522], %parallel_loop3A_525 {strides = array<i32>} : memref<16x768xf32, #tpu.memory_space<vmem>>, vector<1x16xf32>,
        %parallel_loop3A_526 = arith.index_cast %parallel_loop3A_203 : i32 to index
        %parallel_loop3A_527 = arith.constant 368 : index
        %parallel_loop3A_528 = tpu.vector_load %arg9[%parallel_loop3A_526, %parallel_loop3A_527] {strides = array<i32>} : memref<16x768xf32, #tpu.memory_space<vmem>>, vector<1x16xf32>,
        %parallel_loop3A_529 = vector.shape_cast %parallel_loop3A_528 : vector<1x16xf32> to vector<16xf32>
        %parallel_loop3A_530 = arith.index_cast %parallel_loop3A_203 : i32 to index
        %parallel_loop3A_531 = arith.constant 368 : index
        %parallel_loop3A_532 = tpu.vector_load %arg13[%parallel_loop3A_530, %parallel_loop3A_531] {strides = array<i32>} : memref<16x768xf32, #tpu.memory_space<vmem>>, vector<1x16xf32>,
        %parallel_loop3A_533 = vector.shape_cast %parallel_loop3A_532 : vector<1x16xf32> to vector<16xf32>
        %parallel_loop3A_534 = arith.addf %parallel_loop3A_529, %parallel_loop3A_533 : vector<16xf32>
        %parallel_loop3A_535 = arith.index_cast %parallel_loop3A_203 : i32 to index
        %parallel_loop3A_536 = arith.constant 368 : index
        %parallel_loop3A_537 = tpu.vector_load %arg13[%parallel_loop3A_535, %parallel_loop3A_536] {strides = array<i32>} : memref<16x768xf32, #tpu.memory_space<vmem>>, vector<1x16xf32>,
        %parallel_loop3A_538 = vector.shape_cast %parallel_loop3A_537 : vector<1x16xf32> to vector<16xf32>
        %parallel_loop3A_539 = vector.shape_cast %parallel_loop3A_534 : vector<16xf32> to vector<1x16xf32>
        tpu.vector_store %arg13[%parallel_loop3A_535, %parallel_loop3A_536], %parallel_loop3A_539 {strides = array<i32>} : memref<16x768xf32, #tpu.memory_space<vmem>>, vector<1x16xf32>,
        %parallel_loop3A_540 = arith.index_cast %parallel_loop3A_203 : i32 to index
        %parallel_loop3A_541 = arith.constant 384 : index
        %parallel_loop3A_542 = tpu.vector_load %arg9[%parallel_loop3A_540, %parallel_loop3A_541] {strides = array<i32>} : memref<16x768xf32, #tpu.memory_space<vmem>>, vector<1x16xf32>,
        %parallel_loop3A_543 = vector.shape_cast %parallel_loop3A_542 : vector<1x16xf32> to vector<16xf32>
        %parallel_loop3A_544 = arith.index_cast %parallel_loop3A_203 : i32 to index
        %parallel_loop3A_545 = arith.constant 384 : index
        %parallel_loop3A_546 = tpu.vector_load %arg13[%parallel_loop3A_544, %parallel_loop3A_545] {strides = array<i32>} : memref<16x768xf32, #tpu.memory_space<vmem>>, vector<1x16xf32>,
        %parallel_loop3A_547 = vector.shape_cast %parallel_loop3A_546 : vector<1x16xf32> to vector<16xf32>
        %parallel_loop3A_548 = arith.addf %parallel_loop3A_543, %parallel_loop3A_547 : vector<16xf32>
        %parallel_loop3A_549 = arith.index_cast %parallel_loop3A_203 : i32 to index
        %parallel_loop3A_550 = arith.constant 384 : index
        %parallel_loop3A_551 = tpu.vector_load %arg13[%parallel_loop3A_549, %parallel_loop3A_550] {strides = array<i32>} : memref<16x768xf32, #tpu.memory_space<vmem>>, vector<1x16xf32>,
        %parallel_loop3A_552 = vector.shape_cast %parallel_loop3A_551 : vector<1x16xf32> to vector<16xf32>
        %parallel_loop3A_553 = vector.shape_cast %parallel_loop3A_548 : vector<16xf32> to vector<1x16xf32>
        tpu.vector_store %arg13[%parallel_loop3A_549, %parallel_loop3A_550], %parallel_loop3A_553 {strides = array<i32>} : memref<16x768xf32, #tpu.memory_space<vmem>>, vector<1x16xf32>,
        %parallel_loop3A_554 = arith.index_cast %parallel_loop3A_203 : i32 to index
        %parallel_loop3A_555 = arith.constant 400 : index
        %parallel_loop3A_556 = tpu.vector_load %arg9[%parallel_loop3A_554, %parallel_loop3A_555] {strides = array<i32>} : memref<16x768xf32, #tpu.memory_space<vmem>>, vector<1x16xf32>,
        %parallel_loop3A_557 = vector.shape_cast %parallel_loop3A_556 : vector<1x16xf32> to vector<16xf32>
        %parallel_loop3A_558 = arith.index_cast %parallel_loop3A_203 : i32 to index
        %parallel_loop3A_559 = arith.constant 400 : index
        %parallel_loop3A_560 = tpu.vector_load %arg13[%parallel_loop3A_558, %parallel_loop3A_559] {strides = array<i32>} : memref<16x768xf32, #tpu.memory_space<vmem>>, vector<1x16xf32>,
        %parallel_loop3A_561 = vector.shape_cast %parallel_loop3A_560 : vector<1x16xf32> to vector<16xf32>
        %parallel_loop3A_562 = arith.addf %parallel_loop3A_557, %parallel_loop3A_561 : vector<16xf32>
        %parallel_loop3A_563 = arith.index_cast %parallel_loop3A_203 : i32 to index
        %parallel_loop3A_564 = arith.constant 400 : index
        %parallel_loop3A_565 = tpu.vector_load %arg13[%parallel_loop3A_563, %parallel_loop3A_564] {strides = array<i32>} : memref<16x768xf32, #tpu.memory_space<vmem>>, vector<1x16xf32>,
        %parallel_loop3A_566 = vector.shape_cast %parallel_loop3A_565 : vector<1x16xf32> to vector<16xf32>
        %parallel_loop3A_567 = vector.shape_cast %parallel_loop3A_562 : vector<16xf32> to vector<1x16xf32>
        tpu.vector_store %arg13[%parallel_loop3A_563, %parallel_loop3A_564], %parallel_loop3A_567 {strides = array<i32>} : memref<16x768xf32, #tpu.memory_space<vmem>>, vector<1x16xf32>,
        %parallel_loop3A_568 = arith.index_cast %parallel_loop3A_203 : i32 to index
        %parallel_loop3A_569 = arith.constant 416 : index
        %parallel_loop3A_570 = tpu.vector_load %arg9[%parallel_loop3A_568, %parallel_loop3A_569] {strides = array<i32>} : memref<16x768xf32, #tpu.memory_space<vmem>>, vector<1x16xf32>,
        %parallel_loop3A_571 = vector.shape_cast %parallel_loop3A_570 : vector<1x16xf32> to vector<16xf32>
        %parallel_loop3A_572 = arith.index_cast %parallel_loop3A_203 : i32 to index
        %parallel_loop3A_573 = arith.constant 416 : index
        %parallel_loop3A_574 = tpu.vector_load %arg13[%parallel_loop3A_572, %parallel_loop3A_573] {strides = array<i32>} : memref<16x768xf32, #tpu.memory_space<vmem>>, vector<1x16xf32>,
        %parallel_loop3A_575 = vector.shape_cast %parallel_loop3A_574 : vector<1x16xf32> to vector<16xf32>
        %parallel_loop3A_576 = arith.addf %parallel_loop3A_571, %parallel_loop3A_575 : vector<16xf32>
        %parallel_loop3A_577 = arith.index_cast %parallel_loop3A_203 : i32 to index
        %parallel_loop3A_578 = arith.constant 416 : index
        %parallel_loop3A_579 = tpu.vector_load %arg13[%parallel_loop3A_577, %parallel_loop3A_578] {strides = array<i32>} : memref<16x768xf32, #tpu.memory_space<vmem>>, vector<1x16xf32>,
        %parallel_loop3A_580 = vector.shape_cast %parallel_loop3A_579 : vector<1x16xf32> to vector<16xf32>
        %parallel_loop3A_581 = vector.shape_cast %parallel_loop3A_576 : vector<16xf32> to vector<1x16xf32>
        tpu.vector_store %arg13[%parallel_loop3A_577, %parallel_loop3A_578], %parallel_loop3A_581 {strides = array<i32>} : memref<16x768xf32, #tpu.memory_space<vmem>>, vector<1x16xf32>,
        %parallel_loop3A_582 = arith.index_cast %parallel_loop3A_203 : i32 to index
        %parallel_loop3A_583 = arith.constant 432 : index
        %parallel_loop3A_584 = tpu.vector_load %arg9[%parallel_loop3A_582, %parallel_loop3A_583] {strides = array<i32>} : memref<16x768xf32, #tpu.memory_space<vmem>>, vector<1x16xf32>,
        %parallel_loop3A_585 = vector.shape_cast %parallel_loop3A_584 : vector<1x16xf32> to vector<16xf32>
        %parallel_loop3A_586 = arith.index_cast %parallel_loop3A_203 : i32 to index
        %parallel_loop3A_587 = arith.constant 432 : index
        %parallel_loop3A_588 = tpu.vector_load %arg13[%parallel_loop3A_586, %parallel_loop3A_587] {strides = array<i32>} : memref<16x768xf32, #tpu.memory_space<vmem>>, vector<1x16xf32>,
        %parallel_loop3A_589 = vector.shape_cast %parallel_loop3A_588 : vector<1x16xf32> to vector<16xf32>
        %parallel_loop3A_590 = arith.addf %parallel_loop3A_585, %parallel_loop3A_589 : vector<16xf32>
        %parallel_loop3A_591 = arith.index_cast %parallel_loop3A_203 : i32 to index
        %parallel_loop3A_592 = arith.constant 432 : index
        %parallel_loop3A_593 = tpu.vector_load %arg13[%parallel_loop3A_591, %parallel_loop3A_592] {strides = array<i32>} : memref<16x768xf32, #tpu.memory_space<vmem>>, vector<1x16xf32>,
        %parallel_loop3A_594 = vector.shape_cast %parallel_loop3A_593 : vector<1x16xf32> to vector<16xf32>
        %parallel_loop3A_595 = vector.shape_cast %parallel_loop3A_590 : vector<16xf32> to vector<1x16xf32>
        tpu.vector_store %arg13[%parallel_loop3A_591, %parallel_loop3A_592], %parallel_loop3A_595 {strides = array<i32>} : memref<16x768xf32, #tpu.memory_space<vmem>>, vector<1x16xf32>,
        %parallel_loop3A_596 = arith.index_cast %parallel_loop3A_203 : i32 to index
        %parallel_loop3A_597 = arith.constant 448 : index
        %parallel_loop3A_598 = tpu.vector_load %arg9[%parallel_loop3A_596, %parallel_loop3A_597] {strides = array<i32>} : memref<16x768xf32, #tpu.memory_space<vmem>>, vector<1x16xf32>,
        %parallel_loop3A_599 = vector.shape_cast %parallel_loop3A_598 : vector<1x16xf32> to vector<16xf32>
        %parallel_loop3A_600 = arith.index_cast %parallel_loop3A_203 : i32 to index
        %parallel_loop3A_601 = arith.constant 448 : index
        %parallel_loop3A_602 = tpu.vector_load %arg13[%parallel_loop3A_600, %parallel_loop3A_601] {strides = array<i32>} : memref<16x768xf32, #tpu.memory_space<vmem>>, vector<1x16xf32>,
        %parallel_loop3A_603 = vector.shape_cast %parallel_loop3A_602 : vector<1x16xf32> to vector<16xf32>
        %parallel_loop3A_604 = arith.addf %parallel_loop3A_599, %parallel_loop3A_603 : vector<16xf32>
        %parallel_loop3A_605 = arith.index_cast %parallel_loop3A_203 : i32 to index
        %parallel_loop3A_606 = arith.constant 448 : index
        %parallel_loop3A_607 = tpu.vector_load %arg13[%parallel_loop3A_605, %parallel_loop3A_606] {strides = array<i32>} : memref<16x768xf32, #tpu.memory_space<vmem>>, vector<1x16xf32>,
        %parallel_loop3A_608 = vector.shape_cast %parallel_loop3A_607 : vector<1x16xf32> to vector<16xf32>
        %parallel_loop3A_609 = vector.shape_cast %parallel_loop3A_604 : vector<16xf32> to vector<1x16xf32>
        tpu.vector_store %arg13[%parallel_loop3A_605, %parallel_loop3A_606], %parallel_loop3A_609 {strides = array<i32>} : memref<16x768xf32, #tpu.memory_space<vmem>>, vector<1x16xf32>,
        %parallel_loop3A_610 = arith.index_cast %parallel_loop3A_203 : i32 to index
        %parallel_loop3A_611 = arith.constant 464 : index
        %parallel_loop3A_612 = tpu.vector_load %arg9[%parallel_loop3A_610, %parallel_loop3A_611] {strides = array<i32>} : memref<16x768xf32, #tpu.memory_space<vmem>>, vector<1x16xf32>,
        %parallel_loop3A_613 = vector.shape_cast %parallel_loop3A_612 : vector<1x16xf32> to vector<16xf32>
        %parallel_loop3A_614 = arith.index_cast %parallel_loop3A_203 : i32 to index
        %parallel_loop3A_615 = arith.constant 464 : index
        %parallel_loop3A_616 = tpu.vector_load %arg13[%parallel_loop3A_614, %parallel_loop3A_615] {strides = array<i32>} : memref<16x768xf32, #tpu.memory_space<vmem>>, vector<1x16xf32>,
        %parallel_loop3A_617 = vector.shape_cast %parallel_loop3A_616 : vector<1x16xf32> to vector<16xf32>
        %parallel_loop3A_618 = arith.addf %parallel_loop3A_613, %parallel_loop3A_617 : vector<16xf32>
        %parallel_loop3A_619 = arith.index_cast %parallel_loop3A_203 : i32 to index
        %parallel_loop3A_620 = arith.constant 464 : index
        %parallel_loop3A_621 = tpu.vector_load %arg13[%parallel_loop3A_619, %parallel_loop3A_620] {strides = array<i32>} : memref<16x768xf32, #tpu.memory_space<vmem>>, vector<1x16xf32>,
        %parallel_loop3A_622 = vector.shape_cast %parallel_loop3A_621 : vector<1x16xf32> to vector<16xf32>
        %parallel_loop3A_623 = vector.shape_cast %parallel_loop3A_618 : vector<16xf32> to vector<1x16xf32>
        tpu.vector_store %arg13[%parallel_loop3A_619, %parallel_loop3A_620], %parallel_loop3A_623 {strides = array<i32>} : memref<16x768xf32, #tpu.memory_space<vmem>>, vector<1x16xf32>,
        %parallel_loop3A_624 = arith.index_cast %parallel_loop3A_203 : i32 to index
        %parallel_loop3A_625 = arith.constant 480 : index
        %parallel_loop3A_626 = tpu.vector_load %arg9[%parallel_loop3A_624, %parallel_loop3A_625] {strides = array<i32>} : memref<16x768xf32, #tpu.memory_space<vmem>>, vector<1x16xf32>,
        %parallel_loop3A_627 = vector.shape_cast %parallel_loop3A_626 : vector<1x16xf32> to vector<16xf32>
        %parallel_loop3A_628 = arith.index_cast %parallel_loop3A_203 : i32 to index
        %parallel_loop3A_629 = arith.constant 480 : index
        %parallel_loop3A_630 = tpu.vector_load %arg13[%parallel_loop3A_628, %parallel_loop3A_629] {strides = array<i32>} : memref<16x768xf32, #tpu.memory_space<vmem>>, vector<1x16xf32>,
        %parallel_loop3A_631 = vector.shape_cast %parallel_loop3A_630 : vector<1x16xf32> to vector<16xf32>
        %parallel_loop3A_632 = arith.addf %parallel_loop3A_627, %parallel_loop3A_631 : vector<16xf32>
        %parallel_loop3A_633 = arith.index_cast %parallel_loop3A_203 : i32 to index
        %parallel_loop3A_634 = arith.constant 480 : index
        %parallel_loop3A_635 = tpu.vector_load %arg13[%parallel_loop3A_633, %parallel_loop3A_634] {strides = array<i32>} : memref<16x768xf32, #tpu.memory_space<vmem>>, vector<1x16xf32>,
        %parallel_loop3A_636 = vector.shape_cast %parallel_loop3A_635 : vector<1x16xf32> to vector<16xf32>
        %parallel_loop3A_637 = vector.shape_cast %parallel_loop3A_632 : vector<16xf32> to vector<1x16xf32>
        tpu.vector_store %arg13[%parallel_loop3A_633, %parallel_loop3A_634], %parallel_loop3A_637 {strides = array<i32>} : memref<16x768xf32, #tpu.memory_space<vmem>>, vector<1x16xf32>,
        %parallel_loop3A_638 = arith.index_cast %parallel_loop3A_203 : i32 to index
        %parallel_loop3A_639 = arith.constant 496 : index
        %parallel_loop3A_640 = tpu.vector_load %arg9[%parallel_loop3A_638, %parallel_loop3A_639] {strides = array<i32>} : memref<16x768xf32, #tpu.memory_space<vmem>>, vector<1x16xf32>,
        %parallel_loop3A_641 = vector.shape_cast %parallel_loop3A_640 : vector<1x16xf32> to vector<16xf32>
        %parallel_loop3A_642 = arith.index_cast %parallel_loop3A_203 : i32 to index
        %parallel_loop3A_643 = arith.constant 496 : index
        %parallel_loop3A_644 = tpu.vector_load %arg13[%parallel_loop3A_642, %parallel_loop3A_643] {strides = array<i32>} : memref<16x768xf32, #tpu.memory_space<vmem>>, vector<1x16xf32>,
        %parallel_loop3A_645 = vector.shape_cast %parallel_loop3A_644 : vector<1x16xf32> to vector<16xf32>
        %parallel_loop3A_646 = arith.addf %parallel_loop3A_641, %parallel_loop3A_645 : vector<16xf32>
        %parallel_loop3A_647 = arith.index_cast %parallel_loop3A_203 : i32 to index
        %parallel_loop3A_648 = arith.constant 496 : index
        %parallel_loop3A_649 = tpu.vector_load %arg13[%parallel_loop3A_647, %parallel_loop3A_648] {strides = array<i32>} : memref<16x768xf32, #tpu.memory_space<vmem>>, vector<1x16xf32>,
        %parallel_loop3A_650 = vector.shape_cast %parallel_loop3A_649 : vector<1x16xf32> to vector<16xf32>
        %parallel_loop3A_651 = vector.shape_cast %parallel_loop3A_646 : vector<16xf32> to vector<1x16xf32>
        tpu.vector_store %arg13[%parallel_loop3A_647, %parallel_loop3A_648], %parallel_loop3A_651 {strides = array<i32>} : memref<16x768xf32, #tpu.memory_space<vmem>>, vector<1x16xf32>,
        %parallel_loop3A_652 = arith.index_cast %parallel_loop3A_203 : i32 to index
        %parallel_loop3A_653 = arith.constant 512 : index
        %parallel_loop3A_654 = tpu.vector_load %arg9[%parallel_loop3A_652, %parallel_loop3A_653] {strides = array<i32>} : memref<16x768xf32, #tpu.memory_space<vmem>>, vector<1x16xf32>,
        %parallel_loop3A_655 = vector.shape_cast %parallel_loop3A_654 : vector<1x16xf32> to vector<16xf32>
        %parallel_loop3A_656 = arith.index_cast %parallel_loop3A_203 : i32 to index
        %parallel_loop3A_657 = arith.constant 512 : index
        %parallel_loop3A_658 = tpu.vector_load %arg13[%parallel_loop3A_656, %parallel_loop3A_657] {strides = array<i32>} : memref<16x768xf32, #tpu.memory_space<vmem>>, vector<1x16xf32>,
        %parallel_loop3A_659 = vector.shape_cast %parallel_loop3A_658 : vector<1x16xf32> to vector<16xf32>
        %parallel_loop3A_660 = arith.addf %parallel_loop3A_655, %parallel_loop3A_659 : vector<16xf32>
        %parallel_loop3A_661 = arith.index_cast %parallel_loop3A_203 : i32 to index
        %parallel_loop3A_662 = arith.constant 512 : index
        %parallel_loop3A_663 = tpu.vector_load %arg13[%parallel_loop3A_661, %parallel_loop3A_662] {strides = array<i32>} : memref<16x768xf32, #tpu.memory_space<vmem>>, vector<1x16xf32>,
        %parallel_loop3A_664 = vector.shape_cast %parallel_loop3A_663 : vector<1x16xf32> to vector<16xf32>
        %parallel_loop3A_665 = vector.shape_cast %parallel_loop3A_660 : vector<16xf32> to vector<1x16xf32>
        tpu.vector_store %arg13[%parallel_loop3A_661, %parallel_loop3A_662], %parallel_loop3A_665 {strides = array<i32>} : memref<16x768xf32, #tpu.memory_space<vmem>>, vector<1x16xf32>,
        %parallel_loop3A_666 = arith.index_cast %parallel_loop3A_203 : i32 to index
        %parallel_loop3A_667 = arith.constant 528 : index
        %parallel_loop3A_668 = tpu.vector_load %arg9[%parallel_loop3A_666, %parallel_loop3A_667] {strides = array<i32>} : memref<16x768xf32, #tpu.memory_space<vmem>>, vector<1x16xf32>,
        %parallel_loop3A_669 = vector.shape_cast %parallel_loop3A_668 : vector<1x16xf32> to vector<16xf32>
        %parallel_loop3A_670 = arith.index_cast %parallel_loop3A_203 : i32 to index
        %parallel_loop3A_671 = arith.constant 528 : index
        %parallel_loop3A_672 = tpu.vector_load %arg13[%parallel_loop3A_670, %parallel_loop3A_671] {strides = array<i32>} : memref<16x768xf32, #tpu.memory_space<vmem>>, vector<1x16xf32>,
        %parallel_loop3A_673 = vector.shape_cast %parallel_loop3A_672 : vector<1x16xf32> to vector<16xf32>
        %parallel_loop3A_674 = arith.addf %parallel_loop3A_669, %parallel_loop3A_673 : vector<16xf32>
        %parallel_loop3A_675 = arith.index_cast %parallel_loop3A_203 : i32 to index
        %parallel_loop3A_676 = arith.constant 528 : index
        %parallel_loop3A_677 = tpu.vector_load %arg13[%parallel_loop3A_675, %parallel_loop3A_676] {strides = array<i32>} : memref<16x768xf32, #tpu.memory_space<vmem>>, vector<1x16xf32>,
        %parallel_loop3A_678 = vector.shape_cast %parallel_loop3A_677 : vector<1x16xf32> to vector<16xf32>
        %parallel_loop3A_679 = vector.shape_cast %parallel_loop3A_674 : vector<16xf32> to vector<1x16xf32>
        tpu.vector_store %arg13[%parallel_loop3A_675, %parallel_loop3A_676], %parallel_loop3A_679 {strides = array<i32>} : memref<16x768xf32, #tpu.memory_space<vmem>>, vector<1x16xf32>,
        %parallel_loop3A_680 = arith.index_cast %parallel_loop3A_203 : i32 to index
        %parallel_loop3A_681 = arith.constant 544 : index
        %parallel_loop3A_682 = tpu.vector_load %arg9[%parallel_loop3A_680, %parallel_loop3A_681] {strides = array<i32>} : memref<16x768xf32, #tpu.memory_space<vmem>>, vector<1x16xf32>,
        %parallel_loop3A_683 = vector.shape_cast %parallel_loop3A_682 : vector<1x16xf32> to vector<16xf32>
        %parallel_loop3A_684 = arith.index_cast %parallel_loop3A_203 : i32 to index
        %parallel_loop3A_685 = arith.constant 544 : index
        %parallel_loop3A_686 = tpu.vector_load %arg13[%parallel_loop3A_684, %parallel_loop3A_685] {strides = array<i32>} : memref<16x768xf32, #tpu.memory_space<vmem>>, vector<1x16xf32>,
        %parallel_loop3A_687 = vector.shape_cast %parallel_loop3A_686 : vector<1x16xf32> to vector<16xf32>
        %parallel_loop3A_688 = arith.addf %parallel_loop3A_683, %parallel_loop3A_687 : vector<16xf32>
        %parallel_loop3A_689 = arith.index_cast %parallel_loop3A_203 : i32 to index
        %parallel_loop3A_690 = arith.constant 544 : index
        %parallel_loop3A_691 = tpu.vector_load %arg13[%parallel_loop3A_689, %parallel_loop3A_690] {strides = array<i32>} : memref<16x768xf32, #tpu.memory_space<vmem>>, vector<1x16xf32>,
        %parallel_loop3A_692 = vector.shape_cast %parallel_loop3A_691 : vector<1x16xf32> to vector<16xf32>
        %parallel_loop3A_693 = vector.shape_cast %parallel_loop3A_688 : vector<16xf32> to vector<1x16xf32>
        tpu.vector_store %arg13[%parallel_loop3A_689, %parallel_loop3A_690], %parallel_loop3A_693 {strides = array<i32>} : memref<16x768xf32, #tpu.memory_space<vmem>>, vector<1x16xf32>,
        %parallel_loop3A_694 = arith.index_cast %parallel_loop3A_203 : i32 to index
        %parallel_loop3A_695 = arith.constant 560 : index
        %parallel_loop3A_696 = tpu.vector_load %arg9[%parallel_loop3A_694, %parallel_loop3A_695] {strides = array<i32>} : memref<16x768xf32, #tpu.memory_space<vmem>>, vector<1x16xf32>,
        %parallel_loop3A_697 = vector.shape_cast %parallel_loop3A_696 : vector<1x16xf32> to vector<16xf32>
        %parallel_loop3A_698 = arith.index_cast %parallel_loop3A_203 : i32 to index
        %parallel_loop3A_699 = arith.constant 560 : index
        %parallel_loop3A_700 = tpu.vector_load %arg13[%parallel_loop3A_698, %parallel_loop3A_699] {strides = array<i32>} : memref<16x768xf32, #tpu.memory_space<vmem>>, vector<1x16xf32>,
        %parallel_loop3A_701 = vector.shape_cast %parallel_loop3A_700 : vector<1x16xf32> to vector<16xf32>
        %parallel_loop3A_702 = arith.addf %parallel_loop3A_697, %parallel_loop3A_701 : vector<16xf32>
        %parallel_loop3A_703 = arith.index_cast %parallel_loop3A_203 : i32 to index
        %parallel_loop3A_704 = arith.constant 560 : index
        %parallel_loop3A_705 = tpu.vector_load %arg13[%parallel_loop3A_703, %parallel_loop3A_704] {strides = array<i32>} : memref<16x768xf32, #tpu.memory_space<vmem>>, vector<1x16xf32>,
        %parallel_loop3A_706 = vector.shape_cast %parallel_loop3A_705 : vector<1x16xf32> to vector<16xf32>
        %parallel_loop3A_707 = vector.shape_cast %parallel_loop3A_702 : vector<16xf32> to vector<1x16xf32>
        tpu.vector_store %arg13[%parallel_loop3A_703, %parallel_loop3A_704], %parallel_loop3A_707 {strides = array<i32>} : memref<16x768xf32, #tpu.memory_space<vmem>>, vector<1x16xf32>,
        %parallel_loop3A_708 = arith.index_cast %parallel_loop3A_203 : i32 to index
        %parallel_loop3A_709 = arith.constant 576 : index
        %parallel_loop3A_710 = tpu.vector_load %arg9[%parallel_loop3A_708, %parallel_loop3A_709] {strides = array<i32>} : memref<16x768xf32, #tpu.memory_space<vmem>>, vector<1x16xf32>,
        %parallel_loop3A_711 = vector.shape_cast %parallel_loop3A_710 : vector<1x16xf32> to vector<16xf32>
        %parallel_loop3A_712 = arith.index_cast %parallel_loop3A_203 : i32 to index
        %parallel_loop3A_713 = arith.constant 576 : index
        %parallel_loop3A_714 = tpu.vector_load %arg13[%parallel_loop3A_712, %parallel_loop3A_713] {strides = array<i32>} : memref<16x768xf32, #tpu.memory_space<vmem>>, vector<1x16xf32>,
        %parallel_loop3A_715 = vector.shape_cast %parallel_loop3A_714 : vector<1x16xf32> to vector<16xf32>
        %parallel_loop3A_716 = arith.addf %parallel_loop3A_711, %parallel_loop3A_715 : vector<16xf32>
        %parallel_loop3A_717 = arith.index_cast %parallel_loop3A_203 : i32 to index
        %parallel_loop3A_718 = arith.constant 576 : index
        %parallel_loop3A_719 = tpu.vector_load %arg13[%parallel_loop3A_717, %parallel_loop3A_718] {strides = array<i32>} : memref<16x768xf32, #tpu.memory_space<vmem>>, vector<1x16xf32>,
        %parallel_loop3A_720 = vector.shape_cast %parallel_loop3A_719 : vector<1x16xf32> to vector<16xf32>
        %parallel_loop3A_721 = vector.shape_cast %parallel_loop3A_716 : vector<16xf32> to vector<1x16xf32>
        tpu.vector_store %arg13[%parallel_loop3A_717, %parallel_loop3A_718], %parallel_loop3A_721 {strides = array<i32>} : memref<16x768xf32, #tpu.memory_space<vmem>>, vector<1x16xf32>,
        %parallel_loop3A_722 = arith.index_cast %parallel_loop3A_203 : i32 to index
        %parallel_loop3A_723 = arith.constant 592 : index
        %parallel_loop3A_724 = tpu.vector_load %arg9[%parallel_loop3A_722, %parallel_loop3A_723] {strides = array<i32>} : memref<16x768xf32, #tpu.memory_space<vmem>>, vector<1x16xf32>,
        %parallel_loop3A_725 = vector.shape_cast %parallel_loop3A_724 : vector<1x16xf32> to vector<16xf32>
        %parallel_loop3A_726 = arith.index_cast %parallel_loop3A_203 : i32 to index
        %parallel_loop3A_727 = arith.constant 592 : index
        %parallel_loop3A_728 = tpu.vector_load %arg13[%parallel_loop3A_726, %parallel_loop3A_727] {strides = array<i32>} : memref<16x768xf32, #tpu.memory_space<vmem>>, vector<1x16xf32>,
        %parallel_loop3A_729 = vector.shape_cast %parallel_loop3A_728 : vector<1x16xf32> to vector<16xf32>
        %parallel_loop3A_730 = arith.addf %parallel_loop3A_725, %parallel_loop3A_729 : vector<16xf32>
        %parallel_loop3A_731 = arith.index_cast %parallel_loop3A_203 : i32 to index
        %parallel_loop3A_732 = arith.constant 592 : index
        %parallel_loop3A_733 = tpu.vector_load %arg13[%parallel_loop3A_731, %parallel_loop3A_732] {strides = array<i32>} : memref<16x768xf32, #tpu.memory_space<vmem>>, vector<1x16xf32>,
        %parallel_loop3A_734 = vector.shape_cast %parallel_loop3A_733 : vector<1x16xf32> to vector<16xf32>
        %parallel_loop3A_735 = vector.shape_cast %parallel_loop3A_730 : vector<16xf32> to vector<1x16xf32>
        tpu.vector_store %arg13[%parallel_loop3A_731, %parallel_loop3A_732], %parallel_loop3A_735 {strides = array<i32>} : memref<16x768xf32, #tpu.memory_space<vmem>>, vector<1x16xf32>,
        %parallel_loop3A_736 = arith.index_cast %parallel_loop3A_203 : i32 to index
        %parallel_loop3A_737 = arith.constant 608 : index
        %parallel_loop3A_738 = tpu.vector_load %arg9[%parallel_loop3A_736, %parallel_loop3A_737] {strides = array<i32>} : memref<16x768xf32, #tpu.memory_space<vmem>>, vector<1x16xf32>,
        %parallel_loop3A_739 = vector.shape_cast %parallel_loop3A_738 : vector<1x16xf32> to vector<16xf32>
        %parallel_loop3A_740 = arith.index_cast %parallel_loop3A_203 : i32 to index
        %parallel_loop3A_741 = arith.constant 608 : index
        %parallel_loop3A_742 = tpu.vector_load %arg13[%parallel_loop3A_740, %parallel_loop3A_741] {strides = array<i32>} : memref<16x768xf32, #tpu.memory_space<vmem>>, vector<1x16xf32>,
        %parallel_loop3A_743 = vector.shape_cast %parallel_loop3A_742 : vector<1x16xf32> to vector<16xf32>
        %parallel_loop3A_744 = arith.addf %parallel_loop3A_739, %parallel_loop3A_743 : vector<16xf32>
        %parallel_loop3A_745 = arith.index_cast %parallel_loop3A_203 : i32 to index
        %parallel_loop3A_746 = arith.constant 608 : index
        %parallel_loop3A_747 = tpu.vector_load %arg13[%parallel_loop3A_745, %parallel_loop3A_746] {strides = array<i32>} : memref<16x768xf32, #tpu.memory_space<vmem>>, vector<1x16xf32>,
        %parallel_loop3A_748 = vector.shape_cast %parallel_loop3A_747 : vector<1x16xf32> to vector<16xf32>
        %parallel_loop3A_749 = vector.shape_cast %parallel_loop3A_744 : vector<16xf32> to vector<1x16xf32>
        tpu.vector_store %arg13[%parallel_loop3A_745, %parallel_loop3A_746], %parallel_loop3A_749 {strides = array<i32>} : memref<16x768xf32, #tpu.memory_space<vmem>>, vector<1x16xf32>,
        %parallel_loop3A_750 = arith.index_cast %parallel_loop3A_203 : i32 to index
        %parallel_loop3A_751 = arith.constant 624 : index
        %parallel_loop3A_752 = tpu.vector_load %arg9[%parallel_loop3A_750, %parallel_loop3A_751] {strides = array<i32>} : memref<16x768xf32, #tpu.memory_space<vmem>>, vector<1x16xf32>,
        %parallel_loop3A_753 = vector.shape_cast %parallel_loop3A_752 : vector<1x16xf32> to vector<16xf32>
        %parallel_loop3A_754 = arith.index_cast %parallel_loop3A_203 : i32 to index
        %parallel_loop3A_755 = arith.constant 624 : index
        %parallel_loop3A_756 = tpu.vector_load %arg13[%parallel_loop3A_754, %parallel_loop3A_755] {strides = array<i32>} : memref<16x768xf32, #tpu.memory_space<vmem>>, vector<1x16xf32>,
        %parallel_loop3A_757 = vector.shape_cast %parallel_loop3A_756 : vector<1x16xf32> to vector<16xf32>
        %parallel_loop3A_758 = arith.addf %parallel_loop3A_753, %parallel_loop3A_757 : vector<16xf32>
        %parallel_loop3A_759 = arith.index_cast %parallel_loop3A_203 : i32 to index
        %parallel_loop3A_760 = arith.constant 624 : index
        %parallel_loop3A_761 = tpu.vector_load %arg13[%parallel_loop3A_759, %parallel_loop3A_760] {strides = array<i32>} : memref<16x768xf32, #tpu.memory_space<vmem>>, vector<1x16xf32>,
        %parallel_loop3A_762 = vector.shape_cast %parallel_loop3A_761 : vector<1x16xf32> to vector<16xf32>
        %parallel_loop3A_763 = vector.shape_cast %parallel_loop3A_758 : vector<16xf32> to vector<1x16xf32>
        tpu.vector_store %arg13[%parallel_loop3A_759, %parallel_loop3A_760], %parallel_loop3A_763 {strides = array<i32>} : memref<16x768xf32, #tpu.memory_space<vmem>>, vector<1x16xf32>,
        %parallel_loop3A_764 = arith.index_cast %parallel_loop3A_203 : i32 to index
        %parallel_loop3A_765 = arith.constant 640 : index
        %parallel_loop3A_766 = tpu.vector_load %arg9[%parallel_loop3A_764, %parallel_loop3A_765] {strides = array<i32>} : memref<16x768xf32, #tpu.memory_space<vmem>>, vector<1x16xf32>,
        %parallel_loop3A_767 = vector.shape_cast %parallel_loop3A_766 : vector<1x16xf32> to vector<16xf32>
        %parallel_loop3A_768 = arith.index_cast %parallel_loop3A_203 : i32 to index
        %parallel_loop3A_769 = arith.constant 640 : index
        %parallel_loop3A_770 = tpu.vector_load %arg13[%parallel_loop3A_768, %parallel_loop3A_769] {strides = array<i32>} : memref<16x768xf32, #tpu.memory_space<vmem>>, vector<1x16xf32>,
        %parallel_loop3A_771 = vector.shape_cast %parallel_loop3A_770 : vector<1x16xf32> to vector<16xf32>
        %parallel_loop3A_772 = arith.addf %parallel_loop3A_767, %parallel_loop3A_771 : vector<16xf32>
        %parallel_loop3A_773 = arith.index_cast %parallel_loop3A_203 : i32 to index
        %parallel_loop3A_774 = arith.constant 640 : index
        %parallel_loop3A_775 = tpu.vector_load %arg13[%parallel_loop3A_773, %parallel_loop3A_774] {strides = array<i32>} : memref<16x768xf32, #tpu.memory_space<vmem>>, vector<1x16xf32>,
        %parallel_loop3A_776 = vector.shape_cast %parallel_loop3A_775 : vector<1x16xf32> to vector<16xf32>
        %parallel_loop3A_777 = vector.shape_cast %parallel_loop3A_772 : vector<16xf32> to vector<1x16xf32>
        tpu.vector_store %arg13[%parallel_loop3A_773, %parallel_loop3A_774], %parallel_loop3A_777 {strides = array<i32>} : memref<16x768xf32, #tpu.memory_space<vmem>>, vector<1x16xf32>,
        %parallel_loop3A_778 = arith.index_cast %parallel_loop3A_203 : i32 to index
        %parallel_loop3A_779 = arith.constant 656 : index
        %parallel_loop3A_780 = tpu.vector_load %arg9[%parallel_loop3A_778, %parallel_loop3A_779] {strides = array<i32>} : memref<16x768xf32, #tpu.memory_space<vmem>>, vector<1x16xf32>,
        %parallel_loop3A_781 = vector.shape_cast %parallel_loop3A_780 : vector<1x16xf32> to vector<16xf32>
        %parallel_loop3A_782 = arith.index_cast %parallel_loop3A_203 : i32 to index
        %parallel_loop3A_783 = arith.constant 656 : index
        %parallel_loop3A_784 = tpu.vector_load %arg13[%parallel_loop3A_782, %parallel_loop3A_783] {strides = array<i32>} : memref<16x768xf32, #tpu.memory_space<vmem>>, vector<1x16xf32>,
        %parallel_loop3A_785 = vector.shape_cast %parallel_loop3A_784 : vector<1x16xf32> to vector<16xf32>
        %parallel_loop3A_786 = arith.addf %parallel_loop3A_781, %parallel_loop3A_785 : vector<16xf32>
        %parallel_loop3A_787 = arith.index_cast %parallel_loop3A_203 : i32 to index
        %parallel_loop3A_788 = arith.constant 656 : index
        %parallel_loop3A_789 = tpu.vector_load %arg13[%parallel_loop3A_787, %parallel_loop3A_788] {strides = array<i32>} : memref<16x768xf32, #tpu.memory_space<vmem>>, vector<1x16xf32>,
        %parallel_loop3A_790 = vector.shape_cast %parallel_loop3A_789 : vector<1x16xf32> to vector<16xf32>
        %parallel_loop3A_791 = vector.shape_cast %parallel_loop3A_786 : vector<16xf32> to vector<1x16xf32>
        tpu.vector_store %arg13[%parallel_loop3A_787, %parallel_loop3A_788], %parallel_loop3A_791 {strides = array<i32>} : memref<16x768xf32, #tpu.memory_space<vmem>>, vector<1x16xf32>,
        %parallel_loop3A_792 = arith.index_cast %parallel_loop3A_203 : i32 to index
        %parallel_loop3A_793 = arith.constant 672 : index
        %parallel_loop3A_794 = tpu.vector_load %arg9[%parallel_loop3A_792, %parallel_loop3A_793] {strides = array<i32>} : memref<16x768xf32, #tpu.memory_space<vmem>>, vector<1x16xf32>,
        %parallel_loop3A_795 = vector.shape_cast %parallel_loop3A_794 : vector<1x16xf32> to vector<16xf32>
        %parallel_loop3A_796 = arith.index_cast %parallel_loop3A_203 : i32 to index
        %parallel_loop3A_797 = arith.constant 672 : index
        %parallel_loop3A_798 = tpu.vector_load %arg13[%parallel_loop3A_796, %parallel_loop3A_797] {strides = array<i32>} : memref<16x768xf32, #tpu.memory_space<vmem>>, vector<1x16xf32>,
        %parallel_loop3A_799 = vector.shape_cast %parallel_loop3A_798 : vector<1x16xf32> to vector<16xf32>
        %parallel_loop3A_800 = arith.addf %parallel_loop3A_795, %parallel_loop3A_799 : vector<16xf32>
        %parallel_loop3A_801 = arith.index_cast %parallel_loop3A_203 : i32 to index
        %parallel_loop3A_802 = arith.constant 672 : index
        %parallel_loop3A_803 = tpu.vector_load %arg13[%parallel_loop3A_801, %parallel_loop3A_802] {strides = array<i32>} : memref<16x768xf32, #tpu.memory_space<vmem>>, vector<1x16xf32>,
        %parallel_loop3A_804 = vector.shape_cast %parallel_loop3A_803 : vector<1x16xf32> to vector<16xf32>
        %parallel_loop3A_805 = vector.shape_cast %parallel_loop3A_800 : vector<16xf32> to vector<1x16xf32>
        tpu.vector_store %arg13[%parallel_loop3A_801, %parallel_loop3A_802], %parallel_loop3A_805 {strides = array<i32>} : memref<16x768xf32, #tpu.memory_space<vmem>>, vector<1x16xf32>,
        %parallel_loop3A_806 = arith.index_cast %parallel_loop3A_203 : i32 to index
        %parallel_loop3A_807 = arith.constant 688 : index
        %parallel_loop3A_808 = tpu.vector_load %arg9[%parallel_loop3A_806, %parallel_loop3A_807] {strides = array<i32>} : memref<16x768xf32, #tpu.memory_space<vmem>>, vector<1x16xf32>,
        %parallel_loop3A_809 = vector.shape_cast %parallel_loop3A_808 : vector<1x16xf32> to vector<16xf32>
        %parallel_loop3A_810 = arith.index_cast %parallel_loop3A_203 : i32 to index
        %parallel_loop3A_811 = arith.constant 688 : index
        %parallel_loop3A_812 = tpu.vector_load %arg13[%parallel_loop3A_810, %parallel_loop3A_811] {strides = array<i32>} : memref<16x768xf32, #tpu.memory_space<vmem>>, vector<1x16xf32>,
        %parallel_loop3A_813 = vector.shape_cast %parallel_loop3A_812 : vector<1x16xf32> to vector<16xf32>
        %parallel_loop3A_814 = arith.addf %parallel_loop3A_809, %parallel_loop3A_813 : vector<16xf32>
        %parallel_loop3A_815 = arith.index_cast %parallel_loop3A_203 : i32 to index
        %parallel_loop3A_816 = arith.constant 688 : index
        %parallel_loop3A_817 = tpu.vector_load %arg13[%parallel_loop3A_815, %parallel_loop3A_816] {strides = array<i32>} : memref<16x768xf32, #tpu.memory_space<vmem>>, vector<1x16xf32>,
        %parallel_loop3A_818 = vector.shape_cast %parallel_loop3A_817 : vector<1x16xf32> to vector<16xf32>
        %parallel_loop3A_819 = vector.shape_cast %parallel_loop3A_814 : vector<16xf32> to vector<1x16xf32>
        tpu.vector_store %arg13[%parallel_loop3A_815, %parallel_loop3A_816], %parallel_loop3A_819 {strides = array<i32>} : memref<16x768xf32, #tpu.memory_space<vmem>>, vector<1x16xf32>,
        %parallel_loop3A_820 = arith.index_cast %parallel_loop3A_203 : i32 to index
        %parallel_loop3A_821 = arith.constant 704 : index
        %parallel_loop3A_822 = tpu.vector_load %arg9[%parallel_loop3A_820, %parallel_loop3A_821] {strides = array<i32>} : memref<16x768xf32, #tpu.memory_space<vmem>>, vector<1x16xf32>,
        %parallel_loop3A_823 = vector.shape_cast %parallel_loop3A_822 : vector<1x16xf32> to vector<16xf32>
        %parallel_loop3A_824 = arith.index_cast %parallel_loop3A_203 : i32 to index
        %parallel_loop3A_825 = arith.constant 704 : index
        %parallel_loop3A_826 = tpu.vector_load %arg13[%parallel_loop3A_824, %parallel_loop3A_825] {strides = array<i32>} : memref<16x768xf32, #tpu.memory_space<vmem>>, vector<1x16xf32>,
        %parallel_loop3A_827 = vector.shape_cast %parallel_loop3A_826 : vector<1x16xf32> to vector<16xf32>
        %parallel_loop3A_828 = arith.addf %parallel_loop3A_823, %parallel_loop3A_827 : vector<16xf32>
        %parallel_loop3A_829 = arith.index_cast %parallel_loop3A_203 : i32 to index
        %parallel_loop3A_830 = arith.constant 704 : index
        %parallel_loop3A_831 = tpu.vector_load %arg13[%parallel_loop3A_829, %parallel_loop3A_830] {strides = array<i32>} : memref<16x768xf32, #tpu.memory_space<vmem>>, vector<1x16xf32>,
        %parallel_loop3A_832 = vector.shape_cast %parallel_loop3A_831 : vector<1x16xf32> to vector<16xf32>
        %parallel_loop3A_833 = vector.shape_cast %parallel_loop3A_828 : vector<16xf32> to vector<1x16xf32>
        tpu.vector_store %arg13[%parallel_loop3A_829, %parallel_loop3A_830], %parallel_loop3A_833 {strides = array<i32>} : memref<16x768xf32, #tpu.memory_space<vmem>>, vector<1x16xf32>,
        %parallel_loop3A_834 = arith.index_cast %parallel_loop3A_203 : i32 to index
        %parallel_loop3A_835 = arith.constant 720 : index
        %parallel_loop3A_836 = tpu.vector_load %arg9[%parallel_loop3A_834, %parallel_loop3A_835] {strides = array<i32>} : memref<16x768xf32, #tpu.memory_space<vmem>>, vector<1x16xf32>,
        %parallel_loop3A_837 = vector.shape_cast %parallel_loop3A_836 : vector<1x16xf32> to vector<16xf32>
        %parallel_loop3A_838 = arith.index_cast %parallel_loop3A_203 : i32 to index
        %parallel_loop3A_839 = arith.constant 720 : index
        %parallel_loop3A_840 = tpu.vector_load %arg13[%parallel_loop3A_838, %parallel_loop3A_839] {strides = array<i32>} : memref<16x768xf32, #tpu.memory_space<vmem>>, vector<1x16xf32>,
        %parallel_loop3A_841 = vector.shape_cast %parallel_loop3A_840 : vector<1x16xf32> to vector<16xf32>
        %parallel_loop3A_842 = arith.addf %parallel_loop3A_837, %parallel_loop3A_841 : vector<16xf32>
        %parallel_loop3A_843 = arith.index_cast %parallel_loop3A_203 : i32 to index
        %parallel_loop3A_844 = arith.constant 720 : index
        %parallel_loop3A_845 = tpu.vector_load %arg13[%parallel_loop3A_843, %parallel_loop3A_844] {strides = array<i32>} : memref<16x768xf32, #tpu.memory_space<vmem>>, vector<1x16xf32>,
        %parallel_loop3A_846 = vector.shape_cast %parallel_loop3A_845 : vector<1x16xf32> to vector<16xf32>
        %parallel_loop3A_847 = vector.shape_cast %parallel_loop3A_842 : vector<16xf32> to vector<1x16xf32>
        tpu.vector_store %arg13[%parallel_loop3A_843, %parallel_loop3A_844], %parallel_loop3A_847 {strides = array<i32>} : memref<16x768xf32, #tpu.memory_space<vmem>>, vector<1x16xf32>,
        %parallel_loop3A_848 = arith.index_cast %parallel_loop3A_203 : i32 to index
        %parallel_loop3A_849 = arith.constant 736 : index
        %parallel_loop3A_850 = tpu.vector_load %arg9[%parallel_loop3A_848, %parallel_loop3A_849] {strides = array<i32>} : memref<16x768xf32, #tpu.memory_space<vmem>>, vector<1x16xf32>,
        %parallel_loop3A_851 = vector.shape_cast %parallel_loop3A_850 : vector<1x16xf32> to vector<16xf32>
        %parallel_loop3A_852 = arith.index_cast %parallel_loop3A_203 : i32 to index
        %parallel_loop3A_853 = arith.constant 736 : index
        %parallel_loop3A_854 = tpu.vector_load %arg13[%parallel_loop3A_852, %parallel_loop3A_853] {strides = array<i32>} : memref<16x768xf32, #tpu.memory_space<vmem>>, vector<1x16xf32>,
        %parallel_loop3A_855 = vector.shape_cast %parallel_loop3A_854 : vector<1x16xf32> to vector<16xf32>
        %parallel_loop3A_856 = arith.addf %parallel_loop3A_851, %parallel_loop3A_855 : vector<16xf32>
        %parallel_loop3A_857 = arith.index_cast %parallel_loop3A_203 : i32 to index
        %parallel_loop3A_858 = arith.constant 736 : index
        %parallel_loop3A_859 = tpu.vector_load %arg13[%parallel_loop3A_857, %parallel_loop3A_858] {strides = array<i32>} : memref<16x768xf32, #tpu.memory_space<vmem>>, vector<1x16xf32>,
        %parallel_loop3A_860 = vector.shape_cast %parallel_loop3A_859 : vector<1x16xf32> to vector<16xf32>
        %parallel_loop3A_861 = vector.shape_cast %parallel_loop3A_856 : vector<16xf32> to vector<1x16xf32>
        tpu.vector_store %arg13[%parallel_loop3A_857, %parallel_loop3A_858], %parallel_loop3A_861 {strides = array<i32>} : memref<16x768xf32, #tpu.memory_space<vmem>>, vector<1x16xf32>,
        %parallel_loop3A_862 = arith.index_cast %parallel_loop3A_203 : i32 to index
        %parallel_loop3A_863 = arith.constant 752 : index
        %parallel_loop3A_864 = tpu.vector_load %arg9[%parallel_loop3A_862, %parallel_loop3A_863] {strides = array<i32>} : memref<16x768xf32, #tpu.memory_space<vmem>>, vector<1x16xf32>,
        %parallel_loop3A_865 = vector.shape_cast %parallel_loop3A_864 : vector<1x16xf32> to vector<16xf32>
        %parallel_loop3A_866 = arith.index_cast %parallel_loop3A_203 : i32 to index
        %parallel_loop3A_867 = arith.constant 752 : index
        %parallel_loop3A_868 = tpu.vector_load %arg13[%parallel_loop3A_866, %parallel_loop3A_867] {strides = array<i32>} : memref<16x768xf32, #tpu.memory_space<vmem>>, vector<1x16xf32>,
        %parallel_loop3A_869 = vector.shape_cast %parallel_loop3A_868 : vector<1x16xf32> to vector<16xf32>
        %parallel_loop3A_870 = arith.addf %parallel_loop3A_865, %parallel_loop3A_869 : vector<16xf32>
        %parallel_loop3A_871 = arith.index_cast %parallel_loop3A_203 : i32 to index
        %parallel_loop3A_872 = arith.constant 752 : index
        %parallel_loop3A_873 = tpu.vector_load %arg13[%parallel_loop3A_871, %parallel_loop3A_872] {strides = array<i32>} : memref<16x768xf32, #tpu.memory_space<vmem>>, vector<1x16xf32>,
        %parallel_loop3A_874 = vector.shape_cast %parallel_loop3A_873 : vector<1x16xf32> to vector<16xf32>
        %parallel_loop3A_875 = vector.shape_cast %parallel_loop3A_870 : vector<16xf32> to vector<1x16xf32>
        tpu.vector_store %arg13[%parallel_loop3A_871, %parallel_loop3A_872], %parallel_loop3A_875 {strides = array<i32>} : memref<16x768xf32, #tpu.memory_space<vmem>>, vector<1x16xf32>,
      } {sc.loop_unroll_factor = 2 : i64, sc.parallel_access}
      %mul3A_157 = arith.constant 16 : i32
      %mul3A_158 = arith.muli %add3A_128, %mul3A_157 : i32
      %add3A_159 = arith.addi %mul3A_2, %mul3A_158 : i32
      %dma_start3A_160 = arith.constant 0 : i32
      %dma_start3A_161 = tpu.memref_slice %arg5[%add3A_159, %dma_start3A_160] : memref<32768x768xf32, #tpu.memory_space<hbm>> -> memref<16x768xf32, #tpu.memory_space<hbm>>
      %dma_start3A_162 = arith.constant 0 : i32
      %dma_start3A_163 = tpu.memref_slice %arg5[%add3A_159, %dma_start3A_162] : memref<32768x768xf32, #tpu.memory_space<hbm>> -> memref<16x768xf32, #tpu.memory_space<hbm>>
      tpu.enqueue_dma source(%arg13 : memref<16x768xf32, #tpu.memory_space<vmem>>) target(%dma_start3A_163 : memref<16x768xf32, #tpu.memory_space<hbm>>) target_semaphore(%arg21 : memref<!tpu.dma_semaphore, #tpu.memory_space<semaphore_mem>>)
      %mul3A_164 = arith.constant 4 : i32
      %mul3A_165 = arith.muli %mul3A_164, %scan3A_52 : i32
      %add3A_166 = arith.constant 3 : i32
      %add3A_167 = arith.addi %mul3A_165, %add3A_166 : i32
      %ge3A_168 = arith.constant 2 : i32
      %ge3A_169 = arith.cmpi sge, %add3A_167, %ge3A_168 : i32
      %lt3A_170 = arith.constant 62 : i32
      %lt3A_171 = arith.cmpi slt, %add3A_167, %lt3A_170 : i32
      %and3A_172 = arith.andi %ge3A_169, %lt3A_171 : i1
      %convert_element_type3A_173 = arith.extui %and3A_172 : i1 to i32
      %cond3A_174 = arith.constant 0 : i32
      %cond3A_175 = arith.cmpi ne, %convert_element_type3A_173, %cond3A_174 : i32
      scf.if %cond3A_175 {
        %dma_wait3A_203 = arith.constant 0 : i32
        %dma_wait3A_204 = arith.constant 0 : i32
        %dma_wait3A_205 = tpu.memref_slice %arg5[%dma_wait3A_203, %dma_wait3A_204] : memref<32768x768xf32, #tpu.memory_space<hbm>> -> memref<16x768xf32, #tpu.memory_space<hbm>>
        %dma_wait3A_206 = arith.constant 0 : i32
        %dma_wait3A_207 = arith.constant 0 : i32
        %dma_wait3A_208 = tpu.memref_slice %arg5[%dma_wait3A_206, %dma_wait3A_207] : memref<32768x768xf32, #tpu.memory_space<hbm>> -> memref<16x768xf32, #tpu.memory_space<hbm>>
        tpu.wait_dma2 semaphore(%arg20 : memref<!tpu.dma_semaphore, #tpu.memory_space<semaphore_mem>>) src(%arg12 : memref<16x768xf32, #tpu.memory_space<vmem>>) dst(%dma_wait3A_208 : memref<16x768xf32, #tpu.memory_space<hbm>>)
      } else {
      }
      %lt3A_176 = arith.constant 62 : i32
      %lt3A_177 = arith.cmpi slt, %add3A_167, %lt3A_176 : i32
      %convert_element_type3A_178 = arith.extui %lt3A_177 : i1 to i32
      %cond3A_179 = arith.constant 0 : i32
      %cond3A_180 = arith.cmpi ne, %convert_element_type3A_178, %cond3A_179 : i32
      scf.if %cond3A_180 {
        %add3A_203 = arith.constant 2 : i32
        %add3A_204 = arith.addi %add3A_167, %add3A_203 : i32
        %mul3A_205 = arith.constant 16 : i32
        %mul3A_206 = arith.muli %add3A_204, %mul3A_205 : i32
        %dma_start3A_207 = tpu.memref_slice %arg6[%mul3A_206] : memref<1024xi32, #tpu.memory_space<vmem>> -> memref<16xi32, #tpu.memory_space<vmem>>
        %dma_start3A_208 = arith.constant 0 : i32
        %dma_start3A_209 = arith.constant 0 : i32
        %dma_start3A_210 = tpu.memref_slice %arg4[%dma_start3A_208, %dma_start3A_209] : memref<8192x768xf32, #tpu.memory_space<hbm>> -> memref<8192x768xf32, #tpu.memory_space<hbm>>
        tpu.enqueue_indirect_dma source(%dma_start3A_210 : memref<8192x768xf32, #tpu.memory_space<hbm>>) target(%arg12 : memref<16x768xf32, #tpu.memory_space<vmem>>) offsets(%dma_start3A_207 : memref<16xi32, #tpu.memory_space<vmem>>) semaphore(%arg16 : memref<!tpu.dma_semaphore, #tpu.memory_space<semaphore_mem>>)
        %mul3A_211 = arith.constant 16 : i32
        %mul3A_212 = arith.muli %add3A_204, %mul3A_211 : i32
        %add3A_213 = arith.addi %mul3A_2, %mul3A_212 : i32
        %dma_start3A_214 = arith.constant 0 : i32
        %dma_start3A_215 = tpu.memref_slice %arg2[%add3A_213, %dma_start3A_214] : memref<32768x768xf32, #tpu.memory_space<hbm>> -> memref<16x768xf32, #tpu.memory_space<hbm>>
        %dma_start3A_216 = arith.constant 0 : i32
        %dma_start3A_217 = tpu.memref_slice %arg2[%add3A_213, %dma_start3A_216] : memref<32768x768xf32, #tpu.memory_space<hbm>> -> memref<16x768xf32, #tpu.memory_space<hbm>>
        tpu.enqueue_dma source(%dma_start3A_217 : memref<16x768xf32, #tpu.memory_space<hbm>>) target(%arg8 : memref<16x768xf32, #tpu.memory_space<vmem>>) target_semaphore(%arg16 : memref<!tpu.dma_semaphore, #tpu.memory_space<semaphore_mem>>)
      } else {
      }
      %dma_wait3A_181 = arith.constant 0 : i32
      %dma_wait3A_182 = arith.constant 0 : i32
      %dma_wait3A_183 = tpu.memref_slice %arg2[%dma_wait3A_181, %dma_wait3A_182] : memref<32768x768xf32, #tpu.memory_space<hbm>> -> memref<16x768xf32, #tpu.memory_space<hbm>>
      %dma_wait3A_184 = arith.constant 0 : i32
      %dma_wait3A_185 = arith.constant 0 : i32
      %dma_wait3A_186 = tpu.memref_slice %arg2[%dma_wait3A_184, %dma_wait3A_185] : memref<32768x768xf32, #tpu.memory_space<hbm>> -> memref<16x768xf32, #tpu.memory_space<hbm>>
      tpu.wait_dma2 semaphore(%arg18 : memref<!tpu.dma_semaphore, #tpu.memory_space<semaphore_mem>>) src(%dma_wait3A_186 : memref<16x768xf32, #tpu.memory_space<hbm>>) dst(%arg10 : memref<16x768xf32, #tpu.memory_space<vmem>>)
      %dma_wait3A_187 = arith.constant 0 : i32
      %dma_wait3A_188 = arith.constant 0 : i32
      %dma_wait3A_189 = tpu.memref_slice %arg2[%dma_wait3A_187, %dma_wait3A_188] : memref<32768x768xf32, #tpu.memory_space<hbm>> -> memref<16x768xf32, #tpu.memory_space<hbm>>
      %dma_wait3A_190 = arith.constant 0 : i32
      %dma_wait3A_191 = arith.constant 0 : i32
      %dma_wait3A_192 = tpu.memref_slice %arg2[%dma_wait3A_190, %dma_wait3A_191] : memref<32768x768xf32, #tpu.memory_space<hbm>> -> memref<16x768xf32, #tpu.memory_space<hbm>>
      tpu.wait_dma2 semaphore(%arg18 : memref<!tpu.dma_semaphore, #tpu.memory_space<semaphore_mem>>) src(%dma_wait3A_192 : memref<16x768xf32, #tpu.memory_space<hbm>>) dst(%arg14 : memref<16x768xf32, #tpu.memory_space<vmem>>)
      %parallel_loop3A_193 = arith.constant 0 : i32
      %parallel_loop3A_194 = arith.constant 16 : i32
      %parallel_loop3A_195 = arith.constant 1 : i32
      scf.for %parallel_loop3A_203 = %parallel_loop3A_193 to %parallel_loop3A_194 step %parallel_loop3A_195  : i32 {
        %parallel_loop3A_204 = arith.index_cast %parallel_loop3A_203 : i32 to index
        %parallel_loop3A_205 = arith.constant 0 : index
        %parallel_loop3A_206 = tpu.vector_load %arg10[%parallel_loop3A_204, %parallel_loop3A_205] {strides = array<i32>} : memref<16x768xf32, #tpu.memory_space<vmem>>, vector<1x16xf32>,
        %parallel_loop3A_207 = vector.shape_cast %parallel_loop3A_206 : vector<1x16xf32> to vector<16xf32>
        %parallel_loop3A_208 = arith.index_cast %parallel_loop3A_203 : i32 to index
        %parallel_loop3A_209 = arith.constant 0 : index
        %parallel_loop3A_210 = tpu.vector_load %arg14[%parallel_loop3A_208, %parallel_loop3A_209] {strides = array<i32>} : memref<16x768xf32, #tpu.memory_space<vmem>>, vector<1x16xf32>,
        %parallel_loop3A_211 = vector.shape_cast %parallel_loop3A_210 : vector<1x16xf32> to vector<16xf32>
        %parallel_loop3A_212 = arith.addf %parallel_loop3A_207, %parallel_loop3A_211 : vector<16xf32>
        %parallel_loop3A_213 = arith.index_cast %parallel_loop3A_203 : i32 to index
        %parallel_loop3A_214 = arith.constant 0 : index
        %parallel_loop3A_215 = tpu.vector_load %arg14[%parallel_loop3A_213, %parallel_loop3A_214] {strides = array<i32>} : memref<16x768xf32, #tpu.memory_space<vmem>>, vector<1x16xf32>,
        %parallel_loop3A_216 = vector.shape_cast %parallel_loop3A_215 : vector<1x16xf32> to vector<16xf32>
        %parallel_loop3A_217 = vector.shape_cast %parallel_loop3A_212 : vector<16xf32> to vector<1x16xf32>
        tpu.vector_store %arg14[%parallel_loop3A_213, %parallel_loop3A_214], %parallel_loop3A_217 {strides = array<i32>} : memref<16x768xf32, #tpu.memory_space<vmem>>, vector<1x16xf32>,
        %parallel_loop3A_218 = arith.index_cast %parallel_loop3A_203 : i32 to index
        %parallel_loop3A_219 = arith.constant 16 : index
        %parallel_loop3A_220 = tpu.vector_load %arg10[%parallel_loop3A_218, %parallel_loop3A_219] {strides = array<i32>} : memref<16x768xf32, #tpu.memory_space<vmem>>, vector<1x16xf32>,
        %parallel_loop3A_221 = vector.shape_cast %parallel_loop3A_220 : vector<1x16xf32> to vector<16xf32>
        %parallel_loop3A_222 = arith.index_cast %parallel_loop3A_203 : i32 to index
        %parallel_loop3A_223 = arith.constant 16 : index
        %parallel_loop3A_224 = tpu.vector_load %arg14[%parallel_loop3A_222, %parallel_loop3A_223] {strides = array<i32>} : memref<16x768xf32, #tpu.memory_space<vmem>>, vector<1x16xf32>,
        %parallel_loop3A_225 = vector.shape_cast %parallel_loop3A_224 : vector<1x16xf32> to vector<16xf32>
        %parallel_loop3A_226 = arith.addf %parallel_loop3A_221, %parallel_loop3A_225 : vector<16xf32>
        %parallel_loop3A_227 = arith.index_cast %parallel_loop3A_203 : i32 to index
        %parallel_loop3A_228 = arith.constant 16 : index
        %parallel_loop3A_229 = tpu.vector_load %arg14[%parallel_loop3A_227, %parallel_loop3A_228] {strides = array<i32>} : memref<16x768xf32, #tpu.memory_space<vmem>>, vector<1x16xf32>,
        %parallel_loop3A_230 = vector.shape_cast %parallel_loop3A_229 : vector<1x16xf32> to vector<16xf32>
        %parallel_loop3A_231 = vector.shape_cast %parallel_loop3A_226 : vector<16xf32> to vector<1x16xf32>
        tpu.vector_store %arg14[%parallel_loop3A_227, %parallel_loop3A_228], %parallel_loop3A_231 {strides = array<i32>} : memref<16x768xf32, #tpu.memory_space<vmem>>, vector<1x16xf32>,
        %parallel_loop3A_232 = arith.index_cast %parallel_loop3A_203 : i32 to index
        %parallel_loop3A_233 = arith.constant 32 : index
        %parallel_loop3A_234 = tpu.vector_load %arg10[%parallel_loop3A_232, %parallel_loop3A_233] {strides = array<i32>} : memref<16x768xf32, #tpu.memory_space<vmem>>, vector<1x16xf32>,
        %parallel_loop3A_235 = vector.shape_cast %parallel_loop3A_234 : vector<1x16xf32> to vector<16xf32>
        %parallel_loop3A_236 = arith.index_cast %parallel_loop3A_203 : i32 to index
        %parallel_loop3A_237 = arith.constant 32 : index
        %parallel_loop3A_238 = tpu.vector_load %arg14[%parallel_loop3A_236, %parallel_loop3A_237] {strides = array<i32>} : memref<16x768xf32, #tpu.memory_space<vmem>>, vector<1x16xf32>,
        %parallel_loop3A_239 = vector.shape_cast %parallel_loop3A_238 : vector<1x16xf32> to vector<16xf32>
        %parallel_loop3A_240 = arith.addf %parallel_loop3A_235, %parallel_loop3A_239 : vector<16xf32>
        %parallel_loop3A_241 = arith.index_cast %parallel_loop3A_203 : i32 to index
        %parallel_loop3A_242 = arith.constant 32 : index
        %parallel_loop3A_243 = tpu.vector_load %arg14[%parallel_loop3A_241, %parallel_loop3A_242] {strides = array<i32>} : memref<16x768xf32, #tpu.memory_space<vmem>>, vector<1x16xf32>,
        %parallel_loop3A_244 = vector.shape_cast %parallel_loop3A_243 : vector<1x16xf32> to vector<16xf32>
        %parallel_loop3A_245 = vector.shape_cast %parallel_loop3A_240 : vector<16xf32> to vector<1x16xf32>
        tpu.vector_store %arg14[%parallel_loop3A_241, %parallel_loop3A_242], %parallel_loop3A_245 {strides = array<i32>} : memref<16x768xf32, #tpu.memory_space<vmem>>, vector<1x16xf32>,
        %parallel_loop3A_246 = arith.index_cast %parallel_loop3A_203 : i32 to index
        %parallel_loop3A_247 = arith.constant 48 : index
        %parallel_loop3A_248 = tpu.vector_load %arg10[%parallel_loop3A_246, %parallel_loop3A_247] {strides = array<i32>} : memref<16x768xf32, #tpu.memory_space<vmem>>, vector<1x16xf32>,
        %parallel_loop3A_249 = vector.shape_cast %parallel_loop3A_248 : vector<1x16xf32> to vector<16xf32>
        %parallel_loop3A_250 = arith.index_cast %parallel_loop3A_203 : i32 to index
        %parallel_loop3A_251 = arith.constant 48 : index
        %parallel_loop3A_252 = tpu.vector_load %arg14[%parallel_loop3A_250, %parallel_loop3A_251] {strides = array<i32>} : memref<16x768xf32, #tpu.memory_space<vmem>>, vector<1x16xf32>,
        %parallel_loop3A_253 = vector.shape_cast %parallel_loop3A_252 : vector<1x16xf32> to vector<16xf32>
        %parallel_loop3A_254 = arith.addf %parallel_loop3A_249, %parallel_loop3A_253 : vector<16xf32>
        %parallel_loop3A_255 = arith.index_cast %parallel_loop3A_203 : i32 to index
        %parallel_loop3A_256 = arith.constant 48 : index
        %parallel_loop3A_257 = tpu.vector_load %arg14[%parallel_loop3A_255, %parallel_loop3A_256] {strides = array<i32>} : memref<16x768xf32, #tpu.memory_space<vmem>>, vector<1x16xf32>,
        %parallel_loop3A_258 = vector.shape_cast %parallel_loop3A_257 : vector<1x16xf32> to vector<16xf32>
        %parallel_loop3A_259 = vector.shape_cast %parallel_loop3A_254 : vector<16xf32> to vector<1x16xf32>
        tpu.vector_store %arg14[%parallel_loop3A_255, %parallel_loop3A_256], %parallel_loop3A_259 {strides = array<i32>} : memref<16x768xf32, #tpu.memory_space<vmem>>, vector<1x16xf32>,
        %parallel_loop3A_260 = arith.index_cast %parallel_loop3A_203 : i32 to index
        %parallel_loop3A_261 = arith.constant 64 : index
        %parallel_loop3A_262 = tpu.vector_load %arg10[%parallel_loop3A_260, %parallel_loop3A_261] {strides = array<i32>} : memref<16x768xf32, #tpu.memory_space<vmem>>, vector<1x16xf32>,
        %parallel_loop3A_263 = vector.shape_cast %parallel_loop3A_262 : vector<1x16xf32> to vector<16xf32>
        %parallel_loop3A_264 = arith.index_cast %parallel_loop3A_203 : i32 to index
        %parallel_loop3A_265 = arith.constant 64 : index
        %parallel_loop3A_266 = tpu.vector_load %arg14[%parallel_loop3A_264, %parallel_loop3A_265] {strides = array<i32>} : memref<16x768xf32, #tpu.memory_space<vmem>>, vector<1x16xf32>,
        %parallel_loop3A_267 = vector.shape_cast %parallel_loop3A_266 : vector<1x16xf32> to vector<16xf32>
        %parallel_loop3A_268 = arith.addf %parallel_loop3A_263, %parallel_loop3A_267 : vector<16xf32>
        %parallel_loop3A_269 = arith.index_cast %parallel_loop3A_203 : i32 to index
        %parallel_loop3A_270 = arith.constant 64 : index
        %parallel_loop3A_271 = tpu.vector_load %arg14[%parallel_loop3A_269, %parallel_loop3A_270] {strides = array<i32>} : memref<16x768xf32, #tpu.memory_space<vmem>>, vector<1x16xf32>,
        %parallel_loop3A_272 = vector.shape_cast %parallel_loop3A_271 : vector<1x16xf32> to vector<16xf32>
        %parallel_loop3A_273 = vector.shape_cast %parallel_loop3A_268 : vector<16xf32> to vector<1x16xf32>
        tpu.vector_store %arg14[%parallel_loop3A_269, %parallel_loop3A_270], %parallel_loop3A_273 {strides = array<i32>} : memref<16x768xf32, #tpu.memory_space<vmem>>, vector<1x16xf32>,
        %parallel_loop3A_274 = arith.index_cast %parallel_loop3A_203 : i32 to index
        %parallel_loop3A_275 = arith.constant 80 : index
        %parallel_loop3A_276 = tpu.vector_load %arg10[%parallel_loop3A_274, %parallel_loop3A_275] {strides = array<i32>} : memref<16x768xf32, #tpu.memory_space<vmem>>, vector<1x16xf32>,
        %parallel_loop3A_277 = vector.shape_cast %parallel_loop3A_276 : vector<1x16xf32> to vector<16xf32>
        %parallel_loop3A_278 = arith.index_cast %parallel_loop3A_203 : i32 to index
        %parallel_loop3A_279 = arith.constant 80 : index
        %parallel_loop3A_280 = tpu.vector_load %arg14[%parallel_loop3A_278, %parallel_loop3A_279] {strides = array<i32>} : memref<16x768xf32, #tpu.memory_space<vmem>>, vector<1x16xf32>,
        %parallel_loop3A_281 = vector.shape_cast %parallel_loop3A_280 : vector<1x16xf32> to vector<16xf32>
        %parallel_loop3A_282 = arith.addf %parallel_loop3A_277, %parallel_loop3A_281 : vector<16xf32>
        %parallel_loop3A_283 = arith.index_cast %parallel_loop3A_203 : i32 to index
        %parallel_loop3A_284 = arith.constant 80 : index
        %parallel_loop3A_285 = tpu.vector_load %arg14[%parallel_loop3A_283, %parallel_loop3A_284] {strides = array<i32>} : memref<16x768xf32, #tpu.memory_space<vmem>>, vector<1x16xf32>,
        %parallel_loop3A_286 = vector.shape_cast %parallel_loop3A_285 : vector<1x16xf32> to vector<16xf32>
        %parallel_loop3A_287 = vector.shape_cast %parallel_loop3A_282 : vector<16xf32> to vector<1x16xf32>
        tpu.vector_store %arg14[%parallel_loop3A_283, %parallel_loop3A_284], %parallel_loop3A_287 {strides = array<i32>} : memref<16x768xf32, #tpu.memory_space<vmem>>, vector<1x16xf32>,
        %parallel_loop3A_288 = arith.index_cast %parallel_loop3A_203 : i32 to index
        %parallel_loop3A_289 = arith.constant 96 : index
        %parallel_loop3A_290 = tpu.vector_load %arg10[%parallel_loop3A_288, %parallel_loop3A_289] {strides = array<i32>} : memref<16x768xf32, #tpu.memory_space<vmem>>, vector<1x16xf32>,
        %parallel_loop3A_291 = vector.shape_cast %parallel_loop3A_290 : vector<1x16xf32> to vector<16xf32>
        %parallel_loop3A_292 = arith.index_cast %parallel_loop3A_203 : i32 to index
        %parallel_loop3A_293 = arith.constant 96 : index
        %parallel_loop3A_294 = tpu.vector_load %arg14[%parallel_loop3A_292, %parallel_loop3A_293] {strides = array<i32>} : memref<16x768xf32, #tpu.memory_space<vmem>>, vector<1x16xf32>,
        %parallel_loop3A_295 = vector.shape_cast %parallel_loop3A_294 : vector<1x16xf32> to vector<16xf32>
        %parallel_loop3A_296 = arith.addf %parallel_loop3A_291, %parallel_loop3A_295 : vector<16xf32>
        %parallel_loop3A_297 = arith.index_cast %parallel_loop3A_203 : i32 to index
        %parallel_loop3A_298 = arith.constant 96 : index
        %parallel_loop3A_299 = tpu.vector_load %arg14[%parallel_loop3A_297, %parallel_loop3A_298] {strides = array<i32>} : memref<16x768xf32, #tpu.memory_space<vmem>>, vector<1x16xf32>,
        %parallel_loop3A_300 = vector.shape_cast %parallel_loop3A_299 : vector<1x16xf32> to vector<16xf32>
        %parallel_loop3A_301 = vector.shape_cast %parallel_loop3A_296 : vector<16xf32> to vector<1x16xf32>
        tpu.vector_store %arg14[%parallel_loop3A_297, %parallel_loop3A_298], %parallel_loop3A_301 {strides = array<i32>} : memref<16x768xf32, #tpu.memory_space<vmem>>, vector<1x16xf32>,
        %parallel_loop3A_302 = arith.index_cast %parallel_loop3A_203 : i32 to index
        %parallel_loop3A_303 = arith.constant 112 : index
        %parallel_loop3A_304 = tpu.vector_load %arg10[%parallel_loop3A_302, %parallel_loop3A_303] {strides = array<i32>} : memref<16x768xf32, #tpu.memory_space<vmem>>, vector<1x16xf32>,
        %parallel_loop3A_305 = vector.shape_cast %parallel_loop3A_304 : vector<1x16xf32> to vector<16xf32>
        %parallel_loop3A_306 = arith.index_cast %parallel_loop3A_203 : i32 to index
        %parallel_loop3A_307 = arith.constant 112 : index
        %parallel_loop3A_308 = tpu.vector_load %arg14[%parallel_loop3A_306, %parallel_loop3A_307] {strides = array<i32>} : memref<16x768xf32, #tpu.memory_space<vmem>>, vector<1x16xf32>,
        %parallel_loop3A_309 = vector.shape_cast %parallel_loop3A_308 : vector<1x16xf32> to vector<16xf32>
        %parallel_loop3A_310 = arith.addf %parallel_loop3A_305, %parallel_loop3A_309 : vector<16xf32>
        %parallel_loop3A_311 = arith.index_cast %parallel_loop3A_203 : i32 to index
        %parallel_loop3A_312 = arith.constant 112 : index
        %parallel_loop3A_313 = tpu.vector_load %arg14[%parallel_loop3A_311, %parallel_loop3A_312] {strides = array<i32>} : memref<16x768xf32, #tpu.memory_space<vmem>>, vector<1x16xf32>,
        %parallel_loop3A_314 = vector.shape_cast %parallel_loop3A_313 : vector<1x16xf32> to vector<16xf32>
        %parallel_loop3A_315 = vector.shape_cast %parallel_loop3A_310 : vector<16xf32> to vector<1x16xf32>
        tpu.vector_store %arg14[%parallel_loop3A_311, %parallel_loop3A_312], %parallel_loop3A_315 {strides = array<i32>} : memref<16x768xf32, #tpu.memory_space<vmem>>, vector<1x16xf32>,
        %parallel_loop3A_316 = arith.index_cast %parallel_loop3A_203 : i32 to index
        %parallel_loop3A_317 = arith.constant 128 : index
        %parallel_loop3A_318 = tpu.vector_load %arg10[%parallel_loop3A_316, %parallel_loop3A_317] {strides = array<i32>} : memref<16x768xf32, #tpu.memory_space<vmem>>, vector<1x16xf32>,
        %parallel_loop3A_319 = vector.shape_cast %parallel_loop3A_318 : vector<1x16xf32> to vector<16xf32>
        %parallel_loop3A_320 = arith.index_cast %parallel_loop3A_203 : i32 to index
        %parallel_loop3A_321 = arith.constant 128 : index
        %parallel_loop3A_322 = tpu.vector_load %arg14[%parallel_loop3A_320, %parallel_loop3A_321] {strides = array<i32>} : memref<16x768xf32, #tpu.memory_space<vmem>>, vector<1x16xf32>,
        %parallel_loop3A_323 = vector.shape_cast %parallel_loop3A_322 : vector<1x16xf32> to vector<16xf32>
        %parallel_loop3A_324 = arith.addf %parallel_loop3A_319, %parallel_loop3A_323 : vector<16xf32>
        %parallel_loop3A_325 = arith.index_cast %parallel_loop3A_203 : i32 to index
        %parallel_loop3A_326 = arith.constant 128 : index
        %parallel_loop3A_327 = tpu.vector_load %arg14[%parallel_loop3A_325, %parallel_loop3A_326] {strides = array<i32>} : memref<16x768xf32, #tpu.memory_space<vmem>>, vector<1x16xf32>,
        %parallel_loop3A_328 = vector.shape_cast %parallel_loop3A_327 : vector<1x16xf32> to vector<16xf32>
        %parallel_loop3A_329 = vector.shape_cast %parallel_loop3A_324 : vector<16xf32> to vector<1x16xf32>
        tpu.vector_store %arg14[%parallel_loop3A_325, %parallel_loop3A_326], %parallel_loop3A_329 {strides = array<i32>} : memref<16x768xf32, #tpu.memory_space<vmem>>, vector<1x16xf32>,
        %parallel_loop3A_330 = arith.index_cast %parallel_loop3A_203 : i32 to index
        %parallel_loop3A_331 = arith.constant 144 : index
        %parallel_loop3A_332 = tpu.vector_load %arg10[%parallel_loop3A_330, %parallel_loop3A_331] {strides = array<i32>} : memref<16x768xf32, #tpu.memory_space<vmem>>, vector<1x16xf32>,
        %parallel_loop3A_333 = vector.shape_cast %parallel_loop3A_332 : vector<1x16xf32> to vector<16xf32>
        %parallel_loop3A_334 = arith.index_cast %parallel_loop3A_203 : i32 to index
        %parallel_loop3A_335 = arith.constant 144 : index
        %parallel_loop3A_336 = tpu.vector_load %arg14[%parallel_loop3A_334, %parallel_loop3A_335] {strides = array<i32>} : memref<16x768xf32, #tpu.memory_space<vmem>>, vector<1x16xf32>,
        %parallel_loop3A_337 = vector.shape_cast %parallel_loop3A_336 : vector<1x16xf32> to vector<16xf32>
        %parallel_loop3A_338 = arith.addf %parallel_loop3A_333, %parallel_loop3A_337 : vector<16xf32>
        %parallel_loop3A_339 = arith.index_cast %parallel_loop3A_203 : i32 to index
        %parallel_loop3A_340 = arith.constant 144 : index
        %parallel_loop3A_341 = tpu.vector_load %arg14[%parallel_loop3A_339, %parallel_loop3A_340] {strides = array<i32>} : memref<16x768xf32, #tpu.memory_space<vmem>>, vector<1x16xf32>,
        %parallel_loop3A_342 = vector.shape_cast %parallel_loop3A_341 : vector<1x16xf32> to vector<16xf32>
        %parallel_loop3A_343 = vector.shape_cast %parallel_loop3A_338 : vector<16xf32> to vector<1x16xf32>
        tpu.vector_store %arg14[%parallel_loop3A_339, %parallel_loop3A_340], %parallel_loop3A_343 {strides = array<i32>} : memref<16x768xf32, #tpu.memory_space<vmem>>, vector<1x16xf32>,
        %parallel_loop3A_344 = arith.index_cast %parallel_loop3A_203 : i32 to index
        %parallel_loop3A_345 = arith.constant 160 : index
        %parallel_loop3A_346 = tpu.vector_load %arg10[%parallel_loop3A_344, %parallel_loop3A_345] {strides = array<i32>} : memref<16x768xf32, #tpu.memory_space<vmem>>, vector<1x16xf32>,
        %parallel_loop3A_347 = vector.shape_cast %parallel_loop3A_346 : vector<1x16xf32> to vector<16xf32>
        %parallel_loop3A_348 = arith.index_cast %parallel_loop3A_203 : i32 to index
        %parallel_loop3A_349 = arith.constant 160 : index
        %parallel_loop3A_350 = tpu.vector_load %arg14[%parallel_loop3A_348, %parallel_loop3A_349] {strides = array<i32>} : memref<16x768xf32, #tpu.memory_space<vmem>>, vector<1x16xf32>,
        %parallel_loop3A_351 = vector.shape_cast %parallel_loop3A_350 : vector<1x16xf32> to vector<16xf32>
        %parallel_loop3A_352 = arith.addf %parallel_loop3A_347, %parallel_loop3A_351 : vector<16xf32>
        %parallel_loop3A_353 = arith.index_cast %parallel_loop3A_203 : i32 to index
        %parallel_loop3A_354 = arith.constant 160 : index
        %parallel_loop3A_355 = tpu.vector_load %arg14[%parallel_loop3A_353, %parallel_loop3A_354] {strides = array<i32>} : memref<16x768xf32, #tpu.memory_space<vmem>>, vector<1x16xf32>,
        %parallel_loop3A_356 = vector.shape_cast %parallel_loop3A_355 : vector<1x16xf32> to vector<16xf32>
        %parallel_loop3A_357 = vector.shape_cast %parallel_loop3A_352 : vector<16xf32> to vector<1x16xf32>
        tpu.vector_store %arg14[%parallel_loop3A_353, %parallel_loop3A_354], %parallel_loop3A_357 {strides = array<i32>} : memref<16x768xf32, #tpu.memory_space<vmem>>, vector<1x16xf32>,
        %parallel_loop3A_358 = arith.index_cast %parallel_loop3A_203 : i32 to index
        %parallel_loop3A_359 = arith.constant 176 : index
        %parallel_loop3A_360 = tpu.vector_load %arg10[%parallel_loop3A_358, %parallel_loop3A_359] {strides = array<i32>} : memref<16x768xf32, #tpu.memory_space<vmem>>, vector<1x16xf32>,
        %parallel_loop3A_361 = vector.shape_cast %parallel_loop3A_360 : vector<1x16xf32> to vector<16xf32>
        %parallel_loop3A_362 = arith.index_cast %parallel_loop3A_203 : i32 to index
        %parallel_loop3A_363 = arith.constant 176 : index
        %parallel_loop3A_364 = tpu.vector_load %arg14[%parallel_loop3A_362, %parallel_loop3A_363] {strides = array<i32>} : memref<16x768xf32, #tpu.memory_space<vmem>>, vector<1x16xf32>,
        %parallel_loop3A_365 = vector.shape_cast %parallel_loop3A_364 : vector<1x16xf32> to vector<16xf32>
        %parallel_loop3A_366 = arith.addf %parallel_loop3A_361, %parallel_loop3A_365 : vector<16xf32>
        %parallel_loop3A_367 = arith.index_cast %parallel_loop3A_203 : i32 to index
        %parallel_loop3A_368 = arith.constant 176 : index
        %parallel_loop3A_369 = tpu.vector_load %arg14[%parallel_loop3A_367, %parallel_loop3A_368] {strides = array<i32>} : memref<16x768xf32, #tpu.memory_space<vmem>>, vector<1x16xf32>,
        %parallel_loop3A_370 = vector.shape_cast %parallel_loop3A_369 : vector<1x16xf32> to vector<16xf32>
        %parallel_loop3A_371 = vector.shape_cast %parallel_loop3A_366 : vector<16xf32> to vector<1x16xf32>
        tpu.vector_store %arg14[%parallel_loop3A_367, %parallel_loop3A_368], %parallel_loop3A_371 {strides = array<i32>} : memref<16x768xf32, #tpu.memory_space<vmem>>, vector<1x16xf32>,
        %parallel_loop3A_372 = arith.index_cast %parallel_loop3A_203 : i32 to index
        %parallel_loop3A_373 = arith.constant 192 : index
        %parallel_loop3A_374 = tpu.vector_load %arg10[%parallel_loop3A_372, %parallel_loop3A_373] {strides = array<i32>} : memref<16x768xf32, #tpu.memory_space<vmem>>, vector<1x16xf32>,
        %parallel_loop3A_375 = vector.shape_cast %parallel_loop3A_374 : vector<1x16xf32> to vector<16xf32>
        %parallel_loop3A_376 = arith.index_cast %parallel_loop3A_203 : i32 to index
        %parallel_loop3A_377 = arith.constant 192 : index
        %parallel_loop3A_378 = tpu.vector_load %arg14[%parallel_loop3A_376, %parallel_loop3A_377] {strides = array<i32>} : memref<16x768xf32, #tpu.memory_space<vmem>>, vector<1x16xf32>,
        %parallel_loop3A_379 = vector.shape_cast %parallel_loop3A_378 : vector<1x16xf32> to vector<16xf32>
        %parallel_loop3A_380 = arith.addf %parallel_loop3A_375, %parallel_loop3A_379 : vector<16xf32>
        %parallel_loop3A_381 = arith.index_cast %parallel_loop3A_203 : i32 to index
        %parallel_loop3A_382 = arith.constant 192 : index
        %parallel_loop3A_383 = tpu.vector_load %arg14[%parallel_loop3A_381, %parallel_loop3A_382] {strides = array<i32>} : memref<16x768xf32, #tpu.memory_space<vmem>>, vector<1x16xf32>,
        %parallel_loop3A_384 = vector.shape_cast %parallel_loop3A_383 : vector<1x16xf32> to vector<16xf32>
        %parallel_loop3A_385 = vector.shape_cast %parallel_loop3A_380 : vector<16xf32> to vector<1x16xf32>
        tpu.vector_store %arg14[%parallel_loop3A_381, %parallel_loop3A_382], %parallel_loop3A_385 {strides = array<i32>} : memref<16x768xf32, #tpu.memory_space<vmem>>, vector<1x16xf32>,
        %parallel_loop3A_386 = arith.index_cast %parallel_loop3A_203 : i32 to index
        %parallel_loop3A_387 = arith.constant 208 : index
        %parallel_loop3A_388 = tpu.vector_load %arg10[%parallel_loop3A_386, %parallel_loop3A_387] {strides = array<i32>} : memref<16x768xf32, #tpu.memory_space<vmem>>, vector<1x16xf32>,
        %parallel_loop3A_389 = vector.shape_cast %parallel_loop3A_388 : vector<1x16xf32> to vector<16xf32>
        %parallel_loop3A_390 = arith.index_cast %parallel_loop3A_203 : i32 to index
        %parallel_loop3A_391 = arith.constant 208 : index
        %parallel_loop3A_392 = tpu.vector_load %arg14[%parallel_loop3A_390, %parallel_loop3A_391] {strides = array<i32>} : memref<16x768xf32, #tpu.memory_space<vmem>>, vector<1x16xf32>,
        %parallel_loop3A_393 = vector.shape_cast %parallel_loop3A_392 : vector<1x16xf32> to vector<16xf32>
        %parallel_loop3A_394 = arith.addf %parallel_loop3A_389, %parallel_loop3A_393 : vector<16xf32>
        %parallel_loop3A_395 = arith.index_cast %parallel_loop3A_203 : i32 to index
        %parallel_loop3A_396 = arith.constant 208 : index
        %parallel_loop3A_397 = tpu.vector_load %arg14[%parallel_loop3A_395, %parallel_loop3A_396] {strides = array<i32>} : memref<16x768xf32, #tpu.memory_space<vmem>>, vector<1x16xf32>,
        %parallel_loop3A_398 = vector.shape_cast %parallel_loop3A_397 : vector<1x16xf32> to vector<16xf32>
        %parallel_loop3A_399 = vector.shape_cast %parallel_loop3A_394 : vector<16xf32> to vector<1x16xf32>
        tpu.vector_store %arg14[%parallel_loop3A_395, %parallel_loop3A_396], %parallel_loop3A_399 {strides = array<i32>} : memref<16x768xf32, #tpu.memory_space<vmem>>, vector<1x16xf32>,
        %parallel_loop3A_400 = arith.index_cast %parallel_loop3A_203 : i32 to index
        %parallel_loop3A_401 = arith.constant 224 : index
        %parallel_loop3A_402 = tpu.vector_load %arg10[%parallel_loop3A_400, %parallel_loop3A_401] {strides = array<i32>} : memref<16x768xf32, #tpu.memory_space<vmem>>, vector<1x16xf32>,
        %parallel_loop3A_403 = vector.shape_cast %parallel_loop3A_402 : vector<1x16xf32> to vector<16xf32>
        %parallel_loop3A_404 = arith.index_cast %parallel_loop3A_203 : i32 to index
        %parallel_loop3A_405 = arith.constant 224 : index
        %parallel_loop3A_406 = tpu.vector_load %arg14[%parallel_loop3A_404, %parallel_loop3A_405] {strides = array<i32>} : memref<16x768xf32, #tpu.memory_space<vmem>>, vector<1x16xf32>,
        %parallel_loop3A_407 = vector.shape_cast %parallel_loop3A_406 : vector<1x16xf32> to vector<16xf32>
        %parallel_loop3A_408 = arith.addf %parallel_loop3A_403, %parallel_loop3A_407 : vector<16xf32>
        %parallel_loop3A_409 = arith.index_cast %parallel_loop3A_203 : i32 to index
        %parallel_loop3A_410 = arith.constant 224 : index
        %parallel_loop3A_411 = tpu.vector_load %arg14[%parallel_loop3A_409, %parallel_loop3A_410] {strides = array<i32>} : memref<16x768xf32, #tpu.memory_space<vmem>>, vector<1x16xf32>,
        %parallel_loop3A_412 = vector.shape_cast %parallel_loop3A_411 : vector<1x16xf32> to vector<16xf32>
        %parallel_loop3A_413 = vector.shape_cast %parallel_loop3A_408 : vector<16xf32> to vector<1x16xf32>
        tpu.vector_store %arg14[%parallel_loop3A_409, %parallel_loop3A_410], %parallel_loop3A_413 {strides = array<i32>} : memref<16x768xf32, #tpu.memory_space<vmem>>, vector<1x16xf32>,
        %parallel_loop3A_414 = arith.index_cast %parallel_loop3A_203 : i32 to index
        %parallel_loop3A_415 = arith.constant 240 : index
        %parallel_loop3A_416 = tpu.vector_load %arg10[%parallel_loop3A_414, %parallel_loop3A_415] {strides = array<i32>} : memref<16x768xf32, #tpu.memory_space<vmem>>, vector<1x16xf32>,
        %parallel_loop3A_417 = vector.shape_cast %parallel_loop3A_416 : vector<1x16xf32> to vector<16xf32>
        %parallel_loop3A_418 = arith.index_cast %parallel_loop3A_203 : i32 to index
        %parallel_loop3A_419 = arith.constant 240 : index
        %parallel_loop3A_420 = tpu.vector_load %arg14[%parallel_loop3A_418, %parallel_loop3A_419] {strides = array<i32>} : memref<16x768xf32, #tpu.memory_space<vmem>>, vector<1x16xf32>,
        %parallel_loop3A_421 = vector.shape_cast %parallel_loop3A_420 : vector<1x16xf32> to vector<16xf32>
        %parallel_loop3A_422 = arith.addf %parallel_loop3A_417, %parallel_loop3A_421 : vector<16xf32>
        %parallel_loop3A_423 = arith.index_cast %parallel_loop3A_203 : i32 to index
        %parallel_loop3A_424 = arith.constant 240 : index
        %parallel_loop3A_425 = tpu.vector_load %arg14[%parallel_loop3A_423, %parallel_loop3A_424] {strides = array<i32>} : memref<16x768xf32, #tpu.memory_space<vmem>>, vector<1x16xf32>,
        %parallel_loop3A_426 = vector.shape_cast %parallel_loop3A_425 : vector<1x16xf32> to vector<16xf32>
        %parallel_loop3A_427 = vector.shape_cast %parallel_loop3A_422 : vector<16xf32> to vector<1x16xf32>
        tpu.vector_store %arg14[%parallel_loop3A_423, %parallel_loop3A_424], %parallel_loop3A_427 {strides = array<i32>} : memref<16x768xf32, #tpu.memory_space<vmem>>, vector<1x16xf32>,
        %parallel_loop3A_428 = arith.index_cast %parallel_loop3A_203 : i32 to index
        %parallel_loop3A_429 = arith.constant 256 : index
        %parallel_loop3A_430 = tpu.vector_load %arg10[%parallel_loop3A_428, %parallel_loop3A_429] {strides = array<i32>} : memref<16x768xf32, #tpu.memory_space<vmem>>, vector<1x16xf32>,
        %parallel_loop3A_431 = vector.shape_cast %parallel_loop3A_430 : vector<1x16xf32> to vector<16xf32>
        %parallel_loop3A_432 = arith.index_cast %parallel_loop3A_203 : i32 to index
        %parallel_loop3A_433 = arith.constant 256 : index
        %parallel_loop3A_434 = tpu.vector_load %arg14[%parallel_loop3A_432, %parallel_loop3A_433] {strides = array<i32>} : memref<16x768xf32, #tpu.memory_space<vmem>>, vector<1x16xf32>,
        %parallel_loop3A_435 = vector.shape_cast %parallel_loop3A_434 : vector<1x16xf32> to vector<16xf32>
        %parallel_loop3A_436 = arith.addf %parallel_loop3A_431, %parallel_loop3A_435 : vector<16xf32>
        %parallel_loop3A_437 = arith.index_cast %parallel_loop3A_203 : i32 to index
        %parallel_loop3A_438 = arith.constant 256 : index
        %parallel_loop3A_439 = tpu.vector_load %arg14[%parallel_loop3A_437, %parallel_loop3A_438] {strides = array<i32>} : memref<16x768xf32, #tpu.memory_space<vmem>>, vector<1x16xf32>,
        %parallel_loop3A_440 = vector.shape_cast %parallel_loop3A_439 : vector<1x16xf32> to vector<16xf32>
        %parallel_loop3A_441 = vector.shape_cast %parallel_loop3A_436 : vector<16xf32> to vector<1x16xf32>
        tpu.vector_store %arg14[%parallel_loop3A_437, %parallel_loop3A_438], %parallel_loop3A_441 {strides = array<i32>} : memref<16x768xf32, #tpu.memory_space<vmem>>, vector<1x16xf32>,
        %parallel_loop3A_442 = arith.index_cast %parallel_loop3A_203 : i32 to index
        %parallel_loop3A_443 = arith.constant 272 : index
        %parallel_loop3A_444 = tpu.vector_load %arg10[%parallel_loop3A_442, %parallel_loop3A_443] {strides = array<i32>} : memref<16x768xf32, #tpu.memory_space<vmem>>, vector<1x16xf32>,
        %parallel_loop3A_445 = vector.shape_cast %parallel_loop3A_444 : vector<1x16xf32> to vector<16xf32>
        %parallel_loop3A_446 = arith.index_cast %parallel_loop3A_203 : i32 to index
        %parallel_loop3A_447 = arith.constant 272 : index
        %parallel_loop3A_448 = tpu.vector_load %arg14[%parallel_loop3A_446, %parallel_loop3A_447] {strides = array<i32>} : memref<16x768xf32, #tpu.memory_space<vmem>>, vector<1x16xf32>,
        %parallel_loop3A_449 = vector.shape_cast %parallel_loop3A_448 : vector<1x16xf32> to vector<16xf32>
        %parallel_loop3A_450 = arith.addf %parallel_loop3A_445, %parallel_loop3A_449 : vector<16xf32>
        %parallel_loop3A_451 = arith.index_cast %parallel_loop3A_203 : i32 to index
        %parallel_loop3A_452 = arith.constant 272 : index
        %parallel_loop3A_453 = tpu.vector_load %arg14[%parallel_loop3A_451, %parallel_loop3A_452] {strides = array<i32>} : memref<16x768xf32, #tpu.memory_space<vmem>>, vector<1x16xf32>,
        %parallel_loop3A_454 = vector.shape_cast %parallel_loop3A_453 : vector<1x16xf32> to vector<16xf32>
        %parallel_loop3A_455 = vector.shape_cast %parallel_loop3A_450 : vector<16xf32> to vector<1x16xf32>
        tpu.vector_store %arg14[%parallel_loop3A_451, %parallel_loop3A_452], %parallel_loop3A_455 {strides = array<i32>} : memref<16x768xf32, #tpu.memory_space<vmem>>, vector<1x16xf32>,
        %parallel_loop3A_456 = arith.index_cast %parallel_loop3A_203 : i32 to index
        %parallel_loop3A_457 = arith.constant 288 : index
        %parallel_loop3A_458 = tpu.vector_load %arg10[%parallel_loop3A_456, %parallel_loop3A_457] {strides = array<i32>} : memref<16x768xf32, #tpu.memory_space<vmem>>, vector<1x16xf32>,
        %parallel_loop3A_459 = vector.shape_cast %parallel_loop3A_458 : vector<1x16xf32> to vector<16xf32>
        %parallel_loop3A_460 = arith.index_cast %parallel_loop3A_203 : i32 to index
        %parallel_loop3A_461 = arith.constant 288 : index
        %parallel_loop3A_462 = tpu.vector_load %arg14[%parallel_loop3A_460, %parallel_loop3A_461] {strides = array<i32>} : memref<16x768xf32, #tpu.memory_space<vmem>>, vector<1x16xf32>,
        %parallel_loop3A_463 = vector.shape_cast %parallel_loop3A_462 : vector<1x16xf32> to vector<16xf32>
        %parallel_loop3A_464 = arith.addf %parallel_loop3A_459, %parallel_loop3A_463 : vector<16xf32>
        %parallel_loop3A_465 = arith.index_cast %parallel_loop3A_203 : i32 to index
        %parallel_loop3A_466 = arith.constant 288 : index
        %parallel_loop3A_467 = tpu.vector_load %arg14[%parallel_loop3A_465, %parallel_loop3A_466] {strides = array<i32>} : memref<16x768xf32, #tpu.memory_space<vmem>>, vector<1x16xf32>,
        %parallel_loop3A_468 = vector.shape_cast %parallel_loop3A_467 : vector<1x16xf32> to vector<16xf32>
        %parallel_loop3A_469 = vector.shape_cast %parallel_loop3A_464 : vector<16xf32> to vector<1x16xf32>
        tpu.vector_store %arg14[%parallel_loop3A_465, %parallel_loop3A_466], %parallel_loop3A_469 {strides = array<i32>} : memref<16x768xf32, #tpu.memory_space<vmem>>, vector<1x16xf32>,
        %parallel_loop3A_470 = arith.index_cast %parallel_loop3A_203 : i32 to index
        %parallel_loop3A_471 = arith.constant 304 : index
        %parallel_loop3A_472 = tpu.vector_load %arg10[%parallel_loop3A_470, %parallel_loop3A_471] {strides = array<i32>} : memref<16x768xf32, #tpu.memory_space<vmem>>, vector<1x16xf32>,
        %parallel_loop3A_473 = vector.shape_cast %parallel_loop3A_472 : vector<1x16xf32> to vector<16xf32>
        %parallel_loop3A_474 = arith.index_cast %parallel_loop3A_203 : i32 to index
        %parallel_loop3A_475 = arith.constant 304 : index
        %parallel_loop3A_476 = tpu.vector_load %arg14[%parallel_loop3A_474, %parallel_loop3A_475] {strides = array<i32>} : memref<16x768xf32, #tpu.memory_space<vmem>>, vector<1x16xf32>,
        %parallel_loop3A_477 = vector.shape_cast %parallel_loop3A_476 : vector<1x16xf32> to vector<16xf32>
        %parallel_loop3A_478 = arith.addf %parallel_loop3A_473, %parallel_loop3A_477 : vector<16xf32>
        %parallel_loop3A_479 = arith.index_cast %parallel_loop3A_203 : i32 to index
        %parallel_loop3A_480 = arith.constant 304 : index
        %parallel_loop3A_481 = tpu.vector_load %arg14[%parallel_loop3A_479, %parallel_loop3A_480] {strides = array<i32>} : memref<16x768xf32, #tpu.memory_space<vmem>>, vector<1x16xf32>,
        %parallel_loop3A_482 = vector.shape_cast %parallel_loop3A_481 : vector<1x16xf32> to vector<16xf32>
        %parallel_loop3A_483 = vector.shape_cast %parallel_loop3A_478 : vector<16xf32> to vector<1x16xf32>
        tpu.vector_store %arg14[%parallel_loop3A_479, %parallel_loop3A_480], %parallel_loop3A_483 {strides = array<i32>} : memref<16x768xf32, #tpu.memory_space<vmem>>, vector<1x16xf32>,
        %parallel_loop3A_484 = arith.index_cast %parallel_loop3A_203 : i32 to index
        %parallel_loop3A_485 = arith.constant 320 : index
        %parallel_loop3A_486 = tpu.vector_load %arg10[%parallel_loop3A_484, %parallel_loop3A_485] {strides = array<i32>} : memref<16x768xf32, #tpu.memory_space<vmem>>, vector<1x16xf32>,
        %parallel_loop3A_487 = vector.shape_cast %parallel_loop3A_486 : vector<1x16xf32> to vector<16xf32>
        %parallel_loop3A_488 = arith.index_cast %parallel_loop3A_203 : i32 to index
        %parallel_loop3A_489 = arith.constant 320 : index
        %parallel_loop3A_490 = tpu.vector_load %arg14[%parallel_loop3A_488, %parallel_loop3A_489] {strides = array<i32>} : memref<16x768xf32, #tpu.memory_space<vmem>>, vector<1x16xf32>,
        %parallel_loop3A_491 = vector.shape_cast %parallel_loop3A_490 : vector<1x16xf32> to vector<16xf32>
        %parallel_loop3A_492 = arith.addf %parallel_loop3A_487, %parallel_loop3A_491 : vector<16xf32>
        %parallel_loop3A_493 = arith.index_cast %parallel_loop3A_203 : i32 to index
        %parallel_loop3A_494 = arith.constant 320 : index
        %parallel_loop3A_495 = tpu.vector_load %arg14[%parallel_loop3A_493, %parallel_loop3A_494] {strides = array<i32>} : memref<16x768xf32, #tpu.memory_space<vmem>>, vector<1x16xf32>,
        %parallel_loop3A_496 = vector.shape_cast %parallel_loop3A_495 : vector<1x16xf32> to vector<16xf32>
        %parallel_loop3A_497 = vector.shape_cast %parallel_loop3A_492 : vector<16xf32> to vector<1x16xf32>
        tpu.vector_store %arg14[%parallel_loop3A_493, %parallel_loop3A_494], %parallel_loop3A_497 {strides = array<i32>} : memref<16x768xf32, #tpu.memory_space<vmem>>, vector<1x16xf32>,
        %parallel_loop3A_498 = arith.index_cast %parallel_loop3A_203 : i32 to index
        %parallel_loop3A_499 = arith.constant 336 : index
        %parallel_loop3A_500 = tpu.vector_load %arg10[%parallel_loop3A_498, %parallel_loop3A_499] {strides = array<i32>} : memref<16x768xf32, #tpu.memory_space<vmem>>, vector<1x16xf32>,
        %parallel_loop3A_501 = vector.shape_cast %parallel_loop3A_500 : vector<1x16xf32> to vector<16xf32>
        %parallel_loop3A_502 = arith.index_cast %parallel_loop3A_203 : i32 to index
        %parallel_loop3A_503 = arith.constant 336 : index
        %parallel_loop3A_504 = tpu.vector_load %arg14[%parallel_loop3A_502, %parallel_loop3A_503] {strides = array<i32>} : memref<16x768xf32, #tpu.memory_space<vmem>>, vector<1x16xf32>,
        %parallel_loop3A_505 = vector.shape_cast %parallel_loop3A_504 : vector<1x16xf32> to vector<16xf32>
        %parallel_loop3A_506 = arith.addf %parallel_loop3A_501, %parallel_loop3A_505 : vector<16xf32>
        %parallel_loop3A_507 = arith.index_cast %parallel_loop3A_203 : i32 to index
        %parallel_loop3A_508 = arith.constant 336 : index
        %parallel_loop3A_509 = tpu.vector_load %arg14[%parallel_loop3A_507, %parallel_loop3A_508] {strides = array<i32>} : memref<16x768xf32, #tpu.memory_space<vmem>>, vector<1x16xf32>,
        %parallel_loop3A_510 = vector.shape_cast %parallel_loop3A_509 : vector<1x16xf32> to vector<16xf32>
        %parallel_loop3A_511 = vector.shape_cast %parallel_loop3A_506 : vector<16xf32> to vector<1x16xf32>
        tpu.vector_store %arg14[%parallel_loop3A_507, %parallel_loop3A_508], %parallel_loop3A_511 {strides = array<i32>} : memref<16x768xf32, #tpu.memory_space<vmem>>, vector<1x16xf32>,
        %parallel_loop3A_512 = arith.index_cast %parallel_loop3A_203 : i32 to index
        %parallel_loop3A_513 = arith.constant 352 : index
        %parallel_loop3A_514 = tpu.vector_load %arg10[%parallel_loop3A_512, %parallel_loop3A_513] {strides = array<i32>} : memref<16x768xf32, #tpu.memory_space<vmem>>, vector<1x16xf32>,
        %parallel_loop3A_515 = vector.shape_cast %parallel_loop3A_514 : vector<1x16xf32> to vector<16xf32>
        %parallel_loop3A_516 = arith.index_cast %parallel_loop3A_203 : i32 to index
        %parallel_loop3A_517 = arith.constant 352 : index
        %parallel_loop3A_518 = tpu.vector_load %arg14[%parallel_loop3A_516, %parallel_loop3A_517] {strides = array<i32>} : memref<16x768xf32, #tpu.memory_space<vmem>>, vector<1x16xf32>,
        %parallel_loop3A_519 = vector.shape_cast %parallel_loop3A_518 : vector<1x16xf32> to vector<16xf32>
        %parallel_loop3A_520 = arith.addf %parallel_loop3A_515, %parallel_loop3A_519 : vector<16xf32>
        %parallel_loop3A_521 = arith.index_cast %parallel_loop3A_203 : i32 to index
        %parallel_loop3A_522 = arith.constant 352 : index
        %parallel_loop3A_523 = tpu.vector_load %arg14[%parallel_loop3A_521, %parallel_loop3A_522] {strides = array<i32>} : memref<16x768xf32, #tpu.memory_space<vmem>>, vector<1x16xf32>,
        %parallel_loop3A_524 = vector.shape_cast %parallel_loop3A_523 : vector<1x16xf32> to vector<16xf32>
        %parallel_loop3A_525 = vector.shape_cast %parallel_loop3A_520 : vector<16xf32> to vector<1x16xf32>
        tpu.vector_store %arg14[%parallel_loop3A_521, %parallel_loop3A_522], %parallel_loop3A_525 {strides = array<i32>} : memref<16x768xf32, #tpu.memory_space<vmem>>, vector<1x16xf32>,
        %parallel_loop3A_526 = arith.index_cast %parallel_loop3A_203 : i32 to index
        %parallel_loop3A_527 = arith.constant 368 : index
        %parallel_loop3A_528 = tpu.vector_load %arg10[%parallel_loop3A_526, %parallel_loop3A_527] {strides = array<i32>} : memref<16x768xf32, #tpu.memory_space<vmem>>, vector<1x16xf32>,
        %parallel_loop3A_529 = vector.shape_cast %parallel_loop3A_528 : vector<1x16xf32> to vector<16xf32>
        %parallel_loop3A_530 = arith.index_cast %parallel_loop3A_203 : i32 to index
        %parallel_loop3A_531 = arith.constant 368 : index
        %parallel_loop3A_532 = tpu.vector_load %arg14[%parallel_loop3A_530, %parallel_loop3A_531] {strides = array<i32>} : memref<16x768xf32, #tpu.memory_space<vmem>>, vector<1x16xf32>,
        %parallel_loop3A_533 = vector.shape_cast %parallel_loop3A_532 : vector<1x16xf32> to vector<16xf32>
        %parallel_loop3A_534 = arith.addf %parallel_loop3A_529, %parallel_loop3A_533 : vector<16xf32>
        %parallel_loop3A_535 = arith.index_cast %parallel_loop3A_203 : i32 to index
        %parallel_loop3A_536 = arith.constant 368 : index
        %parallel_loop3A_537 = tpu.vector_load %arg14[%parallel_loop3A_535, %parallel_loop3A_536] {strides = array<i32>} : memref<16x768xf32, #tpu.memory_space<vmem>>, vector<1x16xf32>,
        %parallel_loop3A_538 = vector.shape_cast %parallel_loop3A_537 : vector<1x16xf32> to vector<16xf32>
        %parallel_loop3A_539 = vector.shape_cast %parallel_loop3A_534 : vector<16xf32> to vector<1x16xf32>
        tpu.vector_store %arg14[%parallel_loop3A_535, %parallel_loop3A_536], %parallel_loop3A_539 {strides = array<i32>} : memref<16x768xf32, #tpu.memory_space<vmem>>, vector<1x16xf32>,
        %parallel_loop3A_540 = arith.index_cast %parallel_loop3A_203 : i32 to index
        %parallel_loop3A_541 = arith.constant 384 : index
        %parallel_loop3A_542 = tpu.vector_load %arg10[%parallel_loop3A_540, %parallel_loop3A_541] {strides = array<i32>} : memref<16x768xf32, #tpu.memory_space<vmem>>, vector<1x16xf32>,
        %parallel_loop3A_543 = vector.shape_cast %parallel_loop3A_542 : vector<1x16xf32> to vector<16xf32>
        %parallel_loop3A_544 = arith.index_cast %parallel_loop3A_203 : i32 to index
        %parallel_loop3A_545 = arith.constant 384 : index
        %parallel_loop3A_546 = tpu.vector_load %arg14[%parallel_loop3A_544, %parallel_loop3A_545] {strides = array<i32>} : memref<16x768xf32, #tpu.memory_space<vmem>>, vector<1x16xf32>,
        %parallel_loop3A_547 = vector.shape_cast %parallel_loop3A_546 : vector<1x16xf32> to vector<16xf32>
        %parallel_loop3A_548 = arith.addf %parallel_loop3A_543, %parallel_loop3A_547 : vector<16xf32>
        %parallel_loop3A_549 = arith.index_cast %parallel_loop3A_203 : i32 to index
        %parallel_loop3A_550 = arith.constant 384 : index
        %parallel_loop3A_551 = tpu.vector_load %arg14[%parallel_loop3A_549, %parallel_loop3A_550] {strides = array<i32>} : memref<16x768xf32, #tpu.memory_space<vmem>>, vector<1x16xf32>,
        %parallel_loop3A_552 = vector.shape_cast %parallel_loop3A_551 : vector<1x16xf32> to vector<16xf32>
        %parallel_loop3A_553 = vector.shape_cast %parallel_loop3A_548 : vector<16xf32> to vector<1x16xf32>
        tpu.vector_store %arg14[%parallel_loop3A_549, %parallel_loop3A_550], %parallel_loop3A_553 {strides = array<i32>} : memref<16x768xf32, #tpu.memory_space<vmem>>, vector<1x16xf32>,
        %parallel_loop3A_554 = arith.index_cast %parallel_loop3A_203 : i32 to index
        %parallel_loop3A_555 = arith.constant 400 : index
        %parallel_loop3A_556 = tpu.vector_load %arg10[%parallel_loop3A_554, %parallel_loop3A_555] {strides = array<i32>} : memref<16x768xf32, #tpu.memory_space<vmem>>, vector<1x16xf32>,
        %parallel_loop3A_557 = vector.shape_cast %parallel_loop3A_556 : vector<1x16xf32> to vector<16xf32>
        %parallel_loop3A_558 = arith.index_cast %parallel_loop3A_203 : i32 to index
        %parallel_loop3A_559 = arith.constant 400 : index
        %parallel_loop3A_560 = tpu.vector_load %arg14[%parallel_loop3A_558, %parallel_loop3A_559] {strides = array<i32>} : memref<16x768xf32, #tpu.memory_space<vmem>>, vector<1x16xf32>,
        %parallel_loop3A_561 = vector.shape_cast %parallel_loop3A_560 : vector<1x16xf32> to vector<16xf32>
        %parallel_loop3A_562 = arith.addf %parallel_loop3A_557, %parallel_loop3A_561 : vector<16xf32>
        %parallel_loop3A_563 = arith.index_cast %parallel_loop3A_203 : i32 to index
        %parallel_loop3A_564 = arith.constant 400 : index
        %parallel_loop3A_565 = tpu.vector_load %arg14[%parallel_loop3A_563, %parallel_loop3A_564] {strides = array<i32>} : memref<16x768xf32, #tpu.memory_space<vmem>>, vector<1x16xf32>,
        %parallel_loop3A_566 = vector.shape_cast %parallel_loop3A_565 : vector<1x16xf32> to vector<16xf32>
        %parallel_loop3A_567 = vector.shape_cast %parallel_loop3A_562 : vector<16xf32> to vector<1x16xf32>
        tpu.vector_store %arg14[%parallel_loop3A_563, %parallel_loop3A_564], %parallel_loop3A_567 {strides = array<i32>} : memref<16x768xf32, #tpu.memory_space<vmem>>, vector<1x16xf32>,
        %parallel_loop3A_568 = arith.index_cast %parallel_loop3A_203 : i32 to index
        %parallel_loop3A_569 = arith.constant 416 : index
        %parallel_loop3A_570 = tpu.vector_load %arg10[%parallel_loop3A_568, %parallel_loop3A_569] {strides = array<i32>} : memref<16x768xf32, #tpu.memory_space<vmem>>, vector<1x16xf32>,
        %parallel_loop3A_571 = vector.shape_cast %parallel_loop3A_570 : vector<1x16xf32> to vector<16xf32>
        %parallel_loop3A_572 = arith.index_cast %parallel_loop3A_203 : i32 to index
        %parallel_loop3A_573 = arith.constant 416 : index
        %parallel_loop3A_574 = tpu.vector_load %arg14[%parallel_loop3A_572, %parallel_loop3A_573] {strides = array<i32>} : memref<16x768xf32, #tpu.memory_space<vmem>>, vector<1x16xf32>,
        %parallel_loop3A_575 = vector.shape_cast %parallel_loop3A_574 : vector<1x16xf32> to vector<16xf32>
        %parallel_loop3A_576 = arith.addf %parallel_loop3A_571, %parallel_loop3A_575 : vector<16xf32>
        %parallel_loop3A_577 = arith.index_cast %parallel_loop3A_203 : i32 to index
        %parallel_loop3A_578 = arith.constant 416 : index
        %parallel_loop3A_579 = tpu.vector_load %arg14[%parallel_loop3A_577, %parallel_loop3A_578] {strides = array<i32>} : memref<16x768xf32, #tpu.memory_space<vmem>>, vector<1x16xf32>,
        %parallel_loop3A_580 = vector.shape_cast %parallel_loop3A_579 : vector<1x16xf32> to vector<16xf32>
        %parallel_loop3A_581 = vector.shape_cast %parallel_loop3A_576 : vector<16xf32> to vector<1x16xf32>
        tpu.vector_store %arg14[%parallel_loop3A_577, %parallel_loop3A_578], %parallel_loop3A_581 {strides = array<i32>} : memref<16x768xf32, #tpu.memory_space<vmem>>, vector<1x16xf32>,
        %parallel_loop3A_582 = arith.index_cast %parallel_loop3A_203 : i32 to index
        %parallel_loop3A_583 = arith.constant 432 : index
        %parallel_loop3A_584 = tpu.vector_load %arg10[%parallel_loop3A_582, %parallel_loop3A_583] {strides = array<i32>} : memref<16x768xf32, #tpu.memory_space<vmem>>, vector<1x16xf32>,
        %parallel_loop3A_585 = vector.shape_cast %parallel_loop3A_584 : vector<1x16xf32> to vector<16xf32>
        %parallel_loop3A_586 = arith.index_cast %parallel_loop3A_203 : i32 to index
        %parallel_loop3A_587 = arith.constant 432 : index
        %parallel_loop3A_588 = tpu.vector_load %arg14[%parallel_loop3A_586, %parallel_loop3A_587] {strides = array<i32>} : memref<16x768xf32, #tpu.memory_space<vmem>>, vector<1x16xf32>,
        %parallel_loop3A_589 = vector.shape_cast %parallel_loop3A_588 : vector<1x16xf32> to vector<16xf32>
        %parallel_loop3A_590 = arith.addf %parallel_loop3A_585, %parallel_loop3A_589 : vector<16xf32>
        %parallel_loop3A_591 = arith.index_cast %parallel_loop3A_203 : i32 to index
        %parallel_loop3A_592 = arith.constant 432 : index
        %parallel_loop3A_593 = tpu.vector_load %arg14[%parallel_loop3A_591, %parallel_loop3A_592] {strides = array<i32>} : memref<16x768xf32, #tpu.memory_space<vmem>>, vector<1x16xf32>,
        %parallel_loop3A_594 = vector.shape_cast %parallel_loop3A_593 : vector<1x16xf32> to vector<16xf32>
        %parallel_loop3A_595 = vector.shape_cast %parallel_loop3A_590 : vector<16xf32> to vector<1x16xf32>
        tpu.vector_store %arg14[%parallel_loop3A_591, %parallel_loop3A_592], %parallel_loop3A_595 {strides = array<i32>} : memref<16x768xf32, #tpu.memory_space<vmem>>, vector<1x16xf32>,
        %parallel_loop3A_596 = arith.index_cast %parallel_loop3A_203 : i32 to index
        %parallel_loop3A_597 = arith.constant 448 : index
        %parallel_loop3A_598 = tpu.vector_load %arg10[%parallel_loop3A_596, %parallel_loop3A_597] {strides = array<i32>} : memref<16x768xf32, #tpu.memory_space<vmem>>, vector<1x16xf32>,
        %parallel_loop3A_599 = vector.shape_cast %parallel_loop3A_598 : vector<1x16xf32> to vector<16xf32>
        %parallel_loop3A_600 = arith.index_cast %parallel_loop3A_203 : i32 to index
        %parallel_loop3A_601 = arith.constant 448 : index
        %parallel_loop3A_602 = tpu.vector_load %arg14[%parallel_loop3A_600, %parallel_loop3A_601] {strides = array<i32>} : memref<16x768xf32, #tpu.memory_space<vmem>>, vector<1x16xf32>,
        %parallel_loop3A_603 = vector.shape_cast %parallel_loop3A_602 : vector<1x16xf32> to vector<16xf32>
        %parallel_loop3A_604 = arith.addf %parallel_loop3A_599, %parallel_loop3A_603 : vector<16xf32>
        %parallel_loop3A_605 = arith.index_cast %parallel_loop3A_203 : i32 to index
        %parallel_loop3A_606 = arith.constant 448 : index
        %parallel_loop3A_607 = tpu.vector_load %arg14[%parallel_loop3A_605, %parallel_loop3A_606] {strides = array<i32>} : memref<16x768xf32, #tpu.memory_space<vmem>>, vector<1x16xf32>,
        %parallel_loop3A_608 = vector.shape_cast %parallel_loop3A_607 : vector<1x16xf32> to vector<16xf32>
        %parallel_loop3A_609 = vector.shape_cast %parallel_loop3A_604 : vector<16xf32> to vector<1x16xf32>
        tpu.vector_store %arg14[%parallel_loop3A_605, %parallel_loop3A_606], %parallel_loop3A_609 {strides = array<i32>} : memref<16x768xf32, #tpu.memory_space<vmem>>, vector<1x16xf32>,
        %parallel_loop3A_610 = arith.index_cast %parallel_loop3A_203 : i32 to index
        %parallel_loop3A_611 = arith.constant 464 : index
        %parallel_loop3A_612 = tpu.vector_load %arg10[%parallel_loop3A_610, %parallel_loop3A_611] {strides = array<i32>} : memref<16x768xf32, #tpu.memory_space<vmem>>, vector<1x16xf32>,
        %parallel_loop3A_613 = vector.shape_cast %parallel_loop3A_612 : vector<1x16xf32> to vector<16xf32>
        %parallel_loop3A_614 = arith.index_cast %parallel_loop3A_203 : i32 to index
        %parallel_loop3A_615 = arith.constant 464 : index
        %parallel_loop3A_616 = tpu.vector_load %arg14[%parallel_loop3A_614, %parallel_loop3A_615] {strides = array<i32>} : memref<16x768xf32, #tpu.memory_space<vmem>>, vector<1x16xf32>,
        %parallel_loop3A_617 = vector.shape_cast %parallel_loop3A_616 : vector<1x16xf32> to vector<16xf32>
        %parallel_loop3A_618 = arith.addf %parallel_loop3A_613, %parallel_loop3A_617 : vector<16xf32>
        %parallel_loop3A_619 = arith.index_cast %parallel_loop3A_203 : i32 to index
        %parallel_loop3A_620 = arith.constant 464 : index
        %parallel_loop3A_621 = tpu.vector_load %arg14[%parallel_loop3A_619, %parallel_loop3A_620] {strides = array<i32>} : memref<16x768xf32, #tpu.memory_space<vmem>>, vector<1x16xf32>,
        %parallel_loop3A_622 = vector.shape_cast %parallel_loop3A_621 : vector<1x16xf32> to vector<16xf32>
        %parallel_loop3A_623 = vector.shape_cast %parallel_loop3A_618 : vector<16xf32> to vector<1x16xf32>
        tpu.vector_store %arg14[%parallel_loop3A_619, %parallel_loop3A_620], %parallel_loop3A_623 {strides = array<i32>} : memref<16x768xf32, #tpu.memory_space<vmem>>, vector<1x16xf32>,
        %parallel_loop3A_624 = arith.index_cast %parallel_loop3A_203 : i32 to index
        %parallel_loop3A_625 = arith.constant 480 : index
        %parallel_loop3A_626 = tpu.vector_load %arg10[%parallel_loop3A_624, %parallel_loop3A_625] {strides = array<i32>} : memref<16x768xf32, #tpu.memory_space<vmem>>, vector<1x16xf32>,
        %parallel_loop3A_627 = vector.shape_cast %parallel_loop3A_626 : vector<1x16xf32> to vector<16xf32>
        %parallel_loop3A_628 = arith.index_cast %parallel_loop3A_203 : i32 to index
        %parallel_loop3A_629 = arith.constant 480 : index
        %parallel_loop3A_630 = tpu.vector_load %arg14[%parallel_loop3A_628, %parallel_loop3A_629] {strides = array<i32>} : memref<16x768xf32, #tpu.memory_space<vmem>>, vector<1x16xf32>,
        %parallel_loop3A_631 = vector.shape_cast %parallel_loop3A_630 : vector<1x16xf32> to vector<16xf32>
        %parallel_loop3A_632 = arith.addf %parallel_loop3A_627, %parallel_loop3A_631 : vector<16xf32>
        %parallel_loop3A_633 = arith.index_cast %parallel_loop3A_203 : i32 to index
        %parallel_loop3A_634 = arith.constant 480 : index
        %parallel_loop3A_635 = tpu.vector_load %arg14[%parallel_loop3A_633, %parallel_loop3A_634] {strides = array<i32>} : memref<16x768xf32, #tpu.memory_space<vmem>>, vector<1x16xf32>,
        %parallel_loop3A_636 = vector.shape_cast %parallel_loop3A_635 : vector<1x16xf32> to vector<16xf32>
        %parallel_loop3A_637 = vector.shape_cast %parallel_loop3A_632 : vector<16xf32> to vector<1x16xf32>
        tpu.vector_store %arg14[%parallel_loop3A_633, %parallel_loop3A_634], %parallel_loop3A_637 {strides = array<i32>} : memref<16x768xf32, #tpu.memory_space<vmem>>, vector<1x16xf32>,
        %parallel_loop3A_638 = arith.index_cast %parallel_loop3A_203 : i32 to index
        %parallel_loop3A_639 = arith.constant 496 : index
        %parallel_loop3A_640 = tpu.vector_load %arg10[%parallel_loop3A_638, %parallel_loop3A_639] {strides = array<i32>} : memref<16x768xf32, #tpu.memory_space<vmem>>, vector<1x16xf32>,
        %parallel_loop3A_641 = vector.shape_cast %parallel_loop3A_640 : vector<1x16xf32> to vector<16xf32>
        %parallel_loop3A_642 = arith.index_cast %parallel_loop3A_203 : i32 to index
        %parallel_loop3A_643 = arith.constant 496 : index
        %parallel_loop3A_644 = tpu.vector_load %arg14[%parallel_loop3A_642, %parallel_loop3A_643] {strides = array<i32>} : memref<16x768xf32, #tpu.memory_space<vmem>>, vector<1x16xf32>,
        %parallel_loop3A_645 = vector.shape_cast %parallel_loop3A_644 : vector<1x16xf32> to vector<16xf32>
        %parallel_loop3A_646 = arith.addf %parallel_loop3A_641, %parallel_loop3A_645 : vector<16xf32>
        %parallel_loop3A_647 = arith.index_cast %parallel_loop3A_203 : i32 to index
        %parallel_loop3A_648 = arith.constant 496 : index
        %parallel_loop3A_649 = tpu.vector_load %arg14[%parallel_loop3A_647, %parallel_loop3A_648] {strides = array<i32>} : memref<16x768xf32, #tpu.memory_space<vmem>>, vector<1x16xf32>,
        %parallel_loop3A_650 = vector.shape_cast %parallel_loop3A_649 : vector<1x16xf32> to vector<16xf32>
        %parallel_loop3A_651 = vector.shape_cast %parallel_loop3A_646 : vector<16xf32> to vector<1x16xf32>
        tpu.vector_store %arg14[%parallel_loop3A_647, %parallel_loop3A_648], %parallel_loop3A_651 {strides = array<i32>} : memref<16x768xf32, #tpu.memory_space<vmem>>, vector<1x16xf32>,
        %parallel_loop3A_652 = arith.index_cast %parallel_loop3A_203 : i32 to index
        %parallel_loop3A_653 = arith.constant 512 : index
        %parallel_loop3A_654 = tpu.vector_load %arg10[%parallel_loop3A_652, %parallel_loop3A_653] {strides = array<i32>} : memref<16x768xf32, #tpu.memory_space<vmem>>, vector<1x16xf32>,
        %parallel_loop3A_655 = vector.shape_cast %parallel_loop3A_654 : vector<1x16xf32> to vector<16xf32>
        %parallel_loop3A_656 = arith.index_cast %parallel_loop3A_203 : i32 to index
        %parallel_loop3A_657 = arith.constant 512 : index
        %parallel_loop3A_658 = tpu.vector_load %arg14[%parallel_loop3A_656, %parallel_loop3A_657] {strides = array<i32>} : memref<16x768xf32, #tpu.memory_space<vmem>>, vector<1x16xf32>,
        %parallel_loop3A_659 = vector.shape_cast %parallel_loop3A_658 : vector<1x16xf32> to vector<16xf32>
        %parallel_loop3A_660 = arith.addf %parallel_loop3A_655, %parallel_loop3A_659 : vector<16xf32>
        %parallel_loop3A_661 = arith.index_cast %parallel_loop3A_203 : i32 to index
        %parallel_loop3A_662 = arith.constant 512 : index
        %parallel_loop3A_663 = tpu.vector_load %arg14[%parallel_loop3A_661, %parallel_loop3A_662] {strides = array<i32>} : memref<16x768xf32, #tpu.memory_space<vmem>>, vector<1x16xf32>,
        %parallel_loop3A_664 = vector.shape_cast %parallel_loop3A_663 : vector<1x16xf32> to vector<16xf32>
        %parallel_loop3A_665 = vector.shape_cast %parallel_loop3A_660 : vector<16xf32> to vector<1x16xf32>
        tpu.vector_store %arg14[%parallel_loop3A_661, %parallel_loop3A_662], %parallel_loop3A_665 {strides = array<i32>} : memref<16x768xf32, #tpu.memory_space<vmem>>, vector<1x16xf32>,
        %parallel_loop3A_666 = arith.index_cast %parallel_loop3A_203 : i32 to index
        %parallel_loop3A_667 = arith.constant 528 : index
        %parallel_loop3A_668 = tpu.vector_load %arg10[%parallel_loop3A_666, %parallel_loop3A_667] {strides = array<i32>} : memref<16x768xf32, #tpu.memory_space<vmem>>, vector<1x16xf32>,
        %parallel_loop3A_669 = vector.shape_cast %parallel_loop3A_668 : vector<1x16xf32> to vector<16xf32>
        %parallel_loop3A_670 = arith.index_cast %parallel_loop3A_203 : i32 to index
        %parallel_loop3A_671 = arith.constant 528 : index
        %parallel_loop3A_672 = tpu.vector_load %arg14[%parallel_loop3A_670, %parallel_loop3A_671] {strides = array<i32>} : memref<16x768xf32, #tpu.memory_space<vmem>>, vector<1x16xf32>,
        %parallel_loop3A_673 = vector.shape_cast %parallel_loop3A_672 : vector<1x16xf32> to vector<16xf32>
        %parallel_loop3A_674 = arith.addf %parallel_loop3A_669, %parallel_loop3A_673 : vector<16xf32>
        %parallel_loop3A_675 = arith.index_cast %parallel_loop3A_203 : i32 to index
        %parallel_loop3A_676 = arith.constant 528 : index
        %parallel_loop3A_677 = tpu.vector_load %arg14[%parallel_loop3A_675, %parallel_loop3A_676] {strides = array<i32>} : memref<16x768xf32, #tpu.memory_space<vmem>>, vector<1x16xf32>,
        %parallel_loop3A_678 = vector.shape_cast %parallel_loop3A_677 : vector<1x16xf32> to vector<16xf32>
        %parallel_loop3A_679 = vector.shape_cast %parallel_loop3A_674 : vector<16xf32> to vector<1x16xf32>
        tpu.vector_store %arg14[%parallel_loop3A_675, %parallel_loop3A_676], %parallel_loop3A_679 {strides = array<i32>} : memref<16x768xf32, #tpu.memory_space<vmem>>, vector<1x16xf32>,
        %parallel_loop3A_680 = arith.index_cast %parallel_loop3A_203 : i32 to index
        %parallel_loop3A_681 = arith.constant 544 : index
        %parallel_loop3A_682 = tpu.vector_load %arg10[%parallel_loop3A_680, %parallel_loop3A_681] {strides = array<i32>} : memref<16x768xf32, #tpu.memory_space<vmem>>, vector<1x16xf32>,
        %parallel_loop3A_683 = vector.shape_cast %parallel_loop3A_682 : vector<1x16xf32> to vector<16xf32>
        %parallel_loop3A_684 = arith.index_cast %parallel_loop3A_203 : i32 to index
        %parallel_loop3A_685 = arith.constant 544 : index
        %parallel_loop3A_686 = tpu.vector_load %arg14[%parallel_loop3A_684, %parallel_loop3A_685] {strides = array<i32>} : memref<16x768xf32, #tpu.memory_space<vmem>>, vector<1x16xf32>,
        %parallel_loop3A_687 = vector.shape_cast %parallel_loop3A_686 : vector<1x16xf32> to vector<16xf32>
        %parallel_loop3A_688 = arith.addf %parallel_loop3A_683, %parallel_loop3A_687 : vector<16xf32>
        %parallel_loop3A_689 = arith.index_cast %parallel_loop3A_203 : i32 to index
        %parallel_loop3A_690 = arith.constant 544 : index
        %parallel_loop3A_691 = tpu.vector_load %arg14[%parallel_loop3A_689, %parallel_loop3A_690] {strides = array<i32>} : memref<16x768xf32, #tpu.memory_space<vmem>>, vector<1x16xf32>,
        %parallel_loop3A_692 = vector.shape_cast %parallel_loop3A_691 : vector<1x16xf32> to vector<16xf32>
        %parallel_loop3A_693 = vector.shape_cast %parallel_loop3A_688 : vector<16xf32> to vector<1x16xf32>
        tpu.vector_store %arg14[%parallel_loop3A_689, %parallel_loop3A_690], %parallel_loop3A_693 {strides = array<i32>} : memref<16x768xf32, #tpu.memory_space<vmem>>, vector<1x16xf32>,
        %parallel_loop3A_694 = arith.index_cast %parallel_loop3A_203 : i32 to index
        %parallel_loop3A_695 = arith.constant 560 : index
        %parallel_loop3A_696 = tpu.vector_load %arg10[%parallel_loop3A_694, %parallel_loop3A_695] {strides = array<i32>} : memref<16x768xf32, #tpu.memory_space<vmem>>, vector<1x16xf32>,
        %parallel_loop3A_697 = vector.shape_cast %parallel_loop3A_696 : vector<1x16xf32> to vector<16xf32>
        %parallel_loop3A_698 = arith.index_cast %parallel_loop3A_203 : i32 to index
        %parallel_loop3A_699 = arith.constant 560 : index
        %parallel_loop3A_700 = tpu.vector_load %arg14[%parallel_loop3A_698, %parallel_loop3A_699] {strides = array<i32>} : memref<16x768xf32, #tpu.memory_space<vmem>>, vector<1x16xf32>,
        %parallel_loop3A_701 = vector.shape_cast %parallel_loop3A_700 : vector<1x16xf32> to vector<16xf32>
        %parallel_loop3A_702 = arith.addf %parallel_loop3A_697, %parallel_loop3A_701 : vector<16xf32>
        %parallel_loop3A_703 = arith.index_cast %parallel_loop3A_203 : i32 to index
        %parallel_loop3A_704 = arith.constant 560 : index
        %parallel_loop3A_705 = tpu.vector_load %arg14[%parallel_loop3A_703, %parallel_loop3A_704] {strides = array<i32>} : memref<16x768xf32, #tpu.memory_space<vmem>>, vector<1x16xf32>,
        %parallel_loop3A_706 = vector.shape_cast %parallel_loop3A_705 : vector<1x16xf32> to vector<16xf32>
        %parallel_loop3A_707 = vector.shape_cast %parallel_loop3A_702 : vector<16xf32> to vector<1x16xf32>
        tpu.vector_store %arg14[%parallel_loop3A_703, %parallel_loop3A_704], %parallel_loop3A_707 {strides = array<i32>} : memref<16x768xf32, #tpu.memory_space<vmem>>, vector<1x16xf32>,
        %parallel_loop3A_708 = arith.index_cast %parallel_loop3A_203 : i32 to index
        %parallel_loop3A_709 = arith.constant 576 : index
        %parallel_loop3A_710 = tpu.vector_load %arg10[%parallel_loop3A_708, %parallel_loop3A_709] {strides = array<i32>} : memref<16x768xf32, #tpu.memory_space<vmem>>, vector<1x16xf32>,
        %parallel_loop3A_711 = vector.shape_cast %parallel_loop3A_710 : vector<1x16xf32> to vector<16xf32>
        %parallel_loop3A_712 = arith.index_cast %parallel_loop3A_203 : i32 to index
        %parallel_loop3A_713 = arith.constant 576 : index
        %parallel_loop3A_714 = tpu.vector_load %arg14[%parallel_loop3A_712, %parallel_loop3A_713] {strides = array<i32>} : memref<16x768xf32, #tpu.memory_space<vmem>>, vector<1x16xf32>,
        %parallel_loop3A_715 = vector.shape_cast %parallel_loop3A_714 : vector<1x16xf32> to vector<16xf32>
        %parallel_loop3A_716 = arith.addf %parallel_loop3A_711, %parallel_loop3A_715 : vector<16xf32>
        %parallel_loop3A_717 = arith.index_cast %parallel_loop3A_203 : i32 to index
        %parallel_loop3A_718 = arith.constant 576 : index
        %parallel_loop3A_719 = tpu.vector_load %arg14[%parallel_loop3A_717, %parallel_loop3A_718] {strides = array<i32>} : memref<16x768xf32, #tpu.memory_space<vmem>>, vector<1x16xf32>,
        %parallel_loop3A_720 = vector.shape_cast %parallel_loop3A_719 : vector<1x16xf32> to vector<16xf32>
        %parallel_loop3A_721 = vector.shape_cast %parallel_loop3A_716 : vector<16xf32> to vector<1x16xf32>
        tpu.vector_store %arg14[%parallel_loop3A_717, %parallel_loop3A_718], %parallel_loop3A_721 {strides = array<i32>} : memref<16x768xf32, #tpu.memory_space<vmem>>, vector<1x16xf32>,
        %parallel_loop3A_722 = arith.index_cast %parallel_loop3A_203 : i32 to index
        %parallel_loop3A_723 = arith.constant 592 : index
        %parallel_loop3A_724 = tpu.vector_load %arg10[%parallel_loop3A_722, %parallel_loop3A_723] {strides = array<i32>} : memref<16x768xf32, #tpu.memory_space<vmem>>, vector<1x16xf32>,
        %parallel_loop3A_725 = vector.shape_cast %parallel_loop3A_724 : vector<1x16xf32> to vector<16xf32>
        %parallel_loop3A_726 = arith.index_cast %parallel_loop3A_203 : i32 to index
        %parallel_loop3A_727 = arith.constant 592 : index
        %parallel_loop3A_728 = tpu.vector_load %arg14[%parallel_loop3A_726, %parallel_loop3A_727] {strides = array<i32>} : memref<16x768xf32, #tpu.memory_space<vmem>>, vector<1x16xf32>,
        %parallel_loop3A_729 = vector.shape_cast %parallel_loop3A_728 : vector<1x16xf32> to vector<16xf32>
        %parallel_loop3A_730 = arith.addf %parallel_loop3A_725, %parallel_loop3A_729 : vector<16xf32>
        %parallel_loop3A_731 = arith.index_cast %parallel_loop3A_203 : i32 to index
        %parallel_loop3A_732 = arith.constant 592 : index
        %parallel_loop3A_733 = tpu.vector_load %arg14[%parallel_loop3A_731, %parallel_loop3A_732] {strides = array<i32>} : memref<16x768xf32, #tpu.memory_space<vmem>>, vector<1x16xf32>,
        %parallel_loop3A_734 = vector.shape_cast %parallel_loop3A_733 : vector<1x16xf32> to vector<16xf32>
        %parallel_loop3A_735 = vector.shape_cast %parallel_loop3A_730 : vector<16xf32> to vector<1x16xf32>
        tpu.vector_store %arg14[%parallel_loop3A_731, %parallel_loop3A_732], %parallel_loop3A_735 {strides = array<i32>} : memref<16x768xf32, #tpu.memory_space<vmem>>, vector<1x16xf32>,
        %parallel_loop3A_736 = arith.index_cast %parallel_loop3A_203 : i32 to index
        %parallel_loop3A_737 = arith.constant 608 : index
        %parallel_loop3A_738 = tpu.vector_load %arg10[%parallel_loop3A_736, %parallel_loop3A_737] {strides = array<i32>} : memref<16x768xf32, #tpu.memory_space<vmem>>, vector<1x16xf32>,
        %parallel_loop3A_739 = vector.shape_cast %parallel_loop3A_738 : vector<1x16xf32> to vector<16xf32>
        %parallel_loop3A_740 = arith.index_cast %parallel_loop3A_203 : i32 to index
        %parallel_loop3A_741 = arith.constant 608 : index
        %parallel_loop3A_742 = tpu.vector_load %arg14[%parallel_loop3A_740, %parallel_loop3A_741] {strides = array<i32>} : memref<16x768xf32, #tpu.memory_space<vmem>>, vector<1x16xf32>,
        %parallel_loop3A_743 = vector.shape_cast %parallel_loop3A_742 : vector<1x16xf32> to vector<16xf32>
        %parallel_loop3A_744 = arith.addf %parallel_loop3A_739, %parallel_loop3A_743 : vector<16xf32>
        %parallel_loop3A_745 = arith.index_cast %parallel_loop3A_203 : i32 to index
        %parallel_loop3A_746 = arith.constant 608 : index
        %parallel_loop3A_747 = tpu.vector_load %arg14[%parallel_loop3A_745, %parallel_loop3A_746] {strides = array<i32>} : memref<16x768xf32, #tpu.memory_space<vmem>>, vector<1x16xf32>,
        %parallel_loop3A_748 = vector.shape_cast %parallel_loop3A_747 : vector<1x16xf32> to vector<16xf32>
        %parallel_loop3A_749 = vector.shape_cast %parallel_loop3A_744 : vector<16xf32> to vector<1x16xf32>
        tpu.vector_store %arg14[%parallel_loop3A_745, %parallel_loop3A_746], %parallel_loop3A_749 {strides = array<i32>} : memref<16x768xf32, #tpu.memory_space<vmem>>, vector<1x16xf32>,
        %parallel_loop3A_750 = arith.index_cast %parallel_loop3A_203 : i32 to index
        %parallel_loop3A_751 = arith.constant 624 : index
        %parallel_loop3A_752 = tpu.vector_load %arg10[%parallel_loop3A_750, %parallel_loop3A_751] {strides = array<i32>} : memref<16x768xf32, #tpu.memory_space<vmem>>, vector<1x16xf32>,
        %parallel_loop3A_753 = vector.shape_cast %parallel_loop3A_752 : vector<1x16xf32> to vector<16xf32>
        %parallel_loop3A_754 = arith.index_cast %parallel_loop3A_203 : i32 to index
        %parallel_loop3A_755 = arith.constant 624 : index
        %parallel_loop3A_756 = tpu.vector_load %arg14[%parallel_loop3A_754, %parallel_loop3A_755] {strides = array<i32>} : memref<16x768xf32, #tpu.memory_space<vmem>>, vector<1x16xf32>,
        %parallel_loop3A_757 = vector.shape_cast %parallel_loop3A_756 : vector<1x16xf32> to vector<16xf32>
        %parallel_loop3A_758 = arith.addf %parallel_loop3A_753, %parallel_loop3A_757 : vector<16xf32>
        %parallel_loop3A_759 = arith.index_cast %parallel_loop3A_203 : i32 to index
        %parallel_loop3A_760 = arith.constant 624 : index
        %parallel_loop3A_761 = tpu.vector_load %arg14[%parallel_loop3A_759, %parallel_loop3A_760] {strides = array<i32>} : memref<16x768xf32, #tpu.memory_space<vmem>>, vector<1x16xf32>,
        %parallel_loop3A_762 = vector.shape_cast %parallel_loop3A_761 : vector<1x16xf32> to vector<16xf32>
        %parallel_loop3A_763 = vector.shape_cast %parallel_loop3A_758 : vector<16xf32> to vector<1x16xf32>
        tpu.vector_store %arg14[%parallel_loop3A_759, %parallel_loop3A_760], %parallel_loop3A_763 {strides = array<i32>} : memref<16x768xf32, #tpu.memory_space<vmem>>, vector<1x16xf32>,
        %parallel_loop3A_764 = arith.index_cast %parallel_loop3A_203 : i32 to index
        %parallel_loop3A_765 = arith.constant 640 : index
        %parallel_loop3A_766 = tpu.vector_load %arg10[%parallel_loop3A_764, %parallel_loop3A_765] {strides = array<i32>} : memref<16x768xf32, #tpu.memory_space<vmem>>, vector<1x16xf32>,
        %parallel_loop3A_767 = vector.shape_cast %parallel_loop3A_766 : vector<1x16xf32> to vector<16xf32>
        %parallel_loop3A_768 = arith.index_cast %parallel_loop3A_203 : i32 to index
        %parallel_loop3A_769 = arith.constant 640 : index
        %parallel_loop3A_770 = tpu.vector_load %arg14[%parallel_loop3A_768, %parallel_loop3A_769] {strides = array<i32>} : memref<16x768xf32, #tpu.memory_space<vmem>>, vector<1x16xf32>,
        %parallel_loop3A_771 = vector.shape_cast %parallel_loop3A_770 : vector<1x16xf32> to vector<16xf32>
        %parallel_loop3A_772 = arith.addf %parallel_loop3A_767, %parallel_loop3A_771 : vector<16xf32>
        %parallel_loop3A_773 = arith.index_cast %parallel_loop3A_203 : i32 to index
        %parallel_loop3A_774 = arith.constant 640 : index
        %parallel_loop3A_775 = tpu.vector_load %arg14[%parallel_loop3A_773, %parallel_loop3A_774] {strides = array<i32>} : memref<16x768xf32, #tpu.memory_space<vmem>>, vector<1x16xf32>,
        %parallel_loop3A_776 = vector.shape_cast %parallel_loop3A_775 : vector<1x16xf32> to vector<16xf32>
        %parallel_loop3A_777 = vector.shape_cast %parallel_loop3A_772 : vector<16xf32> to vector<1x16xf32>
        tpu.vector_store %arg14[%parallel_loop3A_773, %parallel_loop3A_774], %parallel_loop3A_777 {strides = array<i32>} : memref<16x768xf32, #tpu.memory_space<vmem>>, vector<1x16xf32>,
        %parallel_loop3A_778 = arith.index_cast %parallel_loop3A_203 : i32 to index
        %parallel_loop3A_779 = arith.constant 656 : index
        %parallel_loop3A_780 = tpu.vector_load %arg10[%parallel_loop3A_778, %parallel_loop3A_779] {strides = array<i32>} : memref<16x768xf32, #tpu.memory_space<vmem>>, vector<1x16xf32>,
        %parallel_loop3A_781 = vector.shape_cast %parallel_loop3A_780 : vector<1x16xf32> to vector<16xf32>
        %parallel_loop3A_782 = arith.index_cast %parallel_loop3A_203 : i32 to index
        %parallel_loop3A_783 = arith.constant 656 : index
        %parallel_loop3A_784 = tpu.vector_load %arg14[%parallel_loop3A_782, %parallel_loop3A_783] {strides = array<i32>} : memref<16x768xf32, #tpu.memory_space<vmem>>, vector<1x16xf32>,
        %parallel_loop3A_785 = vector.shape_cast %parallel_loop3A_784 : vector<1x16xf32> to vector<16xf32>
        %parallel_loop3A_786 = arith.addf %parallel_loop3A_781, %parallel_loop3A_785 : vector<16xf32>
        %parallel_loop3A_787 = arith.index_cast %parallel_loop3A_203 : i32 to index
        %parallel_loop3A_788 = arith.constant 656 : index
        %parallel_loop3A_789 = tpu.vector_load %arg14[%parallel_loop3A_787, %parallel_loop3A_788] {strides = array<i32>} : memref<16x768xf32, #tpu.memory_space<vmem>>, vector<1x16xf32>,
        %parallel_loop3A_790 = vector.shape_cast %parallel_loop3A_789 : vector<1x16xf32> to vector<16xf32>
        %parallel_loop3A_791 = vector.shape_cast %parallel_loop3A_786 : vector<16xf32> to vector<1x16xf32>
        tpu.vector_store %arg14[%parallel_loop3A_787, %parallel_loop3A_788], %parallel_loop3A_791 {strides = array<i32>} : memref<16x768xf32, #tpu.memory_space<vmem>>, vector<1x16xf32>,
        %parallel_loop3A_792 = arith.index_cast %parallel_loop3A_203 : i32 to index
        %parallel_loop3A_793 = arith.constant 672 : index
        %parallel_loop3A_794 = tpu.vector_load %arg10[%parallel_loop3A_792, %parallel_loop3A_793] {strides = array<i32>} : memref<16x768xf32, #tpu.memory_space<vmem>>, vector<1x16xf32>,
        %parallel_loop3A_795 = vector.shape_cast %parallel_loop3A_794 : vector<1x16xf32> to vector<16xf32>
        %parallel_loop3A_796 = arith.index_cast %parallel_loop3A_203 : i32 to index
        %parallel_loop3A_797 = arith.constant 672 : index
        %parallel_loop3A_798 = tpu.vector_load %arg14[%parallel_loop3A_796, %parallel_loop3A_797] {strides = array<i32>} : memref<16x768xf32, #tpu.memory_space<vmem>>, vector<1x16xf32>,
        %parallel_loop3A_799 = vector.shape_cast %parallel_loop3A_798 : vector<1x16xf32> to vector<16xf32>
        %parallel_loop3A_800 = arith.addf %parallel_loop3A_795, %parallel_loop3A_799 : vector<16xf32>
        %parallel_loop3A_801 = arith.index_cast %parallel_loop3A_203 : i32 to index
        %parallel_loop3A_802 = arith.constant 672 : index
        %parallel_loop3A_803 = tpu.vector_load %arg14[%parallel_loop3A_801, %parallel_loop3A_802] {strides = array<i32>} : memref<16x768xf32, #tpu.memory_space<vmem>>, vector<1x16xf32>,
        %parallel_loop3A_804 = vector.shape_cast %parallel_loop3A_803 : vector<1x16xf32> to vector<16xf32>
        %parallel_loop3A_805 = vector.shape_cast %parallel_loop3A_800 : vector<16xf32> to vector<1x16xf32>
        tpu.vector_store %arg14[%parallel_loop3A_801, %parallel_loop3A_802], %parallel_loop3A_805 {strides = array<i32>} : memref<16x768xf32, #tpu.memory_space<vmem>>, vector<1x16xf32>,
        %parallel_loop3A_806 = arith.index_cast %parallel_loop3A_203 : i32 to index
        %parallel_loop3A_807 = arith.constant 688 : index
        %parallel_loop3A_808 = tpu.vector_load %arg10[%parallel_loop3A_806, %parallel_loop3A_807] {strides = array<i32>} : memref<16x768xf32, #tpu.memory_space<vmem>>, vector<1x16xf32>,
        %parallel_loop3A_809 = vector.shape_cast %parallel_loop3A_808 : vector<1x16xf32> to vector<16xf32>
        %parallel_loop3A_810 = arith.index_cast %parallel_loop3A_203 : i32 to index
        %parallel_loop3A_811 = arith.constant 688 : index
        %parallel_loop3A_812 = tpu.vector_load %arg14[%parallel_loop3A_810, %parallel_loop3A_811] {strides = array<i32>} : memref<16x768xf32, #tpu.memory_space<vmem>>, vector<1x16xf32>,
        %parallel_loop3A_813 = vector.shape_cast %parallel_loop3A_812 : vector<1x16xf32> to vector<16xf32>
        %parallel_loop3A_814 = arith.addf %parallel_loop3A_809, %parallel_loop3A_813 : vector<16xf32>
        %parallel_loop3A_815 = arith.index_cast %parallel_loop3A_203 : i32 to index
        %parallel_loop3A_816 = arith.constant 688 : index
        %parallel_loop3A_817 = tpu.vector_load %arg14[%parallel_loop3A_815, %parallel_loop3A_816] {strides = array<i32>} : memref<16x768xf32, #tpu.memory_space<vmem>>, vector<1x16xf32>,
        %parallel_loop3A_818 = vector.shape_cast %parallel_loop3A_817 : vector<1x16xf32> to vector<16xf32>
        %parallel_loop3A_819 = vector.shape_cast %parallel_loop3A_814 : vector<16xf32> to vector<1x16xf32>
        tpu.vector_store %arg14[%parallel_loop3A_815, %parallel_loop3A_816], %parallel_loop3A_819 {strides = array<i32>} : memref<16x768xf32, #tpu.memory_space<vmem>>, vector<1x16xf32>,
        %parallel_loop3A_820 = arith.index_cast %parallel_loop3A_203 : i32 to index
        %parallel_loop3A_821 = arith.constant 704 : index
        %parallel_loop3A_822 = tpu.vector_load %arg10[%parallel_loop3A_820, %parallel_loop3A_821] {strides = array<i32>} : memref<16x768xf32, #tpu.memory_space<vmem>>, vector<1x16xf32>,
        %parallel_loop3A_823 = vector.shape_cast %parallel_loop3A_822 : vector<1x16xf32> to vector<16xf32>
        %parallel_loop3A_824 = arith.index_cast %parallel_loop3A_203 : i32 to index
        %parallel_loop3A_825 = arith.constant 704 : index
        %parallel_loop3A_826 = tpu.vector_load %arg14[%parallel_loop3A_824, %parallel_loop3A_825] {strides = array<i32>} : memref<16x768xf32, #tpu.memory_space<vmem>>, vector<1x16xf32>,
        %parallel_loop3A_827 = vector.shape_cast %parallel_loop3A_826 : vector<1x16xf32> to vector<16xf32>
        %parallel_loop3A_828 = arith.addf %parallel_loop3A_823, %parallel_loop3A_827 : vector<16xf32>
        %parallel_loop3A_829 = arith.index_cast %parallel_loop3A_203 : i32 to index
        %parallel_loop3A_830 = arith.constant 704 : index
        %parallel_loop3A_831 = tpu.vector_load %arg14[%parallel_loop3A_829, %parallel_loop3A_830] {strides = array<i32>} : memref<16x768xf32, #tpu.memory_space<vmem>>, vector<1x16xf32>,
        %parallel_loop3A_832 = vector.shape_cast %parallel_loop3A_831 : vector<1x16xf32> to vector<16xf32>
        %parallel_loop3A_833 = vector.shape_cast %parallel_loop3A_828 : vector<16xf32> to vector<1x16xf32>
        tpu.vector_store %arg14[%parallel_loop3A_829, %parallel_loop3A_830], %parallel_loop3A_833 {strides = array<i32>} : memref<16x768xf32, #tpu.memory_space<vmem>>, vector<1x16xf32>,
        %parallel_loop3A_834 = arith.index_cast %parallel_loop3A_203 : i32 to index
        %parallel_loop3A_835 = arith.constant 720 : index
        %parallel_loop3A_836 = tpu.vector_load %arg10[%parallel_loop3A_834, %parallel_loop3A_835] {strides = array<i32>} : memref<16x768xf32, #tpu.memory_space<vmem>>, vector<1x16xf32>,
        %parallel_loop3A_837 = vector.shape_cast %parallel_loop3A_836 : vector<1x16xf32> to vector<16xf32>
        %parallel_loop3A_838 = arith.index_cast %parallel_loop3A_203 : i32 to index
        %parallel_loop3A_839 = arith.constant 720 : index
        %parallel_loop3A_840 = tpu.vector_load %arg14[%parallel_loop3A_838, %parallel_loop3A_839] {strides = array<i32>} : memref<16x768xf32, #tpu.memory_space<vmem>>, vector<1x16xf32>,
        %parallel_loop3A_841 = vector.shape_cast %parallel_loop3A_840 : vector<1x16xf32> to vector<16xf32>
        %parallel_loop3A_842 = arith.addf %parallel_loop3A_837, %parallel_loop3A_841 : vector<16xf32>
        %parallel_loop3A_843 = arith.index_cast %parallel_loop3A_203 : i32 to index
        %parallel_loop3A_844 = arith.constant 720 : index
        %parallel_loop3A_845 = tpu.vector_load %arg14[%parallel_loop3A_843, %parallel_loop3A_844] {strides = array<i32>} : memref<16x768xf32, #tpu.memory_space<vmem>>, vector<1x16xf32>,
        %parallel_loop3A_846 = vector.shape_cast %parallel_loop3A_845 : vector<1x16xf32> to vector<16xf32>
        %parallel_loop3A_847 = vector.shape_cast %parallel_loop3A_842 : vector<16xf32> to vector<1x16xf32>
        tpu.vector_store %arg14[%parallel_loop3A_843, %parallel_loop3A_844], %parallel_loop3A_847 {strides = array<i32>} : memref<16x768xf32, #tpu.memory_space<vmem>>, vector<1x16xf32>,
        %parallel_loop3A_848 = arith.index_cast %parallel_loop3A_203 : i32 to index
        %parallel_loop3A_849 = arith.constant 736 : index
        %parallel_loop3A_850 = tpu.vector_load %arg10[%parallel_loop3A_848, %parallel_loop3A_849] {strides = array<i32>} : memref<16x768xf32, #tpu.memory_space<vmem>>, vector<1x16xf32>,
        %parallel_loop3A_851 = vector.shape_cast %parallel_loop3A_850 : vector<1x16xf32> to vector<16xf32>
        %parallel_loop3A_852 = arith.index_cast %parallel_loop3A_203 : i32 to index
        %parallel_loop3A_853 = arith.constant 736 : index
        %parallel_loop3A_854 = tpu.vector_load %arg14[%parallel_loop3A_852, %parallel_loop3A_853] {strides = array<i32>} : memref<16x768xf32, #tpu.memory_space<vmem>>, vector<1x16xf32>,
        %parallel_loop3A_855 = vector.shape_cast %parallel_loop3A_854 : vector<1x16xf32> to vector<16xf32>
        %parallel_loop3A_856 = arith.addf %parallel_loop3A_851, %parallel_loop3A_855 : vector<16xf32>
        %parallel_loop3A_857 = arith.index_cast %parallel_loop3A_203 : i32 to index
        %parallel_loop3A_858 = arith.constant 736 : index
        %parallel_loop3A_859 = tpu.vector_load %arg14[%parallel_loop3A_857, %parallel_loop3A_858] {strides = array<i32>} : memref<16x768xf32, #tpu.memory_space<vmem>>, vector<1x16xf32>,
        %parallel_loop3A_860 = vector.shape_cast %parallel_loop3A_859 : vector<1x16xf32> to vector<16xf32>
        %parallel_loop3A_861 = vector.shape_cast %parallel_loop3A_856 : vector<16xf32> to vector<1x16xf32>
        tpu.vector_store %arg14[%parallel_loop3A_857, %parallel_loop3A_858], %parallel_loop3A_861 {strides = array<i32>} : memref<16x768xf32, #tpu.memory_space<vmem>>, vector<1x16xf32>,
        %parallel_loop3A_862 = arith.index_cast %parallel_loop3A_203 : i32 to index
        %parallel_loop3A_863 = arith.constant 752 : index
        %parallel_loop3A_864 = tpu.vector_load %arg10[%parallel_loop3A_862, %parallel_loop3A_863] {strides = array<i32>} : memref<16x768xf32, #tpu.memory_space<vmem>>, vector<1x16xf32>,
        %parallel_loop3A_865 = vector.shape_cast %parallel_loop3A_864 : vector<1x16xf32> to vector<16xf32>
        %parallel_loop3A_866 = arith.index_cast %parallel_loop3A_203 : i32 to index
        %parallel_loop3A_867 = arith.constant 752 : index
        %parallel_loop3A_868 = tpu.vector_load %arg14[%parallel_loop3A_866, %parallel_loop3A_867] {strides = array<i32>} : memref<16x768xf32, #tpu.memory_space<vmem>>, vector<1x16xf32>,
        %parallel_loop3A_869 = vector.shape_cast %parallel_loop3A_868 : vector<1x16xf32> to vector<16xf32>
        %parallel_loop3A_870 = arith.addf %parallel_loop3A_865, %parallel_loop3A_869 : vector<16xf32>
        %parallel_loop3A_871 = arith.index_cast %parallel_loop3A_203 : i32 to index
        %parallel_loop3A_872 = arith.constant 752 : index
        %parallel_loop3A_873 = tpu.vector_load %arg14[%parallel_loop3A_871, %parallel_loop3A_872] {strides = array<i32>} : memref<16x768xf32, #tpu.memory_space<vmem>>, vector<1x16xf32>,
        %parallel_loop3A_874 = vector.shape_cast %parallel_loop3A_873 : vector<1x16xf32> to vector<16xf32>
        %parallel_loop3A_875 = vector.shape_cast %parallel_loop3A_870 : vector<16xf32> to vector<1x16xf32>
        tpu.vector_store %arg14[%parallel_loop3A_871, %parallel_loop3A_872], %parallel_loop3A_875 {strides = array<i32>} : memref<16x768xf32, #tpu.memory_space<vmem>>, vector<1x16xf32>,
      } {sc.loop_unroll_factor = 2 : i64, sc.parallel_access}
      %mul3A_196 = arith.constant 16 : i32
      %mul3A_197 = arith.muli %add3A_167, %mul3A_196 : i32
      %add3A_198 = arith.addi %mul3A_2, %mul3A_197 : i32
      %dma_start3A_199 = arith.constant 0 : i32
      %dma_start3A_200 = tpu.memref_slice %arg5[%add3A_198, %dma_start3A_199] : memref<32768x768xf32, #tpu.memory_space<hbm>> -> memref<16x768xf32, #tpu.memory_space<hbm>>
      %dma_start3A_201 = arith.constant 0 : i32
      %dma_start3A_202 = tpu.memref_slice %arg5[%add3A_198, %dma_start3A_201] : memref<32768x768xf32, #tpu.memory_space<hbm>> -> memref<16x768xf32, #tpu.memory_space<hbm>>
      tpu.enqueue_dma source(%arg14 : memref<16x768xf32, #tpu.memory_space<vmem>>) target(%dma_start3A_202 : memref<16x768xf32, #tpu.memory_space<hbm>>) target_semaphore(%arg22 : memref<!tpu.dma_semaphore, #tpu.memory_space<semaphore_mem>>)
    }
    %scan3A_28 = arith.constant 16 : i32
    %dma_wait3A = arith.constant 0 : i32
    %dma_wait3A_29 = arith.constant 0 : i32
    %dma_wait3A_30 = tpu.memref_slice %arg5[%dma_wait3A, %dma_wait3A_29] : memref<32768x768xf32, #tpu.memory_space<hbm>> -> memref<16x768xf32, #tpu.memory_space<hbm>>
    %dma_wait3A_31 = arith.constant 0 : i32
    %dma_wait3A_32 = arith.constant 0 : i32
    %dma_wait3A_33 = tpu.memref_slice %arg5[%dma_wait3A_31, %dma_wait3A_32] : memref<32768x768xf32, #tpu.memory_space<hbm>> -> memref<16x768xf32, #tpu.memory_space<hbm>>
    tpu.wait_dma2 semaphore(%arg19 : memref<!tpu.dma_semaphore, #tpu.memory_space<semaphore_mem>>) src(%arg11 : memref<16x768xf32, #tpu.memory_space<vmem>>) dst(%dma_wait3A_33 : memref<16x768xf32, #tpu.memory_space<hbm>>)
    %dma_wait3A_34 = arith.constant 0 : i32
    %dma_wait3A_35 = arith.constant 0 : i32
    %dma_wait3A_36 = tpu.memref_slice %arg5[%dma_wait3A_34, %dma_wait3A_35] : memref<32768x768xf32, #tpu.memory_space<hbm>> -> memref<16x768xf32, #tpu.memory_space<hbm>>
    %dma_wait3A_37 = arith.constant 0 : i32
    %dma_wait3A_38 = arith.constant 0 : i32
    %dma_wait3A_39 = tpu.memref_slice %arg5[%dma_wait3A_37, %dma_wait3A_38] : memref<32768x768xf32, #tpu.memory_space<hbm>> -> memref<16x768xf32, #tpu.memory_space<hbm>>
    tpu.wait_dma2 semaphore(%arg20 : memref<!tpu.dma_semaphore, #tpu.memory_space<semaphore_mem>>) src(%arg12 : memref<16x768xf32, #tpu.memory_space<vmem>>) dst(%dma_wait3A_39 : memref<16x768xf32, #tpu.memory_space<hbm>>)
    %dma_wait3A_40 = arith.constant 0 : i32
    %dma_wait3A_41 = arith.constant 0 : i32
    %dma_wait3A_42 = tpu.memref_slice %arg5[%dma_wait3A_40, %dma_wait3A_41] : memref<32768x768xf32, #tpu.memory_space<hbm>> -> memref<16x768xf32, #tpu.memory_space<hbm>>
    %dma_wait3A_43 = arith.constant 0 : i32
    %dma_wait3A_44 = arith.constant 0 : i32
    %dma_wait3A_45 = tpu.memref_slice %arg5[%dma_wait3A_43, %dma_wait3A_44] : memref<32768x768xf32, #tpu.memory_space<hbm>> -> memref<16x768xf32, #tpu.memory_space<hbm>>
    tpu.wait_dma2 semaphore(%arg21 : memref<!tpu.dma_semaphore, #tpu.memory_space<semaphore_mem>>) src(%arg13 : memref<16x768xf32, #tpu.memory_space<vmem>>) dst(%dma_wait3A_45 : memref<16x768xf32, #tpu.memory_space<hbm>>)
    %dma_wait3A_46 = arith.constant 0 : i32
    %dma_wait3A_47 = arith.constant 0 : i32
    %dma_wait3A_48 = tpu.memref_slice %arg5[%dma_wait3A_46, %dma_wait3A_47] : memref<32768x768xf32, #tpu.memory_space<hbm>> -> memref<16x768xf32, #tpu.memory_space<hbm>>
    %dma_wait3A_49 = arith.constant 0 : i32
    %dma_wait3A_50 = arith.constant 0 : i32
    %dma_wait3A_51 = tpu.memref_slice %arg5[%dma_wait3A_49, %dma_wait3A_50] : memref<32768x768xf32, #tpu.memory_space<hbm>> -> memref<16x768xf32, #tpu.memory_space<hbm>>
    tpu.wait_dma2 semaphore(%arg22 : memref<!tpu.dma_semaphore, #tpu.memory_space<semaphore_mem>>) src(%arg14 : memref<16x768xf32, #tpu.memory_space<vmem>>) dst(%dma_wait3A_51 : memref<16x768xf32, #tpu.memory_space<hbm>>)
    return
  }
}

</mosaic_0001>

<sc_bundles>
// kernel: _pe_add.3.cloned.1.call-start
scs
__scs_entry_jumppad:
0x0: {  	(pc) =	sbr.rel $0x88, $3  }
0x1: {  	(tag) =	ssettag $0x0;
	lr =	simm.s32 $0x1  }
0x2: {  	[smem:$0x3F9E] =	sst lr;
	_ =	strace $0xD0000000  }
0x3: {  	_ = 	snop  }
0x4: {  	_ = 	snop  }
0x5: {  	_ = 	snop  }
0x6: {  	_ = 	snop  }
0x7: {  	_ = 	snop  }
__scs_overlays_trampoline_lowered:
0x8: {  	[smem:$0x3FAD] =	sst s0  }
0x9: {  	[smem:$0x3FAE] =	sst s1  }
0xa: {  	[smem:$0x3FAF] =	sst s2  }
0xb: {  	[smem:$0x3FB0] =	sst s3  }
0xc: {  	[smem:$0x3FB1] =	sst s4  }
0xd: {  	[smem:$0x3FB2] =	sst s5  }
0xe: {  	[smem:$0x3FB3] =	sst s6  }
0xf: {  	[smem:$0x3FB4] =	sst s7  }
0x10: {  	[smem:$0x3FB5] =	sst s8  }
0x11: {  	[smem:$0x3FB6] =	sst s9;
	s0 =	simm.s32 @!p0 $0x0  }
0x12: {  	s1 =	sld [smem:$0x3F9C];
	s0 =	simm.s32 @p0 $0x1  }
0x13: {  	[smem:$0x3FB7] =	sst s0;
	s0 =	simm.s32 @!p1 $0x0  }
0x14: {  	s2 =	sld [smem:$0x3F9B];
	s0 =	simm.s32 @p1 $0x1  }
0x15: {  	[smem:$0x3FB8] =	sst s0;
	s0 =	simm.s32 @!p2 $0x0  }
0x16: {  	s3 =	sld [smem:$0x3FDB];
	s0 =	simm.s32 @p2 $0x1  }
0x17: {  	s4 =	simm.s32 $0x1BF5;
	[smem:$0x3FBA] =	sst s0  }
0x18: {  	s0 =	sld [smem:$0x3F9D];
	_ =	swait.ge [sflag:s4], $0x0  }
0x19: {  	s7 =	sld [smem:$0x3F9E]  }
0x1a: {  	s8 =	sadd.s32 $0xFFFFE003, lr  }
0x1b: {  	s9 =	sadd.s32 $0xFFFFFEF7, lr;
	s5 =	simm.s32 $0xFFFFFFFF;
	p2 =	slt.u32 s8, $0xFFFFF086  }
0x1c: {  	p1 =	slt.u32 s9, $0xF7A;
	s5 =	simm.s32 @!p2 $0x0  }
0x1d: {  	s5 =	simm.s32 @p1 $0x1;
	p0 =	seq.s32 s7, s2  }
0x1e: {  	s7 =	smul.u32 @!p0 $0xF7A, s2;
	p2 =	seq.s32 @!p0 s5, $0x0  }
0x1f: {  	s9 =	smul.u32 $0xF7A, s1;
	s8 =	simm.s32 @!p0 $0x1BF5;
	p2 =	por !p2, p0  }
0x20: {  	[sflag:s8] =	ssyncset.s32 @!p0 $0xFFFFF086;
	s6 =	sadd.s32 @!p0 s3, s7;
	s7 =	simm.s32 @!p0 $0x108  }
0x21: {  	s3 =	sadd.s32 s3, s9;
	s6 =	sadd.s32 @!p0 $0x88, s6;
	s7 =	simm.s32 @p2 $0x1082  }
0x22: {  	[simem:s7], [sflag:s8] =	dma.local @!p0 [hbm:s6], $0xF7A  }
0x23: {  	s9 =	sor.u32 $0xD0000000, s2;
	s6 =	simm.s32 $0x108;
	_ =	swait.ge @!p0 [sflag:s8], $0x0  }
0x24: {  	s3 =	sadd.s32 $0x88, s3;
	s6 =	simm.s32 @!p1 $0x1082;
	[sflag:s4] =	ssyncset.s32 $0xFFFFF086  }
0x25: {  	[simem:s6], [sflag:s4] =	dma.local [hbm:s3], $0xF7A  }
0x26: {  	[smem:$0x3F9E] =	sst s1;
	(tag) =	ssettag s2;
	_ =	strace s9  }
0x27: {  	s1 =	sld [smem:$0x3FAE]  }
0x28: {  	s2 =	sld [smem:$0x3FAF]  }
0x29: {  	s4 =	sld [smem:$0x3FB1]  }
0x2a: {  	p0 =	seq.s32 s5, $0x0;
	s5 =	sld [smem:$0x3FB2]  }
0x2b: {  	s6 =	sld [smem:$0x3FB3]  }
0x2c: {  	s7 =	sld [smem:$0x3FB4]  }
0x2d: {  	s3 =	simm.s32 $0x108;
	s8 =	sld [smem:$0x3FB5]  }
0x2e: {  	s3 =	simm.s32 @!p0 $0x1082;
	s9 =	sld [smem:$0x3FB6]  }
0x2f: {  	lr =	sadd.s32 s0, s3;
	s0 =	sld [smem:$0x3FAD]  }
0x30: {  	s3 =	sld [smem:$0x3FB0]  }
0x31: {  	[smem:$0x3FB9] =	sst s10  }
0x32: {  	s10 =	sld [smem:$0x3FB7];
	_ =	sdelay $0x3  }
0x33: {  	p0 =	seq.s32 s10, $0x1;
	s10 =	sld [smem:$0x3FB9];
	_ =	sdelay $0x3  }
0x34: {  	[smem:$0x3FB9] =	sst s10  }
0x35: {  	s10 =	sld [smem:$0x3FB8];
	_ =	sdelay $0x3  }
0x36: {  	p1 =	seq.s32 s10, $0x1;
	s10 =	sld [smem:$0x3FB9];
	_ =	sdelay $0x3  }
0x37: {  	[smem:$0x3FB9] =	sst s10  }
0x38: {  	s10 =	sld [smem:$0x3FBA]  }
0x39: {  	_ = 	snop;
	(pc) =	sbr.ind lr, $3  }
0x3a: {  	_ = 	snop  }
0x3b: {  	_ = 	snop  }
0x3c: {  	p2 =	seq.s32 s10, $0x1;
	s10 =	sld [smem:$0x3FB9]  }
0x3d: {  	_ =	shalt  }
0x3e: {  	_ =	shalt  }
0x3f: {  	_ =	shalt  }
0x40: {  	_ =	shalt  }
0x41: {  	_ =	shalt  }
0x42: {  	_ =	shalt  }
0x43: {  	_ =	shalt  }
0x44: {  	_ =	shalt  }
0x45: {  	_ =	shalt  }
0x46: {  	_ =	shalt  }
0x47: {  	_ =	shalt  }
0x48: {  	_ =	shalt  }
0x49: {  	_ =	shalt  }
0x4a: {  	_ =	shalt  }
0x4b: {  	_ =	shalt  }
0x4c: {  	_ =	shalt  }
0x4d: {  	_ =	shalt  }
0x4e: {  	_ =	shalt  }
0x4f: {  	_ =	shalt  }
0x50: {  	_ =	shalt  }
0x51: {  	_ =	shalt  }
0x52: {  	_ =	shalt  }
0x53: {  	_ =	shalt  }
0x54: {  	_ =	shalt  }
0x55: {  	_ =	shalt  }
0x56: {  	_ =	shalt  }
0x57: {  	_ =	shalt  }
0x58: {  	_ =	shalt  }
0x59: {  	_ =	shalt  }
0x5a: {  	_ =	shalt  }
0x5b: {  	_ =	shalt  }
0x5c: {  	_ =	shalt  }
0x5d: {  	_ =	shalt  }
0x5e: {  	_ =	shalt  }
0x5f: {  	_ =	shalt  }
0x60: {  	_ =	shalt  }
0x61: {  	_ =	shalt  }
0x62: {  	_ =	shalt  }
0x63: {  	_ =	shalt  }
0x64: {  	_ =	shalt  }
0x65: {  	_ =	shalt  }
0x66: {  	_ =	shalt  }
0x67: {  	_ =	shalt  }
0x68: {  	_ =	shalt  }
0x69: {  	_ =	shalt  }
0x6a: {  	_ =	shalt  }
0x6b: {  	_ =	shalt  }
0x6c: {  	_ =	shalt  }
0x6d: {  	_ =	shalt  }
0x6e: {  	_ =	shalt  }
0x6f: {  	_ =	shalt  }
0x70: {  	_ =	shalt  }
0x71: {  	_ =	shalt  }
0x72: {  	_ =	shalt  }
0x73: {  	_ =	shalt  }
0x74: {  	_ =	shalt  }
0x75: {  	_ =	shalt  }
0x76: {  	_ =	shalt  }
0x77: {  	_ =	shalt  }
0x78: {  	_ =	shalt  }
0x79: {  	_ =	shalt  }
0x7a: {  	_ =	shalt  }
0x7b: {  	_ =	shalt  }
0x7c: {  	_ =	shalt  }
0x7d: {  	_ =	shalt  }
0x7e: {  	_ =	shalt  }
0x7f: {  	_ =	shalt  }
0x80: {  	_ =	shalt  }
0x81: {  	_ =	shalt  }
0x82: {  	_ =	shalt  }
0x83: {  	_ =	shalt  }
0x84: {  	_ =	shalt  }
0x85: {  	_ =	shalt  }
0x86: {  	_ =	shalt  }
0x87: {  	_ =	shalt  }
.Lfunc_end0:
.L_simem_size_0:
called_computation_lowered:
.L_overlay_start_0:
0x88: {  	s2 =	sld [smem:$0x3FD9]  }
0x89: {  	s3 =	sld [smem:$0x3FFE];
	_ =	sdelay $0x1  }
0x8a: {  	s1 =	srdreg.scid  }
0x8b: {  	s0 =	sand.u32 $0x1, s1  }
0x8c: {  	s18 =	sshll.u32 s0, $0xA;
	s2 =	sadd.s32 s3, s2  }
0x8d: {  	s2 =	sadd.s32 s2, s18  }
0x8e: {  	[smem:$0x3FC5] =	sst s2  }
0x8f: {  	_ = 	snop  }
0x90: {  	s2 =	sld [smem:$0x3FC9]  }
0x91: {  	s19 =	sld [smem:$0x3FC8]  }
0x92: {  	s4 =	sld [smem:$0x3FC7]  }
0x93: {  	s5 =	sld [smem:$0x3FD0];
	(tm) =	ssettm $0x1  }
0x94: {  	s6 =	sld [smem:$0x3FFB];
	_ =	sdelay $0x3  }
0x95: {  	_ =	strace s6  }
0x96: {  	s6 =	sld [smem:$0x3FFC];
	_ =	sdelay $0x3  }
0x97: {  	_ =	strace s6  }
0x98: {  	s6 =	sld [smem:$0x3FFD];
	_ =	sdelay $0x3  }
0x99: {  	_ =	strace s6  }
0x9a: {  	_ =	strace $0x8FFFFFFF  }
0x9b: {  	s20 =	sld [smem:$0x3FDB];
	_ =	sdelay $0x1  }
0x9c: {  	s7 =	simm.s32 $_scs_section_size  }
0x9d: {  	s8 =	simm.s32 $_size__tile_overlayer_lowered;
	s9 =	simm.s32 $_tile_overlayer_lowered  }
0x9e: {  	s23 =	simm.s32 $0x1BFF;
	s22 =	sshll.u32 s9, $0x1;
	s6 =	sadd.s32 s7, s20  }
0x9f: {  	s10 =	simm.s32 $0x0;
	s21 =	sshll.u32 s8, $0x1;
	s8 =	sadd.s32 s22, s6  }
0xa0: {  	[timem:s10], [sflag:s23] =	dma.local [hbm:s8], s21  }
0xa1: {  	_ =	swait.ge [sflag:s23], s21  }
0xa2: {  	s7 =	ssub.s32 $0x0, s21;
	[sflag:s23] =	ssyncset.done $0x0  }
0xa3: {  	[sflag:s23] =	ssyncadd.s32 s7;
	_ =	sdelay $0x1  }
0xa4: {  	s24 =	simm.s32 $0x1B8B  }
0xa5: {  	_ =	swait.ge [sflag:s24], $0x1  }
0xa6: {  	[sflag:s24] =	ssyncset.done $0x0  }
0xa7: {  	s25 =	simm.s32 $0x1B8E;
	[sflag:s24] =	ssyncadd.s32 $0xFFFFFFFF  }
0xa8: {  	s26 =	simm.s32 $execute0_lowered;
	[smem:$0x3FD2] =	sst s25  }
0xa9: {  	s7 =	sshll.u32 s26, $0x1;
	_ =	strace $0x80000046;
	[dreg:$0x1] =	wrdreg $0xFFFFFFFF  }
0xaa: {  	s28 =	simm.s32 $_size_execute0_lowered;
	s6 =	sadd.s32 s6, s7;
	[dreg:$0x0] =	wrdreg $0x0  }
0xab: {  	s7 =	sshll.u32 s28, $0x1;
	[dreg:$0x2] =	wrdreg s6  }
0xac: {  	[dreg:$0x3] =	wrdreg s7  }
0xad: {  	[dreg:$0x4] =	wrdreg $0xC0  }
0xae: {  	_ =	task [dreg:s10], $0x5FFFF  }
0xaf: {  	[dreg:$0x1] =	wrdreg $0xFFFFFFFF  }
0xb0: {  	[dreg:$0x0] =	wrdreg $0x60  }
0xb1: {  	[dreg:$0x2] =	wrdreg s2  }
0xb2: {  	[dreg:$0x3] =	wrdreg s19  }
0xb3: {  	[dreg:$0x4] =	wrdreg s4  }
0xb4: {  	[dreg:$0x5] =	wrdreg s5  }
0xb5: {  	[dreg:$0x6] =	wrdreg $0x9  }
0xb6: {  	_ =	task.clear_ibuf [dreg:s10], $0x7FFFF;
	_ =	strace $0x90000046  }
0xb7: {  	s29 =	simm.s32 $0x9;
	_ =	strace $0x80000048  }
0xb8: {  	_ =	swait.ge [sflag:s29], $0x1  }
0xb9: {  	[sflag:s29] =	ssyncadd.s32 $0xFFFFFFFF  }
0xba: {  	_ =	strace $0x90000048  }
0xbb: {  	_ =	sfence  }
0xbc: {  	s30 =	sld [smem:$0x0];
	_ =	sdelay $0x2  }
0xbd: {  	s31 =	sshll.u32 s1, $0xD;
	s1 =	sshrl.u32 s1, $0x2  }
0xbe: {  	s3 =	sand.u32 $0x4000, s31;
	s1 =	sadd.s32 s1, s30  }
0xbf: {  	s0 =	sor.u32 s3, s0;
	s1 =	sshll.u32 s1, $0x11  }
0xc0: {  	s0 =	sor.u32 s1, s0  }
0xc1: {  	s0 =	sadd.s32 $0x8F2B, s0  }
0xc2: {  	[sflag:s0] =	ssyncadd.remote.s32 $0x1  }
0xc3: {  	_ =	sfence.sel $0xFFFF  }
0xc4: {  	[dreg:$0x0] =	wrdreg $0xFFFFFFFF;
	(pc) =	sbr.abs _section_cstart, $3  }
0xc5: {  	[dreg:$0x1] =	wrdreg $0xFFFFFFFF  }
0xc6: {  	_ =	task.clear_ibuf [dreg:s10], $0x2FFFF;
	_ =	strace $0x9FFFFFFF  }
0xc7: {  	(tm) =	ssettm $0x7FFFFFFF  }
tec
execute0_lowered:
.L_overlay_start_1:
0x0: {  	(tag) =	ssettag $0x1  }
0x1: {  	s1 =	rddreg [dreg:$0x0]  }
0x2: {  	s0 =	srdreg.scid;
	s2 =	rddreg [dreg:$0x1]  }
0x3: {  	s4 =	stileid.u32;
	s3 =	rddreg [dreg:$0x2]  }
0x4: {  	s14 =	simm.s32 $0xC400;
	s21 =	simm.s32 $0xF400;
	s29 =	simm.s32 $0x12400  }
0x5: {  	s17 =	simm.s32 $0x1;
	s18 =	simm.s32 $0x15400;
	s25 =	simm.s32 $0x9400  }
0x6: {  	s26 =	simm.s32 $0x2;
	s28 =	simm.s32 $0x3;
	s0 =	sand.u32 $0x1, s0  }
0x7: {  	s5 =	sshll.u32 s4, $0xB;
	s4 =	rddreg [dreg:$0x3];
	s6 =	sshll.u32 s0, $0xA  }
0x8: {  	s0 =	ssub.s32 $0x2, s0;
	s5 =	sor.u32 s6, s5;
	s6 =	simm.s32 $0x0  }
0x9: {  	s9 =	sshrl.u32 s0, $0x1;
	s7 =	sshrl.u32 s5, $0x3;
	[smem:$0x7FF] =	sst s6  }
0xa: {  	s0 =	ssub.s32 s0, s9;
	s8 =	smul.u32 $0x300, s7;
	s2 =	sadd.s32 s2, s7  }
0xb: {  	_ =	strace $0x80000047;
	s0 =	smax.u32 s0, $0x1;
	[dreg:$0x5] =	wrdreg s2  }
0xc: {  	v2 =	vlaneseq.u32;
	s10 =	sadd.s32 $0x200, s3;
	[dreg:$0x8] =	wrdreg s0;
	s31 =	sadd.s32 s1, s8  }
0xd: {  	vm0 =	vmmov $0xffff;
	v1 =	vshrl.u32 v2, $0x3;
	s9 =	sadd.s32 $0x100, s3;
	[dreg:$0x6] =	wrdreg s31;
	s2 =	sadd.s32 $0x600, s31  }
0xe: {  	v0 =	vand.u32 $0x7, v2;
	v2 =	vor.u32 $0x8, v2;
	v1 =	vmul.u32 $0x8, v1;
	s7 =	simm.s32 $0x4;
	s8 =	simm.s32 $0x0;
	[dreg:$0x7] =	wrdreg s2  }
.LBB2_1:
0xf: {  	[dreg:$0x9] =	wrdreg s8  }
0x10: {  	s0 =	rddreg [dreg:$0x5];
	s2 =	simm.s32 $0x9  }
0x11: {  	[tilespmem:s6], [sflag:$0x9] =	stream.linear.gather [hbm4b:s0+s6], $0x400, $0x38;
	[tilespmem:$0x18400] =	vst v63  }
0x12: {  	_ =	swait.ge [sflag:s2], $0x400  }
0x13: {  	[sflag:s2] =	ssyncset.done $0x0  }
0x14: {  	[sflag:s2] =	ssyncadd.s32 $0xFFFFFC00  }
0x15: {  	v3 =	vld [tilespmem:$0x0];
	_ =	sdelay $0x4  }
0x16: {  	v4 =	vshrl.u32 v3, $0x3  }
0x17: {  	v4 =	vmul.u32 $0x30, v4  }
0x18: {  	v3 =	vand.u32 $0x7, v3  }
0x19: {  	v3 =	vor.u32 v3, v4  }
0x1a: {  	v4 =	vperm.xlane v3, v0;
	_ =	sdelay $0x1  }
0x1b: {  	v4 =	vadd.s32 v1, v4;
	_ =	sdelay $0x3  }
0x1c: {  	v3 =	vperm.xlane v3, v2  }
0x1d: {  	[tilespmem:s14], [sflag:$0x1] =	stream.indirect_vreg.gather [hbm4b:s3+s6], $0x80, v4, vm0, $0xb8;
	[tilespmem:$0x18400] =	vst v63  }
0x1e: {  	s8 =	simm.s32 $0xCC00;
	v3 =	vadd.s32 v1, v3  }
0x1f: {  	[tilespmem:s8], [sflag:$0x1] =	stream.indirect_vreg.gather [hbm4b:s9+s6], $0x80, v4, vm0, $0xb8;
	[tilespmem:$0x18400] =	vst v63  }
0x20: {  	s11 =	simm.s32 $0xD400  }
0x21: {  	[tilespmem:s11], [sflag:$0x1] =	stream.indirect_vreg.gather [hbm4b:s10+s6], $0x80, v4, vm0, $0xb8;
	[tilespmem:$0x18400] =	vst v63  }
0x22: {  	s12 =	simm.s32 $0xDC00  }
0x23: {  	[tilespmem:s12], [sflag:$0x1] =	stream.indirect_vreg.gather [hbm4b:s3+s6], $0x80, v3, vm0, $0xb8;
	[tilespmem:$0x18400] =	vst v63  }
0x24: {  	s13 =	simm.s32 $0xE400  }
0x25: {  	[tilespmem:s13], [sflag:$0x1] =	stream.indirect_vreg.gather [hbm4b:s9+s6], $0x80, v3, vm0, $0xb8;
	[tilespmem:$0x18400] =	vst v63  }
0x26: {  	s15 =	simm.s32 $0xEC00  }
0x27: {  	[tilespmem:s15], [sflag:$0x1] =	stream.indirect_vreg.gather [hbm4b:s10+s6], $0x80, v3, vm0, $0xb8;
	[tilespmem:$0x18400] =	vst v63  }
0x28: {  	s16 =	rddreg [dreg:$0x6];
	s2 =	simm.s32 $0x400  }
0x29: {  	[tilespmem:s2], [sflag:$0x1] =	stream.linear.gather [hbm4b:s16+s6], $0x3000, $0x38;
	[tilespmem:$0x18400] =	vst v63  }
0x2a: {  	v3 =	vld [tilespmem:$0x10];
	_ =	sdelay $0x4  }
0x2b: {  	v63 =	vshrl.u32 v3, $0x3  }
0x2c: {  	v4 =	vmul.u32 $0x30, v63  }
0x2d: {  	v3 =	vand.u32 $0x7, v3  }
0x2e: {  	v3 =	vor.u32 v3, v4  }
0x2f: {  	v4 =	vperm.xlane v3, v0;
	_ =	sdelay $0x1  }
0x30: {  	v4 =	vadd.s32 v1, v4;
	_ =	sdelay $0x3  }
0x31: {  	v3 =	vperm.xlane v3, v2  }
0x32: {  	[tilespmem:s21], [sflag:$0x2] =	stream.indirect_vreg.gather [hbm4b:s3+s6], $0x80, v4, vm0, $0xb8;
	[tilespmem:$0x18400] =	vst v63  }
0x33: {  	s19 =	simm.s32 $0xFC00;
	v3 =	vadd.s32 v1, v3  }
0x34: {  	[tilespmem:s19], [sflag:$0x2] =	stream.indirect_vreg.gather [hbm4b:s9+s6], $0x80, v4, vm0, $0xb8;
	[tilespmem:$0x18400] =	vst v63  }
0x35: {  	s20 =	simm.s32 $0x10400  }
0x36: {  	[tilespmem:s20], [sflag:$0x2] =	stream.indirect_vreg.gather [hbm4b:s10+s6], $0x80, v4, vm0, $0xb8;
	[tilespmem:$0x18400] =	vst v63  }
0x37: {  	s22 =	simm.s32 $0x10C00  }
0x38: {  	[tilespmem:s22], [sflag:$0x2] =	stream.indirect_vreg.gather [hbm4b:s3+s6], $0x80, v3, vm0, $0xb8;
	[tilespmem:$0x18400] =	vst v63  }
0x39: {  	s23 =	simm.s32 $0x11400  }
0x3a: {  	[tilespmem:s23], [sflag:$0x2] =	stream.indirect_vreg.gather [hbm4b:s9+s6], $0x80, v3, vm0, $0xb8;
	[tilespmem:$0x18400] =	vst v63  }
0x3b: {  	s24 =	simm.s32 $0x11C00  }
0x3c: {  	[tilespmem:s24], [sflag:$0x2] =	stream.indirect_vreg.gather [hbm4b:s10+s6], $0x80, v3, vm0, $0xb8;
	[tilespmem:$0x18400] =	vst v63  }
0x3d: {  	s31 =	simm.s32 $0x3400;
	s30 =	rddreg [dreg:$0x7];
	s12 =	simm.s32 $0x0  }
0x3e: {  	[tilespmem:s31], [sflag:$0x2] =	stream.linear.gather [hbm4b:s30+s6], $0x3000, $0x38;
	[tilespmem:$0x18400] =	vst v63  }
.LBB2_2:
0x3f: {  	s13 =	sshll.u32 s12, $0x2  }
0x40: {  	s0 =	sadd.s32 $0xFFFFFFFC, s13  }
0x41: {  	p0 =	sgt.u32 s0, $0x3B  }
0x42: {  	s0 =	simm.s32 @!p0 $0x7  }
0x43: {  	_ =	swait.ge @!p0 [sflag:s0], $0x3000  }
0x44: {  	[sflag:s0] =	ssyncset.done @!p0 $0x0  }
0x45: {  	s8 =	sshll.u32 s12, $0x6;
	[sflag:s0] =	ssyncadd.s32 @!p0 $0xFFFFD000  }
0x46: {  	v3 =	vld [tilespmem:s8+$0x20];
	_ =	sdelay $0x4  }
0x47: {  	v4 =	vshrl.u32 v3, $0x3  }
0x48: {  	v4 =	vmul.u32 $0x30, v4  }
0x49: {  	v3 =	vand.u32 $0x7, v3  }
0x4a: {  	v3 =	vor.u32 v3, v4  }
0x4b: {  	v4 =	vperm.xlane v3, v0;
	_ =	sdelay $0x1  }
0x4c: {  	v4 =	vadd.s32 v1, v4;
	_ =	sdelay $0x3  }
0x4d: {  	s11 =	simm.s32 $0x0;
	v3 =	vperm.xlane v3, v2  }
0x4e: {  	[tilespmem:s29], [sflag:$0x3] =	stream.indirect_vreg.gather [hbm4b:s3+s11], $0x80, v4, vm0, $0xb8;
	[tilespmem:$0x18400] =	vst v63  }
0x4f: {  	s15 =	simm.s32 $0x12C00;
	v3 =	vadd.s32 v1, v3  }
0x50: {  	[tilespmem:s15], [sflag:$0x3] =	stream.indirect_vreg.gather [hbm4b:s9+s11], $0x80, v4, vm0, $0xb8;
	[tilespmem:$0x18400] =	vst v63  }
0x51: {  	s16 =	simm.s32 $0x13400;
	s20 =	sor.u32 $0x20, s8  }
0x52: {  	[tilespmem:s16], [sflag:$0x3] =	stream.indirect_vreg.gather [hbm4b:s10+s11], $0x80, v4, vm0, $0xb8;
	[tilespmem:$0x18400] =	vst v63  }
0x53: {  	s19 =	simm.s32 $0x13C00;
	s0 =	sor.u32 s5, s20  }
0x54: {  	[tilespmem:s19], [sflag:$0x3] =	stream.indirect_vreg.gather [hbm4b:s3+s11], $0x80, v3, vm0, $0xb8;
	[tilespmem:$0x18400] =	vst v63  }
0x55: {  	s2 =	simm.s32 $0x14400;
	s0 =	sshrl.u32 s0, $0x3  }
0x56: {  	[tilespmem:s2], [sflag:$0x3] =	stream.indirect_vreg.gather [hbm4b:s9+s11], $0x80, v3, vm0, $0xb8;
	[tilespmem:$0x18400] =	vst v63  }
0x57: {  	s22 =	simm.s32 $0x14C00;
	s0 =	smul.u32 $0x300, s0  }
0x58: {  	[tilespmem:s22], [sflag:$0x3] =	stream.indirect_vreg.gather [hbm4b:s10+s11], $0x80, v3, vm0, $0xb8;
	[tilespmem:$0x18400] =	vst v63  }
0x59: {  	s23 =	simm.s32 $0x6400;
	s0 =	sadd.s32 s1, s0  }
0x5a: {  	[tilespmem:s23], [sflag:$0x3] =	stream.linear.gather [hbm4b:s0+s11], $0x3000, $0x38;
	[tilespmem:$0x18400] =	vst v63  }
0x5b: {  	_ =	swait.ge [sflag:s17], $0x3000  }
0x5c: {  	[sflag:s17] =	ssyncset.done $0x0  }
0x5d: {  	s24 =	simm.s32 $0x0;
	[sflag:s17] =	ssyncadd.s32 $0xFFFFD000  }
0x5e: {  	s15 =	smul.u32 $0x1800, s24;
	s0 =	sand.u32 $0x300, s11;
	_ =	swait.ge [sflag:s17], $0x3000  }
0x5f: {  	s2 =	sor.u32 $0x80, s0;
	[sflag:s17] =	ssyncset.done $0x0  }
0x60: {  	s19 =	sor.u32 s15, s2;
	[sflag:s17] =	ssyncadd.s32 $0xFFFFD000  }
0x61: {  	v3 =	vld [tilespmem:s19+$0x400]  }
0x62: {  	v4 =	vld [tilespmem:s19+$0xC400]  }
0x63: {  	v5 =	vld [tilespmem:s19+$0x410]  }
0x64: {  	v6 =	vld [tilespmem:s19+$0xC410]  }
0x65: {  	v7 =	vld [tilespmem:s19+$0x420]  }
0x66: {  	v8 =	vld [tilespmem:s19+$0xC420]  }
0x67: {  	v9 =	vld [tilespmem:s19+$0x430]  }
0x68: {  	v10 =	vld [tilespmem:s19+$0xC430]  }
0x69: {  	v11 =	vld [tilespmem:s19+$0x440]  }
0x6a: {  	v12 =	vld [tilespmem:s19+$0xC440]  }
0x6b: {  	v13 =	vld [tilespmem:s19+$0x450]  }
0x6c: {  	v14 =	vld [tilespmem:s19+$0xC450]  }
0x6d: {  	v15 =	vld [tilespmem:s19+$0x460]  }
0x6e: {  	v16 =	vld [tilespmem:s19+$0xC460]  }
0x6f: {  	v17 =	vld [tilespmem:s19+$0x470]  }
0x70: {  	v18 =	vld [tilespmem:s19+$0xC470]  }
0x71: {  	v19 =	vld [tilespmem:s19+$0x800]  }
0x72: {  	v20 =	vld [tilespmem:s19+$0xC800]  }
0x73: {  	v21 =	vld [tilespmem:s19+$0x810]  }
0x74: {  	v22 =	vld [tilespmem:s19+$0xC810]  }
0x75: {  	v23 =	vld [tilespmem:s19+$0x820]  }
0x76: {  	v31 =	vld [tilespmem:s19+$0x860];
	v3 =	vadd.f32 v4, v3  }
0x77: {  	v32 =	vld [tilespmem:s19+$0xC860];
	v5 =	vadd.f32 v6, v5  }
0x78: {  	v4 =	vld [tilespmem:s19+$0xC820];
	[tilespmem:s19+$0xC400] =	vst v3;
	v3 =	vadd.f32 v8, v7  }
0x79: {  	v6 =	vld [tilespmem:s19+$0x830];
	[tilespmem:s19+$0xC410] =	vst v5;
	v5 =	vadd.f32 v10, v9  }
0x7a: {  	v7 =	vld [tilespmem:s19+$0xC830];
	[tilespmem:s19+$0xC420] =	vst v3;
	v3 =	vadd.f32 v12, v11  }
0x7b: {  	v8 =	vld [tilespmem:s19+$0x840];
	[tilespmem:s19+$0xC430] =	vst v5;
	v5 =	vadd.f32 v14, v13  }
0x7c: {  	v9 =	vld [tilespmem:s19+$0xC840];
	[tilespmem:s19+$0xC440] =	vst v3;
	v3 =	vadd.f32 v16, v15  }
0x7d: {  	v10 =	vld [tilespmem:s19+$0x850];
	[tilespmem:s19+$0xC450] =	vst v5;
	v5 =	vadd.f32 v18, v17  }
0x7e: {  	v11 =	vld [tilespmem:s19+$0xC850];
	[tilespmem:s19+$0xC460] =	vst v3;
	v3 =	vadd.f32 v20, v19  }
0x7f: {  	v33 =	vld [tilespmem:s19+$0x870];
	[tilespmem:s19+$0xC470] =	vst v5;
	v5 =	vadd.f32 v22, v21  }
0x80: {  	[tilespmem:s19+$0xC800] =	vst v3;
	v3 =	vadd.f32 v4, v23;
	v4 =	vld [tilespmem:s19+$0xC870]  }
0x81: {  	[tilespmem:s19+$0xC810] =	vst v5;
	v5 =	vadd.f32 v7, v6  }
0x82: {  	s22 =	sor.u32 s0, s15;
	[tilespmem:s19+$0xC820] =	vst v3;
	v3 =	vadd.f32 v9, v8  }
0x83: {  	v51 =	vld [tilespmem:s22+$0xC430];
	[tilespmem:s19+$0xC830] =	vst v5;
	v5 =	vadd.f32 v11, v10  }
0x84: {  	v53 =	vld [tilespmem:s22+$0x440];
	[tilespmem:s19+$0xC840] =	vst v3;
	v3 =	vadd.f32 v32, v31  }
0x85: {  	v54 =	vld [tilespmem:s22+$0xC440];
	[tilespmem:s19+$0xC850] =	vst v5;
	v4 =	vadd.f32 v4, v33  }
0x86: {  	s16 =	sadd.s32 $0x800, s15;
	v56 =	vld [tilespmem:s22+$0x450];
	[tilespmem:s19+$0xC860] =	vst v3  }
0x87: {  	s20 =	sor.u32 s2, s16;
	v58 =	vld [tilespmem:s22+$0x460];
	[tilespmem:s19+$0xC870] =	vst v4  }
0x88: {  	v3 =	vld [tilespmem:s20+$0x400]  }
0x89: {  	v4 =	vld [tilespmem:s20+$0xC400]  }
0x8a: {  	v5 =	vld [tilespmem:s20+$0x410]  }
0x8b: {  	v6 =	vld [tilespmem:s20+$0xC410]  }
0x8c: {  	v7 =	vld [tilespmem:s20+$0x420]  }
0x8d: {  	v8 =	vld [tilespmem:s20+$0xC420]  }
0x8e: {  	v9 =	vld [tilespmem:s20+$0x430]  }
0x8f: {  	v10 =	vld [tilespmem:s20+$0xC430]  }
0x90: {  	v11 =	vld [tilespmem:s20+$0x440]  }
0x91: {  	v34 =	vld [tilespmem:s20+$0xC440]  }
0x92: {  	v35 =	vld [tilespmem:s20+$0x450]  }
0x93: {  	v36 =	vld [tilespmem:s20+$0xC450]  }
0x94: {  	v37 =	vld [tilespmem:s20+$0x460]  }
0x95: {  	v3 =	vadd.f32 v4, v3;
	v4 =	vld [tilespmem:s20+$0xC460]  }
0x96: {  	v5 =	vadd.f32 v6, v5;
	v6 =	vld [tilespmem:s20+$0x470]  }
0x97: {  	[tilespmem:s20+$0xC400] =	vst v3;
	v3 =	vadd.f32 v8, v7;
	v7 =	vld [tilespmem:s20+$0xC470]  }
0x98: {  	v8 =	vld [tilespmem:s22+$0x400]  }
0x99: {  	[tilespmem:s20+$0xC410] =	vst v5;
	v5 =	vadd.f32 v10, v9;
	v9 =	vld [tilespmem:s22+$0xC400]  }
0x9a: {  	v10 =	vld [tilespmem:s22+$0x410];
	[tilespmem:s20+$0xC420] =	vst v3;
	v3 =	vadd.f32 v34, v11  }
0x9b: {  	[tilespmem:s20+$0xC430] =	vst v5;
	v5 =	vadd.f32 v36, v35;
	v11 =	vld [tilespmem:s22+$0xC410]  }
0x9c: {  	[tilespmem:s20+$0xC440] =	vst v3;
	v3 =	vadd.f32 v4, v37;
	v4 =	vld [tilespmem:s22+$0x420]  }
0x9d: {  	[tilespmem:s20+$0xC450] =	vst v5;
	v5 =	vadd.f32 v7, v6;
	v6 =	vld [tilespmem:s22+$0xC420]  }
0x9e: {  	v8 =	vadd.f32 v9, v8;
	v9 =	vld [tilespmem:s22+$0xC810]  }
0x9f: {  	s19 =	sadd.s32 $0xC00, s15;
	[tilespmem:s20+$0xC460] =	vst v3;
	v3 =	vld [tilespmem:s22+$0x430]  }
0xa0: {  	s23 =	sor.u32 s2, s19;
	[tilespmem:s20+$0xC470] =	vst v5;
	v10 =	vadd.f32 v11, v10;
	v11 =	vld [tilespmem:s22+$0x820]  }
0xa1: {  	v5 =	vld [tilespmem:s23+$0x400]  }
0xa2: {  	v7 =	vld [tilespmem:s23+$0xC400]  }
0xa3: {  	v38 =	vld [tilespmem:s23+$0x410]  }
0xa4: {  	v39 =	vld [tilespmem:s23+$0xC410]  }
0xa5: {  	v40 =	vld [tilespmem:s23+$0x420]  }
0xa6: {  	v41 =	vld [tilespmem:s23+$0xC420]  }
0xa7: {  	v42 =	vld [tilespmem:s23+$0x430]  }
0xa8: {  	v43 =	vld [tilespmem:s23+$0xC430]  }
0xa9: {  	v44 =	vld [tilespmem:s23+$0x440]  }
0xaa: {  	v45 =	vld [tilespmem:s23+$0xC440]  }
0xab: {  	v46 =	vld [tilespmem:s23+$0x450]  }
0xac: {  	v47 =	vld [tilespmem:s23+$0xC450]  }
0xad: {  	v48 =	vld [tilespmem:s23+$0x460]  }
0xae: {  	[tilespmem:s22+$0xC400] =	vst v8;
	v49 =	vld [tilespmem:s23+$0x470];
	v5 =	vadd.f32 v7, v5  }
0xaf: {  	v50 =	vld [tilespmem:s23+$0xC470];
	[tilespmem:s22+$0xC410] =	vst v10;
	v12 =	vadd.f32 v39, v38  }
0xb0: {  	v7 =	vld [tilespmem:s23+$0xC460];
	v52 =	vadd.f32 v43, v42;
	[tilespmem:s23+$0xC400] =	vst v5  }
0xb1: {  	v8 =	vld [tilespmem:s22+$0x830];
	v5 =	vadd.f32 v41, v40;
	[tilespmem:s23+$0xC410] =	vst v12  }
0xb2: {  	v10 =	vld [tilespmem:s22+$0xC830];
	v55 =	vadd.f32 v47, v46;
	[tilespmem:s23+$0xC430] =	vst v52  }
0xb3: {  	v4 =	vadd.f32 v6, v4;
	v6 =	vld [tilespmem:s22+$0xC820];
	[tilespmem:s23+$0xC420] =	vst v5;
	v5 =	vadd.f32 v45, v44  }
0xb4: {  	v57 =	vadd.f32 v50, v49;
	v38 =	vld [tilespmem:s22+$0x470];
	[tilespmem:s23+$0xC450] =	vst v55  }
0xb5: {  	v42 =	vld [tilespmem:s22+$0x800];
	[tilespmem:s23+$0xC440] =	vst v5;
	v5 =	vadd.f32 v7, v48  }
0xb6: {  	s31 =	sadd.s32 $0x1000, s15;
	[tilespmem:s23+$0xC470] =	vst v57;
	v7 =	vld [tilespmem:s22+$0xC450]  }
0xb7: {  	s24 =	sor.u32 s2, s31;
	[tilespmem:s23+$0xC460] =	vst v5;
	v5 =	vld [tilespmem:s22+$0xC460]  }
0xb8: {  	v12 =	vld [tilespmem:s24+$0x400]  }
0xb9: {  	v59 =	vld [tilespmem:s24+$0xC400]  }
0xba: {  	v60 =	vld [tilespmem:s24+$0x410]  }
0xbb: {  	v61 =	vld [tilespmem:s24+$0xC410]  }
0xbc: {  	v62 =	vld [tilespmem:s24+$0x420]  }
0xbd: {  	v63 =	vld [tilespmem:s24+$0xC420]  }
0xbe: {  	v32 =	vld [tilespmem:s24+$0x430]  }
0xbf: {  	v24 =	vld [tilespmem:s24+$0xC430]  }
0xc0: {  	v25 =	vld [tilespmem:s24+$0x440]  }
0xc1: {  	v3 =	vadd.f32 v51, v3;
	v26 =	vld [tilespmem:s24+$0xC440]  }
0xc2: {  	[tilespmem:s22+$0xC420] =	vst v4;
	v4 =	vadd.f32 v54, v53;
	v27 =	vld [tilespmem:s24+$0x450]  }
0xc3: {  	[tilespmem:s22+$0xC430] =	vst v3;
	v28 =	vld [tilespmem:s24+$0xC450];
	v3 =	vadd.f32 v7, v56  }
0xc4: {  	[tilespmem:s22+$0xC440] =	vst v4;
	v29 =	vld [tilespmem:s24+$0x460];
	v4 =	vadd.f32 v5, v58  }
0xc5: {  	v33 =	vld [tilespmem:s24+$0xC460];
	[tilespmem:s22+$0xC450] =	vst v3;
	v12 =	vadd.f32 v59, v12  }
0xc6: {  	v34 =	vld [tilespmem:s24+$0x470];
	v19 =	vadd.f32 v61, v60;
	[tilespmem:s22+$0xC460] =	vst v4  }
0xc7: {  	v36 =	vld [tilespmem:s24+$0xC470];
	v35 =	vadd.f32 v63, v62;
	[tilespmem:s24+$0xC400] =	vst v12  }
0xc8: {  	v40 =	vld [tilespmem:s22+$0xC470];
	v37 =	vadd.f32 v24, v32;
	[tilespmem:s24+$0xC410] =	vst v19  }
0xc9: {  	v44 =	vld [tilespmem:s22+$0xC800];
	v39 =	vadd.f32 v26, v25;
	[tilespmem:s24+$0xC420] =	vst v35  }
0xca: {  	v46 =	vld [tilespmem:s22+$0x810];
	v41 =	vadd.f32 v28, v27;
	[tilespmem:s24+$0xC430] =	vst v37  }
0xcb: {  	v47 =	vld [tilespmem:s22+$0x850];
	v43 =	vadd.f32 v33, v29;
	[tilespmem:s24+$0xC440] =	vst v39  }
0xcc: {  	v7 =	vld [tilespmem:s22+$0x840];
	v45 =	vadd.f32 v36, v34;
	[tilespmem:s24+$0xC450] =	vst v41  }
0xcd: {  	s15 =	sadd.s32 $0x1400, s15;
	v5 =	vld [tilespmem:s22+$0xC840];
	v3 =	vadd.f32 v40, v38;
	[tilespmem:s24+$0xC460] =	vst v43  }
0xce: {  	s2 =	sor.u32 s2, s15;
	v48 =	vld [tilespmem:s22+$0xC850];
	v4 =	vadd.f32 v44, v42;
	[tilespmem:s24+$0xC470] =	vst v45  }
0xcf: {  	[tilespmem:s22+$0xC470] =	vst v3;
	v3 =	vadd.f32 v9, v46;
	v9 =	vld [tilespmem:s2+$0x470]  }
0xd0: {  	[tilespmem:s22+$0xC800] =	vst v4;
	v4 =	vadd.f32 v6, v11;
	v6 =	vld [tilespmem:s2+$0xC470]  }
0xd1: {  	[tilespmem:s22+$0xC810] =	vst v3;
	v3 =	vadd.f32 v10, v8;
	v8 =	vld [tilespmem:s22+$0x860]  }
0xd2: {  	[tilespmem:s22+$0xC820] =	vst v4;
	v4 =	vadd.f32 v5, v7;
	v5 =	vld [tilespmem:s22+$0xC860]  }
0xd3: {  	[tilespmem:s22+$0xC830] =	vst v3;
	v7 =	vld [tilespmem:s22+$0x870]  }
0xd4: {  	v3 =	vadd.f32 v48, v47;
	[tilespmem:s22+$0xC840] =	vst v4;
	v4 =	vld [tilespmem:s22+$0xC870]  }
0xd5: {  	v51 =	vld [tilespmem:s2+$0xC400]  }
0xd6: {  	s16 =	sor.u32 s0, s16;
	v56 =	vld [tilespmem:s2+$0xC420];
	[tilespmem:s22+$0xC850] =	vst v3  }
0xd7: {  	v3 =	vld [tilespmem:s16+$0xC400];
	v5 =	vadd.f32 v5, v8  }
0xd8: {  	v10 =	vld [tilespmem:s16+$0xC410]  }
0xd9: {  	v8 =	vld [tilespmem:s16+$0xC420];
	[tilespmem:s22+$0xC860] =	vst v5;
	v4 =	vadd.f32 v4, v7  }
0xda: {  	v6 =	vadd.f32 v6, v9;
	v5 =	vld [tilespmem:s16+$0xC430]  }
0xdb: {  	[tilespmem:s22+$0xC870] =	vst v4;
	v4 =	vld [tilespmem:s2+$0x400]  }
0xdc: {  	[tilespmem:s2+$0xC470] =	vst v6;
	v6 =	vld [tilespmem:s16+$0x400]  }
0xdd: {  	v7 =	vld [tilespmem:s16+$0x410]  }
0xde: {  	v9 =	vld [tilespmem:s16+$0x420]  }
0xdf: {  	v11 =	vld [tilespmem:s16+$0x430]  }
0xe0: {  	v49 =	vld [tilespmem:s16+$0x440]  }
0xe1: {  	v50 =	vld [tilespmem:s16+$0xC440];
	v3 =	vadd.f32 v3, v6  }
0xe2: {  	v6 =	vadd.f32 v10, v7;
	v7 =	vld [tilespmem:s16+$0x450]  }
0xe3: {  	[tilespmem:s16+$0xC400] =	vst v3;
	v3 =	vadd.f32 v8, v9;
	v8 =	vld [tilespmem:s16+$0xC450]  }
0xe4: {  	[tilespmem:s16+$0xC410] =	vst v6;
	v6 =	vld [tilespmem:s16+$0x460]  }
0xe5: {  	v5 =	vadd.f32 v5, v11;
	[tilespmem:s16+$0xC420] =	vst v3;
	v3 =	vld [tilespmem:s16+$0xC460]  }
0xe6: {  	v10 =	vld [tilespmem:s16+$0xC470];
	v9 =	vadd.f32 v50, v49  }
0xe7: {  	[tilespmem:s16+$0xC430] =	vst v5;
	v5 =	vld [tilespmem:s16+$0x470]  }
0xe8: {  	s19 =	sor.u32 s0, s19;
	v4 =	vadd.f32 v51, v4;
	v11 =	vld [tilespmem:s2+$0x410];
	[tilespmem:s16+$0xC440] =	vst v9  }
0xe9: {  	v9 =	vld [tilespmem:s19+$0xC410];
	v7 =	vadd.f32 v8, v7  }
0xea: {  	[tilespmem:s2+$0xC400] =	vst v4;
	v8 =	vld [tilespmem:s19+$0xC400];
	v3 =	vadd.f32 v3, v6  }
0xeb: {  	[tilespmem:s16+$0xC450] =	vst v7;
	v6 =	vld [tilespmem:s2+$0xC410]  }
0xec: {  	v4 =	vld [tilespmem:s19+$0xC420];
	[tilespmem:s16+$0xC460] =	vst v3;
	v3 =	vadd.f32 v10, v5  }
0xed: {  	v5 =	vld [tilespmem:s19+$0xC430]  }
0xee: {  	[tilespmem:s16+$0xC470] =	vst v3;
	v3 =	vld [tilespmem:s2+$0x420]  }
0xef: {  	v7 =	vld [tilespmem:s19+$0x400]  }
0xf0: {  	v10 =	vld [tilespmem:s19+$0x410]  }
0xf1: {  	v52 =	vld [tilespmem:s19+$0x420]  }
0xf2: {  	v53 =	vld [tilespmem:s19+$0x430]  }
0xf3: {  	v54 =	vld [tilespmem:s19+$0x440]  }
0xf4: {  	v55 =	vld [tilespmem:s19+$0xC440];
	v7 =	vadd.f32 v8, v7  }
0xf5: {  	v8 =	vadd.f32 v9, v10;
	v9 =	vld [tilespmem:s19+$0x450]  }
0xf6: {  	v4 =	vadd.f32 v4, v52;
	[tilespmem:s19+$0xC400] =	vst v7;
	v7 =	vld [tilespmem:s19+$0xC450]  }
0xf7: {  	[tilespmem:s19+$0xC410] =	vst v8;
	v8 =	vld [tilespmem:s19+$0x460]  }
0xf8: {  	v5 =	vadd.f32 v5, v53;
	[tilespmem:s19+$0xC420] =	vst v4;
	v4 =	vld [tilespmem:s19+$0xC460]  }
0xf9: {  	v6 =	vadd.f32 v6, v11;
	v11 =	vld [tilespmem:s19+$0xC470];
	v10 =	vadd.f32 v55, v54  }
0xfa: {  	[tilespmem:s19+$0xC430] =	vst v5;
	v5 =	vld [tilespmem:s19+$0x470]  }
0xfb: {  	s31 =	sor.u32 s0, s31;
	v3 =	vadd.f32 v56, v3;
	[tilespmem:s19+$0xC440] =	vst v10  }
0xfc: {  	[tilespmem:s2+$0xC410] =	vst v6;
	v6 =	vld [tilespmem:s31+$0xC410];
	v7 =	vadd.f32 v7, v9  }
0xfd: {  	[tilespmem:s2+$0xC420] =	vst v3;
	v9 =	vld [tilespmem:s31+$0xC400];
	v4 =	vadd.f32 v4, v8  }
0xfe: {  	[tilespmem:s19+$0xC450] =	vst v7;
	v7 =	vld [tilespmem:s2+$0x430]  }
0xff: {  	v3 =	vld [tilespmem:s31+$0xC420];
	[tilespmem:s19+$0xC460] =	vst v4;
	v4 =	vadd.f32 v11, v5  }
0x100: {  	v5 =	vld [tilespmem:s31+$0xC430]  }
0x101: {  	[tilespmem:s19+$0xC470] =	vst v4;
	v4 =	vld [tilespmem:s2+$0xC430]  }
0x102: {  	v8 =	vld [tilespmem:s31+$0x400]  }
0x103: {  	v10 =	vld [tilespmem:s31+$0x410]  }
0x104: {  	v11 =	vld [tilespmem:s31+$0x420]  }
0x105: {  	v57 =	vld [tilespmem:s31+$0x430]  }
0x106: {  	v58 =	vld [tilespmem:s31+$0x440]  }
0x107: {  	v59 =	vld [tilespmem:s31+$0xC440];
	v8 =	vadd.f32 v9, v8  }
0x108: {  	v6 =	vadd.f32 v6, v10;
	v9 =	vld [tilespmem:s31+$0x450]  }
0x109: {  	v3 =	vadd.f32 v3, v11;
	[tilespmem:s31+$0xC400] =	vst v8;
	v8 =	vld [tilespmem:s31+$0xC450]  }
0x10a: {  	[tilespmem:s31+$0xC410] =	vst v6;
	v6 =	vld [tilespmem:s31+$0x460]  }
0x10b: {  	v5 =	vadd.f32 v5, v57;
	[tilespmem:s31+$0xC420] =	vst v3;
	v3 =	vld [tilespmem:s31+$0xC460]  }
0x10c: {  	v4 =	vadd.f32 v4, v7;
	v7 =	vld [tilespmem:s31+$0xC470]  }
0x10d: {  	v10 =	vadd.f32 v59, v58;
	[tilespmem:s31+$0xC430] =	vst v5;
	v5 =	vld [tilespmem:s31+$0x470];
	_ =	sdelay $0x1  }
0x10e: {  	v60 =	vld [tilespmem:s2+$0x440];
	s19 =	sor.u32 s0, s15;
	[tilespmem:s31+$0xC440] =	vst v10;
	v8 =	vadd.f32 v8, v9  }
0x10f: {  	v10 =	vld [tilespmem:s19+$0xC410];
	v3 =	vadd.f32 v3, v6  }
0x110: {  	v9 =	vld [tilespmem:s19+$0xC400];
	[tilespmem:s31+$0xC450] =	vst v8  }
0x111: {  	v6 =	vld [tilespmem:s19+$0xC420];
	[tilespmem:s31+$0xC460] =	vst v3;
	v3 =	vadd.f32 v7, v5  }
0x112: {  	v11 =	vld [tilespmem:s2+$0xC450]  }
0x113: {  	v8 =	vld [tilespmem:s19+$0xC430];
	[tilespmem:s31+$0xC470] =	vst v3  }
0x114: {  	v5 =	vld [tilespmem:s19+$0x400]  }
0x115: {  	[tilespmem:s2+$0xC430] =	vst v4;
	v4 =	vld [tilespmem:s2+$0xC440]  }
0x116: {  	v7 =	vld [tilespmem:s2+$0x450]  }
0x117: {  	v61 =	vld [tilespmem:s19+$0x410]  }
0x118: {  	v62 =	vld [tilespmem:s19+$0x420]  }
0x119: {  	v63 =	vld [tilespmem:s19+$0x430];
	v9 =	vadd.f32 v9, v5  }
0x11a: {  	v15 =	vadd.f32 v4, v60;
	v3 =	vld [tilespmem:s19+$0x440]  }
0x11b: {  	v5 =	vld [tilespmem:s19+$0xC440];
	[tilespmem:s19+$0xC400] =	vst v9;
	v9 =	vadd.f32 v11, v7  }
0x11c: {  	[tilespmem:s2+$0xC440] =	vst v15;
	v4 =	vld [tilespmem:s19+$0x450];
	v10 =	vadd.f32 v10, v61  }
0x11d: {  	v7 =	vld [tilespmem:s19+$0xC450];
	[tilespmem:s2+$0xC450] =	vst v9;
	v9 =	vadd.f32 v6, v62  }
0x11e: {  	s30 =	simm.s32 $0x0;
	v8 =	vadd.f32 v8, v63;
	[tilespmem:s19+$0xC410] =	vst v10;
	v6 =	vld [tilespmem:s19+$0x460]  }
.LBB2_3:
0x11f: {  	s30 =	sadd.s32 $0x2, s30;
	[tilespmem:s19+$0xC420] =	vst v9;
	v9 =	vld [tilespmem:s19+$0xC460]  }
0x120: {  	s11 =	sadd.s32 $0x100, s11;
	s0 =	sshrl.u32 s30, $0x3;
	p0 =	slt.u32 s30, $0xE;
	[tilespmem:s19+$0xC430] =	vst v8;
	v3 =	vadd.f32 v5, v3;
	v5 =	vld [tilespmem:s19+$0x470]  }
0x121: {  	s16 =	smul.u32 $0x1800, s0;
	s0 =	sand.u32 $0x300, s11;
	v8 =	vld [tilespmem:s19+$0xC470]  }
0x122: {  	s15 =	sor.u32 $0x80, s0;
	[tilespmem:s19+$0xC440] =	vst v3;
	v3 =	vadd.f32 v7, v4;
	v4 =	vld [tilespmem:s2+$0x460]  }
0x123: {  	s31 =	sor.u32 s0, s16;
	s22 =	sor.u32 s16, s15;
	v7 =	vld [tilespmem:s2+$0xC460]  }
0x124: {  	v10 =	vld [tilespmem:s22+$0x400];
	[tilespmem:s19+$0xC450] =	vst v3;
	v3 =	vadd.f32 v9, v6  }
0x125: {  	v6 =	vld [tilespmem:s22+$0xC400]  }
0x126: {  	v9 =	vld [tilespmem:s22+$0x410];
	[tilespmem:s19+$0xC460] =	vst v3;
	v3 =	vadd.f32 v8, v5  }
0x127: {  	v5 =	vld [tilespmem:s22+$0xC410]  }
0x128: {  	v8 =	vld [tilespmem:s22+$0x420];
	[tilespmem:s19+$0xC470] =	vst v3;
	v3 =	vadd.f32 v7, v4  }
0x129: {  	v4 =	vld [tilespmem:s22+$0xC420]  }
0x12a: {  	v7 =	vld [tilespmem:s22+$0x430];
	[tilespmem:s2+$0xC460] =	vst v3  }
0x12b: {  	v3 =	vld [tilespmem:s22+$0xC430]  }
0x12c: {  	v11 =	vld [tilespmem:s22+$0x440]  }
0x12d: {  	v12 =	vld [tilespmem:s22+$0xC440]  }
0x12e: {  	v13 =	vld [tilespmem:s22+$0x450]  }
0x12f: {  	v14 =	vld [tilespmem:s22+$0xC450]  }
0x130: {  	v15 =	vld [tilespmem:s22+$0x460]  }
0x131: {  	v16 =	vld [tilespmem:s22+$0xC460]  }
0x132: {  	v17 =	vld [tilespmem:s22+$0x470]  }
0x133: {  	v18 =	vld [tilespmem:s22+$0xC470]  }
0x134: {  	v19 =	vld [tilespmem:s22+$0x800]  }
0x135: {  	v20 =	vld [tilespmem:s22+$0xC800]  }
0x136: {  	v21 =	vld [tilespmem:s22+$0x810]  }
0x137: {  	v22 =	vld [tilespmem:s22+$0xC810]  }
0x138: {  	v23 =	vld [tilespmem:s22+$0x820]  }
0x139: {  	v6 =	vadd.f32 v6, v10;
	v10 =	vld [tilespmem:s22+$0xC820]  }
0x13a: {  	v5 =	vadd.f32 v5, v9;
	v9 =	vld [tilespmem:s22+$0x830]  }
0x13b: {  	v4 =	vadd.f32 v4, v8;
	[tilespmem:s22+$0xC400] =	vst v6;
	v6 =	vld [tilespmem:s22+$0xC830]  }
0x13c: {  	v3 =	vadd.f32 v3, v7;
	[tilespmem:s22+$0xC410] =	vst v5;
	v5 =	vld [tilespmem:s22+$0x840]  }
0x13d: {  	[tilespmem:s22+$0xC420] =	vst v4;
	v4 =	vadd.f32 v12, v11;
	v7 =	vld [tilespmem:s22+$0xC840]  }
0x13e: {  	[tilespmem:s22+$0xC430] =	vst v3;
	v3 =	vadd.f32 v14, v13;
	v8 =	vld [tilespmem:s22+$0x850]  }
0x13f: {  	[tilespmem:s22+$0xC440] =	vst v4;
	v4 =	vadd.f32 v16, v15;
	v11 =	vld [tilespmem:s22+$0xC850]  }
0x140: {  	[tilespmem:s22+$0xC450] =	vst v3;
	v3 =	vadd.f32 v18, v17;
	v12 =	vld [tilespmem:s22+$0x860]  }
0x141: {  	[tilespmem:s22+$0xC460] =	vst v4;
	v4 =	vadd.f32 v20, v19;
	v13 =	vld [tilespmem:s22+$0xC860]  }
0x142: {  	[tilespmem:s22+$0xC470] =	vst v3;
	v3 =	vadd.f32 v22, v21;
	v14 =	vld [tilespmem:s22+$0x870]  }
0x143: {  	[tilespmem:s22+$0xC800] =	vst v4;
	v4 =	vadd.f32 v10, v23;
	v10 =	vld [tilespmem:s22+$0xC870]  }
0x144: {  	v15 =	vld [tilespmem:s31+$0x400];
	[tilespmem:s22+$0xC810] =	vst v3;
	v3 =	vadd.f32 v6, v9  }
0x145: {  	v6 =	vld [tilespmem:s31+$0xC400];
	[tilespmem:s22+$0xC820] =	vst v4;
	v4 =	vadd.f32 v7, v5  }
0x146: {  	v5 =	vld [tilespmem:s31+$0x410];
	[tilespmem:s22+$0xC830] =	vst v3;
	v3 =	vadd.f32 v11, v8  }
0x147: {  	v7 =	vld [tilespmem:s31+$0xC410];
	[tilespmem:s22+$0xC840] =	vst v4;
	v4 =	vadd.f32 v13, v12  }
0x148: {  	v8 =	vld [tilespmem:s31+$0x420];
	[tilespmem:s22+$0xC850] =	vst v3;
	v3 =	vadd.f32 v10, v14  }
0x149: {  	s2 =	sadd.s32 $0x800, s16;
	v9 =	vld [tilespmem:s31+$0xC420];
	[tilespmem:s22+$0xC860] =	vst v4  }
0x14a: {  	s20 =	sor.u32 s0, s2;
	s2 =	sor.u32 s15, s2;
	v4 =	vadd.f32 v6, v15;
	v6 =	vld [tilespmem:s31+$0x430];
	[tilespmem:s22+$0xC870] =	vst v3  }
0x14b: {  	v3 =	vld [tilespmem:s2+$0x400]  }
0x14c: {  	[tilespmem:s31+$0xC400] =	vst v4;
	v4 =	vadd.f32 v7, v5;
	v5 =	vld [tilespmem:s2+$0xC400]  }
0x14d: {  	v7 =	vld [tilespmem:s2+$0x410]  }
0x14e: {  	[tilespmem:s31+$0xC410] =	vst v4;
	v4 =	vadd.f32 v9, v8;
	v8 =	vld [tilespmem:s2+$0xC410]  }
0x14f: {  	v9 =	vld [tilespmem:s2+$0x420]  }
0x150: {  	[tilespmem:s31+$0xC420] =	vst v4;
	v4 =	vld [tilespmem:s2+$0xC420]  }
0x151: {  	v10 =	vld [tilespmem:s2+$0x430]  }
0x152: {  	v11 =	vld [tilespmem:s2+$0xC430]  }
0x153: {  	v12 =	vld [tilespmem:s2+$0x440]  }
0x154: {  	v13 =	vld [tilespmem:s2+$0xC440]  }
0x155: {  	v14 =	vld [tilespmem:s2+$0x450]  }
0x156: {  	v15 =	vld [tilespmem:s2+$0xC450]  }
0x157: {  	v16 =	vld [tilespmem:s2+$0x460]  }
0x158: {  	v3 =	vadd.f32 v5, v3;
	v5 =	vld [tilespmem:s2+$0xC460]  }
0x159: {  	v7 =	vadd.f32 v8, v7;
	v8 =	vld [tilespmem:s2+$0x470]  }
0x15a: {  	[tilespmem:s2+$0xC400] =	vst v3;
	v3 =	vadd.f32 v4, v9;
	v4 =	vld [tilespmem:s2+$0xC470]  }
0x15b: {  	v9 =	vld [tilespmem:s31+$0xC430];
	[tilespmem:s2+$0xC410] =	vst v7;
	v7 =	vadd.f32 v11, v10  }
0x15c: {  	v10 =	vld [tilespmem:s31+$0x440];
	[tilespmem:s2+$0xC420] =	vst v3;
	v3 =	vadd.f32 v13, v12  }
0x15d: {  	v11 =	vld [tilespmem:s31+$0xC440];
	[tilespmem:s2+$0xC430] =	vst v7;
	v7 =	vadd.f32 v15, v14  }
0x15e: {  	v12 =	vld [tilespmem:s31+$0x450];
	[tilespmem:s2+$0xC440] =	vst v3;
	v3 =	vadd.f32 v5, v16  }
0x15f: {  	v5 =	vld [tilespmem:s31+$0xC450];
	[tilespmem:s2+$0xC450] =	vst v7;
	v4 =	vadd.f32 v4, v8  }
0x160: {  	s19 =	sadd.s32 $0xC00, s16;
	v6 =	vadd.f32 v9, v6;
	v7 =	vld [tilespmem:s31+$0x460];
	[tilespmem:s2+$0xC460] =	vst v3  }
0x161: {  	s22 =	sor.u32 s0, s19;
	v3 =	vld [tilespmem:s31+$0xC460];
	[tilespmem:s2+$0xC470] =	vst v4;
	s2 =	sor.u32 s15, s19  }
0x162: {  	[tilespmem:s31+$0xC430] =	vst v6;
	v4 =	vadd.f32 v11, v10;
	v6 =	vld [tilespmem:s2+$0x400]  }
0x163: {  	v8 =	vld [tilespmem:s2+$0xC400]  }
0x164: {  	[tilespmem:s31+$0xC440] =	vst v4;
	v4 =	vadd.f32 v5, v12;
	v5 =	vld [tilespmem:s2+$0x410]  }
0x165: {  	v9 =	vld [tilespmem:s2+$0xC410]  }
0x166: {  	[tilespmem:s31+$0xC450] =	vst v4;
	v3 =	vadd.f32 v3, v7;
	v4 =	vld [tilespmem:s2+$0x420]  }
0x167: {  	v7 =	vld [tilespmem:s2+$0xC420]  }
0x168: {  	[tilespmem:s31+$0xC460] =	vst v3;
	v3 =	vld [tilespmem:s2+$0x430]  }
0x169: {  	v10 =	vld [tilespmem:s2+$0xC430]  }
0x16a: {  	v11 =	vld [tilespmem:s2+$0x440]  }
0x16b: {  	v12 =	vld [tilespmem:s2+$0xC440]  }
0x16c: {  	v13 =	vld [tilespmem:s2+$0x450]  }
0x16d: {  	v14 =	vld [tilespmem:s2+$0xC450]  }
0x16e: {  	v15 =	vld [tilespmem:s2+$0x460]  }
0x16f: {  	v6 =	vadd.f32 v8, v6;
	v8 =	vld [tilespmem:s2+$0xC460]  }
0x170: {  	v5 =	vadd.f32 v9, v5;
	v9 =	vld [tilespmem:s2+$0x470]  }
0x171: {  	v4 =	vadd.f32 v7, v4;
	[tilespmem:s2+$0xC400] =	vst v6;
	v6 =	vld [tilespmem:s2+$0xC470]  }
0x172: {  	v3 =	vadd.f32 v10, v3;
	v7 =	vld [tilespmem:s31+$0x470];
	[tilespmem:s2+$0xC410] =	vst v5  }
0x173: {  	v5 =	vld [tilespmem:s31+$0xC470];
	[tilespmem:s2+$0xC420] =	vst v4;
	v4 =	vadd.f32 v12, v11  }
0x174: {  	v10 =	vld [tilespmem:s31+$0x800];
	[tilespmem:s2+$0xC430] =	vst v3;
	v3 =	vadd.f32 v14, v13  }
0x175: {  	v11 =	vld [tilespmem:s31+$0xC800];
	[tilespmem:s2+$0xC440] =	vst v4;
	v4 =	vadd.f32 v8, v15  }
0x176: {  	v8 =	vld [tilespmem:s31+$0x810];
	[tilespmem:s2+$0xC450] =	vst v3;
	v3 =	vadd.f32 v6, v9  }
0x177: {  	s19 =	sadd.s32 $0x1000, s16;
	v6 =	vld [tilespmem:s31+$0xC810];
	[tilespmem:s2+$0xC460] =	vst v4  }
0x178: {  	s23 =	sor.u32 s0, s19;
	v4 =	vadd.f32 v5, v7;
	v5 =	vld [tilespmem:s31+$0x820];
	[tilespmem:s2+$0xC470] =	vst v3;
	s2 =	sor.u32 s15, s19  }
0x179: {  	v3 =	vld [tilespmem:s2+$0x400]  }
0x17a: {  	[tilespmem:s31+$0xC470] =	vst v4;
	v4 =	vadd.f32 v11, v10;
	v7 =	vld [tilespmem:s2+$0xC400]  }
0x17b: {  	v9 =	vld [tilespmem:s2+$0x410]  }
0x17c: {  	[tilespmem:s31+$0xC800] =	vst v4;
	v4 =	vadd.f32 v6, v8;
	v6 =	vld [tilespmem:s2+$0xC410]  }
0x17d: {  	v8 =	vld [tilespmem:s2+$0x420]  }
0x17e: {  	[tilespmem:s31+$0xC810] =	vst v4;
	v4 =	vld [tilespmem:s2+$0xC420]  }
0x17f: {  	v10 =	vld [tilespmem:s2+$0x430]  }
0x180: {  	v11 =	vld [tilespmem:s2+$0xC430]  }
0x181: {  	v12 =	vld [tilespmem:s2+$0x440]  }
0x182: {  	v13 =	vld [tilespmem:s2+$0xC440]  }
0x183: {  	v14 =	vld [tilespmem:s2+$0x450]  }
0x184: {  	v15 =	vld [tilespmem:s2+$0xC450]  }
0x185: {  	v16 =	vld [tilespmem:s2+$0x460]  }
0x186: {  	v3 =	vadd.f32 v7, v3;
	v7 =	vld [tilespmem:s2+$0xC460]  }
0x187: {  	v6 =	vadd.f32 v6, v9;
	v9 =	vld [tilespmem:s2+$0x470]  }
0x188: {  	[tilespmem:s2+$0xC400] =	vst v3;
	v3 =	vadd.f32 v4, v8;
	v4 =	vld [tilespmem:s2+$0xC470]  }
0x189: {  	v8 =	vld [tilespmem:s31+$0xC820];
	[tilespmem:s2+$0xC410] =	vst v6;
	v6 =	vadd.f32 v11, v10  }
0x18a: {  	v10 =	vld [tilespmem:s31+$0x830];
	[tilespmem:s2+$0xC420] =	vst v3;
	v3 =	vadd.f32 v13, v12  }
0x18b: {  	v11 =	vld [tilespmem:s31+$0xC830];
	[tilespmem:s2+$0xC430] =	vst v6;
	v6 =	vadd.f32 v15, v14  }
0x18c: {  	v12 =	vld [tilespmem:s31+$0x840];
	[tilespmem:s2+$0xC440] =	vst v3;
	v3 =	vadd.f32 v7, v16  }
0x18d: {  	v7 =	vld [tilespmem:s31+$0xC840];
	[tilespmem:s2+$0xC450] =	vst v6;
	v4 =	vadd.f32 v4, v9  }
0x18e: {  	s16 =	sadd.s32 $0x1400, s16;
	v5 =	vadd.f32 v8, v5;
	v6 =	vld [tilespmem:s31+$0x850];
	[tilespmem:s2+$0xC460] =	vst v3  }
0x18f: {  	s19 =	sor.u32 s0, s16;
	v3 =	vld [tilespmem:s31+$0xC850];
	[tilespmem:s2+$0xC470] =	vst v4;
	s2 =	sor.u32 s15, s16  }
0x190: {  	[tilespmem:s31+$0xC820] =	vst v5;
	v4 =	vadd.f32 v11, v10;
	v5 =	vld [tilespmem:s2+$0x470]  }
0x191: {  	v8 =	vld [tilespmem:s2+$0xC470]  }
0x192: {  	[tilespmem:s31+$0xC830] =	vst v4;
	v4 =	vadd.f32 v7, v12;
	v7 =	vld [tilespmem:s31+$0x860]  }
0x193: {  	v9 =	vld [tilespmem:s31+$0xC860]  }
0x194: {  	[tilespmem:s31+$0xC840] =	vst v4;
	v3 =	vadd.f32 v3, v6;
	v4 =	vld [tilespmem:s31+$0x870]  }
0x195: {  	v6 =	vld [tilespmem:s31+$0xC870]  }
0x196: {  	[tilespmem:s31+$0xC850] =	vst v3;
	v3 =	vld [tilespmem:s20+$0xC400];
	v5 =	vadd.f32 v8, v5  }
0x197: {  	v8 =	vld [tilespmem:s20+$0xC410]  }
0x198: {  	v7 =	vadd.f32 v9, v7;
	v9 =	vld [tilespmem:s20+$0xC420];
	[tilespmem:s2+$0xC470] =	vst v5  }
0x199: {  	v5 =	vld [tilespmem:s2+$0x400]  }
0x19a: {  	[tilespmem:s31+$0xC860] =	vst v7;
	v4 =	vadd.f32 v6, v4;
	v6 =	vld [tilespmem:s2+$0xC400]  }
0x19b: {  	v7 =	vld [tilespmem:s20+$0xC430]  }
0x19c: {  	[tilespmem:s31+$0xC870] =	vst v4;
	v4 =	vld [tilespmem:s2+$0x410]  }
0x19d: {  	v10 =	vld [tilespmem:s20+$0x400]  }
0x19e: {  	v11 =	vld [tilespmem:s20+$0x410]  }
0x19f: {  	v12 =	vld [tilespmem:s20+$0x420];
	v5 =	vadd.f32 v6, v5  }
0x1a0: {  	v6 =	vld [tilespmem:s20+$0x430]  }
0x1a1: {  	v13 =	vld [tilespmem:s20+$0x440];
	[tilespmem:s2+$0xC400] =	vst v5  }
0x1a2: {  	v3 =	vadd.f32 v3, v10;
	v5 =	vld [tilespmem:s20+$0xC440]  }
0x1a3: {  	v8 =	vadd.f32 v8, v11;
	v10 =	vld [tilespmem:s20+$0x450]  }
0x1a4: {  	[tilespmem:s20+$0xC400] =	vst v3;
	v3 =	vadd.f32 v9, v12;
	v9 =	vld [tilespmem:s20+$0xC450]  }
0x1a5: {  	[tilespmem:s20+$0xC410] =	vst v8;
	v6 =	vadd.f32 v7, v6;
	v7 =	vld [tilespmem:s20+$0x460]  }
0x1a6: {  	[tilespmem:s20+$0xC420] =	vst v3;
	v3 =	vld [tilespmem:s20+$0xC460]  }
0x1a7: {  	[tilespmem:s20+$0xC430] =	vst v6;
	v5 =	vadd.f32 v5, v13;
	v6 =	vld [tilespmem:s20+$0x470]  }
0x1a8: {  	v8 =	vld [tilespmem:s20+$0xC470]  }
0x1a9: {  	[tilespmem:s20+$0xC440] =	vst v5;
	v5 =	vadd.f32 v9, v10;
	v9 =	vld [tilespmem:s22+$0xC400]  }
0x1aa: {  	v10 =	vld [tilespmem:s22+$0xC410]  }
0x1ab: {  	[tilespmem:s20+$0xC450] =	vst v5;
	v3 =	vadd.f32 v3, v7;
	v5 =	vld [tilespmem:s2+$0xC410]  }
0x1ac: {  	v7 =	vld [tilespmem:s22+$0xC420]  }
0x1ad: {  	[tilespmem:s20+$0xC460] =	vst v3;
	v3 =	vadd.f32 v8, v6;
	v6 =	vld [tilespmem:s2+$0x420]  }
0x1ae: {  	v8 =	vld [tilespmem:s22+$0xC430]  }
0x1af: {  	[tilespmem:s20+$0xC470] =	vst v3;
	v3 =	vld [tilespmem:s2+$0xC420]  }
0x1b0: {  	v11 =	vld [tilespmem:s22+$0x400];
	v4 =	vadd.f32 v5, v4  }
0x1b1: {  	v5 =	vld [tilespmem:s22+$0x410]  }
0x1b2: {  	v12 =	vld [tilespmem:s22+$0x420];
	[tilespmem:s2+$0xC410] =	vst v4  }
0x1b3: {  	v4 =	vld [tilespmem:s22+$0x430]  }
0x1b4: {  	v13 =	vld [tilespmem:s22+$0x440];
	v3 =	vadd.f32 v3, v6  }
0x1b5: {  	v6 =	vadd.f32 v9, v11;
	v9 =	vld [tilespmem:s22+$0xC440]  }
0x1b6: {  	v5 =	vadd.f32 v10, v5;
	v10 =	vld [tilespmem:s22+$0x450];
	[tilespmem:s2+$0xC420] =	vst v3  }
0x1b7: {  	[tilespmem:s22+$0xC400] =	vst v6;
	v3 =	vadd.f32 v7, v12;
	v6 =	vld [tilespmem:s22+$0xC450]  }
0x1b8: {  	[tilespmem:s22+$0xC410] =	vst v5;
	v4 =	vadd.f32 v8, v4;
	v5 =	vld [tilespmem:s22+$0x460]  }
0x1b9: {  	[tilespmem:s22+$0xC420] =	vst v3;
	v3 =	vld [tilespmem:s22+$0xC460]  }
0x1ba: {  	[tilespmem:s22+$0xC430] =	vst v4;
	v4 =	vadd.f32 v9, v13;
	v7 =	vld [tilespmem:s22+$0x470]  }
0x1bb: {  	v8 =	vld [tilespmem:s22+$0xC470]  }
0x1bc: {  	[tilespmem:s22+$0xC440] =	vst v4;
	v4 =	vadd.f32 v6, v10;
	v6 =	vld [tilespmem:s23+$0xC400]  }
0x1bd: {  	v9 =	vld [tilespmem:s23+$0xC410]  }
0x1be: {  	[tilespmem:s22+$0xC450] =	vst v4;
	v3 =	vadd.f32 v3, v5;
	v4 =	vld [tilespmem:s2+$0x430]  }
0x1bf: {  	v5 =	vld [tilespmem:s23+$0xC420]  }
0x1c0: {  	[tilespmem:s22+$0xC460] =	vst v3;
	v3 =	vadd.f32 v8, v7;
	v7 =	vld [tilespmem:s2+$0xC430]  }
0x1c1: {  	v8 =	vld [tilespmem:s23+$0xC430]  }
0x1c2: {  	[tilespmem:s22+$0xC470] =	vst v3;
	v3 =	vld [tilespmem:s2+$0x440]  }
0x1c3: {  	v10 =	vld [tilespmem:s23+$0x400]  }
0x1c4: {  	v11 =	vld [tilespmem:s23+$0x410]  }
0x1c5: {  	v12 =	vld [tilespmem:s23+$0x420];
	v4 =	vadd.f32 v7, v4  }
0x1c6: {  	v7 =	vld [tilespmem:s23+$0x430]  }
0x1c7: {  	v13 =	vld [tilespmem:s23+$0x440];
	[tilespmem:s2+$0xC430] =	vst v4  }
0x1c8: {  	v4 =	vadd.f32 v6, v10;
	v6 =	vld [tilespmem:s23+$0xC440]  }
0x1c9: {  	v9 =	vadd.f32 v9, v11;
	v10 =	vld [tilespmem:s23+$0x450]  }
0x1ca: {  	[tilespmem:s23+$0xC400] =	vst v4;
	v4 =	vadd.f32 v5, v12;
	v5 =	vld [tilespmem:s23+$0xC450]  }
0x1cb: {  	[tilespmem:s23+$0xC410] =	vst v9;
	v7 =	vadd.f32 v8, v7;
	v8 =	vld [tilespmem:s23+$0x460]  }
0x1cc: {  	[tilespmem:s23+$0xC420] =	vst v4;
	v4 =	vld [tilespmem:s23+$0xC460]  }
0x1cd: {  	[tilespmem:s23+$0xC430] =	vst v7;
	v6 =	vadd.f32 v6, v13;
	v7 =	vld [tilespmem:s23+$0x470]  }
0x1ce: {  	v9 =	vld [tilespmem:s23+$0xC470]  }
0x1cf: {  	[tilespmem:s23+$0xC440] =	vst v6;
	v5 =	vadd.f32 v5, v10;
	v6 =	vld [tilespmem:s19+$0xC400]  }
0x1d0: {  	v10 =	vld [tilespmem:s19+$0xC410]  }
0x1d1: {  	[tilespmem:s23+$0xC450] =	vst v5;
	v4 =	vadd.f32 v4, v8;
	v5 =	vld [tilespmem:s2+$0xC440]  }
0x1d2: {  	v8 =	vld [tilespmem:s19+$0xC420]  }
0x1d3: {  	[tilespmem:s23+$0xC460] =	vst v4;
	v4 =	vadd.f32 v9, v7;
	v7 =	vld [tilespmem:s2+$0x450]  }
0x1d4: {  	v11 =	vld [tilespmem:s19+$0xC430]  }
0x1d5: {  	[tilespmem:s23+$0xC470] =	vst v4;
	v4 =	vld [tilespmem:s2+$0xC450]  }
0x1d6: {  	v9 =	vld [tilespmem:s19+$0x400];
	v3 =	vadd.f32 v5, v3  }
0x1d7: {  	v12 =	vld [tilespmem:s19+$0x410]  }
0x1d8: {  	v13 =	vld [tilespmem:s19+$0x420];
	[tilespmem:s2+$0xC440] =	vst v3  }
0x1d9: {  	v14 =	vld [tilespmem:s19+$0x430]  }
.Ltmp0:
0x1da: {  	v3 =	vld [tilespmem:s19+$0x440];
	v7 =	vadd.f32 v4, v7;
	(pc) =	sbr.rel @p0 .LBB2_3-.Ltmp0, $4  }
0x1db: {  	v6 =	vadd.f32 v6, v9;
	v5 =	vld [tilespmem:s19+$0xC440]  }
0x1dc: {  	v10 =	vadd.f32 v10, v12;
	v4 =	vld [tilespmem:s19+$0x450];
	[tilespmem:s2+$0xC450] =	vst v7  }
0x1dd: {  	[tilespmem:s19+$0xC400] =	vst v6;
	v9 =	vadd.f32 v8, v13;
	v7 =	vld [tilespmem:s19+$0xC450]  }
0x1de: {  	[tilespmem:s19+$0xC410] =	vst v10;
	v8 =	vadd.f32 v11, v14;
	v6 =	vld [tilespmem:s19+$0x460]  }
0x1df: {  	[tilespmem:s19+$0xC420] =	vst v9;
	v9 =	vld [tilespmem:s19+$0xC460]  }
0x1e0: {  	v10 =	vld [tilespmem:s19+$0xC470]  }
0x1e1: {  	v11 =	vld [tilespmem:s2+$0x460]  }
0x1e2: {  	[tilespmem:s19+$0xC430] =	vst v8;
	v8 =	vld [tilespmem:s19+$0x470]  }
0x1e3: {  	v12 =	vld [tilespmem:s2+$0xC460]  }
0x1e4: {  	v3 =	vadd.f32 v5, v3  }
0x1e5: {  	v4 =	vadd.f32 v7, v4  }
0x1e6: {  	s0 =	sor.u32 s5, s8;
	[tilespmem:s19+$0xC440] =	vst v3;
	v3 =	vadd.f32 v9, v6  }
0x1e7: {  	s0 =	sshrl.u32 s0, $0x3;
	[tilespmem:s19+$0xC450] =	vst v4;
	v4 =	vadd.f32 v10, v8  }
0x1e8: {  	s11 =	smul.u32 $0x300, s0;
	[tilespmem:s19+$0xC460] =	vst v3;
	v3 =	vadd.f32 v12, v11  }
0x1e9: {  	[tilespmem:s19+$0xC470] =	vst v4  }
0x1ea: {  	p0 =	seq.s32 s12, $0x0;
	s0 =	sadd.s32 s4, s11;
	[tilespmem:s2+$0xC460] =	vst v3  }
0x1eb: {  	[hbm4b:s0+s6] =	stream.linear.scatter [tilespmem:s14], [sflag:$0x5], $0x3000, $0x38;
	[tilespmem:$0x18400] =	vst v63  }
0x1ec: {  	s0 =	simm.s32 @!p0 $0x8  }
0x1ed: {  	_ =	swait.ge @!p0 [sflag:s0], $0x3000  }
0x1ee: {  	[sflag:s0] =	ssyncset.done @!p0 $0x0  }
0x1ef: {  	s23 =	sor.u32 $0x30, s8;
	[sflag:s0] =	ssyncadd.s32 @!p0 $0xFFFFD000  }
0x1f0: {  	v3 =	vld [tilespmem:s23+$0x0];
	_ =	sdelay $0x4  }
0x1f1: {  	v4 =	vshrl.u32 v3, $0x3  }
0x1f2: {  	v4 =	vmul.u32 $0x30, v4  }
0x1f3: {  	v3 =	vand.u32 $0x7, v3  }
0x1f4: {  	v3 =	vor.u32 v3, v4  }
0x1f5: {  	v4 =	vperm.xlane v3, v0;
	_ =	sdelay $0x1  }
0x1f6: {  	v4 =	vadd.s32 v1, v4;
	_ =	sdelay $0x3  }
0x1f7: {  	s30 =	simm.s32 $0x0;
	v3 =	vperm.xlane v3, v2  }
0x1f8: {  	[tilespmem:s18], [sflag:$0x4] =	stream.indirect_vreg.gather [hbm4b:s3+s30], $0x80, v4, vm0, $0xb8;
	[tilespmem:$0x18400] =	vst v63  }
0x1f9: {  	s24 =	simm.s32 $0x15C00;
	v3 =	vadd.s32 v1, v3  }
0x1fa: {  	[tilespmem:s24], [sflag:$0x4] =	stream.indirect_vreg.gather [hbm4b:s9+s30], $0x80, v4, vm0, $0xb8;
	[tilespmem:$0x18400] =	vst v63  }
0x1fb: {  	s15 =	simm.s32 $0x16400  }
0x1fc: {  	[tilespmem:s15], [sflag:$0x4] =	stream.indirect_vreg.gather [hbm4b:s10+s30], $0x80, v4, vm0, $0xb8;
	[tilespmem:$0x18400] =	vst v63  }
0x1fd: {  	s16 =	simm.s32 $0x16C00;
	s0 =	sor.u32 s5, s23  }
0x1fe: {  	[tilespmem:s16], [sflag:$0x4] =	stream.indirect_vreg.gather [hbm4b:s3+s30], $0x80, v3, vm0, $0xb8;
	[tilespmem:$0x18400] =	vst v63  }
0x1ff: {  	s19 =	simm.s32 $0x17400;
	s0 =	sshrl.u32 s0, $0x3  }
0x200: {  	[tilespmem:s19], [sflag:$0x4] =	stream.indirect_vreg.gather [hbm4b:s9+s30], $0x80, v3, vm0, $0xb8;
	[tilespmem:$0x18400] =	vst v63  }
0x201: {  	s20 =	simm.s32 $0x17C00;
	s0 =	smul.u32 $0x300, s0  }
0x202: {  	[tilespmem:s20], [sflag:$0x4] =	stream.indirect_vreg.gather [hbm4b:s10+s30], $0x80, v3, vm0, $0xb8;
	[tilespmem:$0x18400] =	vst v63  }
0x203: {  	s0 =	sadd.s32 s1, s0  }
0x204: {  	[tilespmem:s25], [sflag:$0x4] =	stream.linear.gather [hbm4b:s0+s30], $0x3000, $0x38;
	[tilespmem:$0x18400] =	vst v63  }
0x205: {  	_ =	swait.ge [sflag:s26], $0x3000  }
0x206: {  	[sflag:s26] =	ssyncset.done $0x0  }
0x207: {  	s22 =	simm.s32 $0x0;
	[sflag:s26] =	ssyncadd.s32 $0xFFFFD000  }
0x208: {  	s15 =	smul.u32 $0x1800, s22;
	s0 =	sand.u32 $0x300, s30;
	_ =	swait.ge [sflag:s26], $0x3000  }
0x209: {  	s2 =	sor.u32 $0x80, s0;
	[sflag:s26] =	ssyncset.done $0x0  }
0x20a: {  	s23 =	sor.u32 s15, s2;
	[sflag:s26] =	ssyncadd.s32 $0xFFFFD000  }
0x20b: {  	v3 =	vld [tilespmem:s23+$0x3400]  }
0x20c: {  	v4 =	vld [tilespmem:s23+$0xF400]  }
0x20d: {  	v5 =	vld [tilespmem:s23+$0x3410]  }
0x20e: {  	v6 =	vld [tilespmem:s23+$0xF410]  }
0x20f: {  	v7 =	vld [tilespmem:s23+$0x3420]  }
0x210: {  	v8 =	vld [tilespmem:s23+$0xF420]  }
0x211: {  	v9 =	vld [tilespmem:s23+$0x3430]  }
0x212: {  	v10 =	vld [tilespmem:s23+$0xF430]  }
0x213: {  	v11 =	vld [tilespmem:s23+$0x3440]  }
0x214: {  	v30 =	vld [tilespmem:s23+$0xF440]  }
0x215: {  	v13 =	vld [tilespmem:s23+$0x3450]  }
0x216: {  	v14 =	vld [tilespmem:s23+$0xF450]  }
0x217: {  	v15 =	vld [tilespmem:s23+$0x3460]  }
0x218: {  	v16 =	vld [tilespmem:s23+$0xF460]  }
0x219: {  	v17 =	vld [tilespmem:s23+$0x3470]  }
0x21a: {  	v18 =	vld [tilespmem:s23+$0xF470]  }
0x21b: {  	v19 =	vld [tilespmem:s23+$0x3800]  }
0x21c: {  	v20 =	vld [tilespmem:s23+$0xF800]  }
0x21d: {  	v21 =	vld [tilespmem:s23+$0x3810]  }
0x21e: {  	v22 =	vld [tilespmem:s23+$0xF810]  }
0x21f: {  	v23 =	vld [tilespmem:s23+$0x3820]  }
0x220: {  	v31 =	vld [tilespmem:s23+$0x3860];
	v3 =	vadd.f32 v4, v3  }
0x221: {  	v32 =	vld [tilespmem:s23+$0xF860];
	v5 =	vadd.f32 v6, v5  }
0x222: {  	v4 =	vld [tilespmem:s23+$0xF820];
	[tilespmem:s23+$0xF400] =	vst v3;
	v3 =	vadd.f32 v8, v7  }
0x223: {  	v6 =	vld [tilespmem:s23+$0x3830];
	[tilespmem:s23+$0xF410] =	vst v5;
	v5 =	vadd.f32 v10, v9  }
0x224: {  	v7 =	vld [tilespmem:s23+$0xF830];
	[tilespmem:s23+$0xF420] =	vst v3;
	v3 =	vadd.f32 v30, v11  }
0x225: {  	v8 =	vld [tilespmem:s23+$0x3840];
	[tilespmem:s23+$0xF430] =	vst v5;
	v5 =	vadd.f32 v14, v13  }
0x226: {  	v9 =	vld [tilespmem:s23+$0xF840];
	[tilespmem:s23+$0xF440] =	vst v3;
	v3 =	vadd.f32 v16, v15  }
0x227: {  	v10 =	vld [tilespmem:s23+$0x3850];
	[tilespmem:s23+$0xF450] =	vst v5;
	v5 =	vadd.f32 v18, v17  }
0x228: {  	v11 =	vld [tilespmem:s23+$0xF850];
	[tilespmem:s23+$0xF460] =	vst v3;
	v3 =	vadd.f32 v20, v19  }
0x229: {  	v33 =	vld [tilespmem:s23+$0x3870];
	[tilespmem:s23+$0xF470] =	vst v5;
	v5 =	vadd.f32 v22, v21  }
0x22a: {  	[tilespmem:s23+$0xF800] =	vst v3;
	v3 =	vadd.f32 v4, v23;
	v4 =	vld [tilespmem:s23+$0xF870]  }
0x22b: {  	[tilespmem:s23+$0xF810] =	vst v5;
	v5 =	vadd.f32 v7, v6  }
0x22c: {  	s22 =	sor.u32 s0, s15;
	[tilespmem:s23+$0xF820] =	vst v3;
	v3 =	vadd.f32 v9, v8  }
0x22d: {  	v51 =	vld [tilespmem:s22+$0xF430];
	[tilespmem:s23+$0xF830] =	vst v5;
	v5 =	vadd.f32 v11, v10  }
0x22e: {  	v53 =	vld [tilespmem:s22+$0x3440];
	[tilespmem:s23+$0xF840] =	vst v3;
	v3 =	vadd.f32 v32, v31  }
0x22f: {  	v54 =	vld [tilespmem:s22+$0xF440];
	[tilespmem:s23+$0xF850] =	vst v5;
	v4 =	vadd.f32 v4, v33  }
0x230: {  	s16 =	sadd.s32 $0x800, s15;
	v56 =	vld [tilespmem:s22+$0x3450];
	[tilespmem:s23+$0xF860] =	vst v3  }
0x231: {  	s20 =	sor.u32 s2, s16;
	v58 =	vld [tilespmem:s22+$0x3460];
	[tilespmem:s23+$0xF870] =	vst v4  }
0x232: {  	v3 =	vld [tilespmem:s20+$0x3400]  }
0x233: {  	v4 =	vld [tilespmem:s20+$0xF400]  }
0x234: {  	v5 =	vld [tilespmem:s20+$0x3410]  }
0x235: {  	v6 =	vld [tilespmem:s20+$0xF410]  }
0x236: {  	v7 =	vld [tilespmem:s20+$0x3420]  }
0x237: {  	v8 =	vld [tilespmem:s20+$0xF420]  }
0x238: {  	v9 =	vld [tilespmem:s20+$0x3430]  }
0x239: {  	v10 =	vld [tilespmem:s20+$0xF430]  }
0x23a: {  	v11 =	vld [tilespmem:s20+$0x3440]  }
0x23b: {  	v34 =	vld [tilespmem:s20+$0xF440]  }
0x23c: {  	v35 =	vld [tilespmem:s20+$0x3450]  }
0x23d: {  	v36 =	vld [tilespmem:s20+$0xF450]  }
0x23e: {  	v37 =	vld [tilespmem:s20+$0x3460]  }
0x23f: {  	v3 =	vadd.f32 v4, v3;
	v4 =	vld [tilespmem:s20+$0xF460]  }
0x240: {  	v5 =	vadd.f32 v6, v5;
	v6 =	vld [tilespmem:s20+$0x3470]  }
0x241: {  	[tilespmem:s20+$0xF400] =	vst v3;
	v3 =	vadd.f32 v8, v7;
	v7 =	vld [tilespmem:s20+$0xF470]  }
0x242: {  	v8 =	vld [tilespmem:s22+$0x3400]  }
0x243: {  	[tilespmem:s20+$0xF410] =	vst v5;
	v5 =	vadd.f32 v10, v9;
	v9 =	vld [tilespmem:s22+$0xF400]  }
0x244: {  	v10 =	vld [tilespmem:s22+$0x3410];
	[tilespmem:s20+$0xF420] =	vst v3;
	v3 =	vadd.f32 v34, v11  }
0x245: {  	[tilespmem:s20+$0xF430] =	vst v5;
	v5 =	vadd.f32 v36, v35;
	v11 =	vld [tilespmem:s22+$0xF410]  }
0x246: {  	[tilespmem:s20+$0xF440] =	vst v3;
	v3 =	vadd.f32 v4, v37;
	v4 =	vld [tilespmem:s22+$0x3420]  }
0x247: {  	[tilespmem:s20+$0xF450] =	vst v5;
	v5 =	vadd.f32 v7, v6;
	v6 =	vld [tilespmem:s22+$0xF420]  }
0x248: {  	v8 =	vadd.f32 v9, v8;
	v9 =	vld [tilespmem:s22+$0xF810]  }
0x249: {  	s19 =	sadd.s32 $0xC00, s15;
	[tilespmem:s20+$0xF460] =	vst v3;
	v3 =	vld [tilespmem:s22+$0x3430]  }
0x24a: {  	s23 =	sor.u32 s2, s19;
	[tilespmem:s20+$0xF470] =	vst v5;
	v10 =	vadd.f32 v11, v10;
	v11 =	vld [tilespmem:s22+$0x3820]  }
0x24b: {  	v5 =	vld [tilespmem:s23+$0x3400]  }
0x24c: {  	v7 =	vld [tilespmem:s23+$0xF400]  }
0x24d: {  	v38 =	vld [tilespmem:s23+$0x3410]  }
0x24e: {  	v39 =	vld [tilespmem:s23+$0xF410]  }
0x24f: {  	v40 =	vld [tilespmem:s23+$0x3420]  }
0x250: {  	v41 =	vld [tilespmem:s23+$0xF420]  }
0x251: {  	v42 =	vld [tilespmem:s23+$0x3430]  }
0x252: {  	v43 =	vld [tilespmem:s23+$0xF430]  }
0x253: {  	v44 =	vld [tilespmem:s23+$0x3440]  }
0x254: {  	v45 =	vld [tilespmem:s23+$0xF440]  }
0x255: {  	v46 =	vld [tilespmem:s23+$0x3450]  }
0x256: {  	v47 =	vld [tilespmem:s23+$0xF450]  }
0x257: {  	v48 =	vld [tilespmem:s23+$0x3460]  }
0x258: {  	[tilespmem:s22+$0xF400] =	vst v8;
	v49 =	vld [tilespmem:s23+$0x3470];
	v5 =	vadd.f32 v7, v5  }
0x259: {  	v50 =	vld [tilespmem:s23+$0xF470];
	[tilespmem:s22+$0xF410] =	vst v10;
	v12 =	vadd.f32 v39, v38  }
0x25a: {  	v7 =	vld [tilespmem:s23+$0xF460];
	v52 =	vadd.f32 v43, v42;
	[tilespmem:s23+$0xF400] =	vst v5  }
0x25b: {  	v8 =	vld [tilespmem:s22+$0x3830];
	v5 =	vadd.f32 v41, v40;
	[tilespmem:s23+$0xF410] =	vst v12  }
0x25c: {  	v10 =	vld [tilespmem:s22+$0xF830];
	v55 =	vadd.f32 v47, v46;
	[tilespmem:s23+$0xF430] =	vst v52  }
0x25d: {  	v4 =	vadd.f32 v6, v4;
	v6 =	vld [tilespmem:s22+$0xF820];
	[tilespmem:s23+$0xF420] =	vst v5;
	v5 =	vadd.f32 v45, v44  }
0x25e: {  	v57 =	vadd.f32 v50, v49;
	v38 =	vld [tilespmem:s22+$0x3470];
	[tilespmem:s23+$0xF450] =	vst v55  }
0x25f: {  	v42 =	vld [tilespmem:s22+$0x3800];
	[tilespmem:s23+$0xF440] =	vst v5;
	v5 =	vadd.f32 v7, v48  }
0x260: {  	s20 =	sadd.s32 $0x1000, s15;
	[tilespmem:s23+$0xF470] =	vst v57;
	v7 =	vld [tilespmem:s22+$0xF450]  }
0x261: {  	s24 =	sor.u32 s2, s20;
	[tilespmem:s23+$0xF460] =	vst v5;
	v5 =	vld [tilespmem:s22+$0xF460]  }
0x262: {  	v12 =	vld [tilespmem:s24+$0x3400]  }
0x263: {  	v59 =	vld [tilespmem:s24+$0xF400]  }
0x264: {  	v60 =	vld [tilespmem:s24+$0x3410]  }
0x265: {  	v61 =	vld [tilespmem:s24+$0xF410]  }
0x266: {  	v62 =	vld [tilespmem:s24+$0x3420]  }
0x267: {  	v63 =	vld [tilespmem:s24+$0xF420]  }
0x268: {  	v32 =	vld [tilespmem:s24+$0x3430]  }
0x269: {  	v24 =	vld [tilespmem:s24+$0xF430]  }
0x26a: {  	v25 =	vld [tilespmem:s24+$0x3440]  }
0x26b: {  	v3 =	vadd.f32 v51, v3;
	v26 =	vld [tilespmem:s24+$0xF440]  }
0x26c: {  	[tilespmem:s22+$0xF420] =	vst v4;
	v4 =	vadd.f32 v54, v53;
	v27 =	vld [tilespmem:s24+$0x3450]  }
0x26d: {  	[tilespmem:s22+$0xF430] =	vst v3;
	v28 =	vld [tilespmem:s24+$0xF450];
	v3 =	vadd.f32 v7, v56  }
0x26e: {  	[tilespmem:s22+$0xF440] =	vst v4;
	v29 =	vld [tilespmem:s24+$0x3460];
	v4 =	vadd.f32 v5, v58  }
0x26f: {  	v33 =	vld [tilespmem:s24+$0xF460];
	[tilespmem:s22+$0xF450] =	vst v3;
	v12 =	vadd.f32 v59, v12  }
0x270: {  	v34 =	vld [tilespmem:s24+$0x3470];
	v19 =	vadd.f32 v61, v60;
	[tilespmem:s22+$0xF460] =	vst v4  }
0x271: {  	v36 =	vld [tilespmem:s24+$0xF470];
	v35 =	vadd.f32 v63, v62;
	[tilespmem:s24+$0xF400] =	vst v12  }
0x272: {  	v40 =	vld [tilespmem:s22+$0xF470];
	v37 =	vadd.f32 v24, v32;
	[tilespmem:s24+$0xF410] =	vst v19  }
0x273: {  	v44 =	vld [tilespmem:s22+$0xF800];
	v39 =	vadd.f32 v26, v25;
	[tilespmem:s24+$0xF420] =	vst v35  }
0x274: {  	v46 =	vld [tilespmem:s22+$0x3810];
	v41 =	vadd.f32 v28, v27;
	[tilespmem:s24+$0xF430] =	vst v37  }
0x275: {  	v47 =	vld [tilespmem:s22+$0x3850];
	v43 =	vadd.f32 v33, v29;
	[tilespmem:s24+$0xF440] =	vst v39  }
0x276: {  	v7 =	vld [tilespmem:s22+$0x3840];
	v45 =	vadd.f32 v36, v34;
	[tilespmem:s24+$0xF450] =	vst v41  }
0x277: {  	s15 =	sadd.s32 $0x1400, s15;
	v5 =	vld [tilespmem:s22+$0xF840];
	v3 =	vadd.f32 v40, v38;
	[tilespmem:s24+$0xF460] =	vst v43  }
0x278: {  	s2 =	sor.u32 s2, s15;
	v48 =	vld [tilespmem:s22+$0xF850];
	v4 =	vadd.f32 v44, v42;
	[tilespmem:s24+$0xF470] =	vst v45  }
0x279: {  	[tilespmem:s22+$0xF470] =	vst v3;
	v3 =	vadd.f32 v9, v46;
	v9 =	vld [tilespmem:s2+$0x3470]  }
0x27a: {  	[tilespmem:s22+$0xF800] =	vst v4;
	v4 =	vadd.f32 v6, v11;
	v6 =	vld [tilespmem:s2+$0xF470]  }
0x27b: {  	[tilespmem:s22+$0xF810] =	vst v3;
	v3 =	vadd.f32 v10, v8;
	v8 =	vld [tilespmem:s22+$0x3860]  }
0x27c: {  	[tilespmem:s22+$0xF820] =	vst v4;
	v4 =	vadd.f32 v5, v7;
	v5 =	vld [tilespmem:s22+$0xF860]  }
0x27d: {  	[tilespmem:s22+$0xF830] =	vst v3;
	v7 =	vld [tilespmem:s22+$0x3870]  }
0x27e: {  	v3 =	vadd.f32 v48, v47;
	[tilespmem:s22+$0xF840] =	vst v4;
	v4 =	vld [tilespmem:s22+$0xF870]  }
0x27f: {  	v51 =	vld [tilespmem:s2+$0xF400]  }
0x280: {  	s16 =	sor.u32 s0, s16;
	v56 =	vld [tilespmem:s2+$0xF420];
	[tilespmem:s22+$0xF850] =	vst v3  }
0x281: {  	v3 =	vld [tilespmem:s16+$0xF400];
	v5 =	vadd.f32 v5, v8  }
0x282: {  	v10 =	vld [tilespmem:s16+$0xF410]  }
0x283: {  	v8 =	vld [tilespmem:s16+$0xF420];
	[tilespmem:s22+$0xF860] =	vst v5;
	v4 =	vadd.f32 v4, v7  }
0x284: {  	v6 =	vadd.f32 v6, v9;
	v5 =	vld [tilespmem:s16+$0xF430]  }
0x285: {  	[tilespmem:s22+$0xF870] =	vst v4;
	v4 =	vld [tilespmem:s2+$0x3400]  }
0x286: {  	[tilespmem:s2+$0xF470] =	vst v6;
	v6 =	vld [tilespmem:s16+$0x3400]  }
0x287: {  	v7 =	vld [tilespmem:s16+$0x3410]  }
0x288: {  	v9 =	vld [tilespmem:s16+$0x3420]  }
0x289: {  	v11 =	vld [tilespmem:s16+$0x3430]  }
0x28a: {  	v49 =	vld [tilespmem:s16+$0x3440]  }
0x28b: {  	v50 =	vld [tilespmem:s16+$0xF440];
	v3 =	vadd.f32 v3, v6  }
0x28c: {  	v6 =	vadd.f32 v10, v7;
	v7 =	vld [tilespmem:s16+$0x3450]  }
0x28d: {  	[tilespmem:s16+$0xF400] =	vst v3;
	v3 =	vadd.f32 v8, v9;
	v8 =	vld [tilespmem:s16+$0xF450]  }
0x28e: {  	[tilespmem:s16+$0xF410] =	vst v6;
	v6 =	vld [tilespmem:s16+$0x3460]  }
0x28f: {  	v5 =	vadd.f32 v5, v11;
	[tilespmem:s16+$0xF420] =	vst v3;
	v3 =	vld [tilespmem:s16+$0xF460]  }
0x290: {  	v10 =	vld [tilespmem:s16+$0xF470];
	v9 =	vadd.f32 v50, v49  }
0x291: {  	[tilespmem:s16+$0xF430] =	vst v5;
	v5 =	vld [tilespmem:s16+$0x3470]  }
0x292: {  	s19 =	sor.u32 s0, s19;
	v4 =	vadd.f32 v51, v4;
	v11 =	vld [tilespmem:s2+$0x3410];
	[tilespmem:s16+$0xF440] =	vst v9  }
0x293: {  	v9 =	vld [tilespmem:s19+$0xF410];
	v7 =	vadd.f32 v8, v7  }
0x294: {  	[tilespmem:s2+$0xF400] =	vst v4;
	v8 =	vld [tilespmem:s19+$0xF400];
	v3 =	vadd.f32 v3, v6  }
0x295: {  	[tilespmem:s16+$0xF450] =	vst v7;
	v6 =	vld [tilespmem:s2+$0xF410]  }
0x296: {  	v4 =	vld [tilespmem:s19+$0xF420];
	[tilespmem:s16+$0xF460] =	vst v3;
	v3 =	vadd.f32 v10, v5  }
0x297: {  	v5 =	vld [tilespmem:s19+$0xF430]  }
0x298: {  	[tilespmem:s16+$0xF470] =	vst v3;
	v3 =	vld [tilespmem:s2+$0x3420]  }
0x299: {  	v7 =	vld [tilespmem:s19+$0x3400]  }
0x29a: {  	v10 =	vld [tilespmem:s19+$0x3410]  }
0x29b: {  	v52 =	vld [tilespmem:s19+$0x3420]  }
0x29c: {  	v53 =	vld [tilespmem:s19+$0x3430]  }
0x29d: {  	v54 =	vld [tilespmem:s19+$0x3440]  }
0x29e: {  	v55 =	vld [tilespmem:s19+$0xF440];
	v7 =	vadd.f32 v8, v7  }
0x29f: {  	v8 =	vadd.f32 v9, v10;
	v9 =	vld [tilespmem:s19+$0x3450]  }
0x2a0: {  	v4 =	vadd.f32 v4, v52;
	[tilespmem:s19+$0xF400] =	vst v7;
	v7 =	vld [tilespmem:s19+$0xF450]  }
0x2a1: {  	[tilespmem:s19+$0xF410] =	vst v8;
	v8 =	vld [tilespmem:s19+$0x3460]  }
0x2a2: {  	v5 =	vadd.f32 v5, v53;
	[tilespmem:s19+$0xF420] =	vst v4;
	v4 =	vld [tilespmem:s19+$0xF460]  }
0x2a3: {  	v6 =	vadd.f32 v6, v11;
	v11 =	vld [tilespmem:s19+$0xF470];
	v10 =	vadd.f32 v55, v54  }
0x2a4: {  	[tilespmem:s19+$0xF430] =	vst v5;
	v5 =	vld [tilespmem:s19+$0x3470]  }
0x2a5: {  	s24 =	sor.u32 s0, s20;
	v3 =	vadd.f32 v56, v3;
	[tilespmem:s19+$0xF440] =	vst v10  }
0x2a6: {  	[tilespmem:s2+$0xF410] =	vst v6;
	v6 =	vld [tilespmem:s24+$0xF410];
	v7 =	vadd.f32 v7, v9  }
0x2a7: {  	[tilespmem:s2+$0xF420] =	vst v3;
	v9 =	vld [tilespmem:s24+$0xF400];
	v4 =	vadd.f32 v4, v8  }
0x2a8: {  	[tilespmem:s19+$0xF450] =	vst v7;
	v7 =	vld [tilespmem:s2+$0x3430]  }
0x2a9: {  	v3 =	vld [tilespmem:s24+$0xF420];
	[tilespmem:s19+$0xF460] =	vst v4;
	v4 =	vadd.f32 v11, v5  }
0x2aa: {  	v5 =	vld [tilespmem:s24+$0xF430]  }
0x2ab: {  	[tilespmem:s19+$0xF470] =	vst v4;
	v4 =	vld [tilespmem:s2+$0xF430]  }
0x2ac: {  	v8 =	vld [tilespmem:s24+$0x3400]  }
0x2ad: {  	v10 =	vld [tilespmem:s24+$0x3410]  }
0x2ae: {  	v11 =	vld [tilespmem:s24+$0x3420]  }
0x2af: {  	v57 =	vld [tilespmem:s24+$0x3430]  }
0x2b0: {  	v58 =	vld [tilespmem:s24+$0x3440]  }
0x2b1: {  	v59 =	vld [tilespmem:s24+$0xF440];
	v8 =	vadd.f32 v9, v8  }
0x2b2: {  	v6 =	vadd.f32 v6, v10;
	v9 =	vld [tilespmem:s24+$0x3450]  }
0x2b3: {  	v3 =	vadd.f32 v3, v11;
	[tilespmem:s24+$0xF400] =	vst v8;
	v8 =	vld [tilespmem:s24+$0xF450]  }
0x2b4: {  	[tilespmem:s24+$0xF410] =	vst v6;
	v6 =	vld [tilespmem:s24+$0x3460]  }
0x2b5: {  	v5 =	vadd.f32 v5, v57;
	[tilespmem:s24+$0xF420] =	vst v3;
	v3 =	vld [tilespmem:s24+$0xF460]  }
0x2b6: {  	v4 =	vadd.f32 v4, v7;
	v7 =	vld [tilespmem:s24+$0xF470]  }
0x2b7: {  	v10 =	vadd.f32 v59, v58;
	[tilespmem:s24+$0xF430] =	vst v5;
	v5 =	vld [tilespmem:s24+$0x3470];
	_ =	sdelay $0x1  }
0x2b8: {  	s20 =	sor.u32 s0, s15;
	v60 =	vld [tilespmem:s2+$0x3440];
	[tilespmem:s24+$0xF440] =	vst v10;
	v8 =	vadd.f32 v8, v9  }
0x2b9: {  	v10 =	vld [tilespmem:s20+$0xF410];
	v3 =	vadd.f32 v3, v6  }
0x2ba: {  	v9 =	vld [tilespmem:s20+$0xF400];
	[tilespmem:s24+$0xF450] =	vst v8  }
0x2bb: {  	v6 =	vld [tilespmem:s20+$0xF420];
	[tilespmem:s24+$0xF460] =	vst v3;
	v3 =	vadd.f32 v7, v5  }
0x2bc: {  	v11 =	vld [tilespmem:s2+$0xF450]  }
0x2bd: {  	v8 =	vld [tilespmem:s20+$0xF430];
	[tilespmem:s24+$0xF470] =	vst v3  }
0x2be: {  	v5 =	vld [tilespmem:s20+$0x3400]  }
0x2bf: {  	[tilespmem:s2+$0xF430] =	vst v4;
	v4 =	vld [tilespmem:s2+$0xF440]  }
0x2c0: {  	v7 =	vld [tilespmem:s2+$0x3450]  }
0x2c1: {  	v61 =	vld [tilespmem:s20+$0x3410]  }
0x2c2: {  	v62 =	vld [tilespmem:s20+$0x3420]  }
0x2c3: {  	v63 =	vld [tilespmem:s20+$0x3430];
	v9 =	vadd.f32 v9, v5  }
0x2c4: {  	v15 =	vadd.f32 v4, v60;
	v3 =	vld [tilespmem:s20+$0x3440]  }
0x2c5: {  	v5 =	vld [tilespmem:s20+$0xF440];
	[tilespmem:s20+$0xF400] =	vst v9;
	v9 =	vadd.f32 v11, v7  }
0x2c6: {  	[tilespmem:s2+$0xF440] =	vst v15;
	v4 =	vld [tilespmem:s20+$0x3450];
	v10 =	vadd.f32 v10, v61  }
0x2c7: {  	v7 =	vld [tilespmem:s20+$0xF450];
	[tilespmem:s2+$0xF450] =	vst v9;
	v9 =	vadd.f32 v6, v62  }
0x2c8: {  	s31 =	simm.s32 $0x0;
	v8 =	vadd.f32 v8, v63;
	[tilespmem:s20+$0xF410] =	vst v10;
	v6 =	vld [tilespmem:s20+$0x3460]  }
.LBB2_5:
0x2c9: {  	s31 =	sadd.s32 $0x2, s31;
	[tilespmem:s20+$0xF420] =	vst v9;
	v9 =	vld [tilespmem:s20+$0xF460]  }
0x2ca: {  	s30 =	sadd.s32 $0x100, s30;
	s0 =	sshrl.u32 s31, $0x3;
	p0 =	slt.u32 s31, $0xE;
	[tilespmem:s20+$0xF430] =	vst v8;
	v3 =	vadd.f32 v5, v3;
	v5 =	vld [tilespmem:s20+$0x3470]  }
0x2cb: {  	s15 =	sand.u32 $0x300, s30;
	s19 =	smul.u32 $0x1800, s0;
	v8 =	vld [tilespmem:s20+$0xF470]  }
0x2cc: {  	s16 =	sor.u32 $0x80, s15;
	[tilespmem:s20+$0xF440] =	vst v3;
	v3 =	vadd.f32 v7, v4;
	v4 =	vld [tilespmem:s2+$0x3460]  }
0x2cd: {  	s0 =	sor.u32 s15, s19;
	s23 =	sor.u32 s19, s16;
	v7 =	vld [tilespmem:s2+$0xF460]  }
0x2ce: {  	v10 =	vld [tilespmem:s23+$0x3400];
	[tilespmem:s20+$0xF450] =	vst v3;
	v3 =	vadd.f32 v9, v6  }
0x2cf: {  	v6 =	vld [tilespmem:s23+$0xF400]  }
0x2d0: {  	v9 =	vld [tilespmem:s23+$0x3410];
	[tilespmem:s20+$0xF460] =	vst v3;
	v3 =	vadd.f32 v8, v5  }
0x2d1: {  	v5 =	vld [tilespmem:s23+$0xF410]  }
0x2d2: {  	v8 =	vld [tilespmem:s23+$0x3420];
	[tilespmem:s20+$0xF470] =	vst v3;
	v3 =	vadd.f32 v7, v4  }
0x2d3: {  	v4 =	vld [tilespmem:s23+$0xF420]  }
0x2d4: {  	v7 =	vld [tilespmem:s23+$0x3430];
	[tilespmem:s2+$0xF460] =	vst v3  }
0x2d5: {  	v3 =	vld [tilespmem:s23+$0xF430]  }
0x2d6: {  	v11 =	vld [tilespmem:s23+$0x3440]  }
0x2d7: {  	v12 =	vld [tilespmem:s23+$0xF440]  }
0x2d8: {  	v13 =	vld [tilespmem:s23+$0x3450]  }
0x2d9: {  	v14 =	vld [tilespmem:s23+$0xF450]  }
0x2da: {  	v15 =	vld [tilespmem:s23+$0x3460]  }
0x2db: {  	v16 =	vld [tilespmem:s23+$0xF460]  }
0x2dc: {  	v17 =	vld [tilespmem:s23+$0x3470]  }
0x2dd: {  	v18 =	vld [tilespmem:s23+$0xF470]  }
0x2de: {  	v19 =	vld [tilespmem:s23+$0x3800]  }
0x2df: {  	v20 =	vld [tilespmem:s23+$0xF800]  }
0x2e0: {  	v21 =	vld [tilespmem:s23+$0x3810]  }
0x2e1: {  	v22 =	vld [tilespmem:s23+$0xF810]  }
0x2e2: {  	v23 =	vld [tilespmem:s23+$0x3820]  }
0x2e3: {  	v6 =	vadd.f32 v6, v10;
	v10 =	vld [tilespmem:s23+$0xF820]  }
0x2e4: {  	v5 =	vadd.f32 v5, v9;
	v9 =	vld [tilespmem:s23+$0x3830]  }
0x2e5: {  	v4 =	vadd.f32 v4, v8;
	[tilespmem:s23+$0xF400] =	vst v6;
	v6 =	vld [tilespmem:s23+$0xF830]  }
0x2e6: {  	v3 =	vadd.f32 v3, v7;
	[tilespmem:s23+$0xF410] =	vst v5;
	v5 =	vld [tilespmem:s23+$0x3840]  }
0x2e7: {  	[tilespmem:s23+$0xF420] =	vst v4;
	v4 =	vadd.f32 v12, v11;
	v7 =	vld [tilespmem:s23+$0xF840]  }
0x2e8: {  	[tilespmem:s23+$0xF430] =	vst v3;
	v3 =	vadd.f32 v14, v13;
	v8 =	vld [tilespmem:s23+$0x3850]  }
0x2e9: {  	[tilespmem:s23+$0xF440] =	vst v4;
	v4 =	vadd.f32 v16, v15;
	v11 =	vld [tilespmem:s23+$0xF850]  }
0x2ea: {  	[tilespmem:s23+$0xF450] =	vst v3;
	v3 =	vadd.f32 v18, v17;
	v12 =	vld [tilespmem:s23+$0x3860]  }
0x2eb: {  	[tilespmem:s23+$0xF460] =	vst v4;
	v4 =	vadd.f32 v20, v19;
	v13 =	vld [tilespmem:s23+$0xF860]  }
0x2ec: {  	[tilespmem:s23+$0xF470] =	vst v3;
	v3 =	vadd.f32 v22, v21;
	v14 =	vld [tilespmem:s23+$0x3870]  }
0x2ed: {  	[tilespmem:s23+$0xF800] =	vst v4;
	v4 =	vadd.f32 v10, v23;
	v10 =	vld [tilespmem:s23+$0xF870]  }
0x2ee: {  	v15 =	vld [tilespmem:s0+$0x3400];
	[tilespmem:s23+$0xF810] =	vst v3;
	v3 =	vadd.f32 v6, v9  }
0x2ef: {  	v6 =	vld [tilespmem:s0+$0xF400];
	[tilespmem:s23+$0xF820] =	vst v4;
	v4 =	vadd.f32 v7, v5  }
0x2f0: {  	v5 =	vld [tilespmem:s0+$0x3410];
	[tilespmem:s23+$0xF830] =	vst v3;
	v3 =	vadd.f32 v11, v8  }
0x2f1: {  	v7 =	vld [tilespmem:s0+$0xF410];
	[tilespmem:s23+$0xF840] =	vst v4;
	v4 =	vadd.f32 v13, v12  }
0x2f2: {  	v8 =	vld [tilespmem:s0+$0x3420];
	[tilespmem:s23+$0xF850] =	vst v3;
	v3 =	vadd.f32 v10, v14  }
0x2f3: {  	s2 =	sadd.s32 $0x800, s19;
	v9 =	vld [tilespmem:s0+$0xF420];
	[tilespmem:s23+$0xF860] =	vst v4  }
0x2f4: {  	s22 =	sor.u32 s15, s2;
	s2 =	sor.u32 s16, s2;
	v4 =	vadd.f32 v6, v15;
	v6 =	vld [tilespmem:s0+$0x3430];
	[tilespmem:s23+$0xF870] =	vst v3  }
0x2f5: {  	v3 =	vld [tilespmem:s2+$0x3400]  }
0x2f6: {  	[tilespmem:s0+$0xF400] =	vst v4;
	v4 =	vadd.f32 v7, v5;
	v5 =	vld [tilespmem:s2+$0xF400]  }
0x2f7: {  	v7 =	vld [tilespmem:s2+$0x3410]  }
0x2f8: {  	[tilespmem:s0+$0xF410] =	vst v4;
	v4 =	vadd.f32 v9, v8;
	v8 =	vld [tilespmem:s2+$0xF410]  }
0x2f9: {  	v9 =	vld [tilespmem:s2+$0x3420]  }
0x2fa: {  	[tilespmem:s0+$0xF420] =	vst v4;
	v4 =	vld [tilespmem:s2+$0xF420]  }
0x2fb: {  	v10 =	vld [tilespmem:s2+$0x3430]  }
0x2fc: {  	v11 =	vld [tilespmem:s2+$0xF430]  }
0x2fd: {  	v12 =	vld [tilespmem:s2+$0x3440]  }
0x2fe: {  	v13 =	vld [tilespmem:s2+$0xF440]  }
0x2ff: {  	v14 =	vld [tilespmem:s2+$0x3450]  }
0x300: {  	v15 =	vld [tilespmem:s2+$0xF450]  }
0x301: {  	v16 =	vld [tilespmem:s2+$0x3460]  }
0x302: {  	v3 =	vadd.f32 v5, v3;
	v5 =	vld [tilespmem:s2+$0xF460]  }
0x303: {  	v7 =	vadd.f32 v8, v7;
	v8 =	vld [tilespmem:s2+$0x3470]  }
0x304: {  	[tilespmem:s2+$0xF400] =	vst v3;
	v3 =	vadd.f32 v4, v9;
	v4 =	vld [tilespmem:s2+$0xF470]  }
0x305: {  	v9 =	vld [tilespmem:s0+$0xF430];
	[tilespmem:s2+$0xF410] =	vst v7;
	v7 =	vadd.f32 v11, v10  }
0x306: {  	v10 =	vld [tilespmem:s0+$0x3440];
	[tilespmem:s2+$0xF420] =	vst v3;
	v3 =	vadd.f32 v13, v12  }
0x307: {  	v11 =	vld [tilespmem:s0+$0xF440];
	[tilespmem:s2+$0xF430] =	vst v7;
	v7 =	vadd.f32 v15, v14  }
0x308: {  	v12 =	vld [tilespmem:s0+$0x3450];
	[tilespmem:s2+$0xF440] =	vst v3;
	v3 =	vadd.f32 v5, v16  }
0x309: {  	v5 =	vld [tilespmem:s0+$0xF450];
	[tilespmem:s2+$0xF450] =	vst v7;
	v4 =	vadd.f32 v4, v8  }
0x30a: {  	s20 =	sadd.s32 $0xC00, s19;
	v6 =	vadd.f32 v9, v6;
	v7 =	vld [tilespmem:s0+$0x3460];
	[tilespmem:s2+$0xF460] =	vst v3  }
0x30b: {  	s23 =	sor.u32 s15, s20;
	v3 =	vld [tilespmem:s0+$0xF460];
	[tilespmem:s2+$0xF470] =	vst v4;
	s2 =	sor.u32 s16, s20  }
0x30c: {  	[tilespmem:s0+$0xF430] =	vst v6;
	v4 =	vadd.f32 v11, v10;
	v6 =	vld [tilespmem:s2+$0x3400]  }
0x30d: {  	v8 =	vld [tilespmem:s2+$0xF400]  }
0x30e: {  	[tilespmem:s0+$0xF440] =	vst v4;
	v4 =	vadd.f32 v5, v12;
	v5 =	vld [tilespmem:s2+$0x3410]  }
0x30f: {  	v9 =	vld [tilespmem:s2+$0xF410]  }
0x310: {  	[tilespmem:s0+$0xF450] =	vst v4;
	v3 =	vadd.f32 v3, v7;
	v4 =	vld [tilespmem:s2+$0x3420]  }
0x311: {  	v7 =	vld [tilespmem:s2+$0xF420]  }
0x312: {  	[tilespmem:s0+$0xF460] =	vst v3;
	v3 =	vld [tilespmem:s2+$0x3430]  }
0x313: {  	v10 =	vld [tilespmem:s2+$0xF430]  }
0x314: {  	v11 =	vld [tilespmem:s2+$0x3440]  }
0x315: {  	v12 =	vld [tilespmem:s2+$0xF440]  }
0x316: {  	v13 =	vld [tilespmem:s2+$0x3450]  }
0x317: {  	v14 =	vld [tilespmem:s2+$0xF450]  }
0x318: {  	v15 =	vld [tilespmem:s2+$0x3460]  }
0x319: {  	v6 =	vadd.f32 v8, v6;
	v8 =	vld [tilespmem:s2+$0xF460]  }
0x31a: {  	v5 =	vadd.f32 v9, v5;
	v9 =	vld [tilespmem:s2+$0x3470]  }
0x31b: {  	v4 =	vadd.f32 v7, v4;
	[tilespmem:s2+$0xF400] =	vst v6;
	v6 =	vld [tilespmem:s2+$0xF470]  }
0x31c: {  	v3 =	vadd.f32 v10, v3;
	v7 =	vld [tilespmem:s0+$0x3470];
	[tilespmem:s2+$0xF410] =	vst v5  }
0x31d: {  	v5 =	vld [tilespmem:s0+$0xF470];
	[tilespmem:s2+$0xF420] =	vst v4;
	v4 =	vadd.f32 v12, v11  }
0x31e: {  	v10 =	vld [tilespmem:s0+$0x3800];
	[tilespmem:s2+$0xF430] =	vst v3;
	v3 =	vadd.f32 v14, v13  }
0x31f: {  	v11 =	vld [tilespmem:s0+$0xF800];
	[tilespmem:s2+$0xF440] =	vst v4;
	v4 =	vadd.f32 v8, v15  }
0x320: {  	v8 =	vld [tilespmem:s0+$0x3810];
	[tilespmem:s2+$0xF450] =	vst v3;
	v3 =	vadd.f32 v6, v9  }
0x321: {  	s20 =	sadd.s32 $0x1000, s19;
	v6 =	vld [tilespmem:s0+$0xF810];
	[tilespmem:s2+$0xF460] =	vst v4  }
0x322: {  	s24 =	sor.u32 s15, s20;
	v4 =	vadd.f32 v5, v7;
	v5 =	vld [tilespmem:s0+$0x3820];
	[tilespmem:s2+$0xF470] =	vst v3;
	s2 =	sor.u32 s16, s20  }
0x323: {  	v3 =	vld [tilespmem:s2+$0x3400]  }
0x324: {  	[tilespmem:s0+$0xF470] =	vst v4;
	v4 =	vadd.f32 v11, v10;
	v7 =	vld [tilespmem:s2+$0xF400]  }
0x325: {  	v9 =	vld [tilespmem:s2+$0x3410]  }
0x326: {  	[tilespmem:s0+$0xF800] =	vst v4;
	v4 =	vadd.f32 v6, v8;
	v6 =	vld [tilespmem:s2+$0xF410]  }
0x327: {  	v8 =	vld [tilespmem:s2+$0x3420]  }
0x328: {  	[tilespmem:s0+$0xF810] =	vst v4;
	v4 =	vld [tilespmem:s2+$0xF420]  }
0x329: {  	v10 =	vld [tilespmem:s2+$0x3430]  }
0x32a: {  	v11 =	vld [tilespmem:s2+$0xF430]  }
0x32b: {  	v12 =	vld [tilespmem:s2+$0x3440]  }
0x32c: {  	v13 =	vld [tilespmem:s2+$0xF440]  }
0x32d: {  	v14 =	vld [tilespmem:s2+$0x3450]  }
0x32e: {  	v15 =	vld [tilespmem:s2+$0xF450]  }
0x32f: {  	v16 =	vld [tilespmem:s2+$0x3460]  }
0x330: {  	v3 =	vadd.f32 v7, v3;
	v7 =	vld [tilespmem:s2+$0xF460]  }
0x331: {  	v6 =	vadd.f32 v6, v9;
	v9 =	vld [tilespmem:s2+$0x3470]  }
0x332: {  	[tilespmem:s2+$0xF400] =	vst v3;
	v3 =	vadd.f32 v4, v8;
	v4 =	vld [tilespmem:s2+$0xF470]  }
0x333: {  	v8 =	vld [tilespmem:s0+$0xF820];
	[tilespmem:s2+$0xF410] =	vst v6;
	v6 =	vadd.f32 v11, v10  }
0x334: {  	v10 =	vld [tilespmem:s0+$0x3830];
	[tilespmem:s2+$0xF420] =	vst v3;
	v3 =	vadd.f32 v13, v12  }
0x335: {  	v11 =	vld [tilespmem:s0+$0xF830];
	[tilespmem:s2+$0xF430] =	vst v6;
	v6 =	vadd.f32 v15, v14  }
0x336: {  	v12 =	vld [tilespmem:s0+$0x3840];
	[tilespmem:s2+$0xF440] =	vst v3;
	v3 =	vadd.f32 v7, v16  }
0x337: {  	v7 =	vld [tilespmem:s0+$0xF840];
	[tilespmem:s2+$0xF450] =	vst v6;
	v4 =	vadd.f32 v4, v9  }
0x338: {  	s19 =	sadd.s32 $0x1400, s19;
	v5 =	vadd.f32 v8, v5;
	v6 =	vld [tilespmem:s0+$0x3850];
	[tilespmem:s2+$0xF460] =	vst v3  }
0x339: {  	s20 =	sor.u32 s15, s19;
	v3 =	vld [tilespmem:s0+$0xF850];
	[tilespmem:s2+$0xF470] =	vst v4;
	s2 =	sor.u32 s16, s19  }
0x33a: {  	[tilespmem:s0+$0xF820] =	vst v5;
	v4 =	vadd.f32 v11, v10;
	v5 =	vld [tilespmem:s2+$0x3470]  }
0x33b: {  	v8 =	vld [tilespmem:s2+$0xF470]  }
0x33c: {  	[tilespmem:s0+$0xF830] =	vst v4;
	v4 =	vadd.f32 v7, v12;
	v7 =	vld [tilespmem:s0+$0x3860]  }
0x33d: {  	v9 =	vld [tilespmem:s0+$0xF860]  }
0x33e: {  	[tilespmem:s0+$0xF840] =	vst v4;
	v3 =	vadd.f32 v3, v6;
	v4 =	vld [tilespmem:s0+$0x3870]  }
0x33f: {  	v6 =	vld [tilespmem:s0+$0xF870]  }
0x340: {  	[tilespmem:s0+$0xF850] =	vst v3;
	v3 =	vld [tilespmem:s22+$0xF400];
	v5 =	vadd.f32 v8, v5  }
0x341: {  	v8 =	vld [tilespmem:s22+$0xF410]  }
0x342: {  	v7 =	vadd.f32 v9, v7;
	v9 =	vld [tilespmem:s22+$0xF420];
	[tilespmem:s2+$0xF470] =	vst v5  }
0x343: {  	v5 =	vld [tilespmem:s2+$0x3400]  }
0x344: {  	[tilespmem:s0+$0xF860] =	vst v7;
	v4 =	vadd.f32 v6, v4;
	v6 =	vld [tilespmem:s2+$0xF400]  }
0x345: {  	v7 =	vld [tilespmem:s22+$0xF430]  }
0x346: {  	[tilespmem:s0+$0xF870] =	vst v4;
	v4 =	vld [tilespmem:s2+$0x3410]  }
0x347: {  	v10 =	vld [tilespmem:s22+$0x3400]  }
0x348: {  	v11 =	vld [tilespmem:s22+$0x3410]  }
0x349: {  	v12 =	vld [tilespmem:s22+$0x3420];
	v5 =	vadd.f32 v6, v5  }
0x34a: {  	v6 =	vld [tilespmem:s22+$0x3430]  }
0x34b: {  	v13 =	vld [tilespmem:s22+$0x3440];
	[tilespmem:s2+$0xF400] =	vst v5  }
0x34c: {  	v3 =	vadd.f32 v3, v10;
	v5 =	vld [tilespmem:s22+$0xF440]  }
0x34d: {  	v8 =	vadd.f32 v8, v11;
	v10 =	vld [tilespmem:s22+$0x3450]  }
0x34e: {  	[tilespmem:s22+$0xF400] =	vst v3;
	v3 =	vadd.f32 v9, v12;
	v9 =	vld [tilespmem:s22+$0xF450]  }
0x34f: {  	[tilespmem:s22+$0xF410] =	vst v8;
	v6 =	vadd.f32 v7, v6;
	v7 =	vld [tilespmem:s22+$0x3460]  }
0x350: {  	[tilespmem:s22+$0xF420] =	vst v3;
	v3 =	vld [tilespmem:s22+$0xF460]  }
0x351: {  	[tilespmem:s22+$0xF430] =	vst v6;
	v5 =	vadd.f32 v5, v13;
	v6 =	vld [tilespmem:s22+$0x3470]  }
0x352: {  	v8 =	vld [tilespmem:s22+$0xF470]  }
0x353: {  	[tilespmem:s22+$0xF440] =	vst v5;
	v5 =	vadd.f32 v9, v10;
	v9 =	vld [tilespmem:s23+$0xF400]  }
0x354: {  	v10 =	vld [tilespmem:s23+$0xF410]  }
0x355: {  	[tilespmem:s22+$0xF450] =	vst v5;
	v3 =	vadd.f32 v3, v7;
	v5 =	vld [tilespmem:s2+$0xF410]  }
0x356: {  	v7 =	vld [tilespmem:s23+$0xF420]  }
0x357: {  	[tilespmem:s22+$0xF460] =	vst v3;
	v3 =	vadd.f32 v8, v6;
	v6 =	vld [tilespmem:s2+$0x3420]  }
0x358: {  	v8 =	vld [tilespmem:s23+$0xF430]  }
0x359: {  	[tilespmem:s22+$0xF470] =	vst v3;
	v3 =	vld [tilespmem:s2+$0xF420]  }
0x35a: {  	v11 =	vld [tilespmem:s23+$0x3400];
	v4 =	vadd.f32 v5, v4  }
0x35b: {  	v5 =	vld [tilespmem:s23+$0x3410]  }
0x35c: {  	v12 =	vld [tilespmem:s23+$0x3420];
	[tilespmem:s2+$0xF410] =	vst v4  }
0x35d: {  	v4 =	vld [tilespmem:s23+$0x3430]  }
0x35e: {  	v13 =	vld [tilespmem:s23+$0x3440];
	v3 =	vadd.f32 v3, v6  }
0x35f: {  	v6 =	vadd.f32 v9, v11;
	v9 =	vld [tilespmem:s23+$0xF440]  }
0x360: {  	v5 =	vadd.f32 v10, v5;
	v10 =	vld [tilespmem:s23+$0x3450];
	[tilespmem:s2+$0xF420] =	vst v3  }
0x361: {  	[tilespmem:s23+$0xF400] =	vst v6;
	v3 =	vadd.f32 v7, v12;
	v6 =	vld [tilespmem:s23+$0xF450]  }
0x362: {  	[tilespmem:s23+$0xF410] =	vst v5;
	v4 =	vadd.f32 v8, v4;
	v5 =	vld [tilespmem:s23+$0x3460]  }
0x363: {  	[tilespmem:s23+$0xF420] =	vst v3;
	v3 =	vld [tilespmem:s23+$0xF460]  }
0x364: {  	[tilespmem:s23+$0xF430] =	vst v4;
	v4 =	vadd.f32 v9, v13;
	v7 =	vld [tilespmem:s23+$0x3470]  }
0x365: {  	v8 =	vld [tilespmem:s23+$0xF470]  }
0x366: {  	[tilespmem:s23+$0xF440] =	vst v4;
	v4 =	vadd.f32 v6, v10;
	v6 =	vld [tilespmem:s24+$0xF400]  }
0x367: {  	v9 =	vld [tilespmem:s24+$0xF410]  }
0x368: {  	[tilespmem:s23+$0xF450] =	vst v4;
	v3 =	vadd.f32 v3, v5;
	v4 =	vld [tilespmem:s2+$0x3430]  }
0x369: {  	v5 =	vld [tilespmem:s24+$0xF420]  }
0x36a: {  	[tilespmem:s23+$0xF460] =	vst v3;
	v3 =	vadd.f32 v8, v7;
	v7 =	vld [tilespmem:s2+$0xF430]  }
0x36b: {  	v8 =	vld [tilespmem:s24+$0xF430]  }
0x36c: {  	[tilespmem:s23+$0xF470] =	vst v3;
	v3 =	vld [tilespmem:s2+$0x3440]  }
0x36d: {  	v10 =	vld [tilespmem:s24+$0x3400]  }
0x36e: {  	v11 =	vld [tilespmem:s24+$0x3410]  }
0x36f: {  	v12 =	vld [tilespmem:s24+$0x3420];
	v4 =	vadd.f32 v7, v4  }
0x370: {  	v7 =	vld [tilespmem:s24+$0x3430]  }
0x371: {  	v13 =	vld [tilespmem:s24+$0x3440];
	[tilespmem:s2+$0xF430] =	vst v4  }
0x372: {  	v4 =	vadd.f32 v6, v10;
	v6 =	vld [tilespmem:s24+$0xF440]  }
0x373: {  	v9 =	vadd.f32 v9, v11;
	v10 =	vld [tilespmem:s24+$0x3450]  }
0x374: {  	[tilespmem:s24+$0xF400] =	vst v4;
	v4 =	vadd.f32 v5, v12;
	v5 =	vld [tilespmem:s24+$0xF450]  }
0x375: {  	[tilespmem:s24+$0xF410] =	vst v9;
	v7 =	vadd.f32 v8, v7;
	v8 =	vld [tilespmem:s24+$0x3460]  }
0x376: {  	[tilespmem:s24+$0xF420] =	vst v4;
	v4 =	vld [tilespmem:s24+$0xF460]  }
0x377: {  	[tilespmem:s24+$0xF430] =	vst v7;
	v6 =	vadd.f32 v6, v13;
	v7 =	vld [tilespmem:s24+$0x3470]  }
0x378: {  	v9 =	vld [tilespmem:s24+$0xF470]  }
0x379: {  	[tilespmem:s24+$0xF440] =	vst v6;
	v5 =	vadd.f32 v5, v10;
	v6 =	vld [tilespmem:s20+$0xF400]  }
0x37a: {  	v10 =	vld [tilespmem:s20+$0xF410]  }
0x37b: {  	[tilespmem:s24+$0xF450] =	vst v5;
	v4 =	vadd.f32 v4, v8;
	v5 =	vld [tilespmem:s2+$0xF440]  }
0x37c: {  	v8 =	vld [tilespmem:s20+$0xF420]  }
0x37d: {  	[tilespmem:s24+$0xF460] =	vst v4;
	v4 =	vadd.f32 v9, v7;
	v7 =	vld [tilespmem:s2+$0x3450]  }
0x37e: {  	v11 =	vld [tilespmem:s20+$0xF430]  }
0x37f: {  	[tilespmem:s24+$0xF470] =	vst v4;
	v4 =	vld [tilespmem:s2+$0xF450]  }
0x380: {  	v9 =	vld [tilespmem:s20+$0x3400];
	v3 =	vadd.f32 v5, v3  }
0x381: {  	v12 =	vld [tilespmem:s20+$0x3410]  }
0x382: {  	v13 =	vld [tilespmem:s20+$0x3420];
	[tilespmem:s2+$0xF440] =	vst v3  }
0x383: {  	v14 =	vld [tilespmem:s20+$0x3430]  }
.Ltmp1:
0x384: {  	v3 =	vld [tilespmem:s20+$0x3440];
	v7 =	vadd.f32 v4, v7;
	(pc) =	sbr.rel @p0 .LBB2_5-.Ltmp1, $4  }
0x385: {  	v6 =	vadd.f32 v6, v9;
	v5 =	vld [tilespmem:s20+$0xF440]  }
0x386: {  	v10 =	vadd.f32 v10, v12;
	v4 =	vld [tilespmem:s20+$0x3450];
	[tilespmem:s2+$0xF450] =	vst v7  }
0x387: {  	[tilespmem:s20+$0xF400] =	vst v6;
	v9 =	vadd.f32 v8, v13;
	v7 =	vld [tilespmem:s20+$0xF450]  }
0x388: {  	[tilespmem:s20+$0xF410] =	vst v10;
	v8 =	vadd.f32 v11, v14;
	v6 =	vld [tilespmem:s20+$0x3460]  }
0x389: {  	[tilespmem:s20+$0xF420] =	vst v9;
	v9 =	vld [tilespmem:s20+$0xF460]  }
0x38a: {  	v10 =	vld [tilespmem:s20+$0xF470]  }
0x38b: {  	v11 =	vld [tilespmem:s2+$0x3460]  }
0x38c: {  	[tilespmem:s20+$0xF430] =	vst v8;
	v8 =	vld [tilespmem:s20+$0x3470]  }
0x38d: {  	v12 =	vld [tilespmem:s2+$0xF460]  }
0x38e: {  	v3 =	vadd.f32 v5, v3  }
0x38f: {  	v4 =	vadd.f32 v7, v4  }
0x390: {  	[tilespmem:s20+$0xF440] =	vst v3;
	v3 =	vadd.f32 v9, v6  }
0x391: {  	[tilespmem:s20+$0xF450] =	vst v4;
	v4 =	vadd.f32 v10, v8  }
0x392: {  	[tilespmem:s20+$0xF460] =	vst v3;
	v3 =	vadd.f32 v12, v11  }
0x393: {  	s0 =	sadd.s32 s11, s4;
	s11 =	sor.u32 $0x2, s13;
	[tilespmem:s20+$0xF470] =	vst v4  }
0x394: {  	s0 =	sadd.s32 $0x600, s0;
	p0 =	sgt.u32 s11, $0x3D;
	[tilespmem:s2+$0xF460] =	vst v3  }
0x395: {  	[hbm4b:s0+s6] =	stream.linear.scatter [tilespmem:s21], [sflag:$0x6], $0x3000, $0x38;
	[tilespmem:$0x18400] =	vst v63  }
0x396: {  	s0 =	simm.s32 @!p0 $0x5  }
0x397: {  	_ =	swait.ge @!p0 [sflag:s0], $0x3000  }
0x398: {  	[sflag:s0] =	ssyncset.done @!p0 $0x0  }
0x399: {  	[sflag:s0] =	ssyncadd.s32 @!p0 $0xFFFFD000  }
0x39a: {  	v3 =	vld @!p0 [tilespmem:s8+$0x40];
	_ =	sdelay $0x4  }
0x39b: {  	v4 =	vshrl.u32 @!p0 v3, $0x3  }
0x39c: {  	v4 =	vmul.u32 @!p0 $0x30, v4  }
0x39d: {  	v5 =	vlaneseq.u32 @!p0;
	v3 =	vand.u32 @!p0 $0x7, v3  }
0x39e: {  	v6 =	vshrl.u32 @!p0 v5, $0x3;
	v3 =	vor.u32 @!p0 v3, v4;
	v4 =	vand.u32 @!p0 $0x7, v5  }
0x39f: {  	v6 =	vmul.u32 @!p0 $0x8, v6;
	v4 =	vperm.xlane @!p0 v3, v4;
	_ =	sdelay $0x1  }
0x3a0: {  	v4 =	vadd.s32 @!p0 v6, v4;
	_ =	sdelay $0x2  }
0x3a1: {  	v5 =	vor.u32 @!p0 $0x8, v5  }
0x3a2: {  	vm1 =	vmmov @!p0 $0xffff;
	s2 =	simm.s32 @!p0 $0xC400;
	s0 =	simm.s32 @!p0 $0x0;
	v3 =	vperm.xlane @!p0 v3, v5  }
0x3a3: {  	[tilespmem:s2], [sflag:$0x1] =	stream.indirect_vreg.gather @!p0 [hbm4b:s3+s0], $0x80, v4, vm1, $0xb8;
	[tilespmem:$0x18400] =	vst v63  }
0x3a4: {  	v3 =	vadd.s32 @!p0 v6, v3;
	s2 =	simm.s32 @!p0 $0xCC00  }
0x3a5: {  	[tilespmem:s2], [sflag:$0x1] =	stream.indirect_vreg.gather @!p0 [hbm4b:s9+s0], $0x80, v4, vm1, $0xb8;
	[tilespmem:$0x18400] =	vst v63  }
0x3a6: {  	s2 =	simm.s32 @!p0 $0xD400  }
0x3a7: {  	[tilespmem:s2], [sflag:$0x1] =	stream.indirect_vreg.gather @!p0 [hbm4b:s10+s0], $0x80, v4, vm1, $0xb8;
	[tilespmem:$0x18400] =	vst v63  }
0x3a8: {  	s2 =	simm.s32 @!p0 $0xDC00  }
0x3a9: {  	[tilespmem:s2], [sflag:$0x1] =	stream.indirect_vreg.gather @!p0 [hbm4b:s3+s0], $0x80, v3, vm1, $0xb8;
	[tilespmem:$0x18400] =	vst v63  }
0x3aa: {  	s2 =	sadd.s32 @!p0 $0x40, s8  }
0x3ab: {  	s15 =	simm.s32 @!p0 $0xE400;
	s2 =	sadd.s32 @!p0 s5, s2  }
0x3ac: {  	[tilespmem:s15], [sflag:$0x1] =	stream.indirect_vreg.gather @!p0 [hbm4b:s9+s0], $0x80, v3, vm1, $0xb8;
	[tilespmem:$0x18400] =	vst v63  }
0x3ad: {  	s2 =	sshrl.u32 @!p0 s2, $0x3  }
0x3ae: {  	s15 =	simm.s32 @!p0 $0xEC00;
	s2 =	smul.u32 @!p0 $0x300, s2  }
0x3af: {  	[tilespmem:s15], [sflag:$0x1] =	stream.indirect_vreg.gather @!p0 [hbm4b:s10+s0], $0x80, v3, vm1, $0xb8;
	[tilespmem:$0x18400] =	vst v63  }
0x3b0: {  	s15 =	simm.s32 @!p0 $0x400;
	s2 =	sadd.s32 @!p0 s1, s2  }
0x3b1: {  	[tilespmem:s15], [sflag:$0x1] =	stream.linear.gather @!p0 [hbm4b:s2+s0], $0x3000, $0x38;
	[tilespmem:$0x18400] =	vst v63  }
0x3b2: {  	_ =	swait.ge [sflag:s28], $0x3000  }
0x3b3: {  	[sflag:s28] =	ssyncset.done $0x0  }
0x3b4: {  	s30 =	simm.s32 $0x0;
	s22 =	simm.s32 $0x0;
	[sflag:s28] =	ssyncadd.s32 $0xFFFFD000  }
0x3b5: {  	s15 =	smul.u32 $0x1800, s22;
	s0 =	sand.u32 $0x300, s30;
	_ =	swait.ge [sflag:s28], $0x3000  }
0x3b6: {  	s2 =	sor.u32 $0x80, s0;
	[sflag:s28] =	ssyncset.done $0x0  }
0x3b7: {  	s23 =	sor.u32 s15, s2;
	[sflag:s28] =	ssyncadd.s32 $0xFFFFD000  }
0x3b8: {  	v3 =	vld [tilespmem:s23+$0x6400]  }
0x3b9: {  	v4 =	vld [tilespmem:s23+$0x12400]  }
0x3ba: {  	v5 =	vld [tilespmem:s23+$0x6410]  }
0x3bb: {  	v6 =	vld [tilespmem:s23+$0x12410]  }
0x3bc: {  	v7 =	vld [tilespmem:s23+$0x6420]  }
0x3bd: {  	v8 =	vld [tilespmem:s23+$0x12420]  }
0x3be: {  	v9 =	vld [tilespmem:s23+$0x6430]  }
0x3bf: {  	v10 =	vld [tilespmem:s23+$0x12430]  }
0x3c0: {  	v11 =	vld [tilespmem:s23+$0x6440]  }
0x3c1: {  	v30 =	vld [tilespmem:s23+$0x12440]  }
0x3c2: {  	v13 =	vld [tilespmem:s23+$0x6450]  }
0x3c3: {  	v14 =	vld [tilespmem:s23+$0x12450]  }
0x3c4: {  	v15 =	vld [tilespmem:s23+$0x6460]  }
0x3c5: {  	v16 =	vld [tilespmem:s23+$0x12460]  }
0x3c6: {  	v17 =	vld [tilespmem:s23+$0x6470]  }
0x3c7: {  	v18 =	vld [tilespmem:s23+$0x12470]  }
0x3c8: {  	v19 =	vld [tilespmem:s23+$0x6800]  }
0x3c9: {  	v20 =	vld [tilespmem:s23+$0x12800]  }
0x3ca: {  	v21 =	vld [tilespmem:s23+$0x6810]  }
0x3cb: {  	v22 =	vld [tilespmem:s23+$0x12810]  }
0x3cc: {  	v23 =	vld [tilespmem:s23+$0x6820]  }
0x3cd: {  	v31 =	vld [tilespmem:s23+$0x6860];
	v3 =	vadd.f32 v4, v3  }
0x3ce: {  	v32 =	vld [tilespmem:s23+$0x12860];
	v5 =	vadd.f32 v6, v5  }
0x3cf: {  	v4 =	vld [tilespmem:s23+$0x12820];
	[tilespmem:s23+$0x12400] =	vst v3;
	v3 =	vadd.f32 v8, v7  }
0x3d0: {  	v6 =	vld [tilespmem:s23+$0x6830];
	[tilespmem:s23+$0x12410] =	vst v5;
	v5 =	vadd.f32 v10, v9  }
0x3d1: {  	v7 =	vld [tilespmem:s23+$0x12830];
	[tilespmem:s23+$0x12420] =	vst v3;
	v3 =	vadd.f32 v30, v11  }
0x3d2: {  	v8 =	vld [tilespmem:s23+$0x6840];
	[tilespmem:s23+$0x12430] =	vst v5;
	v5 =	vadd.f32 v14, v13  }
0x3d3: {  	v9 =	vld [tilespmem:s23+$0x12840];
	[tilespmem:s23+$0x12440] =	vst v3;
	v3 =	vadd.f32 v16, v15  }
0x3d4: {  	v10 =	vld [tilespmem:s23+$0x6850];
	[tilespmem:s23+$0x12450] =	vst v5;
	v5 =	vadd.f32 v18, v17  }
0x3d5: {  	v11 =	vld [tilespmem:s23+$0x12850];
	[tilespmem:s23+$0x12460] =	vst v3;
	v3 =	vadd.f32 v20, v19  }
0x3d6: {  	v33 =	vld [tilespmem:s23+$0x6870];
	[tilespmem:s23+$0x12470] =	vst v5;
	v5 =	vadd.f32 v22, v21  }
0x3d7: {  	s16 =	sor.u32 s0, s15;
	[tilespmem:s23+$0x12800] =	vst v3;
	v3 =	vadd.f32 v4, v23;
	v4 =	vld [tilespmem:s23+$0x12870]  }
0x3d8: {  	v46 =	vld [tilespmem:s16+$0x12430];
	[tilespmem:s23+$0x12810] =	vst v5;
	v5 =	vadd.f32 v7, v6  }
0x3d9: {  	v47 =	vld [tilespmem:s16+$0x6440];
	[tilespmem:s23+$0x12820] =	vst v3;
	v3 =	vadd.f32 v9, v8  }
0x3da: {  	v48 =	vld [tilespmem:s16+$0x12440];
	[tilespmem:s23+$0x12830] =	vst v5;
	v5 =	vadd.f32 v11, v10  }
0x3db: {  	v49 =	vld [tilespmem:s16+$0x6450];
	[tilespmem:s23+$0x12840] =	vst v3;
	v3 =	vadd.f32 v32, v31  }
0x3dc: {  	v50 =	vld [tilespmem:s16+$0x6460];
	[tilespmem:s23+$0x12850] =	vst v5;
	v4 =	vadd.f32 v4, v33  }
0x3dd: {  	s19 =	sadd.s32 $0x800, s15;
	v60 =	vld [tilespmem:s16+$0x6470];
	[tilespmem:s23+$0x12860] =	vst v3  }
0x3de: {  	s22 =	sor.u32 s2, s19;
	v62 =	vld [tilespmem:s16+$0x12470];
	[tilespmem:s23+$0x12870] =	vst v4  }
0x3df: {  	v4 =	vld [tilespmem:s22+$0x6400]  }
0x3e0: {  	v10 =	vld [tilespmem:s22+$0x12400]  }
0x3e1: {  	v11 =	vld [tilespmem:s22+$0x6410]  }
0x3e2: {  	v34 =	vld [tilespmem:s22+$0x12410]  }
0x3e3: {  	v35 =	vld [tilespmem:s22+$0x6420]  }
0x3e4: {  	v36 =	vld [tilespmem:s22+$0x12420]  }
0x3e5: {  	v37 =	vld [tilespmem:s22+$0x6430]  }
0x3e6: {  	v38 =	vld [tilespmem:s22+$0x12430]  }
0x3e7: {  	v39 =	vld [tilespmem:s22+$0x6440]  }
0x3e8: {  	v40 =	vld [tilespmem:s22+$0x12440]  }
0x3e9: {  	v41 =	vld [tilespmem:s22+$0x6450]  }
0x3ea: {  	v42 =	vld [tilespmem:s22+$0x12450]  }
0x3eb: {  	v43 =	vld [tilespmem:s22+$0x6460]  }
0x3ec: {  	v44 =	vld [tilespmem:s22+$0x6470];
	v4 =	vadd.f32 v10, v4  }
0x3ed: {  	v10 =	vld [tilespmem:s22+$0x12460];
	v11 =	vadd.f32 v34, v11  }
0x3ee: {  	v45 =	vld [tilespmem:s22+$0x12470];
	[tilespmem:s22+$0x12400] =	vst v4;
	v4 =	vadd.f32 v36, v35  }
0x3ef: {  	v63 =	vld [tilespmem:s16+$0x6800];
	[tilespmem:s22+$0x12410] =	vst v11;
	v11 =	vadd.f32 v38, v37  }
0x3f0: {  	v15 =	vld [tilespmem:s16+$0x6400];
	[tilespmem:s22+$0x12420] =	vst v4;
	v4 =	vadd.f32 v40, v39  }
0x3f1: {  	v6 =	vld [tilespmem:s16+$0x12400];
	[tilespmem:s22+$0x12430] =	vst v11;
	v11 =	vadd.f32 v42, v41  }
0x3f2: {  	v7 =	vld [tilespmem:s16+$0x6410];
	[tilespmem:s22+$0x12440] =	vst v4;
	v4 =	vadd.f32 v10, v43  }
0x3f3: {  	v9 =	vld [tilespmem:s16+$0x6420];
	[tilespmem:s22+$0x12450] =	vst v11;
	v11 =	vadd.f32 v45, v44  }
0x3f4: {  	s20 =	sadd.s32 $0xC00, s15;
	v5 =	vld [tilespmem:s16+$0x12420];
	[tilespmem:s22+$0x12460] =	vst v4  }
0x3f5: {  	v3 =	vld [tilespmem:s16+$0x6430];
	s23 =	sor.u32 s2, s20;
	[tilespmem:s22+$0x12470] =	vst v11  }
0x3f6: {  	v11 =	vld [tilespmem:s23+$0x6400]  }
0x3f7: {  	v51 =	vld [tilespmem:s23+$0x12400]  }
0x3f8: {  	v52 =	vld [tilespmem:s23+$0x6410]  }
0x3f9: {  	v53 =	vld [tilespmem:s23+$0x12410]  }
0x3fa: {  	v54 =	vld [tilespmem:s23+$0x6420]  }
0x3fb: {  	v55 =	vld [tilespmem:s23+$0x12420]  }
0x3fc: {  	v56 =	vld [tilespmem:s23+$0x6430]  }
0x3fd: {  	v24 =	vld [tilespmem:s23+$0x12430]  }
0x3fe: {  	v25 =	vld [tilespmem:s23+$0x6440]  }
0x3ff: {  	v26 =	vld [tilespmem:s23+$0x12440]  }
0x400: {  	v27 =	vld [tilespmem:s23+$0x6450]  }
0x401: {  	v28 =	vld [tilespmem:s23+$0x12450]  }
0x402: {  	v5 =	vadd.f32 v5, v9;
	v29 =	vld [tilespmem:s23+$0x6460]  }
0x403: {  	v58 =	vld [tilespmem:s23+$0x6470];
	v11 =	vadd.f32 v51, v11  }
0x404: {  	[tilespmem:s16+$0x12420] =	vst v5;
	v59 =	vld [tilespmem:s23+$0x12470];
	v19 =	vadd.f32 v53, v52  }
0x405: {  	v57 =	vld [tilespmem:s23+$0x12460];
	v61 =	vadd.f32 v24, v56;
	[tilespmem:s23+$0x12400] =	vst v11  }
0x406: {  	v8 =	vld [tilespmem:s16+$0x12410];
	v11 =	vadd.f32 v55, v54;
	[tilespmem:s23+$0x12410] =	vst v19  }
0x407: {  	v33 =	vld [tilespmem:s16+$0x12800];
	v32 =	vadd.f32 v28, v27;
	[tilespmem:s23+$0x12430] =	vst v61  }
0x408: {  	v3 =	vadd.f32 v46, v3;
	v46 =	vld [tilespmem:s16+$0x12820];
	[tilespmem:s23+$0x12420] =	vst v11;
	v11 =	vadd.f32 v26, v25  }
0x409: {  	v5 =	vadd.f32 v48, v47;
	v47 =	vld [tilespmem:s16+$0x12850];
	v35 =	vadd.f32 v59, v58;
	[tilespmem:s23+$0x12450] =	vst v32  }
0x40a: {  	v34 =	vld [tilespmem:s16+$0x6810];
	[tilespmem:s23+$0x12440] =	vst v11;
	v11 =	vadd.f32 v57, v29  }
0x40b: {  	v10 =	vld [tilespmem:s16+$0x12450];
	s22 =	sadd.s32 $0x1000, s15;
	[tilespmem:s23+$0x12470] =	vst v35  }
0x40c: {  	v4 =	vld [tilespmem:s16+$0x12460];
	s24 =	sor.u32 s2, s22;
	[tilespmem:s23+$0x12460] =	vst v11  }
0x40d: {  	v19 =	vld [tilespmem:s24+$0x6400]  }
0x40e: {  	v37 =	vld [tilespmem:s24+$0x12400]  }
0x40f: {  	v38 =	vld [tilespmem:s24+$0x6410]  }
0x410: {  	v39 =	vld [tilespmem:s24+$0x12410]  }
0x411: {  	v40 =	vld [tilespmem:s24+$0x6420]  }
0x412: {  	v41 =	vld [tilespmem:s24+$0x12420]  }
0x413: {  	v6 =	vadd.f32 v6, v15;
	v42 =	vld [tilespmem:s24+$0x6430]  }
0x414: {  	v7 =	vadd.f32 v8, v7;
	v8 =	vld [tilespmem:s24+$0x12430]  }
0x415: {  	[tilespmem:s16+$0x12400] =	vst v6;
	v6 =	vld [tilespmem:s24+$0x6440]  }
0x416: {  	[tilespmem:s16+$0x12410] =	vst v7;
	v7 =	vld [tilespmem:s24+$0x12440]  }
0x417: {  	v9 =	vld [tilespmem:s24+$0x6450]  }
0x418: {  	[tilespmem:s16+$0x12430] =	vst v3;
	v3 =	vadd.f32 v10, v49;
	v10 =	vld [tilespmem:s24+$0x12450]  }
0x419: {  	[tilespmem:s16+$0x12440] =	vst v5;
	v4 =	vadd.f32 v4, v50;
	v5 =	vld [tilespmem:s24+$0x6460]  }
0x41a: {  	[tilespmem:s16+$0x12450] =	vst v3;
	v43 =	vld [tilespmem:s24+$0x12460];
	v3 =	vadd.f32 v37, v19  }
0x41b: {  	[tilespmem:s16+$0x12460] =	vst v4;
	v44 =	vld [tilespmem:s24+$0x6470];
	v4 =	vadd.f32 v39, v38  }
0x41c: {  	v45 =	vld [tilespmem:s24+$0x12470];
	[tilespmem:s24+$0x12400] =	vst v3;
	v3 =	vadd.f32 v41, v40  }
0x41d: {  	v36 =	vld [tilespmem:s16+$0x12810];
	[tilespmem:s24+$0x12410] =	vst v4;
	v4 =	vadd.f32 v8, v42  }
0x41e: {  	v11 =	vld [tilespmem:s16+$0x6820];
	[tilespmem:s24+$0x12420] =	vst v3;
	v3 =	vadd.f32 v7, v6  }
0x41f: {  	v8 =	vld [tilespmem:s16+$0x6830];
	[tilespmem:s24+$0x12430] =	vst v4;
	v4 =	vadd.f32 v10, v9  }
0x420: {  	v6 =	vld [tilespmem:s16+$0x12830];
	[tilespmem:s24+$0x12440] =	vst v3;
	v3 =	vadd.f32 v43, v5  }
0x421: {  	v7 =	vld [tilespmem:s16+$0x6840];
	[tilespmem:s24+$0x12450] =	vst v4;
	v4 =	vadd.f32 v45, v44  }
0x422: {  	s15 =	sadd.s32 $0x1400, s15;
	v9 =	vadd.f32 v62, v60;
	v5 =	vld [tilespmem:s16+$0x12840];
	[tilespmem:s24+$0x12460] =	vst v3  }
0x423: {  	s2 =	sor.u32 s2, s15;
	v10 =	vld [tilespmem:s16+$0x6850];
	v3 =	vadd.f32 v33, v63;
	[tilespmem:s24+$0x12470] =	vst v4  }
0x424: {  	[tilespmem:s16+$0x12470] =	vst v9;
	v4 =	vadd.f32 v36, v34;
	v9 =	vld [tilespmem:s2+$0x6470]  }
0x425: {  	[tilespmem:s16+$0x12800] =	vst v3;
	v3 =	vadd.f32 v46, v11;
	v11 =	vld [tilespmem:s2+$0x12470]  }
0x426: {  	[tilespmem:s16+$0x12810] =	vst v4;
	v4 =	vadd.f32 v6, v8;
	v6 =	vld [tilespmem:s16+$0x6860]  }
0x427: {  	[tilespmem:s16+$0x12820] =	vst v3;
	v3 =	vadd.f32 v5, v7;
	v5 =	vld [tilespmem:s16+$0x12860]  }
0x428: {  	[tilespmem:s16+$0x12830] =	vst v4;
	v7 =	vld [tilespmem:s16+$0x6870]  }
0x429: {  	v4 =	vadd.f32 v47, v10;
	[tilespmem:s16+$0x12840] =	vst v3;
	v3 =	vld [tilespmem:s16+$0x12870]  }
0x42a: {  	v50 =	vld [tilespmem:s2+$0x12400]  }
0x42b: {  	s19 =	sor.u32 s0, s19;
	v55 =	vld [tilespmem:s2+$0x12420];
	[tilespmem:s16+$0x12850] =	vst v4  }
0x42c: {  	v4 =	vld [tilespmem:s19+$0x12400];
	v5 =	vadd.f32 v5, v6  }
0x42d: {  	v8 =	vld [tilespmem:s19+$0x12410];
	v6 =	vadd.f32 v11, v9  }
0x42e: {  	v9 =	vld [tilespmem:s19+$0x12420];
	[tilespmem:s16+$0x12860] =	vst v5;
	v3 =	vadd.f32 v3, v7  }
0x42f: {  	[tilespmem:s2+$0x12470] =	vst v6;
	v6 =	vld [tilespmem:s2+$0x6400]  }
0x430: {  	v5 =	vld [tilespmem:s19+$0x12430];
	[tilespmem:s16+$0x12870] =	vst v3  }
0x431: {  	v3 =	vld [tilespmem:s19+$0x6400]  }
0x432: {  	v7 =	vld [tilespmem:s19+$0x6410]  }
0x433: {  	v10 =	vld [tilespmem:s19+$0x6420]  }
0x434: {  	v11 =	vld [tilespmem:s19+$0x6430]  }
0x435: {  	v48 =	vld [tilespmem:s19+$0x6440]  }
0x436: {  	v49 =	vld [tilespmem:s19+$0x12440];
	v3 =	vadd.f32 v4, v3  }
0x437: {  	v4 =	vadd.f32 v8, v7;
	v7 =	vld [tilespmem:s19+$0x6450]  }
0x438: {  	v8 =	vld [tilespmem:s19+$0x12450];
	[tilespmem:s19+$0x12400] =	vst v3;
	v3 =	vadd.f32 v9, v10  }
0x439: {  	[tilespmem:s19+$0x12410] =	vst v4;
	v4 =	vadd.f32 v5, v11;
	v5 =	vld [tilespmem:s19+$0x6460]  }
0x43a: {  	[tilespmem:s19+$0x12420] =	vst v3;
	v3 =	vld [tilespmem:s19+$0x12460]  }
0x43b: {  	v6 =	vadd.f32 v50, v6;
	v10 =	vld [tilespmem:s19+$0x12470]  }
0x43c: {  	v9 =	vadd.f32 v49, v48;
	[tilespmem:s19+$0x12430] =	vst v4;
	v4 =	vld [tilespmem:s19+$0x6470]  }
0x43d: {  	[tilespmem:s2+$0x12400] =	vst v6;
	v6 =	vld [tilespmem:s2+$0x12410]  }
0x43e: {  	s23 =	sor.u32 s0, s20;
	v11 =	vld [tilespmem:s2+$0x6410];
	[tilespmem:s19+$0x12440] =	vst v9;
	v7 =	vadd.f32 v8, v7  }
0x43f: {  	v8 =	vld [tilespmem:s23+$0x12400];
	v3 =	vadd.f32 v3, v5  }
0x440: {  	v9 =	vld [tilespmem:s23+$0x12410];
	[tilespmem:s19+$0x12450] =	vst v7  }
0x441: {  	v5 =	vld [tilespmem:s23+$0x12420];
	[tilespmem:s19+$0x12460] =	vst v3;
	v3 =	vadd.f32 v10, v4  }
0x442: {  	v7 =	vld [tilespmem:s2+$0x6420]  }
0x443: {  	v4 =	vld [tilespmem:s23+$0x12430];
	[tilespmem:s19+$0x12470] =	vst v3  }
0x444: {  	v3 =	vld [tilespmem:s23+$0x6400]  }
0x445: {  	v10 =	vld [tilespmem:s23+$0x6410]  }
0x446: {  	v51 =	vld [tilespmem:s23+$0x6420]  }
0x447: {  	v52 =	vld [tilespmem:s23+$0x6430]  }
0x448: {  	v53 =	vld [tilespmem:s23+$0x6440]  }
0x449: {  	v54 =	vld [tilespmem:s23+$0x12440];
	v3 =	vadd.f32 v8, v3  }
0x44a: {  	v8 =	vadd.f32 v9, v10;
	v9 =	vld [tilespmem:s23+$0x6450]  }
0x44b: {  	[tilespmem:s23+$0x12400] =	vst v3;
	v3 =	vadd.f32 v5, v51;
	v5 =	vld [tilespmem:s23+$0x12450]  }
0x44c: {  	v6 =	vadd.f32 v6, v11;
	[tilespmem:s23+$0x12410] =	vst v8;
	v8 =	vld [tilespmem:s23+$0x6460]  }
0x44d: {  	v4 =	vadd.f32 v4, v52;
	[tilespmem:s23+$0x12420] =	vst v3;
	v3 =	vld [tilespmem:s23+$0x12460]  }
0x44e: {  	[tilespmem:s2+$0x12410] =	vst v6;
	v6 =	vadd.f32 v55, v7;
	v11 =	vld [tilespmem:s23+$0x12470]  }
0x44f: {  	v10 =	vadd.f32 v54, v53;
	[tilespmem:s23+$0x12430] =	vst v4;
	v4 =	vld [tilespmem:s23+$0x6470]  }
0x450: {  	v59 =	vld [tilespmem:s2+$0x6440];
	[tilespmem:s2+$0x12420] =	vst v6  }
0x451: {  	s24 =	sor.u32 s0, s22;
	v6 =	vld [tilespmem:s2+$0x6430];
	[tilespmem:s23+$0x12440] =	vst v10;
	v5 =	vadd.f32 v5, v9  }
0x452: {  	v7 =	vld [tilespmem:s24+$0x12410];
	v3 =	vadd.f32 v3, v8  }
0x453: {  	v9 =	vld [tilespmem:s24+$0x12400];
	[tilespmem:s23+$0x12450] =	vst v5  }
0x454: {  	v5 =	vld [tilespmem:s24+$0x12420];
	[tilespmem:s23+$0x12460] =	vst v3;
	v3 =	vadd.f32 v11, v4  }
0x455: {  	v8 =	vld [tilespmem:s2+$0x12430]  }
0x456: {  	v4 =	vld [tilespmem:s24+$0x12430];
	[tilespmem:s23+$0x12470] =	vst v3  }
0x457: {  	v3 =	vld [tilespmem:s24+$0x6400]  }
0x458: {  	v10 =	vld [tilespmem:s24+$0x6410]  }
0x459: {  	v11 =	vld [tilespmem:s24+$0x6420]  }
0x45a: {  	v56 =	vld [tilespmem:s24+$0x6430]  }
0x45b: {  	v57 =	vld [tilespmem:s24+$0x6440]  }
0x45c: {  	v58 =	vld [tilespmem:s24+$0x12440];
	v3 =	vadd.f32 v9, v3  }
0x45d: {  	v7 =	vadd.f32 v7, v10;
	v9 =	vld [tilespmem:s24+$0x6450]  }
0x45e: {  	[tilespmem:s24+$0x12400] =	vst v3;
	v3 =	vadd.f32 v5, v11;
	v5 =	vld [tilespmem:s24+$0x12450]  }
0x45f: {  	[tilespmem:s24+$0x12410] =	vst v7;
	v7 =	vld [tilespmem:s24+$0x6460]  }
0x460: {  	v4 =	vadd.f32 v4, v56;
	[tilespmem:s24+$0x12420] =	vst v3;
	v3 =	vld [tilespmem:s24+$0x12460]  }
0x461: {  	v6 =	vadd.f32 v8, v6;
	v8 =	vld [tilespmem:s24+$0x12470];
	v10 =	vadd.f32 v58, v57  }
0x462: {  	[tilespmem:s24+$0x12430] =	vst v4;
	v4 =	vld [tilespmem:s24+$0x6470]  }
0x463: {  	s20 =	sor.u32 s0, s15;
	v60 =	vld [tilespmem:s2+$0x12450];
	[tilespmem:s24+$0x12440] =	vst v10  }
0x464: {  	[tilespmem:s2+$0x12430] =	vst v6;
	v6 =	vld [tilespmem:s20+$0x12410];
	v5 =	vadd.f32 v5, v9  }
0x465: {  	v9 =	vld [tilespmem:s20+$0x12400];
	v3 =	vadd.f32 v3, v7  }
0x466: {  	[tilespmem:s24+$0x12450] =	vst v5;
	v7 =	vld [tilespmem:s2+$0x12440]  }
0x467: {  	v10 =	vld [tilespmem:s20+$0x12420];
	[tilespmem:s24+$0x12460] =	vst v3;
	v3 =	vadd.f32 v8, v4  }
0x468: {  	v8 =	vld [tilespmem:s2+$0x6450]  }
0x469: {  	v11 =	vld [tilespmem:s20+$0x12430];
	[tilespmem:s24+$0x12470] =	vst v3  }
0x46a: {  	v4 =	vld [tilespmem:s20+$0x6400]  }
0x46b: {  	v61 =	vld [tilespmem:s20+$0x6410]  }
0x46c: {  	v62 =	vld [tilespmem:s20+$0x6420]  }
0x46d: {  	v63 =	vld [tilespmem:s20+$0x6430];
	v7 =	vadd.f32 v7, v59  }
0x46e: {  	v3 =	vld [tilespmem:s20+$0x6440];
	v8 =	vadd.f32 v60, v8  }
0x46f: {  	v5 =	vld [tilespmem:s20+$0x12440];
	[tilespmem:s2+$0x12440] =	vst v7;
	v9 =	vadd.f32 v9, v4  }
0x470: {  	v7 =	vld [tilespmem:s20+$0x12450];
	[tilespmem:s2+$0x12450] =	vst v8;
	v6 =	vadd.f32 v6, v61  }
0x471: {  	v4 =	vld [tilespmem:s20+$0x6450];
	[tilespmem:s20+$0x12400] =	vst v9;
	v9 =	vadd.f32 v10, v62  }
0x472: {  	s31 =	simm.s32 $0x0;
	v8 =	vadd.f32 v11, v63;
	[tilespmem:s20+$0x12410] =	vst v6;
	v6 =	vld [tilespmem:s20+$0x6460]  }
.LBB2_7:
0x473: {  	s31 =	sadd.s32 $0x2, s31;
	[tilespmem:s20+$0x12420] =	vst v9;
	v9 =	vld [tilespmem:s20+$0x12460]  }
0x474: {  	s30 =	sadd.s32 $0x100, s30;
	s0 =	sshrl.u32 s31, $0x3;
	p0 =	slt.u32 s31, $0xE;
	[tilespmem:s20+$0x12430] =	vst v8;
	v3 =	vadd.f32 v5, v3;
	v5 =	vld [tilespmem:s20+$0x6470]  }
0x475: {  	s15 =	sand.u32 $0x300, s30;
	s19 =	smul.u32 $0x1800, s0;
	v8 =	vld [tilespmem:s20+$0x12470]  }
0x476: {  	s16 =	sor.u32 $0x80, s15;
	[tilespmem:s20+$0x12440] =	vst v3;
	v3 =	vadd.f32 v7, v4;
	v4 =	vld [tilespmem:s2+$0x6460]  }
0x477: {  	s0 =	sor.u32 s15, s19;
	s23 =	sor.u32 s19, s16;
	v7 =	vld [tilespmem:s2+$0x12460]  }
0x478: {  	v10 =	vld [tilespmem:s23+$0x6400];
	[tilespmem:s20+$0x12450] =	vst v3;
	v3 =	vadd.f32 v9, v6  }
0x479: {  	v6 =	vld [tilespmem:s23+$0x12400]  }
0x47a: {  	v9 =	vld [tilespmem:s23+$0x6410];
	[tilespmem:s20+$0x12460] =	vst v3;
	v3 =	vadd.f32 v8, v5  }
0x47b: {  	v5 =	vld [tilespmem:s23+$0x12410]  }
0x47c: {  	v8 =	vld [tilespmem:s23+$0x6420];
	[tilespmem:s20+$0x12470] =	vst v3;
	v3 =	vadd.f32 v7, v4  }
0x47d: {  	v4 =	vld [tilespmem:s23+$0x12420]  }
0x47e: {  	v7 =	vld [tilespmem:s23+$0x6430];
	[tilespmem:s2+$0x12460] =	vst v3  }
0x47f: {  	v3 =	vld [tilespmem:s23+$0x12430]  }
0x480: {  	v11 =	vld [tilespmem:s23+$0x6440]  }
0x481: {  	v12 =	vld [tilespmem:s23+$0x12440]  }
0x482: {  	v13 =	vld [tilespmem:s23+$0x6450]  }
0x483: {  	v14 =	vld [tilespmem:s23+$0x12450]  }
0x484: {  	v15 =	vld [tilespmem:s23+$0x6460]  }
0x485: {  	v16 =	vld [tilespmem:s23+$0x12460]  }
0x486: {  	v17 =	vld [tilespmem:s23+$0x6470]  }
0x487: {  	v18 =	vld [tilespmem:s23+$0x12470]  }
0x488: {  	v19 =	vld [tilespmem:s23+$0x6800]  }
0x489: {  	v20 =	vld [tilespmem:s23+$0x12800]  }
0x48a: {  	v21 =	vld [tilespmem:s23+$0x6810]  }
0x48b: {  	v22 =	vld [tilespmem:s23+$0x12810]  }
0x48c: {  	v23 =	vld [tilespmem:s23+$0x6820]  }
0x48d: {  	v6 =	vadd.f32 v6, v10;
	v10 =	vld [tilespmem:s23+$0x12820]  }
0x48e: {  	v5 =	vadd.f32 v5, v9;
	v9 =	vld [tilespmem:s23+$0x6830]  }
0x48f: {  	v4 =	vadd.f32 v4, v8;
	[tilespmem:s23+$0x12400] =	vst v6;
	v6 =	vld [tilespmem:s23+$0x12830]  }
0x490: {  	v3 =	vadd.f32 v3, v7;
	[tilespmem:s23+$0x12410] =	vst v5;
	v5 =	vld [tilespmem:s23+$0x6840]  }
0x491: {  	[tilespmem:s23+$0x12420] =	vst v4;
	v4 =	vadd.f32 v12, v11;
	v7 =	vld [tilespmem:s23+$0x12840]  }
0x492: {  	[tilespmem:s23+$0x12430] =	vst v3;
	v3 =	vadd.f32 v14, v13;
	v8 =	vld [tilespmem:s23+$0x6850]  }
0x493: {  	[tilespmem:s23+$0x12440] =	vst v4;
	v4 =	vadd.f32 v16, v15;
	v11 =	vld [tilespmem:s23+$0x12850]  }
0x494: {  	[tilespmem:s23+$0x12450] =	vst v3;
	v3 =	vadd.f32 v18, v17;
	v12 =	vld [tilespmem:s23+$0x6860]  }
0x495: {  	[tilespmem:s23+$0x12460] =	vst v4;
	v4 =	vadd.f32 v20, v19;
	v13 =	vld [tilespmem:s23+$0x12860]  }
0x496: {  	[tilespmem:s23+$0x12470] =	vst v3;
	v3 =	vadd.f32 v22, v21;
	v14 =	vld [tilespmem:s23+$0x6870]  }
0x497: {  	[tilespmem:s23+$0x12800] =	vst v4;
	v4 =	vadd.f32 v10, v23;
	v10 =	vld [tilespmem:s23+$0x12870]  }
0x498: {  	v15 =	vld [tilespmem:s0+$0x6400];
	[tilespmem:s23+$0x12810] =	vst v3;
	v3 =	vadd.f32 v6, v9  }
0x499: {  	v6 =	vld [tilespmem:s0+$0x12400];
	[tilespmem:s23+$0x12820] =	vst v4;
	v4 =	vadd.f32 v7, v5  }
0x49a: {  	v5 =	vld [tilespmem:s0+$0x6410];
	[tilespmem:s23+$0x12830] =	vst v3;
	v3 =	vadd.f32 v11, v8  }
0x49b: {  	v7 =	vld [tilespmem:s0+$0x12410];
	[tilespmem:s23+$0x12840] =	vst v4;
	v4 =	vadd.f32 v13, v12  }
0x49c: {  	v8 =	vld [tilespmem:s0+$0x6420];
	[tilespmem:s23+$0x12850] =	vst v3;
	v3 =	vadd.f32 v10, v14  }
0x49d: {  	s2 =	sadd.s32 $0x800, s19;
	v9 =	vld [tilespmem:s0+$0x12420];
	[tilespmem:s23+$0x12860] =	vst v4  }
0x49e: {  	s22 =	sor.u32 s15, s2;
	s2 =	sor.u32 s16, s2;
	v4 =	vadd.f32 v6, v15;
	v6 =	vld [tilespmem:s0+$0x6430];
	[tilespmem:s23+$0x12870] =	vst v3  }
0x49f: {  	v3 =	vld [tilespmem:s2+$0x6400]  }
0x4a0: {  	[tilespmem:s0+$0x12400] =	vst v4;
	v4 =	vadd.f32 v7, v5;
	v5 =	vld [tilespmem:s2+$0x12400]  }
0x4a1: {  	v7 =	vld [tilespmem:s2+$0x6410]  }
0x4a2: {  	[tilespmem:s0+$0x12410] =	vst v4;
	v4 =	vadd.f32 v9, v8;
	v8 =	vld [tilespmem:s2+$0x12410]  }
0x4a3: {  	v9 =	vld [tilespmem:s2+$0x6420]  }
0x4a4: {  	[tilespmem:s0+$0x12420] =	vst v4;
	v4 =	vld [tilespmem:s2+$0x12420]  }
0x4a5: {  	v10 =	vld [tilespmem:s2+$0x6430]  }
0x4a6: {  	v11 =	vld [tilespmem:s2+$0x12430]  }
0x4a7: {  	v12 =	vld [tilespmem:s2+$0x6440]  }
0x4a8: {  	v13 =	vld [tilespmem:s2+$0x12440]  }
0x4a9: {  	v14 =	vld [tilespmem:s2+$0x6450]  }
0x4aa: {  	v15 =	vld [tilespmem:s2+$0x12450]  }
0x4ab: {  	v16 =	vld [tilespmem:s2+$0x6460]  }
0x4ac: {  	v3 =	vadd.f32 v5, v3;
	v5 =	vld [tilespmem:s2+$0x12460]  }
0x4ad: {  	v7 =	vadd.f32 v8, v7;
	v8 =	vld [tilespmem:s2+$0x6470]  }
0x4ae: {  	[tilespmem:s2+$0x12400] =	vst v3;
	v3 =	vadd.f32 v4, v9;
	v4 =	vld [tilespmem:s2+$0x12470]  }
0x4af: {  	v9 =	vld [tilespmem:s0+$0x12430];
	[tilespmem:s2+$0x12410] =	vst v7;
	v7 =	vadd.f32 v11, v10  }
0x4b0: {  	v10 =	vld [tilespmem:s0+$0x6440];
	[tilespmem:s2+$0x12420] =	vst v3;
	v3 =	vadd.f32 v13, v12  }
0x4b1: {  	v11 =	vld [tilespmem:s0+$0x12440];
	[tilespmem:s2+$0x12430] =	vst v7;
	v7 =	vadd.f32 v15, v14  }
0x4b2: {  	v12 =	vld [tilespmem:s0+$0x6450];
	[tilespmem:s2+$0x12440] =	vst v3;
	v3 =	vadd.f32 v5, v16  }
0x4b3: {  	v5 =	vld [tilespmem:s0+$0x12450];
	[tilespmem:s2+$0x12450] =	vst v7;
	v4 =	vadd.f32 v4, v8  }
0x4b4: {  	s20 =	sadd.s32 $0xC00, s19;
	v6 =	vadd.f32 v9, v6;
	v7 =	vld [tilespmem:s0+$0x6460];
	[tilespmem:s2+$0x12460] =	vst v3  }
0x4b5: {  	s23 =	sor.u32 s15, s20;
	v3 =	vld [tilespmem:s0+$0x12460];
	[tilespmem:s2+$0x12470] =	vst v4;
	s2 =	sor.u32 s16, s20  }
0x4b6: {  	[tilespmem:s0+$0x12430] =	vst v6;
	v4 =	vadd.f32 v11, v10;
	v6 =	vld [tilespmem:s2+$0x6400]  }
0x4b7: {  	v8 =	vld [tilespmem:s2+$0x12400]  }
0x4b8: {  	[tilespmem:s0+$0x12440] =	vst v4;
	v4 =	vadd.f32 v5, v12;
	v5 =	vld [tilespmem:s2+$0x6410]  }
0x4b9: {  	v9 =	vld [tilespmem:s2+$0x12410]  }
0x4ba: {  	[tilespmem:s0+$0x12450] =	vst v4;
	v3 =	vadd.f32 v3, v7;
	v4 =	vld [tilespmem:s2+$0x6420]  }
0x4bb: {  	v7 =	vld [tilespmem:s2+$0x12420]  }
0x4bc: {  	[tilespmem:s0+$0x12460] =	vst v3;
	v3 =	vld [tilespmem:s2+$0x6430]  }
0x4bd: {  	v10 =	vld [tilespmem:s2+$0x12430]  }
0x4be: {  	v11 =	vld [tilespmem:s2+$0x6440]  }
0x4bf: {  	v12 =	vld [tilespmem:s2+$0x12440]  }
0x4c0: {  	v13 =	vld [tilespmem:s2+$0x6450]  }
0x4c1: {  	v14 =	vld [tilespmem:s2+$0x12450]  }
0x4c2: {  	v15 =	vld [tilespmem:s2+$0x6460]  }
0x4c3: {  	v6 =	vadd.f32 v8, v6;
	v8 =	vld [tilespmem:s2+$0x12460]  }
0x4c4: {  	v5 =	vadd.f32 v9, v5;
	v9 =	vld [tilespmem:s2+$0x6470]  }
0x4c5: {  	v4 =	vadd.f32 v7, v4;
	[tilespmem:s2+$0x12400] =	vst v6;
	v6 =	vld [tilespmem:s2+$0x12470]  }
0x4c6: {  	v3 =	vadd.f32 v10, v3;
	v7 =	vld [tilespmem:s0+$0x6470];
	[tilespmem:s2+$0x12410] =	vst v5  }
0x4c7: {  	v5 =	vld [tilespmem:s0+$0x12470];
	[tilespmem:s2+$0x12420] =	vst v4;
	v4 =	vadd.f32 v12, v11  }
0x4c8: {  	v10 =	vld [tilespmem:s0+$0x6800];
	[tilespmem:s2+$0x12430] =	vst v3;
	v3 =	vadd.f32 v14, v13  }
0x4c9: {  	v11 =	vld [tilespmem:s0+$0x12800];
	[tilespmem:s2+$0x12440] =	vst v4;
	v4 =	vadd.f32 v8, v15  }
0x4ca: {  	v8 =	vld [tilespmem:s0+$0x6810];
	[tilespmem:s2+$0x12450] =	vst v3;
	v3 =	vadd.f32 v6, v9  }
0x4cb: {  	s20 =	sadd.s32 $0x1000, s19;
	v6 =	vld [tilespmem:s0+$0x12810];
	[tilespmem:s2+$0x12460] =	vst v4  }
0x4cc: {  	s24 =	sor.u32 s15, s20;
	v4 =	vadd.f32 v5, v7;
	v5 =	vld [tilespmem:s0+$0x6820];
	[tilespmem:s2+$0x12470] =	vst v3;
	s2 =	sor.u32 s16, s20  }
0x4cd: {  	v3 =	vld [tilespmem:s2+$0x6400]  }
0x4ce: {  	[tilespmem:s0+$0x12470] =	vst v4;
	v4 =	vadd.f32 v11, v10;
	v7 =	vld [tilespmem:s2+$0x12400]  }
0x4cf: {  	v9 =	vld [tilespmem:s2+$0x6410]  }
0x4d0: {  	[tilespmem:s0+$0x12800] =	vst v4;
	v4 =	vadd.f32 v6, v8;
	v6 =	vld [tilespmem:s2+$0x12410]  }
0x4d1: {  	v8 =	vld [tilespmem:s2+$0x6420]  }
0x4d2: {  	[tilespmem:s0+$0x12810] =	vst v4;
	v4 =	vld [tilespmem:s2+$0x12420]  }
0x4d3: {  	v10 =	vld [tilespmem:s2+$0x6430]  }
0x4d4: {  	v11 =	vld [tilespmem:s2+$0x12430]  }
0x4d5: {  	v12 =	vld [tilespmem:s2+$0x6440]  }
0x4d6: {  	v13 =	vld [tilespmem:s2+$0x12440]  }
0x4d7: {  	v14 =	vld [tilespmem:s2+$0x6450]  }
0x4d8: {  	v15 =	vld [tilespmem:s2+$0x12450]  }
0x4d9: {  	v16 =	vld [tilespmem:s2+$0x6460]  }
0x4da: {  	v3 =	vadd.f32 v7, v3;
	v7 =	vld [tilespmem:s2+$0x12460]  }
0x4db: {  	v6 =	vadd.f32 v6, v9;
	v9 =	vld [tilespmem:s2+$0x6470]  }
0x4dc: {  	[tilespmem:s2+$0x12400] =	vst v3;
	v3 =	vadd.f32 v4, v8;
	v4 =	vld [tilespmem:s2+$0x12470]  }
0x4dd: {  	v8 =	vld [tilespmem:s0+$0x12820];
	[tilespmem:s2+$0x12410] =	vst v6;
	v6 =	vadd.f32 v11, v10  }
0x4de: {  	v10 =	vld [tilespmem:s0+$0x6830];
	[tilespmem:s2+$0x12420] =	vst v3;
	v3 =	vadd.f32 v13, v12  }
0x4df: {  	v11 =	vld [tilespmem:s0+$0x12830];
	[tilespmem:s2+$0x12430] =	vst v6;
	v6 =	vadd.f32 v15, v14  }
0x4e0: {  	v12 =	vld [tilespmem:s0+$0x6840];
	[tilespmem:s2+$0x12440] =	vst v3;
	v3 =	vadd.f32 v7, v16  }
0x4e1: {  	v7 =	vld [tilespmem:s0+$0x12840];
	[tilespmem:s2+$0x12450] =	vst v6;
	v4 =	vadd.f32 v4, v9  }
0x4e2: {  	s19 =	sadd.s32 $0x1400, s19;
	v5 =	vadd.f32 v8, v5;
	v6 =	vld [tilespmem:s0+$0x6850];
	[tilespmem:s2+$0x12460] =	vst v3  }
0x4e3: {  	s20 =	sor.u32 s15, s19;
	v3 =	vld [tilespmem:s0+$0x12850];
	[tilespmem:s2+$0x12470] =	vst v4;
	s2 =	sor.u32 s16, s19  }
0x4e4: {  	[tilespmem:s0+$0x12820] =	vst v5;
	v4 =	vadd.f32 v11, v10;
	v5 =	vld [tilespmem:s2+$0x6470]  }
0x4e5: {  	v8 =	vld [tilespmem:s2+$0x12470]  }
0x4e6: {  	[tilespmem:s0+$0x12830] =	vst v4;
	v4 =	vadd.f32 v7, v12;
	v7 =	vld [tilespmem:s0+$0x6860]  }
0x4e7: {  	v9 =	vld [tilespmem:s0+$0x12860]  }
0x4e8: {  	[tilespmem:s0+$0x12840] =	vst v4;
	v3 =	vadd.f32 v3, v6;
	v4 =	vld [tilespmem:s0+$0x6870]  }
0x4e9: {  	v6 =	vld [tilespmem:s0+$0x12870]  }
0x4ea: {  	[tilespmem:s0+$0x12850] =	vst v3;
	v3 =	vld [tilespmem:s22+$0x12400];
	v5 =	vadd.f32 v8, v5  }
0x4eb: {  	v8 =	vld [tilespmem:s22+$0x12410]  }
0x4ec: {  	v7 =	vadd.f32 v9, v7;
	v9 =	vld [tilespmem:s22+$0x12420];
	[tilespmem:s2+$0x12470] =	vst v5  }
0x4ed: {  	v5 =	vld [tilespmem:s2+$0x6400]  }
0x4ee: {  	[tilespmem:s0+$0x12860] =	vst v7;
	v4 =	vadd.f32 v6, v4;
	v6 =	vld [tilespmem:s2+$0x12400]  }
0x4ef: {  	v7 =	vld [tilespmem:s22+$0x12430]  }
0x4f0: {  	[tilespmem:s0+$0x12870] =	vst v4;
	v4 =	vld [tilespmem:s2+$0x6410]  }
0x4f1: {  	v10 =	vld [tilespmem:s22+$0x6400]  }
0x4f2: {  	v11 =	vld [tilespmem:s22+$0x6410]  }
0x4f3: {  	v12 =	vld [tilespmem:s22+$0x6420];
	v5 =	vadd.f32 v6, v5  }
0x4f4: {  	v6 =	vld [tilespmem:s22+$0x6430]  }
0x4f5: {  	v13 =	vld [tilespmem:s22+$0x6440];
	[tilespmem:s2+$0x12400] =	vst v5  }
0x4f6: {  	v3 =	vadd.f32 v3, v10;
	v5 =	vld [tilespmem:s22+$0x12440]  }
0x4f7: {  	v8 =	vadd.f32 v8, v11;
	v10 =	vld [tilespmem:s22+$0x6450]  }
0x4f8: {  	[tilespmem:s22+$0x12400] =	vst v3;
	v3 =	vadd.f32 v9, v12;
	v9 =	vld [tilespmem:s22+$0x12450]  }
0x4f9: {  	[tilespmem:s22+$0x12410] =	vst v8;
	v6 =	vadd.f32 v7, v6;
	v7 =	vld [tilespmem:s22+$0x6460]  }
0x4fa: {  	[tilespmem:s22+$0x12420] =	vst v3;
	v3 =	vld [tilespmem:s22+$0x12460]  }
0x4fb: {  	[tilespmem:s22+$0x12430] =	vst v6;
	v5 =	vadd.f32 v5, v13;
	v6 =	vld [tilespmem:s22+$0x6470]  }
0x4fc: {  	v8 =	vld [tilespmem:s22+$0x12470]  }
0x4fd: {  	[tilespmem:s22+$0x12440] =	vst v5;
	v5 =	vadd.f32 v9, v10;
	v9 =	vld [tilespmem:s23+$0x12400]  }
0x4fe: {  	v10 =	vld [tilespmem:s23+$0x12410]  }
0x4ff: {  	[tilespmem:s22+$0x12450] =	vst v5;
	v3 =	vadd.f32 v3, v7;
	v5 =	vld [tilespmem:s2+$0x12410]  }
0x500: {  	v7 =	vld [tilespmem:s23+$0x12420]  }
0x501: {  	[tilespmem:s22+$0x12460] =	vst v3;
	v3 =	vadd.f32 v8, v6;
	v6 =	vld [tilespmem:s2+$0x6420]  }
0x502: {  	v8 =	vld [tilespmem:s23+$0x12430]  }
0x503: {  	[tilespmem:s22+$0x12470] =	vst v3;
	v3 =	vld [tilespmem:s2+$0x12420]  }
0x504: {  	v11 =	vld [tilespmem:s23+$0x6400];
	v4 =	vadd.f32 v5, v4  }
0x505: {  	v5 =	vld [tilespmem:s23+$0x6410]  }
0x506: {  	v12 =	vld [tilespmem:s23+$0x6420];
	[tilespmem:s2+$0x12410] =	vst v4  }
0x507: {  	v4 =	vld [tilespmem:s23+$0x6430]  }
0x508: {  	v13 =	vld [tilespmem:s23+$0x6440];
	v3 =	vadd.f32 v3, v6  }
0x509: {  	v6 =	vadd.f32 v9, v11;
	v9 =	vld [tilespmem:s23+$0x12440]  }
0x50a: {  	v5 =	vadd.f32 v10, v5;
	v10 =	vld [tilespmem:s23+$0x6450];
	[tilespmem:s2+$0x12420] =	vst v3  }
0x50b: {  	[tilespmem:s23+$0x12400] =	vst v6;
	v3 =	vadd.f32 v7, v12;
	v6 =	vld [tilespmem:s23+$0x12450]  }
0x50c: {  	[tilespmem:s23+$0x12410] =	vst v5;
	v4 =	vadd.f32 v8, v4;
	v5 =	vld [tilespmem:s23+$0x6460]  }
0x50d: {  	[tilespmem:s23+$0x12420] =	vst v3;
	v3 =	vld [tilespmem:s23+$0x12460]  }
0x50e: {  	[tilespmem:s23+$0x12430] =	vst v4;
	v4 =	vadd.f32 v9, v13;
	v7 =	vld [tilespmem:s23+$0x6470]  }
0x50f: {  	v8 =	vld [tilespmem:s23+$0x12470]  }
0x510: {  	[tilespmem:s23+$0x12440] =	vst v4;
	v4 =	vadd.f32 v6, v10;
	v6 =	vld [tilespmem:s24+$0x12400]  }
0x511: {  	v9 =	vld [tilespmem:s24+$0x12410]  }
0x512: {  	[tilespmem:s23+$0x12450] =	vst v4;
	v3 =	vadd.f32 v3, v5;
	v4 =	vld [tilespmem:s2+$0x6430]  }
0x513: {  	v5 =	vld [tilespmem:s24+$0x12420]  }
0x514: {  	[tilespmem:s23+$0x12460] =	vst v3;
	v3 =	vadd.f32 v8, v7;
	v7 =	vld [tilespmem:s2+$0x12430]  }
0x515: {  	v8 =	vld [tilespmem:s24+$0x12430]  }
0x516: {  	[tilespmem:s23+$0x12470] =	vst v3;
	v3 =	vld [tilespmem:s2+$0x6440]  }
0x517: {  	v10 =	vld [tilespmem:s24+$0x6400]  }
0x518: {  	v11 =	vld [tilespmem:s24+$0x6410]  }
0x519: {  	v12 =	vld [tilespmem:s24+$0x6420];
	v4 =	vadd.f32 v7, v4  }
0x51a: {  	v7 =	vld [tilespmem:s24+$0x6430]  }
0x51b: {  	v13 =	vld [tilespmem:s24+$0x6440];
	[tilespmem:s2+$0x12430] =	vst v4  }
0x51c: {  	v4 =	vadd.f32 v6, v10;
	v6 =	vld [tilespmem:s24+$0x12440]  }
0x51d: {  	v9 =	vadd.f32 v9, v11;
	v10 =	vld [tilespmem:s24+$0x6450]  }
0x51e: {  	[tilespmem:s24+$0x12400] =	vst v4;
	v4 =	vadd.f32 v5, v12;
	v5 =	vld [tilespmem:s24+$0x12450]  }
0x51f: {  	[tilespmem:s24+$0x12410] =	vst v9;
	v7 =	vadd.f32 v8, v7;
	v8 =	vld [tilespmem:s24+$0x6460]  }
0x520: {  	[tilespmem:s24+$0x12420] =	vst v4;
	v4 =	vld [tilespmem:s24+$0x12460]  }
0x521: {  	[tilespmem:s24+$0x12430] =	vst v7;
	v6 =	vadd.f32 v6, v13;
	v7 =	vld [tilespmem:s24+$0x6470]  }
0x522: {  	v9 =	vld [tilespmem:s24+$0x12470]  }
0x523: {  	[tilespmem:s24+$0x12440] =	vst v6;
	v5 =	vadd.f32 v5, v10;
	v6 =	vld [tilespmem:s20+$0x12400]  }
0x524: {  	v10 =	vld [tilespmem:s20+$0x12410]  }
0x525: {  	[tilespmem:s24+$0x12450] =	vst v5;
	v4 =	vadd.f32 v4, v8;
	v5 =	vld [tilespmem:s2+$0x12440]  }
0x526: {  	v8 =	vld [tilespmem:s20+$0x12420]  }
0x527: {  	[tilespmem:s24+$0x12460] =	vst v4;
	v4 =	vadd.f32 v9, v7;
	v7 =	vld [tilespmem:s2+$0x6450]  }
0x528: {  	v11 =	vld [tilespmem:s20+$0x12430]  }
0x529: {  	[tilespmem:s24+$0x12470] =	vst v4;
	v4 =	vld [tilespmem:s2+$0x12450]  }
0x52a: {  	v9 =	vld [tilespmem:s20+$0x6400];
	v3 =	vadd.f32 v5, v3  }
0x52b: {  	v12 =	vld [tilespmem:s20+$0x6410]  }
0x52c: {  	v13 =	vld [tilespmem:s20+$0x6420];
	[tilespmem:s2+$0x12440] =	vst v3  }
0x52d: {  	v14 =	vld [tilespmem:s20+$0x6430]  }
.Ltmp2:
0x52e: {  	v3 =	vld [tilespmem:s20+$0x6440];
	v7 =	vadd.f32 v4, v7;
	(pc) =	sbr.rel @p0 .LBB2_7-.Ltmp2, $4  }
0x52f: {  	v6 =	vadd.f32 v6, v9;
	v5 =	vld [tilespmem:s20+$0x12440]  }
0x530: {  	v10 =	vadd.f32 v10, v12;
	v4 =	vld [tilespmem:s20+$0x6450];
	[tilespmem:s2+$0x12450] =	vst v7  }
0x531: {  	[tilespmem:s20+$0x12400] =	vst v6;
	v9 =	vadd.f32 v8, v13;
	v7 =	vld [tilespmem:s20+$0x12450]  }
0x532: {  	[tilespmem:s20+$0x12410] =	vst v10;
	v8 =	vadd.f32 v11, v14;
	v6 =	vld [tilespmem:s20+$0x6460]  }
0x533: {  	[tilespmem:s20+$0x12420] =	vst v9;
	v9 =	vld [tilespmem:s20+$0x12460]  }
0x534: {  	v10 =	vld [tilespmem:s20+$0x12470]  }
0x535: {  	v11 =	vld [tilespmem:s2+$0x6460]  }
0x536: {  	[tilespmem:s20+$0x12430] =	vst v8;
	v8 =	vld [tilespmem:s20+$0x6470]  }
0x537: {  	v12 =	vld [tilespmem:s2+$0x12460]  }
0x538: {  	v3 =	vadd.f32 v5, v3  }
0x539: {  	s0 =	sshll.u32 s11, $0x4;
	v4 =	vadd.f32 v7, v4  }
0x53a: {  	s0 =	sadd.s32 s5, s0;
	[tilespmem:s20+$0x12440] =	vst v3;
	v3 =	vadd.f32 v9, v6  }
0x53b: {  	s0 =	sshrl.u32 s0, $0x3;
	[tilespmem:s20+$0x12450] =	vst v4;
	v4 =	vadd.f32 v10, v8  }
0x53c: {  	s0 =	smul.u32 $0x300, s0;
	[tilespmem:s20+$0x12460] =	vst v3;
	v3 =	vadd.f32 v12, v11  }
0x53d: {  	s11 =	sor.u32 $0x3, s13;
	[tilespmem:s20+$0x12470] =	vst v4  }
0x53e: {  	p0 =	sgt.u32 s11, $0x3D;
	s0 =	sadd.s32 s4, s0;
	[tilespmem:s2+$0x12460] =	vst v3  }
0x53f: {  	[hbm4b:s0+s6] =	stream.linear.scatter [tilespmem:s29], [sflag:$0x7], $0x3000, $0x38;
	[tilespmem:$0x18400] =	vst v63  }
0x540: {  	s0 =	simm.s32 @!p0 $0x6  }
0x541: {  	_ =	swait.ge @!p0 [sflag:s0], $0x3000  }
0x542: {  	[sflag:s0] =	ssyncset.done @!p0 $0x0  }
0x543: {  	[sflag:s0] =	ssyncadd.s32 @!p0 $0xFFFFD000  }
0x544: {  	v3 =	vld @!p0 [tilespmem:s8+$0x50];
	_ =	sdelay $0x4  }
0x545: {  	v4 =	vshrl.u32 @!p0 v3, $0x3  }
0x546: {  	v4 =	vmul.u32 @!p0 $0x30, v4  }
0x547: {  	v5 =	vlaneseq.u32 @!p0;
	v3 =	vand.u32 @!p0 $0x7, v3  }
0x548: {  	v6 =	vshrl.u32 @!p0 v5, $0x3;
	v3 =	vor.u32 @!p0 v3, v4;
	v4 =	vand.u32 @!p0 $0x7, v5  }
0x549: {  	v6 =	vmul.u32 @!p0 $0x8, v6;
	v4 =	vperm.xlane @!p0 v3, v4;
	_ =	sdelay $0x1  }
0x54a: {  	v4 =	vadd.s32 @!p0 v6, v4;
	_ =	sdelay $0x2  }
0x54b: {  	v5 =	vor.u32 @!p0 $0x8, v5  }
0x54c: {  	vm1 =	vmmov @!p0 $0xffff;
	s2 =	simm.s32 @!p0 $0xF400;
	s0 =	simm.s32 @!p0 $0x0;
	v3 =	vperm.xlane @!p0 v3, v5  }
0x54d: {  	[tilespmem:s2], [sflag:$0x2] =	stream.indirect_vreg.gather @!p0 [hbm4b:s3+s0], $0x80, v4, vm1, $0xb8;
	[tilespmem:$0x18400] =	vst v63  }
0x54e: {  	v3 =	vadd.s32 @!p0 v6, v3;
	s2 =	simm.s32 @!p0 $0xFC00  }
0x54f: {  	[tilespmem:s2], [sflag:$0x2] =	stream.indirect_vreg.gather @!p0 [hbm4b:s9+s0], $0x80, v4, vm1, $0xb8;
	[tilespmem:$0x18400] =	vst v63  }
0x550: {  	s2 =	simm.s32 @!p0 $0x10400  }
0x551: {  	[tilespmem:s2], [sflag:$0x2] =	stream.indirect_vreg.gather @!p0 [hbm4b:s10+s0], $0x80, v4, vm1, $0xb8;
	[tilespmem:$0x18400] =	vst v63  }
0x552: {  	s2 =	simm.s32 @!p0 $0x10C00  }
0x553: {  	[tilespmem:s2], [sflag:$0x2] =	stream.indirect_vreg.gather @!p0 [hbm4b:s3+s0], $0x80, v3, vm1, $0xb8;
	[tilespmem:$0x18400] =	vst v63  }
0x554: {  	s2 =	sadd.s32 @!p0 $0x50, s8  }
0x555: {  	s8 =	simm.s32 @!p0 $0x11400;
	s2 =	sadd.s32 @!p0 s5, s2  }
0x556: {  	[tilespmem:s8], [sflag:$0x2] =	stream.indirect_vreg.gather @!p0 [hbm4b:s9+s0], $0x80, v3, vm1, $0xb8;
	[tilespmem:$0x18400] =	vst v63  }
0x557: {  	s2 =	sshrl.u32 @!p0 s2, $0x3  }
0x558: {  	s8 =	simm.s32 @!p0 $0x11C00;
	s2 =	smul.u32 @!p0 $0x300, s2  }
0x559: {  	[tilespmem:s8], [sflag:$0x2] =	stream.indirect_vreg.gather @!p0 [hbm4b:s10+s0], $0x80, v3, vm1, $0xb8;
	[tilespmem:$0x18400] =	vst v63  }
0x55a: {  	s8 =	simm.s32 @!p0 $0x3400;
	s2 =	sadd.s32 @!p0 s1, s2  }
0x55b: {  	[tilespmem:s8], [sflag:$0x2] =	stream.linear.gather @!p0 [hbm4b:s2+s0], $0x3000, $0x38;
	[tilespmem:$0x18400] =	vst v63  }
0x55c: {  	_ =	swait.ge [sflag:s7], $0x3000  }
0x55d: {  	[sflag:s7] =	ssyncset.done $0x0  }
0x55e: {  	s24 =	simm.s32 $0x0;
	s8 =	simm.s32 $0x0;
	[sflag:s7] =	ssyncadd.s32 $0xFFFFD000  }
0x55f: {  	s13 =	smul.u32 $0x1800, s24;
	s0 =	sand.u32 $0x300, s8;
	_ =	swait.ge [sflag:s7], $0x3000  }
0x560: {  	s2 =	sor.u32 $0x80, s0;
	[sflag:s7] =	ssyncset.done $0x0  }
0x561: {  	s19 =	sor.u32 s13, s2;
	[sflag:s7] =	ssyncadd.s32 $0xFFFFD000  }
0x562: {  	v3 =	vld [tilespmem:s19+$0x9400]  }
0x563: {  	v4 =	vld [tilespmem:s19+$0x15400]  }
0x564: {  	v5 =	vld [tilespmem:s19+$0x9410]  }
0x565: {  	v6 =	vld [tilespmem:s19+$0x15410]  }
0x566: {  	v7 =	vld [tilespmem:s19+$0x9420]  }
0x567: {  	v8 =	vld [tilespmem:s19+$0x15420]  }
0x568: {  	v9 =	vld [tilespmem:s19+$0x9430]  }
0x569: {  	v10 =	vld [tilespmem:s19+$0x15430]  }
0x56a: {  	v11 =	vld [tilespmem:s19+$0x9440]  }
0x56b: {  	v30 =	vld [tilespmem:s19+$0x15440]  }
0x56c: {  	v13 =	vld [tilespmem:s19+$0x9450]  }
0x56d: {  	v14 =	vld [tilespmem:s19+$0x15450]  }
0x56e: {  	v15 =	vld [tilespmem:s19+$0x9460]  }
0x56f: {  	v16 =	vld [tilespmem:s19+$0x15460]  }
0x570: {  	v17 =	vld [tilespmem:s19+$0x9470]  }
0x571: {  	v18 =	vld [tilespmem:s19+$0x15470]  }
0x572: {  	v19 =	vld [tilespmem:s19+$0x9800]  }
0x573: {  	v20 =	vld [tilespmem:s19+$0x15800]  }
0x574: {  	v21 =	vld [tilespmem:s19+$0x9810]  }
0x575: {  	v22 =	vld [tilespmem:s19+$0x15810]  }
0x576: {  	v23 =	vld [tilespmem:s19+$0x9820]  }
0x577: {  	v31 =	vld [tilespmem:s19+$0x9860];
	v3 =	vadd.f32 v4, v3  }
0x578: {  	v32 =	vld [tilespmem:s19+$0x15860];
	v5 =	vadd.f32 v6, v5  }
0x579: {  	v4 =	vld [tilespmem:s19+$0x15820];
	[tilespmem:s19+$0x15400] =	vst v3;
	v3 =	vadd.f32 v8, v7  }
0x57a: {  	v6 =	vld [tilespmem:s19+$0x9830];
	[tilespmem:s19+$0x15410] =	vst v5;
	v5 =	vadd.f32 v10, v9  }
0x57b: {  	v7 =	vld [tilespmem:s19+$0x15830];
	[tilespmem:s19+$0x15420] =	vst v3;
	v3 =	vadd.f32 v30, v11  }
0x57c: {  	v8 =	vld [tilespmem:s19+$0x9840];
	[tilespmem:s19+$0x15430] =	vst v5;
	v5 =	vadd.f32 v14, v13  }
0x57d: {  	v9 =	vld [tilespmem:s19+$0x15840];
	[tilespmem:s19+$0x15440] =	vst v3;
	v3 =	vadd.f32 v16, v15  }
0x57e: {  	v10 =	vld [tilespmem:s19+$0x9850];
	[tilespmem:s19+$0x15450] =	vst v5;
	v5 =	vadd.f32 v18, v17  }
0x57f: {  	v11 =	vld [tilespmem:s19+$0x15850];
	[tilespmem:s19+$0x15460] =	vst v3;
	v3 =	vadd.f32 v20, v19  }
0x580: {  	v33 =	vld [tilespmem:s19+$0x9870];
	[tilespmem:s19+$0x15470] =	vst v5;
	v5 =	vadd.f32 v22, v21  }
0x581: {  	s15 =	sor.u32 s0, s13;
	[tilespmem:s19+$0x15800] =	vst v3;
	v3 =	vadd.f32 v4, v23;
	v4 =	vld [tilespmem:s19+$0x15870]  }
0x582: {  	v46 =	vld [tilespmem:s15+$0x15430];
	[tilespmem:s19+$0x15810] =	vst v5;
	v5 =	vadd.f32 v7, v6  }
0x583: {  	v47 =	vld [tilespmem:s15+$0x9440];
	[tilespmem:s19+$0x15820] =	vst v3;
	v3 =	vadd.f32 v9, v8  }
0x584: {  	v48 =	vld [tilespmem:s15+$0x15440];
	[tilespmem:s19+$0x15830] =	vst v5;
	v5 =	vadd.f32 v11, v10  }
0x585: {  	v49 =	vld [tilespmem:s15+$0x9450];
	[tilespmem:s19+$0x15840] =	vst v3;
	v3 =	vadd.f32 v32, v31  }
0x586: {  	v50 =	vld [tilespmem:s15+$0x9460];
	[tilespmem:s19+$0x15850] =	vst v5;
	v4 =	vadd.f32 v4, v33  }
0x587: {  	s16 =	sadd.s32 $0x800, s13;
	v60 =	vld [tilespmem:s15+$0x9470];
	[tilespmem:s19+$0x15860] =	vst v3  }
0x588: {  	s30 =	sor.u32 s2, s16;
	v62 =	vld [tilespmem:s15+$0x15470];
	[tilespmem:s19+$0x15870] =	vst v4  }
0x589: {  	v4 =	vld [tilespmem:s30+$0x9400]  }
0x58a: {  	v10 =	vld [tilespmem:s30+$0x15400]  }
0x58b: {  	v11 =	vld [tilespmem:s30+$0x9410]  }
0x58c: {  	v34 =	vld [tilespmem:s30+$0x15410]  }
0x58d: {  	v35 =	vld [tilespmem:s30+$0x9420]  }
0x58e: {  	v36 =	vld [tilespmem:s30+$0x15420]  }
0x58f: {  	v37 =	vld [tilespmem:s30+$0x9430]  }
0x590: {  	v38 =	vld [tilespmem:s30+$0x15430]  }
0x591: {  	v39 =	vld [tilespmem:s30+$0x9440]  }
0x592: {  	v40 =	vld [tilespmem:s30+$0x15440]  }
0x593: {  	v41 =	vld [tilespmem:s30+$0x9450]  }
0x594: {  	v42 =	vld [tilespmem:s30+$0x15450]  }
0x595: {  	v43 =	vld [tilespmem:s30+$0x9460]  }
0x596: {  	v44 =	vld [tilespmem:s30+$0x9470];
	v4 =	vadd.f32 v10, v4  }
0x597: {  	v10 =	vld [tilespmem:s30+$0x15460];
	v11 =	vadd.f32 v34, v11  }
0x598: {  	v45 =	vld [tilespmem:s30+$0x15470];
	[tilespmem:s30+$0x15400] =	vst v4;
	v4 =	vadd.f32 v36, v35  }
0x599: {  	v63 =	vld [tilespmem:s15+$0x9800];
	[tilespmem:s30+$0x15410] =	vst v11;
	v11 =	vadd.f32 v38, v37  }
0x59a: {  	v15 =	vld [tilespmem:s15+$0x9400];
	[tilespmem:s30+$0x15420] =	vst v4;
	v4 =	vadd.f32 v40, v39  }
0x59b: {  	v6 =	vld [tilespmem:s15+$0x15400];
	[tilespmem:s30+$0x15430] =	vst v11;
	v11 =	vadd.f32 v42, v41  }
0x59c: {  	v7 =	vld [tilespmem:s15+$0x9410];
	[tilespmem:s30+$0x15440] =	vst v4;
	v4 =	vadd.f32 v10, v43  }
0x59d: {  	v9 =	vld [tilespmem:s15+$0x9420];
	[tilespmem:s30+$0x15450] =	vst v11;
	v11 =	vadd.f32 v45, v44  }
0x59e: {  	s31 =	sadd.s32 $0xC00, s13;
	v5 =	vld [tilespmem:s15+$0x15420];
	[tilespmem:s30+$0x15460] =	vst v4  }
0x59f: {  	s22 =	sor.u32 s2, s31;
	v3 =	vld [tilespmem:s15+$0x9430];
	[tilespmem:s30+$0x15470] =	vst v11  }
0x5a0: {  	v11 =	vld [tilespmem:s22+$0x9400]  }
0x5a1: {  	v51 =	vld [tilespmem:s22+$0x15400]  }
0x5a2: {  	v52 =	vld [tilespmem:s22+$0x9410]  }
0x5a3: {  	v53 =	vld [tilespmem:s22+$0x15410]  }
0x5a4: {  	v54 =	vld [tilespmem:s22+$0x9420]  }
0x5a5: {  	v55 =	vld [tilespmem:s22+$0x15420]  }
0x5a6: {  	v56 =	vld [tilespmem:s22+$0x9430]  }
0x5a7: {  	v24 =	vld [tilespmem:s22+$0x15430]  }
0x5a8: {  	v25 =	vld [tilespmem:s22+$0x9440]  }
0x5a9: {  	v26 =	vld [tilespmem:s22+$0x15440]  }
0x5aa: {  	v27 =	vld [tilespmem:s22+$0x9450]  }
0x5ab: {  	v28 =	vld [tilespmem:s22+$0x15450]  }
0x5ac: {  	v5 =	vadd.f32 v5, v9;
	v29 =	vld [tilespmem:s22+$0x9460]  }
0x5ad: {  	v58 =	vld [tilespmem:s22+$0x9470];
	v11 =	vadd.f32 v51, v11  }
0x5ae: {  	[tilespmem:s15+$0x15420] =	vst v5;
	v59 =	vld [tilespmem:s22+$0x15470];
	v19 =	vadd.f32 v53, v52  }
0x5af: {  	v57 =	vld [tilespmem:s22+$0x15460];
	v61 =	vadd.f32 v24, v56;
	[tilespmem:s22+$0x15400] =	vst v11  }
0x5b0: {  	v8 =	vld [tilespmem:s15+$0x15410];
	v11 =	vadd.f32 v55, v54;
	[tilespmem:s22+$0x15410] =	vst v19  }
0x5b1: {  	v33 =	vld [tilespmem:s15+$0x15800];
	v32 =	vadd.f32 v28, v27;
	[tilespmem:s22+$0x15430] =	vst v61  }
0x5b2: {  	v3 =	vadd.f32 v46, v3;
	v46 =	vld [tilespmem:s15+$0x15820];
	[tilespmem:s22+$0x15420] =	vst v11;
	v11 =	vadd.f32 v26, v25  }
0x5b3: {  	v5 =	vadd.f32 v48, v47;
	v47 =	vld [tilespmem:s15+$0x15850];
	v35 =	vadd.f32 v59, v58;
	[tilespmem:s22+$0x15450] =	vst v32  }
0x5b4: {  	v34 =	vld [tilespmem:s15+$0x9810];
	[tilespmem:s22+$0x15440] =	vst v11;
	v11 =	vadd.f32 v57, v29  }
0x5b5: {  	s23 =	sadd.s32 $0x1000, s13;
	v10 =	vld [tilespmem:s15+$0x15450];
	[tilespmem:s22+$0x15470] =	vst v35  }
0x5b6: {  	s24 =	sor.u32 s2, s23;
	v4 =	vld [tilespmem:s15+$0x15460];
	[tilespmem:s22+$0x15460] =	vst v11  }
0x5b7: {  	v19 =	vld [tilespmem:s24+$0x9400]  }
0x5b8: {  	v37 =	vld [tilespmem:s24+$0x15400]  }
0x5b9: {  	v38 =	vld [tilespmem:s24+$0x9410]  }
0x5ba: {  	v39 =	vld [tilespmem:s24+$0x15410]  }
0x5bb: {  	v40 =	vld [tilespmem:s24+$0x9420]  }
0x5bc: {  	v41 =	vld [tilespmem:s24+$0x15420]  }
0x5bd: {  	v6 =	vadd.f32 v6, v15;
	v42 =	vld [tilespmem:s24+$0x9430]  }
0x5be: {  	v7 =	vadd.f32 v8, v7;
	v8 =	vld [tilespmem:s24+$0x15430]  }
0x5bf: {  	[tilespmem:s15+$0x15400] =	vst v6;
	v6 =	vld [tilespmem:s24+$0x9440]  }
0x5c0: {  	[tilespmem:s15+$0x15410] =	vst v7;
	v7 =	vld [tilespmem:s24+$0x15440]  }
0x5c1: {  	v9 =	vld [tilespmem:s24+$0x9450]  }
0x5c2: {  	[tilespmem:s15+$0x15430] =	vst v3;
	v3 =	vadd.f32 v10, v49;
	v10 =	vld [tilespmem:s24+$0x15450]  }
0x5c3: {  	[tilespmem:s15+$0x15440] =	vst v5;
	v4 =	vadd.f32 v4, v50;
	v5 =	vld [tilespmem:s24+$0x9460]  }
0x5c4: {  	[tilespmem:s15+$0x15450] =	vst v3;
	v43 =	vld [tilespmem:s24+$0x15460];
	v3 =	vadd.f32 v37, v19  }
0x5c5: {  	[tilespmem:s15+$0x15460] =	vst v4;
	v44 =	vld [tilespmem:s24+$0x9470];
	v4 =	vadd.f32 v39, v38  }
0x5c6: {  	v45 =	vld [tilespmem:s24+$0x15470];
	[tilespmem:s24+$0x15400] =	vst v3;
	v3 =	vadd.f32 v41, v40  }
0x5c7: {  	v36 =	vld [tilespmem:s15+$0x15810];
	[tilespmem:s24+$0x15410] =	vst v4;
	v4 =	vadd.f32 v8, v42  }
0x5c8: {  	v11 =	vld [tilespmem:s15+$0x9820];
	[tilespmem:s24+$0x15420] =	vst v3;
	v3 =	vadd.f32 v7, v6  }
0x5c9: {  	v8 =	vld [tilespmem:s15+$0x9830];
	[tilespmem:s24+$0x15430] =	vst v4;
	v4 =	vadd.f32 v10, v9  }
0x5ca: {  	v6 =	vld [tilespmem:s15+$0x15830];
	[tilespmem:s24+$0x15440] =	vst v3;
	v3 =	vadd.f32 v43, v5  }
0x5cb: {  	v7 =	vld [tilespmem:s15+$0x9840];
	[tilespmem:s24+$0x15450] =	vst v4;
	v4 =	vadd.f32 v45, v44  }
0x5cc: {  	s13 =	sadd.s32 $0x1400, s13;
	v9 =	vadd.f32 v62, v60;
	v5 =	vld [tilespmem:s15+$0x15840];
	[tilespmem:s24+$0x15460] =	vst v3  }
0x5cd: {  	s2 =	sor.u32 s2, s13;
	v10 =	vld [tilespmem:s15+$0x9850];
	v3 =	vadd.f32 v33, v63;
	[tilespmem:s24+$0x15470] =	vst v4  }
0x5ce: {  	[tilespmem:s15+$0x15470] =	vst v9;
	v4 =	vadd.f32 v36, v34;
	v9 =	vld [tilespmem:s2+$0x9470]  }
0x5cf: {  	[tilespmem:s15+$0x15800] =	vst v3;
	v3 =	vadd.f32 v46, v11;
	v11 =	vld [tilespmem:s2+$0x15470]  }
0x5d0: {  	[tilespmem:s15+$0x15810] =	vst v4;
	v4 =	vadd.f32 v6, v8;
	v6 =	vld [tilespmem:s15+$0x9860]  }
0x5d1: {  	[tilespmem:s15+$0x15820] =	vst v3;
	v3 =	vadd.f32 v5, v7;
	v5 =	vld [tilespmem:s15+$0x15860]  }
0x5d2: {  	[tilespmem:s15+$0x15830] =	vst v4;
	v7 =	vld [tilespmem:s15+$0x9870]  }
0x5d3: {  	v4 =	vadd.f32 v47, v10;
	[tilespmem:s15+$0x15840] =	vst v3;
	v3 =	vld [tilespmem:s15+$0x15870]  }
0x5d4: {  	v50 =	vld [tilespmem:s2+$0x15400]  }
0x5d5: {  	s16 =	sor.u32 s0, s16;
	v55 =	vld [tilespmem:s2+$0x15420];
	[tilespmem:s15+$0x15850] =	vst v4  }
0x5d6: {  	v4 =	vld [tilespmem:s16+$0x15400];
	v5 =	vadd.f32 v5, v6  }
0x5d7: {  	v8 =	vld [tilespmem:s16+$0x15410];
	v6 =	vadd.f32 v11, v9  }
0x5d8: {  	v9 =	vld [tilespmem:s16+$0x15420];
	[tilespmem:s15+$0x15860] =	vst v5;
	v3 =	vadd.f32 v3, v7  }
0x5d9: {  	[tilespmem:s2+$0x15470] =	vst v6;
	v6 =	vld [tilespmem:s2+$0x9400]  }
0x5da: {  	v5 =	vld [tilespmem:s16+$0x15430];
	[tilespmem:s15+$0x15870] =	vst v3  }
0x5db: {  	v3 =	vld [tilespmem:s16+$0x9400]  }
0x5dc: {  	v7 =	vld [tilespmem:s16+$0x9410]  }
0x5dd: {  	v10 =	vld [tilespmem:s16+$0x9420]  }
0x5de: {  	v11 =	vld [tilespmem:s16+$0x9430]  }
0x5df: {  	v48 =	vld [tilespmem:s16+$0x9440]  }
0x5e0: {  	v49 =	vld [tilespmem:s16+$0x15440];
	v3 =	vadd.f32 v4, v3  }
0x5e1: {  	v4 =	vadd.f32 v8, v7;
	v7 =	vld [tilespmem:s16+$0x9450]  }
0x5e2: {  	v8 =	vld [tilespmem:s16+$0x15450];
	[tilespmem:s16+$0x15400] =	vst v3;
	v3 =	vadd.f32 v9, v10  }
0x5e3: {  	[tilespmem:s16+$0x15410] =	vst v4;
	v4 =	vadd.f32 v5, v11;
	v5 =	vld [tilespmem:s16+$0x9460]  }
0x5e4: {  	[tilespmem:s16+$0x15420] =	vst v3;
	v3 =	vld [tilespmem:s16+$0x15460]  }
0x5e5: {  	v6 =	vadd.f32 v50, v6;
	v10 =	vld [tilespmem:s16+$0x15470]  }
0x5e6: {  	v9 =	vadd.f32 v49, v48;
	[tilespmem:s16+$0x15430] =	vst v4;
	v4 =	vld [tilespmem:s16+$0x9470]  }
0x5e7: {  	[tilespmem:s2+$0x15400] =	vst v6;
	v6 =	vld [tilespmem:s2+$0x15410]  }
0x5e8: {  	s30 =	sor.u32 s0, s31;
	v11 =	vld [tilespmem:s2+$0x9410];
	[tilespmem:s16+$0x15440] =	vst v9;
	v7 =	vadd.f32 v8, v7  }
0x5e9: {  	v8 =	vld [tilespmem:s30+$0x15400];
	v3 =	vadd.f32 v3, v5  }
0x5ea: {  	v9 =	vld [tilespmem:s30+$0x15410];
	[tilespmem:s16+$0x15450] =	vst v7  }
0x5eb: {  	v5 =	vld [tilespmem:s30+$0x15420];
	[tilespmem:s16+$0x15460] =	vst v3;
	v3 =	vadd.f32 v10, v4  }
0x5ec: {  	v7 =	vld [tilespmem:s2+$0x9420]  }
0x5ed: {  	v4 =	vld [tilespmem:s30+$0x15430];
	[tilespmem:s16+$0x15470] =	vst v3  }
0x5ee: {  	v3 =	vld [tilespmem:s30+$0x9400]  }
0x5ef: {  	v10 =	vld [tilespmem:s30+$0x9410]  }
0x5f0: {  	v51 =	vld [tilespmem:s30+$0x9420]  }
0x5f1: {  	v52 =	vld [tilespmem:s30+$0x9430]  }
0x5f2: {  	v53 =	vld [tilespmem:s30+$0x9440]  }
0x5f3: {  	v54 =	vld [tilespmem:s30+$0x15440];
	v3 =	vadd.f32 v8, v3  }
0x5f4: {  	v8 =	vadd.f32 v9, v10;
	v9 =	vld [tilespmem:s30+$0x9450]  }
0x5f5: {  	[tilespmem:s30+$0x15400] =	vst v3;
	v3 =	vadd.f32 v5, v51;
	v5 =	vld [tilespmem:s30+$0x15450]  }
0x5f6: {  	v6 =	vadd.f32 v6, v11;
	[tilespmem:s30+$0x15410] =	vst v8;
	v8 =	vld [tilespmem:s30+$0x9460]  }
0x5f7: {  	v4 =	vadd.f32 v4, v52;
	[tilespmem:s30+$0x15420] =	vst v3;
	v3 =	vld [tilespmem:s30+$0x15460]  }
0x5f8: {  	[tilespmem:s2+$0x15410] =	vst v6;
	v6 =	vadd.f32 v55, v7;
	v11 =	vld [tilespmem:s30+$0x15470]  }
0x5f9: {  	v10 =	vadd.f32 v54, v53;
	[tilespmem:s30+$0x15430] =	vst v4;
	v4 =	vld [tilespmem:s30+$0x9470]  }
0x5fa: {  	v59 =	vld [tilespmem:s2+$0x9440];
	[tilespmem:s2+$0x15420] =	vst v6  }
0x5fb: {  	s31 =	sor.u32 s0, s23;
	v6 =	vld [tilespmem:s2+$0x9430];
	[tilespmem:s30+$0x15440] =	vst v10;
	v5 =	vadd.f32 v5, v9  }
0x5fc: {  	v7 =	vld [tilespmem:s31+$0x15410];
	v3 =	vadd.f32 v3, v8  }
0x5fd: {  	v9 =	vld [tilespmem:s31+$0x15400];
	[tilespmem:s30+$0x15450] =	vst v5  }
0x5fe: {  	v5 =	vld [tilespmem:s31+$0x15420];
	[tilespmem:s30+$0x15460] =	vst v3;
	v3 =	vadd.f32 v11, v4  }
0x5ff: {  	v8 =	vld [tilespmem:s2+$0x15430]  }
0x600: {  	v4 =	vld [tilespmem:s31+$0x15430];
	[tilespmem:s30+$0x15470] =	vst v3  }
0x601: {  	v3 =	vld [tilespmem:s31+$0x9400]  }
0x602: {  	v10 =	vld [tilespmem:s31+$0x9410]  }
0x603: {  	v11 =	vld [tilespmem:s31+$0x9420]  }
0x604: {  	v56 =	vld [tilespmem:s31+$0x9430]  }
0x605: {  	v57 =	vld [tilespmem:s31+$0x9440]  }
0x606: {  	v58 =	vld [tilespmem:s31+$0x15440];
	v3 =	vadd.f32 v9, v3  }
0x607: {  	v7 =	vadd.f32 v7, v10;
	v9 =	vld [tilespmem:s31+$0x9450]  }
0x608: {  	[tilespmem:s31+$0x15400] =	vst v3;
	v3 =	vadd.f32 v5, v11;
	v5 =	vld [tilespmem:s31+$0x15450]  }
0x609: {  	[tilespmem:s31+$0x15410] =	vst v7;
	v7 =	vld [tilespmem:s31+$0x9460]  }
0x60a: {  	v4 =	vadd.f32 v4, v56;
	[tilespmem:s31+$0x15420] =	vst v3;
	v3 =	vld [tilespmem:s31+$0x15460]  }
0x60b: {  	v6 =	vadd.f32 v8, v6;
	v8 =	vld [tilespmem:s31+$0x15470];
	v10 =	vadd.f32 v58, v57  }
0x60c: {  	[tilespmem:s31+$0x15430] =	vst v4;
	v4 =	vld [tilespmem:s31+$0x9470]  }
0x60d: {  	s20 =	sor.u32 s0, s13;
	v60 =	vld [tilespmem:s2+$0x15450];
	[tilespmem:s31+$0x15440] =	vst v10  }
0x60e: {  	[tilespmem:s2+$0x15430] =	vst v6;
	v6 =	vld [tilespmem:s20+$0x15410];
	v5 =	vadd.f32 v5, v9  }
0x60f: {  	v9 =	vld [tilespmem:s20+$0x15400];
	v3 =	vadd.f32 v3, v7  }
0x610: {  	[tilespmem:s31+$0x15450] =	vst v5;
	v7 =	vld [tilespmem:s2+$0x15440]  }
0x611: {  	v10 =	vld [tilespmem:s20+$0x15420];
	[tilespmem:s31+$0x15460] =	vst v3;
	v3 =	vadd.f32 v8, v4  }
0x612: {  	v8 =	vld [tilespmem:s2+$0x9450]  }
0x613: {  	v11 =	vld [tilespmem:s20+$0x15430];
	[tilespmem:s31+$0x15470] =	vst v3  }
0x614: {  	v4 =	vld [tilespmem:s20+$0x9400]  }
0x615: {  	v61 =	vld [tilespmem:s20+$0x9410]  }
0x616: {  	v62 =	vld [tilespmem:s20+$0x9420]  }
0x617: {  	v63 =	vld [tilespmem:s20+$0x9430];
	v7 =	vadd.f32 v7, v59  }
0x618: {  	v3 =	vld [tilespmem:s20+$0x9440];
	v8 =	vadd.f32 v60, v8  }
0x619: {  	v5 =	vld [tilespmem:s20+$0x15440];
	[tilespmem:s2+$0x15440] =	vst v7;
	v9 =	vadd.f32 v9, v4  }
0x61a: {  	v7 =	vld [tilespmem:s20+$0x15450];
	[tilespmem:s2+$0x15450] =	vst v8;
	v6 =	vadd.f32 v6, v61  }
0x61b: {  	v4 =	vld [tilespmem:s20+$0x9450];
	[tilespmem:s20+$0x15400] =	vst v9;
	v9 =	vadd.f32 v10, v62  }
0x61c: {  	s13 =	simm.s32 $0x0;
	v8 =	vadd.f32 v11, v63;
	[tilespmem:s20+$0x15410] =	vst v6;
	v6 =	vld [tilespmem:s20+$0x9460]  }
.LBB2_9:
0x61d: {  	s13 =	sadd.s32 $0x2, s13;
	[tilespmem:s20+$0x15420] =	vst v9;
	v9 =	vld [tilespmem:s20+$0x15460]  }
0x61e: {  	s8 =	sadd.s32 $0x100, s8;
	s0 =	sshrl.u32 s13, $0x3;
	p0 =	slt.u32 s13, $0xE;
	[tilespmem:s20+$0x15430] =	vst v8;
	v3 =	vadd.f32 v5, v3;
	v5 =	vld [tilespmem:s20+$0x9470]  }
0x61f: {  	s15 =	sand.u32 $0x300, s8;
	s19 =	smul.u32 $0x1800, s0;
	v8 =	vld [tilespmem:s20+$0x15470]  }
0x620: {  	s16 =	sor.u32 $0x80, s15;
	[tilespmem:s20+$0x15440] =	vst v3;
	v3 =	vadd.f32 v7, v4;
	v4 =	vld [tilespmem:s2+$0x9460]  }
0x621: {  	s0 =	sor.u32 s15, s19;
	s23 =	sor.u32 s19, s16;
	v7 =	vld [tilespmem:s2+$0x15460]  }
0x622: {  	v10 =	vld [tilespmem:s23+$0x9400];
	[tilespmem:s20+$0x15450] =	vst v3;
	v3 =	vadd.f32 v9, v6  }
0x623: {  	v6 =	vld [tilespmem:s23+$0x15400]  }
0x624: {  	v9 =	vld [tilespmem:s23+$0x9410];
	[tilespmem:s20+$0x15460] =	vst v3;
	v3 =	vadd.f32 v8, v5  }
0x625: {  	v5 =	vld [tilespmem:s23+$0x15410]  }
0x626: {  	v8 =	vld [tilespmem:s23+$0x9420];
	[tilespmem:s20+$0x15470] =	vst v3;
	v3 =	vadd.f32 v7, v4  }
0x627: {  	v4 =	vld [tilespmem:s23+$0x15420]  }
0x628: {  	v7 =	vld [tilespmem:s23+$0x9430];
	[tilespmem:s2+$0x15460] =	vst v3  }
0x629: {  	v3 =	vld [tilespmem:s23+$0x15430]  }
0x62a: {  	v11 =	vld [tilespmem:s23+$0x9440]  }
0x62b: {  	v12 =	vld [tilespmem:s23+$0x15440]  }
0x62c: {  	v13 =	vld [tilespmem:s23+$0x9450]  }
0x62d: {  	v14 =	vld [tilespmem:s23+$0x15450]  }
0x62e: {  	v15 =	vld [tilespmem:s23+$0x9460]  }
0x62f: {  	v16 =	vld [tilespmem:s23+$0x15460]  }
0x630: {  	v17 =	vld [tilespmem:s23+$0x9470]  }
0x631: {  	v18 =	vld [tilespmem:s23+$0x15470]  }
0x632: {  	v19 =	vld [tilespmem:s23+$0x9800]  }
0x633: {  	v20 =	vld [tilespmem:s23+$0x15800]  }
0x634: {  	v21 =	vld [tilespmem:s23+$0x9810]  }
0x635: {  	v22 =	vld [tilespmem:s23+$0x15810]  }
0x636: {  	v23 =	vld [tilespmem:s23+$0x9820]  }
0x637: {  	v6 =	vadd.f32 v6, v10;
	v10 =	vld [tilespmem:s23+$0x15820]  }
0x638: {  	v5 =	vadd.f32 v5, v9;
	v9 =	vld [tilespmem:s23+$0x9830]  }
0x639: {  	v4 =	vadd.f32 v4, v8;
	[tilespmem:s23+$0x15400] =	vst v6;
	v6 =	vld [tilespmem:s23+$0x15830]  }
0x63a: {  	v3 =	vadd.f32 v3, v7;
	[tilespmem:s23+$0x15410] =	vst v5;
	v5 =	vld [tilespmem:s23+$0x9840]  }
0x63b: {  	[tilespmem:s23+$0x15420] =	vst v4;
	v4 =	vadd.f32 v12, v11;
	v7 =	vld [tilespmem:s23+$0x15840]  }
0x63c: {  	[tilespmem:s23+$0x15430] =	vst v3;
	v3 =	vadd.f32 v14, v13;
	v8 =	vld [tilespmem:s23+$0x9850]  }
0x63d: {  	[tilespmem:s23+$0x15440] =	vst v4;
	v4 =	vadd.f32 v16, v15;
	v11 =	vld [tilespmem:s23+$0x15850]  }
0x63e: {  	[tilespmem:s23+$0x15450] =	vst v3;
	v3 =	vadd.f32 v18, v17;
	v12 =	vld [tilespmem:s23+$0x9860]  }
0x63f: {  	[tilespmem:s23+$0x15460] =	vst v4;
	v4 =	vadd.f32 v20, v19;
	v13 =	vld [tilespmem:s23+$0x15860]  }
0x640: {  	[tilespmem:s23+$0x15470] =	vst v3;
	v3 =	vadd.f32 v22, v21;
	v14 =	vld [tilespmem:s23+$0x9870]  }
0x641: {  	[tilespmem:s23+$0x15800] =	vst v4;
	v4 =	vadd.f32 v10, v23;
	v10 =	vld [tilespmem:s23+$0x15870]  }
0x642: {  	v15 =	vld [tilespmem:s0+$0x9400];
	[tilespmem:s23+$0x15810] =	vst v3;
	v3 =	vadd.f32 v6, v9  }
0x643: {  	v6 =	vld [tilespmem:s0+$0x15400];
	[tilespmem:s23+$0x15820] =	vst v4;
	v4 =	vadd.f32 v7, v5  }
0x644: {  	v5 =	vld [tilespmem:s0+$0x9410];
	[tilespmem:s23+$0x15830] =	vst v3;
	v3 =	vadd.f32 v11, v8  }
0x645: {  	v7 =	vld [tilespmem:s0+$0x15410];
	[tilespmem:s23+$0x15840] =	vst v4;
	v4 =	vadd.f32 v13, v12  }
0x646: {  	v8 =	vld [tilespmem:s0+$0x9420];
	[tilespmem:s23+$0x15850] =	vst v3;
	v3 =	vadd.f32 v10, v14  }
0x647: {  	s2 =	sadd.s32 $0x800, s19;
	v9 =	vld [tilespmem:s0+$0x15420];
	[tilespmem:s23+$0x15860] =	vst v4  }
0x648: {  	s22 =	sor.u32 s15, s2;
	s2 =	sor.u32 s16, s2;
	v4 =	vadd.f32 v6, v15;
	v6 =	vld [tilespmem:s0+$0x9430];
	[tilespmem:s23+$0x15870] =	vst v3  }
0x649: {  	v3 =	vld [tilespmem:s2+$0x9400]  }
0x64a: {  	[tilespmem:s0+$0x15400] =	vst v4;
	v4 =	vadd.f32 v7, v5;
	v5 =	vld [tilespmem:s2+$0x15400]  }
0x64b: {  	v7 =	vld [tilespmem:s2+$0x9410]  }
0x64c: {  	[tilespmem:s0+$0x15410] =	vst v4;
	v4 =	vadd.f32 v9, v8;
	v8 =	vld [tilespmem:s2+$0x15410]  }
0x64d: {  	v9 =	vld [tilespmem:s2+$0x9420]  }
0x64e: {  	[tilespmem:s0+$0x15420] =	vst v4;
	v4 =	vld [tilespmem:s2+$0x15420]  }
0x64f: {  	v10 =	vld [tilespmem:s2+$0x9430]  }
0x650: {  	v11 =	vld [tilespmem:s2+$0x15430]  }
0x651: {  	v12 =	vld [tilespmem:s2+$0x9440]  }
0x652: {  	v13 =	vld [tilespmem:s2+$0x15440]  }
0x653: {  	v14 =	vld [tilespmem:s2+$0x9450]  }
0x654: {  	v15 =	vld [tilespmem:s2+$0x15450]  }
0x655: {  	v16 =	vld [tilespmem:s2+$0x9460]  }
0x656: {  	v3 =	vadd.f32 v5, v3;
	v5 =	vld [tilespmem:s2+$0x15460]  }
0x657: {  	v7 =	vadd.f32 v8, v7;
	v8 =	vld [tilespmem:s2+$0x9470]  }
0x658: {  	[tilespmem:s2+$0x15400] =	vst v3;
	v3 =	vadd.f32 v4, v9;
	v4 =	vld [tilespmem:s2+$0x15470]  }
0x659: {  	v9 =	vld [tilespmem:s0+$0x15430];
	[tilespmem:s2+$0x15410] =	vst v7;
	v7 =	vadd.f32 v11, v10  }
0x65a: {  	v10 =	vld [tilespmem:s0+$0x9440];
	[tilespmem:s2+$0x15420] =	vst v3;
	v3 =	vadd.f32 v13, v12  }
0x65b: {  	v11 =	vld [tilespmem:s0+$0x15440];
	[tilespmem:s2+$0x15430] =	vst v7;
	v7 =	vadd.f32 v15, v14  }
0x65c: {  	v12 =	vld [tilespmem:s0+$0x9450];
	[tilespmem:s2+$0x15440] =	vst v3;
	v3 =	vadd.f32 v5, v16  }
0x65d: {  	v5 =	vld [tilespmem:s0+$0x15450];
	[tilespmem:s2+$0x15450] =	vst v7;
	v4 =	vadd.f32 v4, v8  }
0x65e: {  	s20 =	sadd.s32 $0xC00, s19;
	v6 =	vadd.f32 v9, v6;
	v7 =	vld [tilespmem:s0+$0x9460];
	[tilespmem:s2+$0x15460] =	vst v3  }
0x65f: {  	s23 =	sor.u32 s15, s20;
	v3 =	vld [tilespmem:s0+$0x15460];
	[tilespmem:s2+$0x15470] =	vst v4;
	s2 =	sor.u32 s16, s20  }
0x660: {  	[tilespmem:s0+$0x15430] =	vst v6;
	v4 =	vadd.f32 v11, v10;
	v6 =	vld [tilespmem:s2+$0x9400]  }
0x661: {  	v8 =	vld [tilespmem:s2+$0x15400]  }
0x662: {  	[tilespmem:s0+$0x15440] =	vst v4;
	v4 =	vadd.f32 v5, v12;
	v5 =	vld [tilespmem:s2+$0x9410]  }
0x663: {  	v9 =	vld [tilespmem:s2+$0x15410]  }
0x664: {  	[tilespmem:s0+$0x15450] =	vst v4;
	v3 =	vadd.f32 v3, v7;
	v4 =	vld [tilespmem:s2+$0x9420]  }
0x665: {  	v7 =	vld [tilespmem:s2+$0x15420]  }
0x666: {  	[tilespmem:s0+$0x15460] =	vst v3;
	v3 =	vld [tilespmem:s2+$0x9430]  }
0x667: {  	v10 =	vld [tilespmem:s2+$0x15430]  }
0x668: {  	v11 =	vld [tilespmem:s2+$0x9440]  }
0x669: {  	v12 =	vld [tilespmem:s2+$0x15440]  }
0x66a: {  	v13 =	vld [tilespmem:s2+$0x9450]  }
0x66b: {  	v14 =	vld [tilespmem:s2+$0x15450]  }
0x66c: {  	v15 =	vld [tilespmem:s2+$0x9460]  }
0x66d: {  	v6 =	vadd.f32 v8, v6;
	v8 =	vld [tilespmem:s2+$0x15460]  }
0x66e: {  	v5 =	vadd.f32 v9, v5;
	v9 =	vld [tilespmem:s2+$0x9470]  }
0x66f: {  	v4 =	vadd.f32 v7, v4;
	[tilespmem:s2+$0x15400] =	vst v6;
	v6 =	vld [tilespmem:s2+$0x15470]  }
0x670: {  	v3 =	vadd.f32 v10, v3;
	v7 =	vld [tilespmem:s0+$0x9470];
	[tilespmem:s2+$0x15410] =	vst v5  }
0x671: {  	v5 =	vld [tilespmem:s0+$0x15470];
	[tilespmem:s2+$0x15420] =	vst v4;
	v4 =	vadd.f32 v12, v11  }
0x672: {  	v10 =	vld [tilespmem:s0+$0x9800];
	[tilespmem:s2+$0x15430] =	vst v3;
	v3 =	vadd.f32 v14, v13  }
0x673: {  	v11 =	vld [tilespmem:s0+$0x15800];
	[tilespmem:s2+$0x15440] =	vst v4;
	v4 =	vadd.f32 v8, v15  }
0x674: {  	v8 =	vld [tilespmem:s0+$0x9810];
	[tilespmem:s2+$0x15450] =	vst v3;
	v3 =	vadd.f32 v6, v9  }
0x675: {  	s20 =	sadd.s32 $0x1000, s19;
	v6 =	vld [tilespmem:s0+$0x15810];
	[tilespmem:s2+$0x15460] =	vst v4  }
0x676: {  	s24 =	sor.u32 s15, s20;
	v4 =	vadd.f32 v5, v7;
	v5 =	vld [tilespmem:s0+$0x9820];
	[tilespmem:s2+$0x15470] =	vst v3;
	s2 =	sor.u32 s16, s20  }
0x677: {  	v3 =	vld [tilespmem:s2+$0x9400]  }
0x678: {  	[tilespmem:s0+$0x15470] =	vst v4;
	v4 =	vadd.f32 v11, v10;
	v7 =	vld [tilespmem:s2+$0x15400]  }
0x679: {  	v9 =	vld [tilespmem:s2+$0x9410]  }
0x67a: {  	[tilespmem:s0+$0x15800] =	vst v4;
	v4 =	vadd.f32 v6, v8;
	v6 =	vld [tilespmem:s2+$0x15410]  }
0x67b: {  	v8 =	vld [tilespmem:s2+$0x9420]  }
0x67c: {  	[tilespmem:s0+$0x15810] =	vst v4;
	v4 =	vld [tilespmem:s2+$0x15420]  }
0x67d: {  	v10 =	vld [tilespmem:s2+$0x9430]  }
0x67e: {  	v11 =	vld [tilespmem:s2+$0x15430]  }
0x67f: {  	v12 =	vld [tilespmem:s2+$0x9440]  }
0x680: {  	v13 =	vld [tilespmem:s2+$0x15440]  }
0x681: {  	v14 =	vld [tilespmem:s2+$0x9450]  }
0x682: {  	v15 =	vld [tilespmem:s2+$0x15450]  }
0x683: {  	v16 =	vld [tilespmem:s2+$0x9460]  }
0x684: {  	v3 =	vadd.f32 v7, v3;
	v7 =	vld [tilespmem:s2+$0x15460]  }
0x685: {  	v6 =	vadd.f32 v6, v9;
	v9 =	vld [tilespmem:s2+$0x9470]  }
0x686: {  	[tilespmem:s2+$0x15400] =	vst v3;
	v3 =	vadd.f32 v4, v8;
	v4 =	vld [tilespmem:s2+$0x15470]  }
0x687: {  	v8 =	vld [tilespmem:s0+$0x15820];
	[tilespmem:s2+$0x15410] =	vst v6;
	v6 =	vadd.f32 v11, v10  }
0x688: {  	v10 =	vld [tilespmem:s0+$0x9830];
	[tilespmem:s2+$0x15420] =	vst v3;
	v3 =	vadd.f32 v13, v12  }
0x689: {  	v11 =	vld [tilespmem:s0+$0x15830];
	[tilespmem:s2+$0x15430] =	vst v6;
	v6 =	vadd.f32 v15, v14  }
0x68a: {  	v12 =	vld [tilespmem:s0+$0x9840];
	[tilespmem:s2+$0x15440] =	vst v3;
	v3 =	vadd.f32 v7, v16  }
0x68b: {  	v7 =	vld [tilespmem:s0+$0x15840];
	[tilespmem:s2+$0x15450] =	vst v6;
	v4 =	vadd.f32 v4, v9  }
0x68c: {  	s19 =	sadd.s32 $0x1400, s19;
	v5 =	vadd.f32 v8, v5;
	v6 =	vld [tilespmem:s0+$0x9850];
	[tilespmem:s2+$0x15460] =	vst v3  }
0x68d: {  	s20 =	sor.u32 s15, s19;
	v3 =	vld [tilespmem:s0+$0x15850];
	[tilespmem:s2+$0x15470] =	vst v4;
	s2 =	sor.u32 s16, s19  }
0x68e: {  	[tilespmem:s0+$0x15820] =	vst v5;
	v4 =	vadd.f32 v11, v10;
	v5 =	vld [tilespmem:s2+$0x9470]  }
0x68f: {  	v8 =	vld [tilespmem:s2+$0x15470]  }
0x690: {  	[tilespmem:s0+$0x15830] =	vst v4;
	v4 =	vadd.f32 v7, v12;
	v7 =	vld [tilespmem:s0+$0x9860]  }
0x691: {  	v9 =	vld [tilespmem:s0+$0x15860]  }
0x692: {  	[tilespmem:s0+$0x15840] =	vst v4;
	v3 =	vadd.f32 v3, v6;
	v4 =	vld [tilespmem:s0+$0x9870]  }
0x693: {  	v6 =	vld [tilespmem:s0+$0x15870]  }
0x694: {  	[tilespmem:s0+$0x15850] =	vst v3;
	v3 =	vld [tilespmem:s22+$0x15400];
	v5 =	vadd.f32 v8, v5  }
0x695: {  	v8 =	vld [tilespmem:s22+$0x15410]  }
0x696: {  	v7 =	vadd.f32 v9, v7;
	v9 =	vld [tilespmem:s22+$0x15420];
	[tilespmem:s2+$0x15470] =	vst v5  }
0x697: {  	v5 =	vld [tilespmem:s2+$0x9400]  }
0x698: {  	[tilespmem:s0+$0x15860] =	vst v7;
	v4 =	vadd.f32 v6, v4;
	v6 =	vld [tilespmem:s2+$0x15400]  }
0x699: {  	v7 =	vld [tilespmem:s22+$0x15430]  }
0x69a: {  	[tilespmem:s0+$0x15870] =	vst v4;
	v4 =	vld [tilespmem:s2+$0x9410]  }
0x69b: {  	v10 =	vld [tilespmem:s22+$0x9400]  }
0x69c: {  	v11 =	vld [tilespmem:s22+$0x9410]  }
0x69d: {  	v12 =	vld [tilespmem:s22+$0x9420];
	v5 =	vadd.f32 v6, v5  }
0x69e: {  	v6 =	vld [tilespmem:s22+$0x9430]  }
0x69f: {  	v13 =	vld [tilespmem:s22+$0x9440];
	[tilespmem:s2+$0x15400] =	vst v5  }
0x6a0: {  	v3 =	vadd.f32 v3, v10;
	v5 =	vld [tilespmem:s22+$0x15440]  }
0x6a1: {  	v8 =	vadd.f32 v8, v11;
	v10 =	vld [tilespmem:s22+$0x9450]  }
0x6a2: {  	[tilespmem:s22+$0x15400] =	vst v3;
	v3 =	vadd.f32 v9, v12;
	v9 =	vld [tilespmem:s22+$0x15450]  }
0x6a3: {  	[tilespmem:s22+$0x15410] =	vst v8;
	v6 =	vadd.f32 v7, v6;
	v7 =	vld [tilespmem:s22+$0x9460]  }
0x6a4: {  	[tilespmem:s22+$0x15420] =	vst v3;
	v3 =	vld [tilespmem:s22+$0x15460]  }
0x6a5: {  	[tilespmem:s22+$0x15430] =	vst v6;
	v5 =	vadd.f32 v5, v13;
	v6 =	vld [tilespmem:s22+$0x9470]  }
0x6a6: {  	v8 =	vld [tilespmem:s22+$0x15470]  }
0x6a7: {  	[tilespmem:s22+$0x15440] =	vst v5;
	v5 =	vadd.f32 v9, v10;
	v9 =	vld [tilespmem:s23+$0x15400]  }
0x6a8: {  	v10 =	vld [tilespmem:s23+$0x15410]  }
0x6a9: {  	[tilespmem:s22+$0x15450] =	vst v5;
	v3 =	vadd.f32 v3, v7;
	v5 =	vld [tilespmem:s2+$0x15410]  }
0x6aa: {  	v7 =	vld [tilespmem:s23+$0x15420]  }
0x6ab: {  	[tilespmem:s22+$0x15460] =	vst v3;
	v3 =	vadd.f32 v8, v6;
	v6 =	vld [tilespmem:s2+$0x9420]  }
0x6ac: {  	v8 =	vld [tilespmem:s23+$0x15430]  }
0x6ad: {  	[tilespmem:s22+$0x15470] =	vst v3;
	v3 =	vld [tilespmem:s2+$0x15420]  }
0x6ae: {  	v11 =	vld [tilespmem:s23+$0x9400];
	v4 =	vadd.f32 v5, v4  }
0x6af: {  	v5 =	vld [tilespmem:s23+$0x9410]  }
0x6b0: {  	v12 =	vld [tilespmem:s23+$0x9420];
	[tilespmem:s2+$0x15410] =	vst v4  }
0x6b1: {  	v4 =	vld [tilespmem:s23+$0x9430]  }
0x6b2: {  	v13 =	vld [tilespmem:s23+$0x9440];
	v3 =	vadd.f32 v3, v6  }
0x6b3: {  	v6 =	vadd.f32 v9, v11;
	v9 =	vld [tilespmem:s23+$0x15440]  }
0x6b4: {  	v5 =	vadd.f32 v10, v5;
	v10 =	vld [tilespmem:s23+$0x9450];
	[tilespmem:s2+$0x15420] =	vst v3  }
0x6b5: {  	[tilespmem:s23+$0x15400] =	vst v6;
	v3 =	vadd.f32 v7, v12;
	v6 =	vld [tilespmem:s23+$0x15450]  }
0x6b6: {  	[tilespmem:s23+$0x15410] =	vst v5;
	v4 =	vadd.f32 v8, v4;
	v5 =	vld [tilespmem:s23+$0x9460]  }
0x6b7: {  	[tilespmem:s23+$0x15420] =	vst v3;
	v3 =	vld [tilespmem:s23+$0x15460]  }
0x6b8: {  	[tilespmem:s23+$0x15430] =	vst v4;
	v4 =	vadd.f32 v9, v13;
	v7 =	vld [tilespmem:s23+$0x9470]  }
0x6b9: {  	v8 =	vld [tilespmem:s23+$0x15470]  }
0x6ba: {  	[tilespmem:s23+$0x15440] =	vst v4;
	v4 =	vadd.f32 v6, v10;
	v6 =	vld [tilespmem:s24+$0x15400]  }
0x6bb: {  	v9 =	vld [tilespmem:s24+$0x15410]  }
0x6bc: {  	[tilespmem:s23+$0x15450] =	vst v4;
	v3 =	vadd.f32 v3, v5;
	v4 =	vld [tilespmem:s2+$0x9430]  }
0x6bd: {  	v5 =	vld [tilespmem:s24+$0x15420]  }
0x6be: {  	[tilespmem:s23+$0x15460] =	vst v3;
	v3 =	vadd.f32 v8, v7;
	v7 =	vld [tilespmem:s2+$0x15430]  }
0x6bf: {  	v8 =	vld [tilespmem:s24+$0x15430]  }
0x6c0: {  	[tilespmem:s23+$0x15470] =	vst v3;
	v3 =	vld [tilespmem:s2+$0x9440]  }
0x6c1: {  	v10 =	vld [tilespmem:s24+$0x9400]  }
0x6c2: {  	v11 =	vld [tilespmem:s24+$0x9410]  }
0x6c3: {  	v12 =	vld [tilespmem:s24+$0x9420];
	v4 =	vadd.f32 v7, v4  }
0x6c4: {  	v7 =	vld [tilespmem:s24+$0x9430]  }
0x6c5: {  	v13 =	vld [tilespmem:s24+$0x9440];
	[tilespmem:s2+$0x15430] =	vst v4  }
0x6c6: {  	v4 =	vadd.f32 v6, v10;
	v6 =	vld [tilespmem:s24+$0x15440]  }
0x6c7: {  	v9 =	vadd.f32 v9, v11;
	v10 =	vld [tilespmem:s24+$0x9450]  }
0x6c8: {  	[tilespmem:s24+$0x15400] =	vst v4;
	v4 =	vadd.f32 v5, v12;
	v5 =	vld [tilespmem:s24+$0x15450]  }
0x6c9: {  	[tilespmem:s24+$0x15410] =	vst v9;
	v7 =	vadd.f32 v8, v7;
	v8 =	vld [tilespmem:s24+$0x9460]  }
0x6ca: {  	[tilespmem:s24+$0x15420] =	vst v4;
	v4 =	vld [tilespmem:s24+$0x15460]  }
0x6cb: {  	[tilespmem:s24+$0x15430] =	vst v7;
	v6 =	vadd.f32 v6, v13;
	v7 =	vld [tilespmem:s24+$0x9470]  }
0x6cc: {  	v9 =	vld [tilespmem:s24+$0x15470]  }
0x6cd: {  	[tilespmem:s24+$0x15440] =	vst v6;
	v5 =	vadd.f32 v5, v10;
	v6 =	vld [tilespmem:s20+$0x15400]  }
0x6ce: {  	v10 =	vld [tilespmem:s20+$0x15410]  }
0x6cf: {  	[tilespmem:s24+$0x15450] =	vst v5;
	v4 =	vadd.f32 v4, v8;
	v5 =	vld [tilespmem:s2+$0x15440]  }
0x6d0: {  	v8 =	vld [tilespmem:s20+$0x15420]  }
0x6d1: {  	[tilespmem:s24+$0x15460] =	vst v4;
	v4 =	vadd.f32 v9, v7;
	v7 =	vld [tilespmem:s2+$0x9450]  }
0x6d2: {  	v11 =	vld [tilespmem:s20+$0x15430]  }
0x6d3: {  	[tilespmem:s24+$0x15470] =	vst v4;
	v4 =	vld [tilespmem:s2+$0x15450]  }
0x6d4: {  	v9 =	vld [tilespmem:s20+$0x9400];
	v3 =	vadd.f32 v5, v3  }
0x6d5: {  	v12 =	vld [tilespmem:s20+$0x9410]  }
0x6d6: {  	v13 =	vld [tilespmem:s20+$0x9420];
	[tilespmem:s2+$0x15440] =	vst v3  }
0x6d7: {  	v14 =	vld [tilespmem:s20+$0x9430]  }
.Ltmp3:
0x6d8: {  	v3 =	vld [tilespmem:s20+$0x9440];
	v7 =	vadd.f32 v4, v7;
	(pc) =	sbr.rel @p0 .LBB2_9-.Ltmp3, $4  }
0x6d9: {  	v6 =	vadd.f32 v6, v9;
	v5 =	vld [tilespmem:s20+$0x15440]  }
0x6da: {  	v10 =	vadd.f32 v10, v12;
	v4 =	vld [tilespmem:s20+$0x9450];
	[tilespmem:s2+$0x15450] =	vst v7  }
0x6db: {  	[tilespmem:s20+$0x15400] =	vst v6;
	v9 =	vadd.f32 v8, v13;
	v7 =	vld [tilespmem:s20+$0x15450]  }
0x6dc: {  	[tilespmem:s20+$0x15410] =	vst v10;
	v8 =	vadd.f32 v11, v14;
	v6 =	vld [tilespmem:s20+$0x9460]  }
0x6dd: {  	v61 =	vld [tilespmem:s20+$0x15460]  }
0x6de: {  	v62 =	vld [tilespmem:s20+$0x9470]  }
0x6df: {  	v10 =	vld [tilespmem:s20+$0x15470]  }
0x6e0: {  	v11 =	vld [tilespmem:s2+$0x9460]  }
0x6e1: {  	v12 =	vld [tilespmem:s2+$0x15460]  }
0x6e2: {  	[tilespmem:s20+$0x15420] =	vst v9;
	v3 =	vadd.f32 v5, v3  }
0x6e3: {  	s0 =	sshll.u32 s11, $0x4;
	s12 =	sadd.s32 $0x1, s12;
	[tilespmem:s20+$0x15430] =	vst v8;
	v4 =	vadd.f32 v7, v4  }
0x6e4: {  	s0 =	sadd.s32 s5, s0;
	p0 =	sne.s32 s12, $0x10;
	[tilespmem:s20+$0x15440] =	vst v3;
	v3 =	vadd.f32 v61, v6  }
.Ltmp4:
0x6e5: {  	s0 =	sshrl.u32 s0, $0x3;
	[tilespmem:s20+$0x15450] =	vst v4;
	v63 =	vadd.f32 v10, v62;
	(pc) =	sbr.rel @p0 .LBB2_2-.Ltmp4, $4  }
0x6e6: {  	s0 =	smul.u32 $0x300, s0;
	[tilespmem:s20+$0x15460] =	vst v3;
	v3 =	vadd.f32 v12, v11  }
0x6e7: {  	[tilespmem:s20+$0x15470] =	vst v63  }
0x6e8: {  	s0 =	sadd.s32 s4, s0;
	[tilespmem:s2+$0x15460] =	vst v3  }
0x6e9: {  	[hbm4b:s0+s6] =	stream.linear.scatter [tilespmem:s18], [sflag:$0x8], $0x3000, $0x38;
	[tilespmem:$0x18400] =	vst v63  }
0x6ea: {  	s0 =	simm.s32 $0x5  }
0x6eb: {  	_ =	swait.ge [sflag:s0], $0x3000  }
0x6ec: {  	[sflag:s0] =	ssyncset.done $0x0  }
0x6ed: {  	s24 =	simm.s32 $0x6;
	[sflag:s0] =	ssyncadd.s32 $0xFFFFD000  }
0x6ee: {  	_ =	swait.ge [sflag:s24], $0x3000  }
0x6ef: {  	[sflag:s24] =	ssyncset.done $0x0  }
0x6f0: {  	s30 =	simm.s32 $0x7;
	[sflag:s24] =	ssyncadd.s32 $0xFFFFD000  }
0x6f1: {  	_ =	swait.ge [sflag:s30], $0x3000  }
0x6f2: {  	[sflag:s30] =	ssyncset.done $0x0  }
0x6f3: {  	s2 =	simm.s32 $0x8;
	[sflag:s30] =	ssyncadd.s32 $0xFFFFD000  }
0x6f4: {  	_ =	swait.ge [sflag:s2], $0x3000  }
0x6f5: {  	s8 =	rddreg [dreg:$0x9]  }
0x6f6: {  	s31 =	rddreg [dreg:$0x8];
	s8 =	sadd.s32 $0x1, s8  }
0x6f7: {  	p0 =	sne.s32 s8, s31  }
.Ltmp5:
0x6f8: {  	_ = 	snop;
	(pc) =	sbr.rel @p0 .LBB2_1-.Ltmp5, $3  }
0x6f9: {  	_ =	sdelay $0x1  }
0x6fa: {  	[sflag:s2] =	ssyncset.done $0x0  }
0x6fb: {  	[sflag:s2] =	ssyncadd.s32 $0xFFFFD000  }
0x6fc: {  	_ =	sfence.sel $0x180000  }
0x6fd: {  	[bflag:$0x0] =	sbarrier.arrive $0xFFFF  }
0x6fe: {  	_ =	strace $0x90000047  }
0x6ff: {  	s0 =	stileid.u32;
	[bflag:$0x2] =	sbarrier.arrive $0xFFFF  }
0x700: {  	p0 =	sne.s32 s0, $0x0;
	s0 =	rddreg [dreg:$0x4]  }
0x701: {  	s0 =	sadd.s32 @!p0 $0x100000, s0  }
0x702: {  	[sflag:s0] =	ssyncadd.tile.s32 @!p0 $0x1;
	_ =	shalt  }
.Lfunc_end2:
_tile_overlayer_lowered:
.L_overlay_start_2:
0x703: {  	(tag) =	ssettag $0x2  }
0x704: {  	s0 =	rddreg [dreg:$0x0];
	s2 =	stileid.u32  }
0x705: {  	s1 =	rddreg [dreg:$0x1];
	p0 =	sne.s32 s2, $0x0  }
0x706: {  	s3 =	rddreg [dreg:$0x2];
	[bflag:$0x3] =	sbarrier.arrive $0xFFFF;
	s2 =	simm.s32 @!p0 $0x1C09  }
0x707: {  	[timem:s3], [sflag:s2] =	dma.local @!p0 [hbm:s0], s1  }
0x708: {  	s0 =	simm.s32 @!p0 $0x9  }
0x709: {  	_ =	swait.ge @!p0 [sflag:s0], s1  }
0x70a: {  	s1 =	ssub.s32 @!p0 $0x0, s1;
	[sflag:s0] =	ssyncset.done @!p0 $0x0  }
0x70b: {  	[sflag:s0] =	ssyncadd.s32 @!p0 s1  }
0x70c: {  	[bflag:$0x3] =	sbarrier.arrive $0xFFFF  }
0x70d: {  	_ =	shalt  }

</sc_bundles>
